<compile_context>
chip_gen: v7x
topology: tpu7x:2x2x1
jax: 0.10.2.dev20260603
libtpu: 0.0.44.dev20260713+nightly
codegen_flags: <defaults>
</compile_context>

<pallas_src>
import functools

import jax
import jax.numpy as jnp
from jax import lax
from jax.experimental import pallas as pl
from jax.experimental.pallas import tpu as pltpu
from jax.experimental.pallas import tpu_sc as plsc

N = 10000
NP_ = 10240
E = 320000
NC = 2
NS = 16
K = 125
CH = E // (NC * NS * K)
NPT = NP_ // NS
HL = 16
BLK = 2000
GB = N // BLK

_SC_MESH = dict(core_axis_name="c", subcore_axis_name="s")
_SC_PARAMS = pltpu.CompilerParams(use_tc_tiling_on_sc=False)



@functools.partial(
    pl.kernel,
    mesh=plsc.VectorSubcoreMesh(**_SC_MESH),
    compiler_params=_SC_PARAMS,
    out_type=jax.ShapeDtypeStruct((NC, NP_, HL), jnp.float32),
    scratch_types=[
        pltpu.VMEM((CH, K), jnp.int32),
        pltpu.VMEM((128, HL), jnp.float32),
        pltpu.VMEM_SHARED((NP_, HL), jnp.float32),
    ],
)
def _hist(ei_hbm, out_hbm, idx_v, ones_v, acc):
    c = lax.axis_index("c")
    s = lax.axis_index("s")
    pltpu.sync_copy(ei_hbm.at[1, c, s], idx_v)

    def fill(i, carry):
        ones_v[i, :] = jnp.full((16,), 1.0, jnp.float32)
        return carry

    lax.fori_loop(0, 128, fill, 0)
    for b in range(NPT // 128):
        pltpu.sync_copy(ones_v, acc.at[pl.ds(s * NPT + b * 128, 128)])
    plsc.subcore_barrier()

    def body(j, carry):
        pltpu.sync_copy(ones_v.at[pl.ds(0, K)], acc.at[idx_v.at[j]], add=True)
        return carry

    lax.fori_loop(0, CH, body, 0)
    plsc.subcore_barrier()
    pltpu.sync_copy(acc.at[pl.ds(s * NPT, NPT)], out_hbm.at[c, pl.ds(s * NPT, NPT)])


def _make_prop(D):
    NB = 8

    def prop_kernel(ei_hbm, g_hbm, out_hbm, srcv, dstv, rows, acc, *sems):
        c = lax.axis_index("c")
        s = lax.axis_index("s")
        pltpu.sync_copy(ei_hbm.at[0, c, s], srcv)
        pltpu.sync_copy(ei_hbm.at[1, c, s], dstv)
        pltpu.sync_copy(g_hbm.at[pl.ds(s * NPT, NPT)], acc.at[pl.ds(s * NPT, NPT)])
        plsc.subcore_barrier()

        for u in range(NB):
            pltpu.async_copy(g_hbm.at[srcv.at[u]], rows[u], sems[u])

        def body(i, carry):
            j0 = NB * i
            for u in range(NB):
                pltpu.make_async_copy(g_hbm.at[srcv.at[j0 + u]],
                                      rows[u], sems[u]).wait()
                pltpu.sync_copy(rows[u], acc.at[dstv.at[j0 + u]], add=True)
                pltpu.async_copy(g_hbm.at[srcv.at[j0 + u + NB]],
                                 rows[u], sems[u])
            return carry

        lax.fori_loop(0, CH // NB - 1, body, 0)
        j0 = CH - NB
        for u in range(NB):
            pltpu.make_async_copy(g_hbm.at[srcv.at[j0 + u]],
                                  rows[u], sems[u]).wait()
            pltpu.sync_copy(rows[u], acc.at[dstv.at[j0 + u]], add=True)
        plsc.subcore_barrier()
        pltpu.sync_copy(acc.at[pl.ds(s * NPT, NPT)],
                        out_hbm.at[c, pl.ds(s * NPT, NPT)])

    return pl.kernel(
        prop_kernel,
        mesh=plsc.VectorSubcoreMesh(**_SC_MESH),
        compiler_params=_SC_PARAMS,
        out_type=jax.ShapeDtypeStruct((NC, NP_, D), jnp.float32),
        scratch_types=[
            pltpu.VMEM((CH, K), jnp.int32),
            pltpu.VMEM((CH, K), jnp.int32),
            [pltpu.VMEM((K, D), jnp.float32)] * NB,
            pltpu.VMEM_SHARED((NP_, D), jnp.float32),
        ] + [pltpu.SemaphoreType.DMA] * NB,
    )


_prop64 = _make_prop(64)
_prop40 = _make_prop(40)



_DN = (((1,), (1,)), ((), ()))


def _dot(a, b):
    return lax.dot_general(a, b, _DN, preferred_element_type=jnp.float32)


def _kan_lhs(xb):
    u = 2.0 * xb + 5.0
    t = jnp.floor(u)
    f = u - t
    f2 = f * f
    f3 = f2 * f
    sixth = jnp.float32(1.0 / 6.0)
    v0 = f3 * sixth
    v1 = (-3.0 * f3 + 3.0 * f2 + 3.0 * f + 1.0) * sixth
    v2 = (3.0 * f3 - 6.0 * f2 + 4.0) * sixth
    omf = 1.0 - f
    v3 = omf * omf * omf * sixth
    cols = [jax.nn.silu(xb)]
    for c in range(7):
        fc = jnp.float32(c)
        cols.append(jnp.where(t == fc, v0, 0.0)
                    + jnp.where(t == fc + 1.0, v1, 0.0)
                    + jnp.where(t == fc + 2.0, v2, 0.0)
                    + jnp.where(t == fc + 3.0, v3, 0.0))
    return jnp.concatenate(cols, axis=1)


def _kan_rhs(wb, ws_t, scaler):
    return jnp.concatenate([wb] + [ws_t[c] * scaler for c in range(7)], axis=1)


def _dinv_of(cnt):
    return lax.rsqrt(cnt[0, :, 0:1] + cnt[1, :, 0:1] - 1.0)


def _kan1_body(x_ref, w1b_ref, w1s_ref, w1c_ref, w2b_ref, w2s_ref, w2c_ref,
               h_ref, hx_ref):
    lhs = _kan_lhs(x_ref[...])
    rhs = jnp.concatenate(
        [_kan_rhs(w1b_ref[...], w1s_ref, w1c_ref[...]),
         _kan_rhs(w2b_ref[...], w2s_ref, w2c_ref[...])], axis=0)
    out = _dot(lhs, rhs)
    h_ref[...] = out[:, :64]
    hx_ref[...] = out[:, 64:104]


def _scale_body(h_ref, cnt_ref, g_ref, d_ref):
    dinv = _dinv_of(cnt_ref[...])
    g_ref[...] = h_ref[...] * dinv
    d_ref[...] = jnp.broadcast_to(dinv, d_ref.shape)


def _c1_body(s1_ref, g1_ref, d_ref, b1_ref, st_ref):
    i = pl.program_id(0)
    s1 = s1_ref[...]
    z = d_ref[...] * (s1[0] + s1[1] - g1_ref[...]) + b1_ref[...]

    @pl.when(i == 0)
    def _():
        st_ref[...] = jnp.zeros_like(st_ref)

    st_ref[...] = st_ref[...] + jnp.concatenate(
        [z.sum(0)[None, :], (z * z).sum(0)[None, :]], axis=0)


def _c2_body(s1_ref, g1_ref, d_ref, b1_ref, st_ref, gam_ref, bet_ref,
             hx_ref, w2b_ref, w2s_ref, w2c_ref, h_ref, g_ref):
    s1 = s1_ref[...]
    dinv = d_ref[...]
    a1 = dinv * (s1[0] + s1[1] - g1_ref[...]) + b1_ref[...]
    st = st_ref[...]
    mean = st[0:1] * jnp.float32(1.0 / N)
    var = st[1:2] * jnp.float32(1.0 / N) - mean * mean
    hb = (a1 - mean) * lax.rsqrt(var + 1e-5) * gam_ref[...] + bet_ref[...]
    h = hx_ref[...] + _dot(_kan_lhs(hb),
                           _kan_rhs(w2b_ref[...], w2s_ref, w2c_ref[...]))
    h_ref[...] = h
    g_ref[...] = h * dinv[:, :40]


def _c3_body(s2_ref, g2_ref, d_ref, bo_ref, out_ref):
    s2 = s2_ref[...]
    out_ref[...] = (d_ref[...][:, :40] * (s2[0] + s2[1] - g2_ref[...])
                    + bo_ref[...])


def _full(shape):
    return pl.BlockSpec(shape, lambda i: tuple(0 for _ in shape))


def _rows(d):
    return pl.BlockSpec((BLK, d), lambda i: (i, 0))


def _rows3(d):
    return pl.BlockSpec((NC, BLK, d), lambda i: (0, i, 0))


_CNT_SPEC = _rows3(HL)


def _padded(d):
    return jax.ShapeDtypeStruct((NP_, d), jnp.float32)


def _kan1_call(x, w1b, w1s_t, w1c, w2b, w2s_t, w2c):
    return pl.pallas_call(
        _kan1_body,
        grid=(GB,),
        in_specs=[_rows(128), _full((64, 128)), _full((7, 64, 128)),
                  _full((64, 128)), _full((40, 128)), _full((7, 40, 128)),
                  _full((40, 128))],
        out_specs=[_rows(64), _rows(40)],
        out_shape=[jax.ShapeDtypeStruct((N, 64), jnp.float32),
                   jax.ShapeDtypeStruct((N, 40), jnp.float32)],
    )(x, w1b, w1s_t, w1c, w2b, w2s_t, w2c)


def _scale_call(h1, hist):
    return pl.pallas_call(
        _scale_body,
        grid=(GB,),
        in_specs=[_rows(64), _CNT_SPEC],
        out_specs=[_rows(64), _rows(64)],
        out_shape=[_padded(64), _padded(64)],
    )(h1, hist)


def _c1_call(s1, g1, hist, b1):
    return pl.pallas_call(
        _c1_body,
        grid=(GB,),
        in_specs=[_rows3(64), _rows(64), _rows(64), _full((1, 64))],
        out_specs=_full((2, 64)),
        out_shape=jax.ShapeDtypeStruct((2, 64), jnp.float32),
    )(s1, g1, hist, b1)


def _c2_call(s1, g1, hist, b1, st, gam, bet, h2x, w2b, w2s_t, w2c):
    return pl.pallas_call(
        _c2_body,
        grid=(GB,),
        in_specs=[_rows3(64), _rows(64), _rows(64), _full((1, 64)),
                  _full((2, 64)), _full((1, 64)), _full((1, 64)), _rows(40),
                  _full((40, 64)), _full((7, 40, 64)), _full((40, 64))],
        out_specs=[_rows(40), _rows(40)],
        out_shape=[jax.ShapeDtypeStruct((N, 40), jnp.float32), _padded(40)],
    )(s1, g1, hist, b1, st, gam, bet, h2x, w2b, w2s_t, w2c)


def _c3_call(s2, g2, hist, bo):
    return pl.pallas_call(
        _c3_body,
        grid=(GB,),
        in_specs=[_rows3(40), _rows(40), _rows(64), _full((1, 40))],
        out_specs=_rows(40),
        out_shape=jax.ShapeDtypeStruct((N, 40), jnp.float32),
    )(s2, g2, hist, bo)



def kernel(x, edge_index, w1_base, w1_spline, w1_scaler, grid1, b1,
           bn_gamma, bn_beta, wo_base, wo_spline, wo_scaler, grido, bo):
    ei = edge_index.astype(jnp.int32).reshape(2, NC, NS, CH, K)
    w1_sp_t = jnp.transpose(w1_spline, (2, 0, 1))
    wo_sp_t = jnp.transpose(wo_spline, (2, 0, 1))

    hist = _hist(ei)
    h1, h2x = _kan1_call(x, w1_base, w1_sp_t, w1_scaler,
                         wo_base[:, :128], wo_sp_t[:, :, :128],
                         wo_scaler[:, :128])
    g1, dinv64 = _scale_call(h1, hist)
    s1 = _prop64(ei, g1)
    st = _c1_call(s1, g1, dinv64, b1.reshape(1, 64))
    h2, g2 = _c2_call(s1, g1, dinv64, b1.reshape(1, 64), st,
                      bn_gamma.reshape(1, 64), bn_beta.reshape(1, 64), h2x,
                      wo_base[:, 128:], wo_sp_t[:, :, 128:], wo_scaler[:, 128:])
    s2 = _prop40(ei, g2)
    return _c3_call(s2, g2, dinv64, bo.reshape(1, 40))

# --- scband reference (transcript-rebuilt; emitter-appended) ---
"""Pipeline reference for scband-gkan-nodes-49469433315363 (READ-ONLY COPY).

The authoritative reference and input builder live on the scoring server;
editing this copy changes nothing except your own understanding.
"""

import jax, jax.numpy as jnp
import numpy as np

GRID_SIZE = 4
SPLINE_ORDER = 3
N_NODES = 10000


def make_grid(in_features):
    h = 2.0 / GRID_SIZE
    g = jnp.arange(-SPLINE_ORDER, GRID_SIZE + SPLINE_ORDER + 1, dtype=jnp.float32) * h - 1.0
    return jnp.tile(g[None, :], (in_features, 1))


def b_splines(x, grid):
    # x: (N, in), grid: (in, G + 2k + 1) -> (N, in, G + k)
    xe = x[:, :, None]
    bases = ((xe >= grid[None, :, :-1]) & (xe < grid[None, :, 1:])).astype(x.dtype)
    for k in range(1, SPLINE_ORDER + 1):
        left = (xe - grid[None, :, : -(k + 1)]) / (grid[None, :, k:-1] - grid[None, :, : -(k + 1)]) * bases[:, :, :-1]
        right = (grid[None, :, k + 1:] - xe) / (grid[None, :, k + 1:] - grid[None, :, 1:-k]) * bases[:, :, 1:]
        bases = left + right
    return bases


def kan_linear(x, base_w, spline_w, scaler, grid):
    # efficient-KAN KANLinear forward: silu base branch + scaled B-spline branch
    base = jax.nn.silu(x) @ base_w.T
    sp = b_splines(x, grid).reshape(x.shape[0], -1)
    scaled = (spline_w * scaler[:, :, None]).reshape(base_w.shape[0], -1)
    return base + sp @ scaled.T


def gcn_propagate(h, edge_index, bias):
    # PyG GCNConv gcn_norm with self-loops, then scatter-add aggregation at dst
    loops = jnp.arange(N_NODES, dtype=edge_index.dtype)
    src = jnp.concatenate([edge_index[0], loops])
    dst = jnp.concatenate([edge_index[1], loops])
    ew = jnp.ones(src.shape[0], dtype=h.dtype)
    deg = jax.ops.segment_sum(ew, dst, num_segments=N_NODES)
    dinv = jnp.where(deg > 0, deg ** -0.5, 0.0)
    norm = dinv[src] * ew * dinv[dst]
    out = jax.ops.segment_sum(norm[:, None] * h[src], dst, num_segments=N_NODES)
    return out + bias


def batch_norm(x, gamma, beta):
    mean = x.mean(axis=0)
    var = x.var(axis=0)
    return (x - mean) / jnp.sqrt(var + 1e-5) * gamma + beta


def _init_kan(key, fin, fout):
    k1, k2, k3 = jax.random.split(key, 3)
    base_w = jax.random.normal(k1, (fout, fin), dtype=jnp.float32) * (1.0 / np.sqrt(fin))
    spline_w = jax.random.normal(k2, (fout, fin, GRID_SIZE + SPLINE_ORDER), dtype=jnp.float32) * 0.1
    scaler = 1.0 + jax.random.normal(k3, (fout, fin), dtype=jnp.float32) * 0.1
    return base_w, spline_w, scaler


def setup_inputs(seed: int = 0) -> dict:
    key = jax.random.key(seed)
    ks = jax.random.split(key, 8)
    n_feat, hid, n_cls = 128, 64, 40
    n_edges = 320000
    x = jax.random.normal(ks[0], (N_NODES, n_feat), dtype=jnp.float32)
    edge_index = jax.random.randint(ks[1], (2, n_edges), 0, N_NODES)
    w1_base, w1_spline, w1_scaler = _init_kan(ks[2], n_feat, hid)
    grid1 = make_grid(n_feat)
    b1 = jnp.zeros((hid,), dtype=jnp.float32)
    bn_gamma = jnp.ones((hid,), dtype=jnp.float32)
    bn_beta = jnp.zeros((hid,), dtype=jnp.float32)
    dim_cat = n_feat + hid
    wo_base, wo_spline, wo_scaler = _init_kan(ks[3], dim_cat, n_cls)
    grido = make_grid(dim_cat)
    bo = jnp.zeros((n_cls,), dtype=jnp.float32)
    return {
        "x": x, "edge_index": edge_index,
        "w1_base": w1_base, "w1_spline": w1_spline, "w1_scaler": w1_scaler, "grid1": grid1, "b1": b1,
        "bn_gamma": bn_gamma, "bn_beta": bn_beta,
        "wo_base": wo_base, "wo_spline": wo_spline, "wo_scaler": wo_scaler, "grido": grido, "bo": bo,
    }


def reference(x, edge_index, w1_base, w1_spline, w1_scaler, grid1, b1, bn_gamma, bn_beta, wo_base, wo_spline, wo_scaler, grido, bo):
    # GKAN_Nodes forward, conv_type='gcn', mp_layers=2, skip=True, dropout=0.0
    h = kan_linear(x, w1_base, w1_spline, w1_scaler, grid1)   # KAGCNConv.lin (KANLinear)
    h = gcn_propagate(h, edge_index, b1)                      # GCN normalize + aggregate + bias
    h = batch_norm(h, bn_gamma, bn_beta)                      # BatchNorm1d (training stats)
    # dropout p=0.0 -> identity
    xc = jnp.concatenate([x, h], axis=1)                      # skip connection concat
    h2 = kan_linear(xc, wo_base, wo_spline, wo_scaler, grido) # conv_out KANLinear
    out = gcn_propagate(h2, edge_index, bo)
    return out

if __name__ == "__main__":
    import jax
    _d = setup_inputs()
    print(jax.jit(kernel)(*tuple(_d.values())))

</pallas_src>

<mosaic_0001>
#map = affine_map<(d0, d1) -> (0, 0, 0, 0, 0)>
#map1 = affine_map<(d0, d1) -> (0, 0)>
#map2 = affine_map<(d0, d1) -> (0, 0, 0)>
module attributes {stable_mosaic.version = 14 : i64} {
  func.func @prop_kernel(%arg0: i32, %arg1: i32, %arg2: memref<2x2x16x80x125xi32, #tpu.memory_space<hbm>>, %arg3: memref<10240x64xf32, #tpu.memory_space<hbm>>, %arg4: memref<2x10240x64xf32, #tpu.memory_space<hbm>>, %arg5: memref<80x125xi32, #tpu.memory_space<vmem>>, %arg6: memref<80x125xi32, #tpu.memory_space<vmem>>, %arg7: memref<125x64xf32, #tpu.memory_space<vmem>>, %arg8: memref<125x64xf32, #tpu.memory_space<vmem>>, %arg9: memref<125x64xf32, #tpu.memory_space<vmem>>, %arg10: memref<125x64xf32, #tpu.memory_space<vmem>>, %arg11: memref<125x64xf32, #tpu.memory_space<vmem>>, %arg12: memref<125x64xf32, #tpu.memory_space<vmem>>, %arg13: memref<125x64xf32, #tpu.memory_space<vmem>>, %arg14: memref<125x64xf32, #tpu.memory_space<vmem>>, %arg15: memref<10240x64xf32, #tpu.memory_space<vmem_shared>>, %arg16: memref<!tpu.dma_semaphore, #tpu.memory_space<semaphore_mem>>, %arg17: memref<!tpu.dma_semaphore, #tpu.memory_space<semaphore_mem>>, %arg18: memref<!tpu.dma_semaphore, #tpu.memory_space<semaphore_mem>>, %arg19: memref<!tpu.dma_semaphore, #tpu.memory_space<semaphore_mem>>, %arg20: memref<!tpu.dma_semaphore, #tpu.memory_space<semaphore_mem>>, %arg21: memref<!tpu.dma_semaphore, #tpu.memory_space<semaphore_mem>>, %arg22: memref<!tpu.dma_semaphore, #tpu.memory_space<semaphore_mem>>, %arg23: memref<!tpu.dma_semaphore, #tpu.memory_space<semaphore_mem>>) attributes {dimension_semantics = [#tpu.dimension_semantics<core_parallel>, #tpu.dimension_semantics<subcore_parallel>], iteration_bounds = array<i64: 2, 16>, scalar_prefetch = 0 : i64, scratch_operands = 19 : i64, tpu.core_type = #tpu.core_type<sc_vector_subcore>, window_params = [{transform_indices = #map}, {transform_indices = #map1}, {transform_indices = #map2}]} {
    %run_scoped3A = arith.constant 0 : i32
    "tpu.region"() ({
      %run_scoped3A_132 = tpu.sem_alloc : memref<!tpu.dma_semaphore, #tpu.memory_space<semaphore_mem>>
      %dma_start3A_133 = arith.constant 0 : i32
      %dma_start3A_134 = arith.constant 0 : i32
      %dma_start3A_135 = tpu.memref_slice %arg2[%run_scoped3A, %arg0, %arg1, %dma_start3A_133, %dma_start3A_134] : memref<2x2x16x80x125xi32, #tpu.memory_space<hbm>> -> memref<1x1x1x80x125xi32, #tpu.memory_space<hbm>>
      %dma_start3A_136 = tpu.memref_squeeze %dma_start3A_135 : memref<1x1x1x80x125xi32, #tpu.memory_space<hbm>> -> memref<80x125xi32, #tpu.memory_space<hbm>>
      %dma_start3A_137 = arith.constant 0 : i32
      %dma_start3A_138 = arith.constant 0 : i32
      %dma_start3A_139 = tpu.memref_slice %arg2[%run_scoped3A, %arg0, %arg1, %dma_start3A_137, %dma_start3A_138] : memref<2x2x16x80x125xi32, #tpu.memory_space<hbm>> -> memref<1x1x1x80x125xi32, #tpu.memory_space<hbm>>
      %dma_start3A_140 = tpu.memref_squeeze %dma_start3A_139 : memref<1x1x1x80x125xi32, #tpu.memory_space<hbm>> -> memref<80x125xi32, #tpu.memory_space<hbm>>
      tpu.enqueue_dma source(%dma_start3A_140 : memref<80x125xi32, #tpu.memory_space<hbm>>) target(%arg5 : memref<80x125xi32, #tpu.memory_space<vmem>>) target_semaphore(%run_scoped3A_132 : memref<!tpu.dma_semaphore, #tpu.memory_space<semaphore_mem>>)
      %dma_wait3A_141 = arith.constant 0 : i32
      %dma_wait3A_142 = arith.constant 0 : i32
      %dma_wait3A_143 = tpu.memref_slice %arg2[%run_scoped3A, %arg0, %arg1, %dma_wait3A_141, %dma_wait3A_142] : memref<2x2x16x80x125xi32, #tpu.memory_space<hbm>> -> memref<1x1x1x80x125xi32, #tpu.memory_space<hbm>>
      %dma_wait3A_144 = tpu.memref_squeeze %dma_wait3A_143 : memref<1x1x1x80x125xi32, #tpu.memory_space<hbm>> -> memref<80x125xi32, #tpu.memory_space<hbm>>
      %dma_wait3A_145 = arith.constant 0 : i32
      %dma_wait3A_146 = arith.constant 0 : i32
      %dma_wait3A_147 = tpu.memref_slice %arg2[%run_scoped3A, %arg0, %arg1, %dma_wait3A_145, %dma_wait3A_146] : memref<2x2x16x80x125xi32, #tpu.memory_space<hbm>> -> memref<1x1x1x80x125xi32, #tpu.memory_space<hbm>>
      %dma_wait3A_148 = tpu.memref_squeeze %dma_wait3A_147 : memref<1x1x1x80x125xi32, #tpu.memory_space<hbm>> -> memref<80x125xi32, #tpu.memory_space<hbm>>
      tpu.wait_dma2 semaphore(%run_scoped3A_132 : memref<!tpu.dma_semaphore, #tpu.memory_space<semaphore_mem>>) src(%dma_wait3A_148 : memref<80x125xi32, #tpu.memory_space<hbm>>) dst(%arg5 : memref<80x125xi32, #tpu.memory_space<vmem>>)
      tpu.yield
    }) : () -> ()
    %run_scoped3A_0 = arith.constant 1 : i32
    "tpu.region"() ({
      %run_scoped3A_132 = tpu.sem_alloc : memref<!tpu.dma_semaphore, #tpu.memory_space<semaphore_mem>>
      %dma_start3A_133 = arith.constant 0 : i32
      %dma_start3A_134 = arith.constant 0 : i32
      %dma_start3A_135 = tpu.memref_slice %arg2[%run_scoped3A_0, %arg0, %arg1, %dma_start3A_133, %dma_start3A_134] : memref<2x2x16x80x125xi32, #tpu.memory_space<hbm>> -> memref<1x1x1x80x125xi32, #tpu.memory_space<hbm>>
      %dma_start3A_136 = tpu.memref_squeeze %dma_start3A_135 : memref<1x1x1x80x125xi32, #tpu.memory_space<hbm>> -> memref<80x125xi32, #tpu.memory_space<hbm>>
      %dma_start3A_137 = arith.constant 0 : i32
      %dma_start3A_138 = arith.constant 0 : i32
      %dma_start3A_139 = tpu.memref_slice %arg2[%run_scoped3A_0, %arg0, %arg1, %dma_start3A_137, %dma_start3A_138] : memref<2x2x16x80x125xi32, #tpu.memory_space<hbm>> -> memref<1x1x1x80x125xi32, #tpu.memory_space<hbm>>
      %dma_start3A_140 = tpu.memref_squeeze %dma_start3A_139 : memref<1x1x1x80x125xi32, #tpu.memory_space<hbm>> -> memref<80x125xi32, #tpu.memory_space<hbm>>
      tpu.enqueue_dma source(%dma_start3A_140 : memref<80x125xi32, #tpu.memory_space<hbm>>) target(%arg6 : memref<80x125xi32, #tpu.memory_space<vmem>>) target_semaphore(%run_scoped3A_132 : memref<!tpu.dma_semaphore, #tpu.memory_space<semaphore_mem>>)
      %dma_wait3A_141 = arith.constant 0 : i32
      %dma_wait3A_142 = arith.constant 0 : i32
      %dma_wait3A_143 = tpu.memref_slice %arg2[%run_scoped3A_0, %arg0, %arg1, %dma_wait3A_141, %dma_wait3A_142] : memref<2x2x16x80x125xi32, #tpu.memory_space<hbm>> -> memref<1x1x1x80x125xi32, #tpu.memory_space<hbm>>
      %dma_wait3A_144 = tpu.memref_squeeze %dma_wait3A_143 : memref<1x1x1x80x125xi32, #tpu.memory_space<hbm>> -> memref<80x125xi32, #tpu.memory_space<hbm>>
      %dma_wait3A_145 = arith.constant 0 : i32
      %dma_wait3A_146 = arith.constant 0 : i32
      %dma_wait3A_147 = tpu.memref_slice %arg2[%run_scoped3A_0, %arg0, %arg1, %dma_wait3A_145, %dma_wait3A_146] : memref<2x2x16x80x125xi32, #tpu.memory_space<hbm>> -> memref<1x1x1x80x125xi32, #tpu.memory_space<hbm>>
      %dma_wait3A_148 = tpu.memref_squeeze %dma_wait3A_147 : memref<1x1x1x80x125xi32, #tpu.memory_space<hbm>> -> memref<80x125xi32, #tpu.memory_space<hbm>>
      tpu.wait_dma2 semaphore(%run_scoped3A_132 : memref<!tpu.dma_semaphore, #tpu.memory_space<semaphore_mem>>) src(%dma_wait3A_148 : memref<80x125xi32, #tpu.memory_space<hbm>>) dst(%arg6 : memref<80x125xi32, #tpu.memory_space<vmem>>)
      tpu.yield
    }) : () -> ()
    %mul3A = arith.constant 640 : i32
    %mul3A_1 = arith.muli %arg1, %mul3A : i32
    %mul3A_2 = arith.constant 640 : i32
    %mul3A_3 = arith.muli %arg1, %mul3A_2 : i32
    "tpu.region"() ({
      %run_scoped3A_132 = tpu.sem_alloc : memref<!tpu.dma_semaphore, #tpu.memory_space<semaphore_mem>>
      %dma_start3A_133 = arith.constant 0 : i32
      %dma_start3A_134 = tpu.memref_slice %arg15[%mul3A_3, %dma_start3A_133] : memref<10240x64xf32, #tpu.memory_space<vmem_shared>> -> memref<640x64xf32, #tpu.memory_space<vmem_shared>>
      %dma_start3A_135 = arith.constant 0 : i32
      %dma_start3A_136 = tpu.memref_slice %arg3[%mul3A_1, %dma_start3A_135] : memref<10240x64xf32, #tpu.memory_space<hbm>> -> memref<640x64xf32, #tpu.memory_space<hbm>>
      tpu.enqueue_dma source(%dma_start3A_136 : memref<640x64xf32, #tpu.memory_space<hbm>>) target(%dma_start3A_134 : memref<640x64xf32, #tpu.memory_space<vmem_shared>>) target_semaphore(%run_scoped3A_132 : memref<!tpu.dma_semaphore, #tpu.memory_space<semaphore_mem>>)
      %dma_wait3A_137 = arith.constant 0 : i32
      %dma_wait3A_138 = tpu.memref_slice %arg15[%mul3A_3, %dma_wait3A_137] : memref<10240x64xf32, #tpu.memory_space<vmem_shared>> -> memref<640x64xf32, #tpu.memory_space<vmem_shared>>
      %dma_wait3A_139 = arith.constant 0 : i32
      %dma_wait3A_140 = tpu.memref_slice %arg3[%mul3A_1, %dma_wait3A_139] : memref<10240x64xf32, #tpu.memory_space<hbm>> -> memref<640x64xf32, #tpu.memory_space<hbm>>
      tpu.wait_dma2 semaphore(%run_scoped3A_132 : memref<!tpu.dma_semaphore, #tpu.memory_space<semaphore_mem>>) src(%dma_wait3A_140 : memref<640x64xf32, #tpu.memory_space<hbm>>) dst(%dma_wait3A_138 : memref<640x64xf32, #tpu.memory_space<vmem_shared>>)
      tpu.yield
    }) : () -> ()
    %barrier3A = arith.constant 0 : index
    tpu.barrier barrier_id(%barrier3A)
    %dma_start3A = arith.constant 0 : i32
    %dma_start3A_4 = arith.constant 0 : i32
    %dma_start3A_5 = tpu.memref_slice %arg5[%dma_start3A, %dma_start3A_4] : memref<80x125xi32, #tpu.memory_space<vmem>> -> memref<1x125xi32, #tpu.memory_space<vmem>>
    %dma_start3A_6 = tpu.memref_squeeze %dma_start3A_5 : memref<1x125xi32, #tpu.memory_space<vmem>> -> memref<125xi32, #tpu.memory_space<vmem>>
    %dma_start3A_7 = arith.constant 0 : i32
    %dma_start3A_8 = arith.constant 0 : i32
    %dma_start3A_9 = tpu.memref_slice %arg3[%dma_start3A_7, %dma_start3A_8] : memref<10240x64xf32, #tpu.memory_space<hbm>> -> memref<10240x64xf32, #tpu.memory_space<hbm>>
    tpu.enqueue_indirect_dma source(%dma_start3A_9 : memref<10240x64xf32, #tpu.memory_space<hbm>>) target(%arg7 : memref<125x64xf32, #tpu.memory_space<vmem>>) offsets(%dma_start3A_6 : memref<125xi32, #tpu.memory_space<vmem>>) semaphore(%arg16 : memref<!tpu.dma_semaphore, #tpu.memory_space<semaphore_mem>>)
    %dma_start3A_10 = arith.constant 1 : i32
    %dma_start3A_11 = arith.constant 0 : i32
    %dma_start3A_12 = tpu.memref_slice %arg5[%dma_start3A_10, %dma_start3A_11] : memref<80x125xi32, #tpu.memory_space<vmem>> -> memref<1x125xi32, #tpu.memory_space<vmem>>
    %dma_start3A_13 = tpu.memref_squeeze %dma_start3A_12 : memref<1x125xi32, #tpu.memory_space<vmem>> -> memref<125xi32, #tpu.memory_space<vmem>>
    %dma_start3A_14 = arith.constant 0 : i32
    %dma_start3A_15 = arith.constant 0 : i32
    %dma_start3A_16 = tpu.memref_slice %arg3[%dma_start3A_14, %dma_start3A_15] : memref<10240x64xf32, #tpu.memory_space<hbm>> -> memref<10240x64xf32, #tpu.memory_space<hbm>>
    tpu.enqueue_indirect_dma source(%dma_start3A_16 : memref<10240x64xf32, #tpu.memory_space<hbm>>) target(%arg8 : memref<125x64xf32, #tpu.memory_space<vmem>>) offsets(%dma_start3A_13 : memref<125xi32, #tpu.memory_space<vmem>>) semaphore(%arg17 : memref<!tpu.dma_semaphore, #tpu.memory_space<semaphore_mem>>)
    %dma_start3A_17 = arith.constant 2 : i32
    %dma_start3A_18 = arith.constant 0 : i32
    %dma_start3A_19 = tpu.memref_slice %arg5[%dma_start3A_17, %dma_start3A_18] : memref<80x125xi32, #tpu.memory_space<vmem>> -> memref<1x125xi32, #tpu.memory_space<vmem>>
    %dma_start3A_20 = tpu.memref_squeeze %dma_start3A_19 : memref<1x125xi32, #tpu.memory_space<vmem>> -> memref<125xi32, #tpu.memory_space<vmem>>
    %dma_start3A_21 = arith.constant 0 : i32
    %dma_start3A_22 = arith.constant 0 : i32
    %dma_start3A_23 = tpu.memref_slice %arg3[%dma_start3A_21, %dma_start3A_22] : memref<10240x64xf32, #tpu.memory_space<hbm>> -> memref<10240x64xf32, #tpu.memory_space<hbm>>
    tpu.enqueue_indirect_dma source(%dma_start3A_23 : memref<10240x64xf32, #tpu.memory_space<hbm>>) target(%arg9 : memref<125x64xf32, #tpu.memory_space<vmem>>) offsets(%dma_start3A_20 : memref<125xi32, #tpu.memory_space<vmem>>) semaphore(%arg18 : memref<!tpu.dma_semaphore, #tpu.memory_space<semaphore_mem>>)
    %dma_start3A_24 = arith.constant 3 : i32
    %dma_start3A_25 = arith.constant 0 : i32
    %dma_start3A_26 = tpu.memref_slice %arg5[%dma_start3A_24, %dma_start3A_25] : memref<80x125xi32, #tpu.memory_space<vmem>> -> memref<1x125xi32, #tpu.memory_space<vmem>>
    %dma_start3A_27 = tpu.memref_squeeze %dma_start3A_26 : memref<1x125xi32, #tpu.memory_space<vmem>> -> memref<125xi32, #tpu.memory_space<vmem>>
    %dma_start3A_28 = arith.constant 0 : i32
    %dma_start3A_29 = arith.constant 0 : i32
    %dma_start3A_30 = tpu.memref_slice %arg3[%dma_start3A_28, %dma_start3A_29] : memref<10240x64xf32, #tpu.memory_space<hbm>> -> memref<10240x64xf32, #tpu.memory_space<hbm>>
    tpu.enqueue_indirect_dma source(%dma_start3A_30 : memref<10240x64xf32, #tpu.memory_space<hbm>>) target(%arg10 : memref<125x64xf32, #tpu.memory_space<vmem>>) offsets(%dma_start3A_27 : memref<125xi32, #tpu.memory_space<vmem>>) semaphore(%arg19 : memref<!tpu.dma_semaphore, #tpu.memory_space<semaphore_mem>>)
    %dma_start3A_31 = arith.constant 4 : i32
    %dma_start3A_32 = arith.constant 0 : i32
    %dma_start3A_33 = tpu.memref_slice %arg5[%dma_start3A_31, %dma_start3A_32] : memref<80x125xi32, #tpu.memory_space<vmem>> -> memref<1x125xi32, #tpu.memory_space<vmem>>
    %dma_start3A_34 = tpu.memref_squeeze %dma_start3A_33 : memref<1x125xi32, #tpu.memory_space<vmem>> -> memref<125xi32, #tpu.memory_space<vmem>>
    %dma_start3A_35 = arith.constant 0 : i32
    %dma_start3A_36 = arith.constant 0 : i32
    %dma_start3A_37 = tpu.memref_slice %arg3[%dma_start3A_35, %dma_start3A_36] : memref<10240x64xf32, #tpu.memory_space<hbm>> -> memref<10240x64xf32, #tpu.memory_space<hbm>>
    tpu.enqueue_indirect_dma source(%dma_start3A_37 : memref<10240x64xf32, #tpu.memory_space<hbm>>) target(%arg11 : memref<125x64xf32, #tpu.memory_space<vmem>>) offsets(%dma_start3A_34 : memref<125xi32, #tpu.memory_space<vmem>>) semaphore(%arg20 : memref<!tpu.dma_semaphore, #tpu.memory_space<semaphore_mem>>)
    %dma_start3A_38 = arith.constant 5 : i32
    %dma_start3A_39 = arith.constant 0 : i32
    %dma_start3A_40 = tpu.memref_slice %arg5[%dma_start3A_38, %dma_start3A_39] : memref<80x125xi32, #tpu.memory_space<vmem>> -> memref<1x125xi32, #tpu.memory_space<vmem>>
    %dma_start3A_41 = tpu.memref_squeeze %dma_start3A_40 : memref<1x125xi32, #tpu.memory_space<vmem>> -> memref<125xi32, #tpu.memory_space<vmem>>
    %dma_start3A_42 = arith.constant 0 : i32
    %dma_start3A_43 = arith.constant 0 : i32
    %dma_start3A_44 = tpu.memref_slice %arg3[%dma_start3A_42, %dma_start3A_43] : memref<10240x64xf32, #tpu.memory_space<hbm>> -> memref<10240x64xf32, #tpu.memory_space<hbm>>
    tpu.enqueue_indirect_dma source(%dma_start3A_44 : memref<10240x64xf32, #tpu.memory_space<hbm>>) target(%arg12 : memref<125x64xf32, #tpu.memory_space<vmem>>) offsets(%dma_start3A_41 : memref<125xi32, #tpu.memory_space<vmem>>) semaphore(%arg21 : memref<!tpu.dma_semaphore, #tpu.memory_space<semaphore_mem>>)
    %dma_start3A_45 = arith.constant 6 : i32
    %dma_start3A_46 = arith.constant 0 : i32
    %dma_start3A_47 = tpu.memref_slice %arg5[%dma_start3A_45, %dma_start3A_46] : memref<80x125xi32, #tpu.memory_space<vmem>> -> memref<1x125xi32, #tpu.memory_space<vmem>>
    %dma_start3A_48 = tpu.memref_squeeze %dma_start3A_47 : memref<1x125xi32, #tpu.memory_space<vmem>> -> memref<125xi32, #tpu.memory_space<vmem>>
    %dma_start3A_49 = arith.constant 0 : i32
    %dma_start3A_50 = arith.constant 0 : i32
    %dma_start3A_51 = tpu.memref_slice %arg3[%dma_start3A_49, %dma_start3A_50] : memref<10240x64xf32, #tpu.memory_space<hbm>> -> memref<10240x64xf32, #tpu.memory_space<hbm>>
    tpu.enqueue_indirect_dma source(%dma_start3A_51 : memref<10240x64xf32, #tpu.memory_space<hbm>>) target(%arg13 : memref<125x64xf32, #tpu.memory_space<vmem>>) offsets(%dma_start3A_48 : memref<125xi32, #tpu.memory_space<vmem>>) semaphore(%arg22 : memref<!tpu.dma_semaphore, #tpu.memory_space<semaphore_mem>>)
    %dma_start3A_52 = arith.constant 7 : i32
    %dma_start3A_53 = arith.constant 0 : i32
    %dma_start3A_54 = tpu.memref_slice %arg5[%dma_start3A_52, %dma_start3A_53] : memref<80x125xi32, #tpu.memory_space<vmem>> -> memref<1x125xi32, #tpu.memory_space<vmem>>
    %dma_start3A_55 = tpu.memref_squeeze %dma_start3A_54 : memref<1x125xi32, #tpu.memory_space<vmem>> -> memref<125xi32, #tpu.memory_space<vmem>>
    %dma_start3A_56 = arith.constant 0 : i32
    %dma_start3A_57 = arith.constant 0 : i32
    %dma_start3A_58 = tpu.memref_slice %arg3[%dma_start3A_56, %dma_start3A_57] : memref<10240x64xf32, #tpu.memory_space<hbm>> -> memref<10240x64xf32, #tpu.memory_space<hbm>>
    tpu.enqueue_indirect_dma source(%dma_start3A_58 : memref<10240x64xf32, #tpu.memory_space<hbm>>) target(%arg14 : memref<125x64xf32, #tpu.memory_space<vmem>>) offsets(%dma_start3A_55 : memref<125xi32, #tpu.memory_space<vmem>>) semaphore(%arg23 : memref<!tpu.dma_semaphore, #tpu.memory_space<semaphore_mem>>)
    %scan3A = arith.constant 0 : i32
    %scan3A_59 = arith.constant 0 : i32
    %scan3A_60 = arith.constant 9 : i32
    %scan3A_61 = arith.addi %scan3A_59, %scan3A_60 : i32
    %scan3A_62 = arith.constant 1 : i32
    scf.for %scan3A_132 = %scan3A_59 to %scan3A_61 step %scan3A_62  : i32 {
      %mul3A_133 = arith.constant 8 : i32
      %mul3A_134 = arith.muli %mul3A_133, %scan3A_132 : i32
      %add3A = arith.constant 0 : i32
      %add3A_135 = arith.addi %mul3A_134, %add3A : i32
      %dma_wait3A_136 = arith.constant 0 : i32
      %dma_wait3A_137 = tpu.memref_slice %arg5[%add3A_135, %dma_wait3A_136] : memref<80x125xi32, #tpu.memory_space<vmem>> -> memref<1x125xi32, #tpu.memory_space<vmem>>
      %dma_wait3A_138 = tpu.memref_squeeze %dma_wait3A_137 : memref<1x125xi32, #tpu.memory_space<vmem>> -> memref<125xi32, #tpu.memory_space<vmem>>
      %dma_wait3A_139 = arith.constant 0 : i32
      %dma_wait3A_140 = arith.constant 0 : i32
      %dma_wait3A_141 = tpu.memref_slice %arg3[%dma_wait3A_139, %dma_wait3A_140] : memref<10240x64xf32, #tpu.memory_space<hbm>> -> memref<10240x64xf32, #tpu.memory_space<hbm>>
      tpu.wait_indirect_dma semaphore(%arg16 : memref<!tpu.dma_semaphore, #tpu.memory_space<semaphore_mem>>) src(%dma_wait3A_141 : memref<10240x64xf32, #tpu.memory_space<hbm>>) dst(%arg7 : memref<125x64xf32, #tpu.memory_space<vmem>>)
      %add3A_142 = arith.constant 0 : i32
      %add3A_143 = arith.addi %mul3A_134, %add3A_142 : i32
      "tpu.region"() ({
        %run_scoped3A_294 = tpu.sem_alloc : memref<!tpu.dma_semaphore, #tpu.memory_space<semaphore_mem>>
        %dma_start3A_295 = arith.constant 0 : i32
        %dma_start3A_296 = tpu.memref_slice %arg6[%add3A_143, %dma_start3A_295] : memref<80x125xi32, #tpu.memory_space<vmem>> -> memref<1x125xi32, #tpu.memory_space<vmem>>
        %dma_start3A_297 = tpu.memref_squeeze %dma_start3A_296 : memref<1x125xi32, #tpu.memory_space<vmem>> -> memref<125xi32, #tpu.memory_space<vmem>>
        %dma_start3A_298 = arith.constant 0 : i32
        %dma_start3A_299 = arith.constant 0 : i32
        %dma_start3A_300 = tpu.memref_slice %arg15[%dma_start3A_298, %dma_start3A_299] : memref<10240x64xf32, #tpu.memory_space<vmem_shared>> -> memref<10240x64xf32, #tpu.memory_space<vmem_shared>>
        tpu.enqueue_indirect_dma source(%arg7 : memref<125x64xf32, #tpu.memory_space<vmem>>) target(%dma_start3A_300 : memref<10240x64xf32, #tpu.memory_space<vmem_shared>>) offsets(%dma_start3A_297 : memref<125xi32, #tpu.memory_space<vmem>>) semaphore(%run_scoped3A_294 : memref<!tpu.dma_semaphore, #tpu.memory_space<semaphore_mem>>) {add = true}
        %dma_wait3A_301 = arith.constant 0 : i32
        %dma_wait3A_302 = tpu.memref_slice %arg6[%add3A_143, %dma_wait3A_301] : memref<80x125xi32, #tpu.memory_space<vmem>> -> memref<1x125xi32, #tpu.memory_space<vmem>>
        %dma_wait3A_303 = tpu.memref_squeeze %dma_wait3A_302 : memref<1x125xi32, #tpu.memory_space<vmem>> -> memref<125xi32, #tpu.memory_space<vmem>>
        %dma_wait3A_304 = arith.constant 0 : i32
        %dma_wait3A_305 = arith.constant 0 : i32
        %dma_wait3A_306 = tpu.memref_slice %arg15[%dma_wait3A_304, %dma_wait3A_305] : memref<10240x64xf32, #tpu.memory_space<vmem_shared>> -> memref<10240x64xf32, #tpu.memory_space<vmem_shared>>
        tpu.wait_indirect_dma semaphore(%run_scoped3A_294 : memref<!tpu.dma_semaphore, #tpu.memory_space<semaphore_mem>>) src(%arg7 : memref<125x64xf32, #tpu.memory_space<vmem>>) dst(%dma_wait3A_306 : memref<10240x64xf32, #tpu.memory_space<vmem_shared>>)
        tpu.yield
      }) : () -> ()
      %add3A_144 = arith.constant 0 : i32
      %add3A_145 = arith.addi %mul3A_134, %add3A_144 : i32
      %add3A_146 = arith.constant 8 : i32
      %add3A_147 = arith.addi %add3A_145, %add3A_146 : i32
      %dma_start3A_148 = arith.constant 0 : i32
      %dma_start3A_149 = tpu.memref_slice %arg5[%add3A_147, %dma_start3A_148] : memref<80x125xi32, #tpu.memory_space<vmem>> -> memref<1x125xi32, #tpu.memory_space<vmem>>
      %dma_start3A_150 = tpu.memref_squeeze %dma_start3A_149 : memref<1x125xi32, #tpu.memory_space<vmem>> -> memref<125xi32, #tpu.memory_space<vmem>>
      %dma_start3A_151 = arith.constant 0 : i32
      %dma_start3A_152 = arith.constant 0 : i32
      %dma_start3A_153 = tpu.memref_slice %arg3[%dma_start3A_151, %dma_start3A_152] : memref<10240x64xf32, #tpu.memory_space<hbm>> -> memref<10240x64xf32, #tpu.memory_space<hbm>>
      tpu.enqueue_indirect_dma source(%dma_start3A_153 : memref<10240x64xf32, #tpu.memory_space<hbm>>) target(%arg7 : memref<125x64xf32, #tpu.memory_space<vmem>>) offsets(%dma_start3A_150 : memref<125xi32, #tpu.memory_space<vmem>>) semaphore(%arg16 : memref<!tpu.dma_semaphore, #tpu.memory_space<semaphore_mem>>)
      %add3A_154 = arith.constant 1 : i32
      %add3A_155 = arith.addi %mul3A_134, %add3A_154 : i32
      %dma_wait3A_156 = arith.constant 0 : i32
      %dma_wait3A_157 = tpu.memref_slice %arg5[%add3A_155, %dma_wait3A_156] : memref<80x125xi32, #tpu.memory_space<vmem>> -> memref<1x125xi32, #tpu.memory_space<vmem>>
      %dma_wait3A_158 = tpu.memref_squeeze %dma_wait3A_157 : memref<1x125xi32, #tpu.memory_space<vmem>> -> memref<125xi32, #tpu.memory_space<vmem>>
      %dma_wait3A_159 = arith.constant 0 : i32
      %dma_wait3A_160 = arith.constant 0 : i32
      %dma_wait3A_161 = tpu.memref_slice %arg3[%dma_wait3A_159, %dma_wait3A_160] : memref<10240x64xf32, #tpu.memory_space<hbm>> -> memref<10240x64xf32, #tpu.memory_space<hbm>>
      tpu.wait_indirect_dma semaphore(%arg17 : memref<!tpu.dma_semaphore, #tpu.memory_space<semaphore_mem>>) src(%dma_wait3A_161 : memref<10240x64xf32, #tpu.memory_space<hbm>>) dst(%arg8 : memref<125x64xf32, #tpu.memory_space<vmem>>)
      %add3A_162 = arith.constant 1 : i32
      %add3A_163 = arith.addi %mul3A_134, %add3A_162 : i32
      "tpu.region"() ({
        %run_scoped3A_294 = tpu.sem_alloc : memref<!tpu.dma_semaphore, #tpu.memory_space<semaphore_mem>>
        %dma_start3A_295 = arith.constant 0 : i32
        %dma_start3A_296 = tpu.memref_slice %arg6[%add3A_163, %dma_start3A_295] : memref<80x125xi32, #tpu.memory_space<vmem>> -> memref<1x125xi32, #tpu.memory_space<vmem>>
        %dma_start3A_297 = tpu.memref_squeeze %dma_start3A_296 : memref<1x125xi32, #tpu.memory_space<vmem>> -> memref<125xi32, #tpu.memory_space<vmem>>
        %dma_start3A_298 = arith.constant 0 : i32
        %dma_start3A_299 = arith.constant 0 : i32
        %dma_start3A_300 = tpu.memref_slice %arg15[%dma_start3A_298, %dma_start3A_299] : memref<10240x64xf32, #tpu.memory_space<vmem_shared>> -> memref<10240x64xf32, #tpu.memory_space<vmem_shared>>
        tpu.enqueue_indirect_dma source(%arg8 : memref<125x64xf32, #tpu.memory_space<vmem>>) target(%dma_start3A_300 : memref<10240x64xf32, #tpu.memory_space<vmem_shared>>) offsets(%dma_start3A_297 : memref<125xi32, #tpu.memory_space<vmem>>) semaphore(%run_scoped3A_294 : memref<!tpu.dma_semaphore, #tpu.memory_space<semaphore_mem>>) {add = true}
        %dma_wait3A_301 = arith.constant 0 : i32
        %dma_wait3A_302 = tpu.memref_slice %arg6[%add3A_163, %dma_wait3A_301] : memref<80x125xi32, #tpu.memory_space<vmem>> -> memref<1x125xi32, #tpu.memory_space<vmem>>
        %dma_wait3A_303 = tpu.memref_squeeze %dma_wait3A_302 : memref<1x125xi32, #tpu.memory_space<vmem>> -> memref<125xi32, #tpu.memory_space<vmem>>
        %dma_wait3A_304 = arith.constant 0 : i32
        %dma_wait3A_305 = arith.constant 0 : i32
        %dma_wait3A_306 = tpu.memref_slice %arg15[%dma_wait3A_304, %dma_wait3A_305] : memref<10240x64xf32, #tpu.memory_space<vmem_shared>> -> memref<10240x64xf32, #tpu.memory_space<vmem_shared>>
        tpu.wait_indirect_dma semaphore(%run_scoped3A_294 : memref<!tpu.dma_semaphore, #tpu.memory_space<semaphore_mem>>) src(%arg8 : memref<125x64xf32, #tpu.memory_space<vmem>>) dst(%dma_wait3A_306 : memref<10240x64xf32, #tpu.memory_space<vmem_shared>>)
        tpu.yield
      }) : () -> ()
      %add3A_164 = arith.constant 1 : i32
      %add3A_165 = arith.addi %mul3A_134, %add3A_164 : i32
      %add3A_166 = arith.constant 8 : i32
      %add3A_167 = arith.addi %add3A_165, %add3A_166 : i32
      %dma_start3A_168 = arith.constant 0 : i32
      %dma_start3A_169 = tpu.memref_slice %arg5[%add3A_167, %dma_start3A_168] : memref<80x125xi32, #tpu.memory_space<vmem>> -> memref<1x125xi32, #tpu.memory_space<vmem>>
      %dma_start3A_170 = tpu.memref_squeeze %dma_start3A_169 : memref<1x125xi32, #tpu.memory_space<vmem>> -> memref<125xi32, #tpu.memory_space<vmem>>
      %dma_start3A_171 = arith.constant 0 : i32
      %dma_start3A_172 = arith.constant 0 : i32
      %dma_start3A_173 = tpu.memref_slice %arg3[%dma_start3A_171, %dma_start3A_172] : memref<10240x64xf32, #tpu.memory_space<hbm>> -> memref<10240x64xf32, #tpu.memory_space<hbm>>
      tpu.enqueue_indirect_dma source(%dma_start3A_173 : memref<10240x64xf32, #tpu.memory_space<hbm>>) target(%arg8 : memref<125x64xf32, #tpu.memory_space<vmem>>) offsets(%dma_start3A_170 : memref<125xi32, #tpu.memory_space<vmem>>) semaphore(%arg17 : memref<!tpu.dma_semaphore, #tpu.memory_space<semaphore_mem>>)
      %add3A_174 = arith.constant 2 : i32
      %add3A_175 = arith.addi %mul3A_134, %add3A_174 : i32
      %dma_wait3A_176 = arith.constant 0 : i32
      %dma_wait3A_177 = tpu.memref_slice %arg5[%add3A_175, %dma_wait3A_176] : memref<80x125xi32, #tpu.memory_space<vmem>> -> memref<1x125xi32, #tpu.memory_space<vmem>>
      %dma_wait3A_178 = tpu.memref_squeeze %dma_wait3A_177 : memref<1x125xi32, #tpu.memory_space<vmem>> -> memref<125xi32, #tpu.memory_space<vmem>>
      %dma_wait3A_179 = arith.constant 0 : i32
      %dma_wait3A_180 = arith.constant 0 : i32
      %dma_wait3A_181 = tpu.memref_slice %arg3[%dma_wait3A_179, %dma_wait3A_180] : memref<10240x64xf32, #tpu.memory_space<hbm>> -> memref<10240x64xf32, #tpu.memory_space<hbm>>
      tpu.wait_indirect_dma semaphore(%arg18 : memref<!tpu.dma_semaphore, #tpu.memory_space<semaphore_mem>>) src(%dma_wait3A_181 : memref<10240x64xf32, #tpu.memory_space<hbm>>) dst(%arg9 : memref<125x64xf32, #tpu.memory_space<vmem>>)
      %add3A_182 = arith.constant 2 : i32
      %add3A_183 = arith.addi %mul3A_134, %add3A_182 : i32
      "tpu.region"() ({
        %run_scoped3A_294 = tpu.sem_alloc : memref<!tpu.dma_semaphore, #tpu.memory_space<semaphore_mem>>
        %dma_start3A_295 = arith.constant 0 : i32
        %dma_start3A_296 = tpu.memref_slice %arg6[%add3A_183, %dma_start3A_295] : memref<80x125xi32, #tpu.memory_space<vmem>> -> memref<1x125xi32, #tpu.memory_space<vmem>>
        %dma_start3A_297 = tpu.memref_squeeze %dma_start3A_296 : memref<1x125xi32, #tpu.memory_space<vmem>> -> memref<125xi32, #tpu.memory_space<vmem>>
        %dma_start3A_298 = arith.constant 0 : i32
        %dma_start3A_299 = arith.constant 0 : i32
        %dma_start3A_300 = tpu.memref_slice %arg15[%dma_start3A_298, %dma_start3A_299] : memref<10240x64xf32, #tpu.memory_space<vmem_shared>> -> memref<10240x64xf32, #tpu.memory_space<vmem_shared>>
        tpu.enqueue_indirect_dma source(%arg9 : memref<125x64xf32, #tpu.memory_space<vmem>>) target(%dma_start3A_300 : memref<10240x64xf32, #tpu.memory_space<vmem_shared>>) offsets(%dma_start3A_297 : memref<125xi32, #tpu.memory_space<vmem>>) semaphore(%run_scoped3A_294 : memref<!tpu.dma_semaphore, #tpu.memory_space<semaphore_mem>>) {add = true}
        %dma_wait3A_301 = arith.constant 0 : i32
        %dma_wait3A_302 = tpu.memref_slice %arg6[%add3A_183, %dma_wait3A_301] : memref<80x125xi32, #tpu.memory_space<vmem>> -> memref<1x125xi32, #tpu.memory_space<vmem>>
        %dma_wait3A_303 = tpu.memref_squeeze %dma_wait3A_302 : memref<1x125xi32, #tpu.memory_space<vmem>> -> memref<125xi32, #tpu.memory_space<vmem>>
        %dma_wait3A_304 = arith.constant 0 : i32
        %dma_wait3A_305 = arith.constant 0 : i32
        %dma_wait3A_306 = tpu.memref_slice %arg15[%dma_wait3A_304, %dma_wait3A_305] : memref<10240x64xf32, #tpu.memory_space<vmem_shared>> -> memref<10240x64xf32, #tpu.memory_space<vmem_shared>>
        tpu.wait_indirect_dma semaphore(%run_scoped3A_294 : memref<!tpu.dma_semaphore, #tpu.memory_space<semaphore_mem>>) src(%arg9 : memref<125x64xf32, #tpu.memory_space<vmem>>) dst(%dma_wait3A_306 : memref<10240x64xf32, #tpu.memory_space<vmem_shared>>)
        tpu.yield
      }) : () -> ()
      %add3A_184 = arith.constant 2 : i32
      %add3A_185 = arith.addi %mul3A_134, %add3A_184 : i32
      %add3A_186 = arith.constant 8 : i32
      %add3A_187 = arith.addi %add3A_185, %add3A_186 : i32
      %dma_start3A_188 = arith.constant 0 : i32
      %dma_start3A_189 = tpu.memref_slice %arg5[%add3A_187, %dma_start3A_188] : memref<80x125xi32, #tpu.memory_space<vmem>> -> memref<1x125xi32, #tpu.memory_space<vmem>>
      %dma_start3A_190 = tpu.memref_squeeze %dma_start3A_189 : memref<1x125xi32, #tpu.memory_space<vmem>> -> memref<125xi32, #tpu.memory_space<vmem>>
      %dma_start3A_191 = arith.constant 0 : i32
      %dma_start3A_192 = arith.constant 0 : i32
      %dma_start3A_193 = tpu.memref_slice %arg3[%dma_start3A_191, %dma_start3A_192] : memref<10240x64xf32, #tpu.memory_space<hbm>> -> memref<10240x64xf32, #tpu.memory_space<hbm>>
      tpu.enqueue_indirect_dma source(%dma_start3A_193 : memref<10240x64xf32, #tpu.memory_space<hbm>>) target(%arg9 : memref<125x64xf32, #tpu.memory_space<vmem>>) offsets(%dma_start3A_190 : memref<125xi32, #tpu.memory_space<vmem>>) semaphore(%arg18 : memref<!tpu.dma_semaphore, #tpu.memory_space<semaphore_mem>>)
      %add3A_194 = arith.constant 3 : i32
      %add3A_195 = arith.addi %mul3A_134, %add3A_194 : i32
      %dma_wait3A_196 = arith.constant 0 : i32
      %dma_wait3A_197 = tpu.memref_slice %arg5[%add3A_195, %dma_wait3A_196] : memref<80x125xi32, #tpu.memory_space<vmem>> -> memref<1x125xi32, #tpu.memory_space<vmem>>
      %dma_wait3A_198 = tpu.memref_squeeze %dma_wait3A_197 : memref<1x125xi32, #tpu.memory_space<vmem>> -> memref<125xi32, #tpu.memory_space<vmem>>
      %dma_wait3A_199 = arith.constant 0 : i32
      %dma_wait3A_200 = arith.constant 0 : i32
      %dma_wait3A_201 = tpu.memref_slice %arg3[%dma_wait3A_199, %dma_wait3A_200] : memref<10240x64xf32, #tpu.memory_space<hbm>> -> memref<10240x64xf32, #tpu.memory_space<hbm>>
      tpu.wait_indirect_dma semaphore(%arg19 : memref<!tpu.dma_semaphore, #tpu.memory_space<semaphore_mem>>) src(%dma_wait3A_201 : memref<10240x64xf32, #tpu.memory_space<hbm>>) dst(%arg10 : memref<125x64xf32, #tpu.memory_space<vmem>>)
      %add3A_202 = arith.constant 3 : i32
      %add3A_203 = arith.addi %mul3A_134, %add3A_202 : i32
      "tpu.region"() ({
        %run_scoped3A_294 = tpu.sem_alloc : memref<!tpu.dma_semaphore, #tpu.memory_space<semaphore_mem>>
        %dma_start3A_295 = arith.constant 0 : i32
        %dma_start3A_296 = tpu.memref_slice %arg6[%add3A_203, %dma_start3A_295] : memref<80x125xi32, #tpu.memory_space<vmem>> -> memref<1x125xi32, #tpu.memory_space<vmem>>
        %dma_start3A_297 = tpu.memref_squeeze %dma_start3A_296 : memref<1x125xi32, #tpu.memory_space<vmem>> -> memref<125xi32, #tpu.memory_space<vmem>>
        %dma_start3A_298 = arith.constant 0 : i32
        %dma_start3A_299 = arith.constant 0 : i32
        %dma_start3A_300 = tpu.memref_slice %arg15[%dma_start3A_298, %dma_start3A_299] : memref<10240x64xf32, #tpu.memory_space<vmem_shared>> -> memref<10240x64xf32, #tpu.memory_space<vmem_shared>>
        tpu.enqueue_indirect_dma source(%arg10 : memref<125x64xf32, #tpu.memory_space<vmem>>) target(%dma_start3A_300 : memref<10240x64xf32, #tpu.memory_space<vmem_shared>>) offsets(%dma_start3A_297 : memref<125xi32, #tpu.memory_space<vmem>>) semaphore(%run_scoped3A_294 : memref<!tpu.dma_semaphore, #tpu.memory_space<semaphore_mem>>) {add = true}
        %dma_wait3A_301 = arith.constant 0 : i32
        %dma_wait3A_302 = tpu.memref_slice %arg6[%add3A_203, %dma_wait3A_301] : memref<80x125xi32, #tpu.memory_space<vmem>> -> memref<1x125xi32, #tpu.memory_space<vmem>>
        %dma_wait3A_303 = tpu.memref_squeeze %dma_wait3A_302 : memref<1x125xi32, #tpu.memory_space<vmem>> -> memref<125xi32, #tpu.memory_space<vmem>>
        %dma_wait3A_304 = arith.constant 0 : i32
        %dma_wait3A_305 = arith.constant 0 : i32
        %dma_wait3A_306 = tpu.memref_slice %arg15[%dma_wait3A_304, %dma_wait3A_305] : memref<10240x64xf32, #tpu.memory_space<vmem_shared>> -> memref<10240x64xf32, #tpu.memory_space<vmem_shared>>
        tpu.wait_indirect_dma semaphore(%run_scoped3A_294 : memref<!tpu.dma_semaphore, #tpu.memory_space<semaphore_mem>>) src(%arg10 : memref<125x64xf32, #tpu.memory_space<vmem>>) dst(%dma_wait3A_306 : memref<10240x64xf32, #tpu.memory_space<vmem_shared>>)
        tpu.yield
      }) : () -> ()
      %add3A_204 = arith.constant 3 : i32
      %add3A_205 = arith.addi %mul3A_134, %add3A_204 : i32
      %add3A_206 = arith.constant 8 : i32
      %add3A_207 = arith.addi %add3A_205, %add3A_206 : i32
      %dma_start3A_208 = arith.constant 0 : i32
      %dma_start3A_209 = tpu.memref_slice %arg5[%add3A_207, %dma_start3A_208] : memref<80x125xi32, #tpu.memory_space<vmem>> -> memref<1x125xi32, #tpu.memory_space<vmem>>
      %dma_start3A_210 = tpu.memref_squeeze %dma_start3A_209 : memref<1x125xi32, #tpu.memory_space<vmem>> -> memref<125xi32, #tpu.memory_space<vmem>>
      %dma_start3A_211 = arith.constant 0 : i32
      %dma_start3A_212 = arith.constant 0 : i32
      %dma_start3A_213 = tpu.memref_slice %arg3[%dma_start3A_211, %dma_start3A_212] : memref<10240x64xf32, #tpu.memory_space<hbm>> -> memref<10240x64xf32, #tpu.memory_space<hbm>>
      tpu.enqueue_indirect_dma source(%dma_start3A_213 : memref<10240x64xf32, #tpu.memory_space<hbm>>) target(%arg10 : memref<125x64xf32, #tpu.memory_space<vmem>>) offsets(%dma_start3A_210 : memref<125xi32, #tpu.memory_space<vmem>>) semaphore(%arg19 : memref<!tpu.dma_semaphore, #tpu.memory_space<semaphore_mem>>)
      %add3A_214 = arith.constant 4 : i32
      %add3A_215 = arith.addi %mul3A_134, %add3A_214 : i32
      %dma_wait3A_216 = arith.constant 0 : i32
      %dma_wait3A_217 = tpu.memref_slice %arg5[%add3A_215, %dma_wait3A_216] : memref<80x125xi32, #tpu.memory_space<vmem>> -> memref<1x125xi32, #tpu.memory_space<vmem>>
      %dma_wait3A_218 = tpu.memref_squeeze %dma_wait3A_217 : memref<1x125xi32, #tpu.memory_space<vmem>> -> memref<125xi32, #tpu.memory_space<vmem>>
      %dma_wait3A_219 = arith.constant 0 : i32
      %dma_wait3A_220 = arith.constant 0 : i32
      %dma_wait3A_221 = tpu.memref_slice %arg3[%dma_wait3A_219, %dma_wait3A_220] : memref<10240x64xf32, #tpu.memory_space<hbm>> -> memref<10240x64xf32, #tpu.memory_space<hbm>>
      tpu.wait_indirect_dma semaphore(%arg20 : memref<!tpu.dma_semaphore, #tpu.memory_space<semaphore_mem>>) src(%dma_wait3A_221 : memref<10240x64xf32, #tpu.memory_space<hbm>>) dst(%arg11 : memref<125x64xf32, #tpu.memory_space<vmem>>)
      %add3A_222 = arith.constant 4 : i32
      %add3A_223 = arith.addi %mul3A_134, %add3A_222 : i32
      "tpu.region"() ({
        %run_scoped3A_294 = tpu.sem_alloc : memref<!tpu.dma_semaphore, #tpu.memory_space<semaphore_mem>>
        %dma_start3A_295 = arith.constant 0 : i32
        %dma_start3A_296 = tpu.memref_slice %arg6[%add3A_223, %dma_start3A_295] : memref<80x125xi32, #tpu.memory_space<vmem>> -> memref<1x125xi32, #tpu.memory_space<vmem>>
        %dma_start3A_297 = tpu.memref_squeeze %dma_start3A_296 : memref<1x125xi32, #tpu.memory_space<vmem>> -> memref<125xi32, #tpu.memory_space<vmem>>
        %dma_start3A_298 = arith.constant 0 : i32
        %dma_start3A_299 = arith.constant 0 : i32
        %dma_start3A_300 = tpu.memref_slice %arg15[%dma_start3A_298, %dma_start3A_299] : memref<10240x64xf32, #tpu.memory_space<vmem_shared>> -> memref<10240x64xf32, #tpu.memory_space<vmem_shared>>
        tpu.enqueue_indirect_dma source(%arg11 : memref<125x64xf32, #tpu.memory_space<vmem>>) target(%dma_start3A_300 : memref<10240x64xf32, #tpu.memory_space<vmem_shared>>) offsets(%dma_start3A_297 : memref<125xi32, #tpu.memory_space<vmem>>) semaphore(%run_scoped3A_294 : memref<!tpu.dma_semaphore, #tpu.memory_space<semaphore_mem>>) {add = true}
        %dma_wait3A_301 = arith.constant 0 : i32
        %dma_wait3A_302 = tpu.memref_slice %arg6[%add3A_223, %dma_wait3A_301] : memref<80x125xi32, #tpu.memory_space<vmem>> -> memref<1x125xi32, #tpu.memory_space<vmem>>
        %dma_wait3A_303 = tpu.memref_squeeze %dma_wait3A_302 : memref<1x125xi32, #tpu.memory_space<vmem>> -> memref<125xi32, #tpu.memory_space<vmem>>
        %dma_wait3A_304 = arith.constant 0 : i32
        %dma_wait3A_305 = arith.constant 0 : i32
        %dma_wait3A_306 = tpu.memref_slice %arg15[%dma_wait3A_304, %dma_wait3A_305] : memref<10240x64xf32, #tpu.memory_space<vmem_shared>> -> memref<10240x64xf32, #tpu.memory_space<vmem_shared>>
        tpu.wait_indirect_dma semaphore(%run_scoped3A_294 : memref<!tpu.dma_semaphore, #tpu.memory_space<semaphore_mem>>) src(%arg11 : memref<125x64xf32, #tpu.memory_space<vmem>>) dst(%dma_wait3A_306 : memref<10240x64xf32, #tpu.memory_space<vmem_shared>>)
        tpu.yield
      }) : () -> ()
      %add3A_224 = arith.constant 4 : i32
      %add3A_225 = arith.addi %mul3A_134, %add3A_224 : i32
      %add3A_226 = arith.constant 8 : i32
      %add3A_227 = arith.addi %add3A_225, %add3A_226 : i32
      %dma_start3A_228 = arith.constant 0 : i32
      %dma_start3A_229 = tpu.memref_slice %arg5[%add3A_227, %dma_start3A_228] : memref<80x125xi32, #tpu.memory_space<vmem>> -> memref<1x125xi32, #tpu.memory_space<vmem>>
      %dma_start3A_230 = tpu.memref_squeeze %dma_start3A_229 : memref<1x125xi32, #tpu.memory_space<vmem>> -> memref<125xi32, #tpu.memory_space<vmem>>
      %dma_start3A_231 = arith.constant 0 : i32
      %dma_start3A_232 = arith.constant 0 : i32
      %dma_start3A_233 = tpu.memref_slice %arg3[%dma_start3A_231, %dma_start3A_232] : memref<10240x64xf32, #tpu.memory_space<hbm>> -> memref<10240x64xf32, #tpu.memory_space<hbm>>
      tpu.enqueue_indirect_dma source(%dma_start3A_233 : memref<10240x64xf32, #tpu.memory_space<hbm>>) target(%arg11 : memref<125x64xf32, #tpu.memory_space<vmem>>) offsets(%dma_start3A_230 : memref<125xi32, #tpu.memory_space<vmem>>) semaphore(%arg20 : memref<!tpu.dma_semaphore, #tpu.memory_space<semaphore_mem>>)
      %add3A_234 = arith.constant 5 : i32
      %add3A_235 = arith.addi %mul3A_134, %add3A_234 : i32
      %dma_wait3A_236 = arith.constant 0 : i32
      %dma_wait3A_237 = tpu.memref_slice %arg5[%add3A_235, %dma_wait3A_236] : memref<80x125xi32, #tpu.memory_space<vmem>> -> memref<1x125xi32, #tpu.memory_space<vmem>>
      %dma_wait3A_238 = tpu.memref_squeeze %dma_wait3A_237 : memref<1x125xi32, #tpu.memory_space<vmem>> -> memref<125xi32, #tpu.memory_space<vmem>>
      %dma_wait3A_239 = arith.constant 0 : i32
      %dma_wait3A_240 = arith.constant 0 : i32
      %dma_wait3A_241 = tpu.memref_slice %arg3[%dma_wait3A_239, %dma_wait3A_240] : memref<10240x64xf32, #tpu.memory_space<hbm>> -> memref<10240x64xf32, #tpu.memory_space<hbm>>
      tpu.wait_indirect_dma semaphore(%arg21 : memref<!tpu.dma_semaphore, #tpu.memory_space<semaphore_mem>>) src(%dma_wait3A_241 : memref<10240x64xf32, #tpu.memory_space<hbm>>) dst(%arg12 : memref<125x64xf32, #tpu.memory_space<vmem>>)
      %add3A_242 = arith.constant 5 : i32
      %add3A_243 = arith.addi %mul3A_134, %add3A_242 : i32
      "tpu.region"() ({
        %run_scoped3A_294 = tpu.sem_alloc : memref<!tpu.dma_semaphore, #tpu.memory_space<semaphore_mem>>
        %dma_start3A_295 = arith.constant 0 : i32
        %dma_start3A_296 = tpu.memref_slice %arg6[%add3A_243, %dma_start3A_295] : memref<80x125xi32, #tpu.memory_space<vmem>> -> memref<1x125xi32, #tpu.memory_space<vmem>>
        %dma_start3A_297 = tpu.memref_squeeze %dma_start3A_296 : memref<1x125xi32, #tpu.memory_space<vmem>> -> memref<125xi32, #tpu.memory_space<vmem>>
        %dma_start3A_298 = arith.constant 0 : i32
        %dma_start3A_299 = arith.constant 0 : i32
        %dma_start3A_300 = tpu.memref_slice %arg15[%dma_start3A_298, %dma_start3A_299] : memref<10240x64xf32, #tpu.memory_space<vmem_shared>> -> memref<10240x64xf32, #tpu.memory_space<vmem_shared>>
        tpu.enqueue_indirect_dma source(%arg12 : memref<125x64xf32, #tpu.memory_space<vmem>>) target(%dma_start3A_300 : memref<10240x64xf32, #tpu.memory_space<vmem_shared>>) offsets(%dma_start3A_297 : memref<125xi32, #tpu.memory_space<vmem>>) semaphore(%run_scoped3A_294 : memref<!tpu.dma_semaphore, #tpu.memory_space<semaphore_mem>>) {add = true}
        %dma_wait3A_301 = arith.constant 0 : i32
        %dma_wait3A_302 = tpu.memref_slice %arg6[%add3A_243, %dma_wait3A_301] : memref<80x125xi32, #tpu.memory_space<vmem>> -> memref<1x125xi32, #tpu.memory_space<vmem>>
        %dma_wait3A_303 = tpu.memref_squeeze %dma_wait3A_302 : memref<1x125xi32, #tpu.memory_space<vmem>> -> memref<125xi32, #tpu.memory_space<vmem>>
        %dma_wait3A_304 = arith.constant 0 : i32
        %dma_wait3A_305 = arith.constant 0 : i32
        %dma_wait3A_306 = tpu.memref_slice %arg15[%dma_wait3A_304, %dma_wait3A_305] : memref<10240x64xf32, #tpu.memory_space<vmem_shared>> -> memref<10240x64xf32, #tpu.memory_space<vmem_shared>>
        tpu.wait_indirect_dma semaphore(%run_scoped3A_294 : memref<!tpu.dma_semaphore, #tpu.memory_space<semaphore_mem>>) src(%arg12 : memref<125x64xf32, #tpu.memory_space<vmem>>) dst(%dma_wait3A_306 : memref<10240x64xf32, #tpu.memory_space<vmem_shared>>)
        tpu.yield
      }) : () -> ()
      %add3A_244 = arith.constant 5 : i32
      %add3A_245 = arith.addi %mul3A_134, %add3A_244 : i32
      %add3A_246 = arith.constant 8 : i32
      %add3A_247 = arith.addi %add3A_245, %add3A_246 : i32
      %dma_start3A_248 = arith.constant 0 : i32
      %dma_start3A_249 = tpu.memref_slice %arg5[%add3A_247, %dma_start3A_248] : memref<80x125xi32, #tpu.memory_space<vmem>> -> memref<1x125xi32, #tpu.memory_space<vmem>>
      %dma_start3A_250 = tpu.memref_squeeze %dma_start3A_249 : memref<1x125xi32, #tpu.memory_space<vmem>> -> memref<125xi32, #tpu.memory_space<vmem>>
      %dma_start3A_251 = arith.constant 0 : i32
      %dma_start3A_252 = arith.constant 0 : i32
      %dma_start3A_253 = tpu.memref_slice %arg3[%dma_start3A_251, %dma_start3A_252] : memref<10240x64xf32, #tpu.memory_space<hbm>> -> memref<10240x64xf32, #tpu.memory_space<hbm>>
      tpu.enqueue_indirect_dma source(%dma_start3A_253 : memref<10240x64xf32, #tpu.memory_space<hbm>>) target(%arg12 : memref<125x64xf32, #tpu.memory_space<vmem>>) offsets(%dma_start3A_250 : memref<125xi32, #tpu.memory_space<vmem>>) semaphore(%arg21 : memref<!tpu.dma_semaphore, #tpu.memory_space<semaphore_mem>>)
      %add3A_254 = arith.constant 6 : i32
      %add3A_255 = arith.addi %mul3A_134, %add3A_254 : i32
      %dma_wait3A_256 = arith.constant 0 : i32
      %dma_wait3A_257 = tpu.memref_slice %arg5[%add3A_255, %dma_wait3A_256] : memref<80x125xi32, #tpu.memory_space<vmem>> -> memref<1x125xi32, #tpu.memory_space<vmem>>
      %dma_wait3A_258 = tpu.memref_squeeze %dma_wait3A_257 : memref<1x125xi32, #tpu.memory_space<vmem>> -> memref<125xi32, #tpu.memory_space<vmem>>
      %dma_wait3A_259 = arith.constant 0 : i32
      %dma_wait3A_260 = arith.constant 0 : i32
      %dma_wait3A_261 = tpu.memref_slice %arg3[%dma_wait3A_259, %dma_wait3A_260] : memref<10240x64xf32, #tpu.memory_space<hbm>> -> memref<10240x64xf32, #tpu.memory_space<hbm>>
      tpu.wait_indirect_dma semaphore(%arg22 : memref<!tpu.dma_semaphore, #tpu.memory_space<semaphore_mem>>) src(%dma_wait3A_261 : memref<10240x64xf32, #tpu.memory_space<hbm>>) dst(%arg13 : memref<125x64xf32, #tpu.memory_space<vmem>>)
      %add3A_262 = arith.constant 6 : i32
      %add3A_263 = arith.addi %mul3A_134, %add3A_262 : i32
      "tpu.region"() ({
        %run_scoped3A_294 = tpu.sem_alloc : memref<!tpu.dma_semaphore, #tpu.memory_space<semaphore_mem>>
        %dma_start3A_295 = arith.constant 0 : i32
        %dma_start3A_296 = tpu.memref_slice %arg6[%add3A_263, %dma_start3A_295] : memref<80x125xi32, #tpu.memory_space<vmem>> -> memref<1x125xi32, #tpu.memory_space<vmem>>
        %dma_start3A_297 = tpu.memref_squeeze %dma_start3A_296 : memref<1x125xi32, #tpu.memory_space<vmem>> -> memref<125xi32, #tpu.memory_space<vmem>>
        %dma_start3A_298 = arith.constant 0 : i32
        %dma_start3A_299 = arith.constant 0 : i32
        %dma_start3A_300 = tpu.memref_slice %arg15[%dma_start3A_298, %dma_start3A_299] : memref<10240x64xf32, #tpu.memory_space<vmem_shared>> -> memref<10240x64xf32, #tpu.memory_space<vmem_shared>>
        tpu.enqueue_indirect_dma source(%arg13 : memref<125x64xf32, #tpu.memory_space<vmem>>) target(%dma_start3A_300 : memref<10240x64xf32, #tpu.memory_space<vmem_shared>>) offsets(%dma_start3A_297 : memref<125xi32, #tpu.memory_space<vmem>>) semaphore(%run_scoped3A_294 : memref<!tpu.dma_semaphore, #tpu.memory_space<semaphore_mem>>) {add = true}
        %dma_wait3A_301 = arith.constant 0 : i32
        %dma_wait3A_302 = tpu.memref_slice %arg6[%add3A_263, %dma_wait3A_301] : memref<80x125xi32, #tpu.memory_space<vmem>> -> memref<1x125xi32, #tpu.memory_space<vmem>>
        %dma_wait3A_303 = tpu.memref_squeeze %dma_wait3A_302 : memref<1x125xi32, #tpu.memory_space<vmem>> -> memref<125xi32, #tpu.memory_space<vmem>>
        %dma_wait3A_304 = arith.constant 0 : i32
        %dma_wait3A_305 = arith.constant 0 : i32
        %dma_wait3A_306 = tpu.memref_slice %arg15[%dma_wait3A_304, %dma_wait3A_305] : memref<10240x64xf32, #tpu.memory_space<vmem_shared>> -> memref<10240x64xf32, #tpu.memory_space<vmem_shared>>
        tpu.wait_indirect_dma semaphore(%run_scoped3A_294 : memref<!tpu.dma_semaphore, #tpu.memory_space<semaphore_mem>>) src(%arg13 : memref<125x64xf32, #tpu.memory_space<vmem>>) dst(%dma_wait3A_306 : memref<10240x64xf32, #tpu.memory_space<vmem_shared>>)
        tpu.yield
      }) : () -> ()
      %add3A_264 = arith.constant 6 : i32
      %add3A_265 = arith.addi %mul3A_134, %add3A_264 : i32
      %add3A_266 = arith.constant 8 : i32
      %add3A_267 = arith.addi %add3A_265, %add3A_266 : i32
      %dma_start3A_268 = arith.constant 0 : i32
      %dma_start3A_269 = tpu.memref_slice %arg5[%add3A_267, %dma_start3A_268] : memref<80x125xi32, #tpu.memory_space<vmem>> -> memref<1x125xi32, #tpu.memory_space<vmem>>
      %dma_start3A_270 = tpu.memref_squeeze %dma_start3A_269 : memref<1x125xi32, #tpu.memory_space<vmem>> -> memref<125xi32, #tpu.memory_space<vmem>>
      %dma_start3A_271 = arith.constant 0 : i32
      %dma_start3A_272 = arith.constant 0 : i32
      %dma_start3A_273 = tpu.memref_slice %arg3[%dma_start3A_271, %dma_start3A_272] : memref<10240x64xf32, #tpu.memory_space<hbm>> -> memref<10240x64xf32, #tpu.memory_space<hbm>>
      tpu.enqueue_indirect_dma source(%dma_start3A_273 : memref<10240x64xf32, #tpu.memory_space<hbm>>) target(%arg13 : memref<125x64xf32, #tpu.memory_space<vmem>>) offsets(%dma_start3A_270 : memref<125xi32, #tpu.memory_space<vmem>>) semaphore(%arg22 : memref<!tpu.dma_semaphore, #tpu.memory_space<semaphore_mem>>)
      %add3A_274 = arith.constant 7 : i32
      %add3A_275 = arith.addi %mul3A_134, %add3A_274 : i32
      %dma_wait3A_276 = arith.constant 0 : i32
      %dma_wait3A_277 = tpu.memref_slice %arg5[%add3A_275, %dma_wait3A_276] : memref<80x125xi32, #tpu.memory_space<vmem>> -> memref<1x125xi32, #tpu.memory_space<vmem>>
      %dma_wait3A_278 = tpu.memref_squeeze %dma_wait3A_277 : memref<1x125xi32, #tpu.memory_space<vmem>> -> memref<125xi32, #tpu.memory_space<vmem>>
      %dma_wait3A_279 = arith.constant 0 : i32
      %dma_wait3A_280 = arith.constant 0 : i32
      %dma_wait3A_281 = tpu.memref_slice %arg3[%dma_wait3A_279, %dma_wait3A_280] : memref<10240x64xf32, #tpu.memory_space<hbm>> -> memref<10240x64xf32, #tpu.memory_space<hbm>>
      tpu.wait_indirect_dma semaphore(%arg23 : memref<!tpu.dma_semaphore, #tpu.memory_space<semaphore_mem>>) src(%dma_wait3A_281 : memref<10240x64xf32, #tpu.memory_space<hbm>>) dst(%arg14 : memref<125x64xf32, #tpu.memory_space<vmem>>)
      %add3A_282 = arith.constant 7 : i32
      %add3A_283 = arith.addi %mul3A_134, %add3A_282 : i32
      "tpu.region"() ({
        %run_scoped3A_294 = tpu.sem_alloc : memref<!tpu.dma_semaphore, #tpu.memory_space<semaphore_mem>>
        %dma_start3A_295 = arith.constant 0 : i32
        %dma_start3A_296 = tpu.memref_slice %arg6[%add3A_283, %dma_start3A_295] : memref<80x125xi32, #tpu.memory_space<vmem>> -> memref<1x125xi32, #tpu.memory_space<vmem>>
        %dma_start3A_297 = tpu.memref_squeeze %dma_start3A_296 : memref<1x125xi32, #tpu.memory_space<vmem>> -> memref<125xi32, #tpu.memory_space<vmem>>
        %dma_start3A_298 = arith.constant 0 : i32
        %dma_start3A_299 = arith.constant 0 : i32
        %dma_start3A_300 = tpu.memref_slice %arg15[%dma_start3A_298, %dma_start3A_299] : memref<10240x64xf32, #tpu.memory_space<vmem_shared>> -> memref<10240x64xf32, #tpu.memory_space<vmem_shared>>
        tpu.enqueue_indirect_dma source(%arg14 : memref<125x64xf32, #tpu.memory_space<vmem>>) target(%dma_start3A_300 : memref<10240x64xf32, #tpu.memory_space<vmem_shared>>) offsets(%dma_start3A_297 : memref<125xi32, #tpu.memory_space<vmem>>) semaphore(%run_scoped3A_294 : memref<!tpu.dma_semaphore, #tpu.memory_space<semaphore_mem>>) {add = true}
        %dma_wait3A_301 = arith.constant 0 : i32
        %dma_wait3A_302 = tpu.memref_slice %arg6[%add3A_283, %dma_wait3A_301] : memref<80x125xi32, #tpu.memory_space<vmem>> -> memref<1x125xi32, #tpu.memory_space<vmem>>
        %dma_wait3A_303 = tpu.memref_squeeze %dma_wait3A_302 : memref<1x125xi32, #tpu.memory_space<vmem>> -> memref<125xi32, #tpu.memory_space<vmem>>
        %dma_wait3A_304 = arith.constant 0 : i32
        %dma_wait3A_305 = arith.constant 0 : i32
        %dma_wait3A_306 = tpu.memref_slice %arg15[%dma_wait3A_304, %dma_wait3A_305] : memref<10240x64xf32, #tpu.memory_space<vmem_shared>> -> memref<10240x64xf32, #tpu.memory_space<vmem_shared>>
        tpu.wait_indirect_dma semaphore(%run_scoped3A_294 : memref<!tpu.dma_semaphore, #tpu.memory_space<semaphore_mem>>) src(%arg14 : memref<125x64xf32, #tpu.memory_space<vmem>>) dst(%dma_wait3A_306 : memref<10240x64xf32, #tpu.memory_space<vmem_shared>>)
        tpu.yield
      }) : () -> ()
      %add3A_284 = arith.constant 7 : i32
      %add3A_285 = arith.addi %mul3A_134, %add3A_284 : i32
      %add3A_286 = arith.constant 8 : i32
      %add3A_287 = arith.addi %add3A_285, %add3A_286 : i32
      %dma_start3A_288 = arith.constant 0 : i32
      %dma_start3A_289 = tpu.memref_slice %arg5[%add3A_287, %dma_start3A_288] : memref<80x125xi32, #tpu.memory_space<vmem>> -> memref<1x125xi32, #tpu.memory_space<vmem>>
      %dma_start3A_290 = tpu.memref_squeeze %dma_start3A_289 : memref<1x125xi32, #tpu.memory_space<vmem>> -> memref<125xi32, #tpu.memory_space<vmem>>
      %dma_start3A_291 = arith.constant 0 : i32
      %dma_start3A_292 = arith.constant 0 : i32
      %dma_start3A_293 = tpu.memref_slice %arg3[%dma_start3A_291, %dma_start3A_292] : memref<10240x64xf32, #tpu.memory_space<hbm>> -> memref<10240x64xf32, #tpu.memory_space<hbm>>
      tpu.enqueue_indirect_dma source(%dma_start3A_293 : memref<10240x64xf32, #tpu.memory_space<hbm>>) target(%arg14 : memref<125x64xf32, #tpu.memory_space<vmem>>) offsets(%dma_start3A_290 : memref<125xi32, #tpu.memory_space<vmem>>) semaphore(%arg23 : memref<!tpu.dma_semaphore, #tpu.memory_space<semaphore_mem>>)
    }
    %scan3A_63 = arith.constant 9 : i32
    %dma_wait3A = arith.constant 72 : i32
    %dma_wait3A_64 = arith.constant 0 : i32
    %dma_wait3A_65 = tpu.memref_slice %arg5[%dma_wait3A, %dma_wait3A_64] : memref<80x125xi32, #tpu.memory_space<vmem>> -> memref<1x125xi32, #tpu.memory_space<vmem>>
    %dma_wait3A_66 = tpu.memref_squeeze %dma_wait3A_65 : memref<1x125xi32, #tpu.memory_space<vmem>> -> memref<125xi32, #tpu.memory_space<vmem>>
    %dma_wait3A_67 = arith.constant 0 : i32
    %dma_wait3A_68 = arith.constant 0 : i32
    %dma_wait3A_69 = tpu.memref_slice %arg3[%dma_wait3A_67, %dma_wait3A_68] : memref<10240x64xf32, #tpu.memory_space<hbm>> -> memref<10240x64xf32, #tpu.memory_space<hbm>>
    tpu.wait_indirect_dma semaphore(%arg16 : memref<!tpu.dma_semaphore, #tpu.memory_space<semaphore_mem>>) src(%dma_wait3A_69 : memref<10240x64xf32, #tpu.memory_space<hbm>>) dst(%arg7 : memref<125x64xf32, #tpu.memory_space<vmem>>)
    %run_scoped3A_70 = arith.constant 72 : i32
    "tpu.region"() ({
      %run_scoped3A_132 = tpu.sem_alloc : memref<!tpu.dma_semaphore, #tpu.memory_space<semaphore_mem>>
      %dma_start3A_133 = arith.constant 0 : i32
      %dma_start3A_134 = tpu.memref_slice %arg6[%run_scoped3A_70, %dma_start3A_133] : memref<80x125xi32, #tpu.memory_space<vmem>> -> memref<1x125xi32, #tpu.memory_space<vmem>>
      %dma_start3A_135 = tpu.memref_squeeze %dma_start3A_134 : memref<1x125xi32, #tpu.memory_space<vmem>> -> memref<125xi32, #tpu.memory_space<vmem>>
      %dma_start3A_136 = arith.constant 0 : i32
      %dma_start3A_137 = arith.constant 0 : i32
      %dma_start3A_138 = tpu.memref_slice %arg15[%dma_start3A_136, %dma_start3A_137] : memref<10240x64xf32, #tpu.memory_space<vmem_shared>> -> memref<10240x64xf32, #tpu.memory_space<vmem_shared>>
      tpu.enqueue_indirect_dma source(%arg7 : memref<125x64xf32, #tpu.memory_space<vmem>>) target(%dma_start3A_138 : memref<10240x64xf32, #tpu.memory_space<vmem_shared>>) offsets(%dma_start3A_135 : memref<125xi32, #tpu.memory_space<vmem>>) semaphore(%run_scoped3A_132 : memref<!tpu.dma_semaphore, #tpu.memory_space<semaphore_mem>>) {add = true}
      %dma_wait3A_139 = arith.constant 0 : i32
      %dma_wait3A_140 = tpu.memref_slice %arg6[%run_scoped3A_70, %dma_wait3A_139] : memref<80x125xi32, #tpu.memory_space<vmem>> -> memref<1x125xi32, #tpu.memory_space<vmem>>
      %dma_wait3A_141 = tpu.memref_squeeze %dma_wait3A_140 : memref<1x125xi32, #tpu.memory_space<vmem>> -> memref<125xi32, #tpu.memory_space<vmem>>
      %dma_wait3A_142 = arith.constant 0 : i32
      %dma_wait3A_143 = arith.constant 0 : i32
      %dma_wait3A_144 = tpu.memref_slice %arg15[%dma_wait3A_142, %dma_wait3A_143] : memref<10240x64xf32, #tpu.memory_space<vmem_shared>> -> memref<10240x64xf32, #tpu.memory_space<vmem_shared>>
      tpu.wait_indirect_dma semaphore(%run_scoped3A_132 : memref<!tpu.dma_semaphore, #tpu.memory_space<semaphore_mem>>) src(%arg7 : memref<125x64xf32, #tpu.memory_space<vmem>>) dst(%dma_wait3A_144 : memref<10240x64xf32, #tpu.memory_space<vmem_shared>>)
      tpu.yield
    }) : () -> ()
    %dma_wait3A_71 = arith.constant 73 : i32
    %dma_wait3A_72 = arith.constant 0 : i32
    %dma_wait3A_73 = tpu.memref_slice %arg5[%dma_wait3A_71, %dma_wait3A_72] : memref<80x125xi32, #tpu.memory_space<vmem>> -> memref<1x125xi32, #tpu.memory_space<vmem>>
    %dma_wait3A_74 = tpu.memref_squeeze %dma_wait3A_73 : memref<1x125xi32, #tpu.memory_space<vmem>> -> memref<125xi32, #tpu.memory_space<vmem>>
    %dma_wait3A_75 = arith.constant 0 : i32
    %dma_wait3A_76 = arith.constant 0 : i32
    %dma_wait3A_77 = tpu.memref_slice %arg3[%dma_wait3A_75, %dma_wait3A_76] : memref<10240x64xf32, #tpu.memory_space<hbm>> -> memref<10240x64xf32, #tpu.memory_space<hbm>>
    tpu.wait_indirect_dma semaphore(%arg17 : memref<!tpu.dma_semaphore, #tpu.memory_space<semaphore_mem>>) src(%dma_wait3A_77 : memref<10240x64xf32, #tpu.memory_space<hbm>>) dst(%arg8 : memref<125x64xf32, #tpu.memory_space<vmem>>)
    %run_scoped3A_78 = arith.constant 73 : i32
    "tpu.region"() ({
      %run_scoped3A_132 = tpu.sem_alloc : memref<!tpu.dma_semaphore, #tpu.memory_space<semaphore_mem>>
      %dma_start3A_133 = arith.constant 0 : i32
      %dma_start3A_134 = tpu.memref_slice %arg6[%run_scoped3A_78, %dma_start3A_133] : memref<80x125xi32, #tpu.memory_space<vmem>> -> memref<1x125xi32, #tpu.memory_space<vmem>>
      %dma_start3A_135 = tpu.memref_squeeze %dma_start3A_134 : memref<1x125xi32, #tpu.memory_space<vmem>> -> memref<125xi32, #tpu.memory_space<vmem>>
      %dma_start3A_136 = arith.constant 0 : i32
      %dma_start3A_137 = arith.constant 0 : i32
      %dma_start3A_138 = tpu.memref_slice %arg15[%dma_start3A_136, %dma_start3A_137] : memref<10240x64xf32, #tpu.memory_space<vmem_shared>> -> memref<10240x64xf32, #tpu.memory_space<vmem_shared>>
      tpu.enqueue_indirect_dma source(%arg8 : memref<125x64xf32, #tpu.memory_space<vmem>>) target(%dma_start3A_138 : memref<10240x64xf32, #tpu.memory_space<vmem_shared>>) offsets(%dma_start3A_135 : memref<125xi32, #tpu.memory_space<vmem>>) semaphore(%run_scoped3A_132 : memref<!tpu.dma_semaphore, #tpu.memory_space<semaphore_mem>>) {add = true}
      %dma_wait3A_139 = arith.constant 0 : i32
      %dma_wait3A_140 = tpu.memref_slice %arg6[%run_scoped3A_78, %dma_wait3A_139] : memref<80x125xi32, #tpu.memory_space<vmem>> -> memref<1x125xi32, #tpu.memory_space<vmem>>
      %dma_wait3A_141 = tpu.memref_squeeze %dma_wait3A_140 : memref<1x125xi32, #tpu.memory_space<vmem>> -> memref<125xi32, #tpu.memory_space<vmem>>
      %dma_wait3A_142 = arith.constant 0 : i32
      %dma_wait3A_143 = arith.constant 0 : i32
      %dma_wait3A_144 = tpu.memref_slice %arg15[%dma_wait3A_142, %dma_wait3A_143] : memref<10240x64xf32, #tpu.memory_space<vmem_shared>> -> memref<10240x64xf32, #tpu.memory_space<vmem_shared>>
      tpu.wait_indirect_dma semaphore(%run_scoped3A_132 : memref<!tpu.dma_semaphore, #tpu.memory_space<semaphore_mem>>) src(%arg8 : memref<125x64xf32, #tpu.memory_space<vmem>>) dst(%dma_wait3A_144 : memref<10240x64xf32, #tpu.memory_space<vmem_shared>>)
      tpu.yield
    }) : () -> ()
    %dma_wait3A_79 = arith.constant 74 : i32
    %dma_wait3A_80 = arith.constant 0 : i32
    %dma_wait3A_81 = tpu.memref_slice %arg5[%dma_wait3A_79, %dma_wait3A_80] : memref<80x125xi32, #tpu.memory_space<vmem>> -> memref<1x125xi32, #tpu.memory_space<vmem>>
    %dma_wait3A_82 = tpu.memref_squeeze %dma_wait3A_81 : memref<1x125xi32, #tpu.memory_space<vmem>> -> memref<125xi32, #tpu.memory_space<vmem>>
    %dma_wait3A_83 = arith.constant 0 : i32
    %dma_wait3A_84 = arith.constant 0 : i32
    %dma_wait3A_85 = tpu.memref_slice %arg3[%dma_wait3A_83, %dma_wait3A_84] : memref<10240x64xf32, #tpu.memory_space<hbm>> -> memref<10240x64xf32, #tpu.memory_space<hbm>>
    tpu.wait_indirect_dma semaphore(%arg18 : memref<!tpu.dma_semaphore, #tpu.memory_space<semaphore_mem>>) src(%dma_wait3A_85 : memref<10240x64xf32, #tpu.memory_space<hbm>>) dst(%arg9 : memref<125x64xf32, #tpu.memory_space<vmem>>)
    %run_scoped3A_86 = arith.constant 74 : i32
    "tpu.region"() ({
      %run_scoped3A_132 = tpu.sem_alloc : memref<!tpu.dma_semaphore, #tpu.memory_space<semaphore_mem>>
      %dma_start3A_133 = arith.constant 0 : i32
      %dma_start3A_134 = tpu.memref_slice %arg6[%run_scoped3A_86, %dma_start3A_133] : memref<80x125xi32, #tpu.memory_space<vmem>> -> memref<1x125xi32, #tpu.memory_space<vmem>>
      %dma_start3A_135 = tpu.memref_squeeze %dma_start3A_134 : memref<1x125xi32, #tpu.memory_space<vmem>> -> memref<125xi32, #tpu.memory_space<vmem>>
      %dma_start3A_136 = arith.constant 0 : i32
      %dma_start3A_137 = arith.constant 0 : i32
      %dma_start3A_138 = tpu.memref_slice %arg15[%dma_start3A_136, %dma_start3A_137] : memref<10240x64xf32, #tpu.memory_space<vmem_shared>> -> memref<10240x64xf32, #tpu.memory_space<vmem_shared>>
      tpu.enqueue_indirect_dma source(%arg9 : memref<125x64xf32, #tpu.memory_space<vmem>>) target(%dma_start3A_138 : memref<10240x64xf32, #tpu.memory_space<vmem_shared>>) offsets(%dma_start3A_135 : memref<125xi32, #tpu.memory_space<vmem>>) semaphore(%run_scoped3A_132 : memref<!tpu.dma_semaphore, #tpu.memory_space<semaphore_mem>>) {add = true}
      %dma_wait3A_139 = arith.constant 0 : i32
      %dma_wait3A_140 = tpu.memref_slice %arg6[%run_scoped3A_86, %dma_wait3A_139] : memref<80x125xi32, #tpu.memory_space<vmem>> -> memref<1x125xi32, #tpu.memory_space<vmem>>
      %dma_wait3A_141 = tpu.memref_squeeze %dma_wait3A_140 : memref<1x125xi32, #tpu.memory_space<vmem>> -> memref<125xi32, #tpu.memory_space<vmem>>
      %dma_wait3A_142 = arith.constant 0 : i32
      %dma_wait3A_143 = arith.constant 0 : i32
      %dma_wait3A_144 = tpu.memref_slice %arg15[%dma_wait3A_142, %dma_wait3A_143] : memref<10240x64xf32, #tpu.memory_space<vmem_shared>> -> memref<10240x64xf32, #tpu.memory_space<vmem_shared>>
      tpu.wait_indirect_dma semaphore(%run_scoped3A_132 : memref<!tpu.dma_semaphore, #tpu.memory_space<semaphore_mem>>) src(%arg9 : memref<125x64xf32, #tpu.memory_space<vmem>>) dst(%dma_wait3A_144 : memref<10240x64xf32, #tpu.memory_space<vmem_shared>>)
      tpu.yield
    }) : () -> ()
    %dma_wait3A_87 = arith.constant 75 : i32
    %dma_wait3A_88 = arith.constant 0 : i32
    %dma_wait3A_89 = tpu.memref_slice %arg5[%dma_wait3A_87, %dma_wait3A_88] : memref<80x125xi32, #tpu.memory_space<vmem>> -> memref<1x125xi32, #tpu.memory_space<vmem>>
    %dma_wait3A_90 = tpu.memref_squeeze %dma_wait3A_89 : memref<1x125xi32, #tpu.memory_space<vmem>> -> memref<125xi32, #tpu.memory_space<vmem>>
    %dma_wait3A_91 = arith.constant 0 : i32
    %dma_wait3A_92 = arith.constant 0 : i32
    %dma_wait3A_93 = tpu.memref_slice %arg3[%dma_wait3A_91, %dma_wait3A_92] : memref<10240x64xf32, #tpu.memory_space<hbm>> -> memref<10240x64xf32, #tpu.memory_space<hbm>>
    tpu.wait_indirect_dma semaphore(%arg19 : memref<!tpu.dma_semaphore, #tpu.memory_space<semaphore_mem>>) src(%dma_wait3A_93 : memref<10240x64xf32, #tpu.memory_space<hbm>>) dst(%arg10 : memref<125x64xf32, #tpu.memory_space<vmem>>)
    %run_scoped3A_94 = arith.constant 75 : i32
    "tpu.region"() ({
      %run_scoped3A_132 = tpu.sem_alloc : memref<!tpu.dma_semaphore, #tpu.memory_space<semaphore_mem>>
      %dma_start3A_133 = arith.constant 0 : i32
      %dma_start3A_134 = tpu.memref_slice %arg6[%run_scoped3A_94, %dma_start3A_133] : memref<80x125xi32, #tpu.memory_space<vmem>> -> memref<1x125xi32, #tpu.memory_space<vmem>>
      %dma_start3A_135 = tpu.memref_squeeze %dma_start3A_134 : memref<1x125xi32, #tpu.memory_space<vmem>> -> memref<125xi32, #tpu.memory_space<vmem>>
      %dma_start3A_136 = arith.constant 0 : i32
      %dma_start3A_137 = arith.constant 0 : i32
      %dma_start3A_138 = tpu.memref_slice %arg15[%dma_start3A_136, %dma_start3A_137] : memref<10240x64xf32, #tpu.memory_space<vmem_shared>> -> memref<10240x64xf32, #tpu.memory_space<vmem_shared>>
      tpu.enqueue_indirect_dma source(%arg10 : memref<125x64xf32, #tpu.memory_space<vmem>>) target(%dma_start3A_138 : memref<10240x64xf32, #tpu.memory_space<vmem_shared>>) offsets(%dma_start3A_135 : memref<125xi32, #tpu.memory_space<vmem>>) semaphore(%run_scoped3A_132 : memref<!tpu.dma_semaphore, #tpu.memory_space<semaphore_mem>>) {add = true}
      %dma_wait3A_139 = arith.constant 0 : i32
      %dma_wait3A_140 = tpu.memref_slice %arg6[%run_scoped3A_94, %dma_wait3A_139] : memref<80x125xi32, #tpu.memory_space<vmem>> -> memref<1x125xi32, #tpu.memory_space<vmem>>
      %dma_wait3A_141 = tpu.memref_squeeze %dma_wait3A_140 : memref<1x125xi32, #tpu.memory_space<vmem>> -> memref<125xi32, #tpu.memory_space<vmem>>
      %dma_wait3A_142 = arith.constant 0 : i32
      %dma_wait3A_143 = arith.constant 0 : i32
      %dma_wait3A_144 = tpu.memref_slice %arg15[%dma_wait3A_142, %dma_wait3A_143] : memref<10240x64xf32, #tpu.memory_space<vmem_shared>> -> memref<10240x64xf32, #tpu.memory_space<vmem_shared>>
      tpu.wait_indirect_dma semaphore(%run_scoped3A_132 : memref<!tpu.dma_semaphore, #tpu.memory_space<semaphore_mem>>) src(%arg10 : memref<125x64xf32, #tpu.memory_space<vmem>>) dst(%dma_wait3A_144 : memref<10240x64xf32, #tpu.memory_space<vmem_shared>>)
      tpu.yield
    }) : () -> ()
    %dma_wait3A_95 = arith.constant 76 : i32
    %dma_wait3A_96 = arith.constant 0 : i32
    %dma_wait3A_97 = tpu.memref_slice %arg5[%dma_wait3A_95, %dma_wait3A_96] : memref<80x125xi32, #tpu.memory_space<vmem>> -> memref<1x125xi32, #tpu.memory_space<vmem>>
    %dma_wait3A_98 = tpu.memref_squeeze %dma_wait3A_97 : memref<1x125xi32, #tpu.memory_space<vmem>> -> memref<125xi32, #tpu.memory_space<vmem>>
    %dma_wait3A_99 = arith.constant 0 : i32
    %dma_wait3A_100 = arith.constant 0 : i32
    %dma_wait3A_101 = tpu.memref_slice %arg3[%dma_wait3A_99, %dma_wait3A_100] : memref<10240x64xf32, #tpu.memory_space<hbm>> -> memref<10240x64xf32, #tpu.memory_space<hbm>>
    tpu.wait_indirect_dma semaphore(%arg20 : memref<!tpu.dma_semaphore, #tpu.memory_space<semaphore_mem>>) src(%dma_wait3A_101 : memref<10240x64xf32, #tpu.memory_space<hbm>>) dst(%arg11 : memref<125x64xf32, #tpu.memory_space<vmem>>)
    %run_scoped3A_102 = arith.constant 76 : i32
    "tpu.region"() ({
      %run_scoped3A_132 = tpu.sem_alloc : memref<!tpu.dma_semaphore, #tpu.memory_space<semaphore_mem>>
      %dma_start3A_133 = arith.constant 0 : i32
      %dma_start3A_134 = tpu.memref_slice %arg6[%run_scoped3A_102, %dma_start3A_133] : memref<80x125xi32, #tpu.memory_space<vmem>> -> memref<1x125xi32, #tpu.memory_space<vmem>>
      %dma_start3A_135 = tpu.memref_squeeze %dma_start3A_134 : memref<1x125xi32, #tpu.memory_space<vmem>> -> memref<125xi32, #tpu.memory_space<vmem>>
      %dma_start3A_136 = arith.constant 0 : i32
      %dma_start3A_137 = arith.constant 0 : i32
      %dma_start3A_138 = tpu.memref_slice %arg15[%dma_start3A_136, %dma_start3A_137] : memref<10240x64xf32, #tpu.memory_space<vmem_shared>> -> memref<10240x64xf32, #tpu.memory_space<vmem_shared>>
      tpu.enqueue_indirect_dma source(%arg11 : memref<125x64xf32, #tpu.memory_space<vmem>>) target(%dma_start3A_138 : memref<10240x64xf32, #tpu.memory_space<vmem_shared>>) offsets(%dma_start3A_135 : memref<125xi32, #tpu.memory_space<vmem>>) semaphore(%run_scoped3A_132 : memref<!tpu.dma_semaphore, #tpu.memory_space<semaphore_mem>>) {add = true}
      %dma_wait3A_139 = arith.constant 0 : i32
      %dma_wait3A_140 = tpu.memref_slice %arg6[%run_scoped3A_102, %dma_wait3A_139] : memref<80x125xi32, #tpu.memory_space<vmem>> -> memref<1x125xi32, #tpu.memory_space<vmem>>
      %dma_wait3A_141 = tpu.memref_squeeze %dma_wait3A_140 : memref<1x125xi32, #tpu.memory_space<vmem>> -> memref<125xi32, #tpu.memory_space<vmem>>
      %dma_wait3A_142 = arith.constant 0 : i32
      %dma_wait3A_143 = arith.constant 0 : i32
      %dma_wait3A_144 = tpu.memref_slice %arg15[%dma_wait3A_142, %dma_wait3A_143] : memref<10240x64xf32, #tpu.memory_space<vmem_shared>> -> memref<10240x64xf32, #tpu.memory_space<vmem_shared>>
      tpu.wait_indirect_dma semaphore(%run_scoped3A_132 : memref<!tpu.dma_semaphore, #tpu.memory_space<semaphore_mem>>) src(%arg11 : memref<125x64xf32, #tpu.memory_space<vmem>>) dst(%dma_wait3A_144 : memref<10240x64xf32, #tpu.memory_space<vmem_shared>>)
      tpu.yield
    }) : () -> ()
    %dma_wait3A_103 = arith.constant 77 : i32
    %dma_wait3A_104 = arith.constant 0 : i32
    %dma_wait3A_105 = tpu.memref_slice %arg5[%dma_wait3A_103, %dma_wait3A_104] : memref<80x125xi32, #tpu.memory_space<vmem>> -> memref<1x125xi32, #tpu.memory_space<vmem>>
    %dma_wait3A_106 = tpu.memref_squeeze %dma_wait3A_105 : memref<1x125xi32, #tpu.memory_space<vmem>> -> memref<125xi32, #tpu.memory_space<vmem>>
    %dma_wait3A_107 = arith.constant 0 : i32
    %dma_wait3A_108 = arith.constant 0 : i32
    %dma_wait3A_109 = tpu.memref_slice %arg3[%dma_wait3A_107, %dma_wait3A_108] : memref<10240x64xf32, #tpu.memory_space<hbm>> -> memref<10240x64xf32, #tpu.memory_space<hbm>>
    tpu.wait_indirect_dma semaphore(%arg21 : memref<!tpu.dma_semaphore, #tpu.memory_space<semaphore_mem>>) src(%dma_wait3A_109 : memref<10240x64xf32, #tpu.memory_space<hbm>>) dst(%arg12 : memref<125x64xf32, #tpu.memory_space<vmem>>)
    %run_scoped3A_110 = arith.constant 77 : i32
    "tpu.region"() ({
      %run_scoped3A_132 = tpu.sem_alloc : memref<!tpu.dma_semaphore, #tpu.memory_space<semaphore_mem>>
      %dma_start3A_133 = arith.constant 0 : i32
      %dma_start3A_134 = tpu.memref_slice %arg6[%run_scoped3A_110, %dma_start3A_133] : memref<80x125xi32, #tpu.memory_space<vmem>> -> memref<1x125xi32, #tpu.memory_space<vmem>>
      %dma_start3A_135 = tpu.memref_squeeze %dma_start3A_134 : memref<1x125xi32, #tpu.memory_space<vmem>> -> memref<125xi32, #tpu.memory_space<vmem>>
      %dma_start3A_136 = arith.constant 0 : i32
      %dma_start3A_137 = arith.constant 0 : i32
      %dma_start3A_138 = tpu.memref_slice %arg15[%dma_start3A_136, %dma_start3A_137] : memref<10240x64xf32, #tpu.memory_space<vmem_shared>> -> memref<10240x64xf32, #tpu.memory_space<vmem_shared>>
      tpu.enqueue_indirect_dma source(%arg12 : memref<125x64xf32, #tpu.memory_space<vmem>>) target(%dma_start3A_138 : memref<10240x64xf32, #tpu.memory_space<vmem_shared>>) offsets(%dma_start3A_135 : memref<125xi32, #tpu.memory_space<vmem>>) semaphore(%run_scoped3A_132 : memref<!tpu.dma_semaphore, #tpu.memory_space<semaphore_mem>>) {add = true}
      %dma_wait3A_139 = arith.constant 0 : i32
      %dma_wait3A_140 = tpu.memref_slice %arg6[%run_scoped3A_110, %dma_wait3A_139] : memref<80x125xi32, #tpu.memory_space<vmem>> -> memref<1x125xi32, #tpu.memory_space<vmem>>
      %dma_wait3A_141 = tpu.memref_squeeze %dma_wait3A_140 : memref<1x125xi32, #tpu.memory_space<vmem>> -> memref<125xi32, #tpu.memory_space<vmem>>
      %dma_wait3A_142 = arith.constant 0 : i32
      %dma_wait3A_143 = arith.constant 0 : i32
      %dma_wait3A_144 = tpu.memref_slice %arg15[%dma_wait3A_142, %dma_wait3A_143] : memref<10240x64xf32, #tpu.memory_space<vmem_shared>> -> memref<10240x64xf32, #tpu.memory_space<vmem_shared>>
      tpu.wait_indirect_dma semaphore(%run_scoped3A_132 : memref<!tpu.dma_semaphore, #tpu.memory_space<semaphore_mem>>) src(%arg12 : memref<125x64xf32, #tpu.memory_space<vmem>>) dst(%dma_wait3A_144 : memref<10240x64xf32, #tpu.memory_space<vmem_shared>>)
      tpu.yield
    }) : () -> ()
    %dma_wait3A_111 = arith.constant 78 : i32
    %dma_wait3A_112 = arith.constant 0 : i32
    %dma_wait3A_113 = tpu.memref_slice %arg5[%dma_wait3A_111, %dma_wait3A_112] : memref<80x125xi32, #tpu.memory_space<vmem>> -> memref<1x125xi32, #tpu.memory_space<vmem>>
    %dma_wait3A_114 = tpu.memref_squeeze %dma_wait3A_113 : memref<1x125xi32, #tpu.memory_space<vmem>> -> memref<125xi32, #tpu.memory_space<vmem>>
    %dma_wait3A_115 = arith.constant 0 : i32
    %dma_wait3A_116 = arith.constant 0 : i32
    %dma_wait3A_117 = tpu.memref_slice %arg3[%dma_wait3A_115, %dma_wait3A_116] : memref<10240x64xf32, #tpu.memory_space<hbm>> -> memref<10240x64xf32, #tpu.memory_space<hbm>>
    tpu.wait_indirect_dma semaphore(%arg22 : memref<!tpu.dma_semaphore, #tpu.memory_space<semaphore_mem>>) src(%dma_wait3A_117 : memref<10240x64xf32, #tpu.memory_space<hbm>>) dst(%arg13 : memref<125x64xf32, #tpu.memory_space<vmem>>)
    %run_scoped3A_118 = arith.constant 78 : i32
    "tpu.region"() ({
      %run_scoped3A_132 = tpu.sem_alloc : memref<!tpu.dma_semaphore, #tpu.memory_space<semaphore_mem>>
      %dma_start3A_133 = arith.constant 0 : i32
      %dma_start3A_134 = tpu.memref_slice %arg6[%run_scoped3A_118, %dma_start3A_133] : memref<80x125xi32, #tpu.memory_space<vmem>> -> memref<1x125xi32, #tpu.memory_space<vmem>>
      %dma_start3A_135 = tpu.memref_squeeze %dma_start3A_134 : memref<1x125xi32, #tpu.memory_space<vmem>> -> memref<125xi32, #tpu.memory_space<vmem>>
      %dma_start3A_136 = arith.constant 0 : i32
      %dma_start3A_137 = arith.constant 0 : i32
      %dma_start3A_138 = tpu.memref_slice %arg15[%dma_start3A_136, %dma_start3A_137] : memref<10240x64xf32, #tpu.memory_space<vmem_shared>> -> memref<10240x64xf32, #tpu.memory_space<vmem_shared>>
      tpu.enqueue_indirect_dma source(%arg13 : memref<125x64xf32, #tpu.memory_space<vmem>>) target(%dma_start3A_138 : memref<10240x64xf32, #tpu.memory_space<vmem_shared>>) offsets(%dma_start3A_135 : memref<125xi32, #tpu.memory_space<vmem>>) semaphore(%run_scoped3A_132 : memref<!tpu.dma_semaphore, #tpu.memory_space<semaphore_mem>>) {add = true}
      %dma_wait3A_139 = arith.constant 0 : i32
      %dma_wait3A_140 = tpu.memref_slice %arg6[%run_scoped3A_118, %dma_wait3A_139] : memref<80x125xi32, #tpu.memory_space<vmem>> -> memref<1x125xi32, #tpu.memory_space<vmem>>
      %dma_wait3A_141 = tpu.memref_squeeze %dma_wait3A_140 : memref<1x125xi32, #tpu.memory_space<vmem>> -> memref<125xi32, #tpu.memory_space<vmem>>
      %dma_wait3A_142 = arith.constant 0 : i32
      %dma_wait3A_143 = arith.constant 0 : i32
      %dma_wait3A_144 = tpu.memref_slice %arg15[%dma_wait3A_142, %dma_wait3A_143] : memref<10240x64xf32, #tpu.memory_space<vmem_shared>> -> memref<10240x64xf32, #tpu.memory_space<vmem_shared>>
      tpu.wait_indirect_dma semaphore(%run_scoped3A_132 : memref<!tpu.dma_semaphore, #tpu.memory_space<semaphore_mem>>) src(%arg13 : memref<125x64xf32, #tpu.memory_space<vmem>>) dst(%dma_wait3A_144 : memref<10240x64xf32, #tpu.memory_space<vmem_shared>>)
      tpu.yield
    }) : () -> ()
    %dma_wait3A_119 = arith.constant 79 : i32
    %dma_wait3A_120 = arith.constant 0 : i32
    %dma_wait3A_121 = tpu.memref_slice %arg5[%dma_wait3A_119, %dma_wait3A_120] : memref<80x125xi32, #tpu.memory_space<vmem>> -> memref<1x125xi32, #tpu.memory_space<vmem>>
    %dma_wait3A_122 = tpu.memref_squeeze %dma_wait3A_121 : memref<1x125xi32, #tpu.memory_space<vmem>> -> memref<125xi32, #tpu.memory_space<vmem>>
    %dma_wait3A_123 = arith.constant 0 : i32
    %dma_wait3A_124 = arith.constant 0 : i32
    %dma_wait3A_125 = tpu.memref_slice %arg3[%dma_wait3A_123, %dma_wait3A_124] : memref<10240x64xf32, #tpu.memory_space<hbm>> -> memref<10240x64xf32, #tpu.memory_space<hbm>>
    tpu.wait_indirect_dma semaphore(%arg23 : memref<!tpu.dma_semaphore, #tpu.memory_space<semaphore_mem>>) src(%dma_wait3A_125 : memref<10240x64xf32, #tpu.memory_space<hbm>>) dst(%arg14 : memref<125x64xf32, #tpu.memory_space<vmem>>)
    %run_scoped3A_126 = arith.constant 79 : i32
    "tpu.region"() ({
      %run_scoped3A_132 = tpu.sem_alloc : memref<!tpu.dma_semaphore, #tpu.memory_space<semaphore_mem>>
      %dma_start3A_133 = arith.constant 0 : i32
      %dma_start3A_134 = tpu.memref_slice %arg6[%run_scoped3A_126, %dma_start3A_133] : memref<80x125xi32, #tpu.memory_space<vmem>> -> memref<1x125xi32, #tpu.memory_space<vmem>>
      %dma_start3A_135 = tpu.memref_squeeze %dma_start3A_134 : memref<1x125xi32, #tpu.memory_space<vmem>> -> memref<125xi32, #tpu.memory_space<vmem>>
      %dma_start3A_136 = arith.constant 0 : i32
      %dma_start3A_137 = arith.constant 0 : i32
      %dma_start3A_138 = tpu.memref_slice %arg15[%dma_start3A_136, %dma_start3A_137] : memref<10240x64xf32, #tpu.memory_space<vmem_shared>> -> memref<10240x64xf32, #tpu.memory_space<vmem_shared>>
      tpu.enqueue_indirect_dma source(%arg14 : memref<125x64xf32, #tpu.memory_space<vmem>>) target(%dma_start3A_138 : memref<10240x64xf32, #tpu.memory_space<vmem_shared>>) offsets(%dma_start3A_135 : memref<125xi32, #tpu.memory_space<vmem>>) semaphore(%run_scoped3A_132 : memref<!tpu.dma_semaphore, #tpu.memory_space<semaphore_mem>>) {add = true}
      %dma_wait3A_139 = arith.constant 0 : i32
      %dma_wait3A_140 = tpu.memref_slice %arg6[%run_scoped3A_126, %dma_wait3A_139] : memref<80x125xi32, #tpu.memory_space<vmem>> -> memref<1x125xi32, #tpu.memory_space<vmem>>
      %dma_wait3A_141 = tpu.memref_squeeze %dma_wait3A_140 : memref<1x125xi32, #tpu.memory_space<vmem>> -> memref<125xi32, #tpu.memory_space<vmem>>
      %dma_wait3A_142 = arith.constant 0 : i32
      %dma_wait3A_143 = arith.constant 0 : i32
      %dma_wait3A_144 = tpu.memref_slice %arg15[%dma_wait3A_142, %dma_wait3A_143] : memref<10240x64xf32, #tpu.memory_space<vmem_shared>> -> memref<10240x64xf32, #tpu.memory_space<vmem_shared>>
      tpu.wait_indirect_dma semaphore(%run_scoped3A_132 : memref<!tpu.dma_semaphore, #tpu.memory_space<semaphore_mem>>) src(%arg14 : memref<125x64xf32, #tpu.memory_space<vmem>>) dst(%dma_wait3A_144 : memref<10240x64xf32, #tpu.memory_space<vmem_shared>>)
      tpu.yield
    }) : () -> ()
    %barrier3A_127 = arith.constant 0 : index
    tpu.barrier barrier_id(%barrier3A_127)
    %mul3A_128 = arith.constant 640 : i32
    %mul3A_129 = arith.muli %arg1, %mul3A_128 : i32
    %mul3A_130 = arith.constant 640 : i32
    %mul3A_131 = arith.muli %arg1, %mul3A_130 : i32
    "tpu.region"() ({
      %run_scoped3A_132 = tpu.sem_alloc : memref<!tpu.dma_semaphore, #tpu.memory_space<semaphore_mem>>
      %dma_start3A_133 = arith.constant 0 : i32
      %dma_start3A_134 = tpu.memref_slice %arg4[%arg0, %mul3A_131, %dma_start3A_133] : memref<2x10240x64xf32, #tpu.memory_space<hbm>> -> memref<1x640x64xf32, #tpu.memory_space<hbm>>
      %dma_start3A_135 = tpu.memref_squeeze %dma_start3A_134 : memref<1x640x64xf32, #tpu.memory_space<hbm>> -> memref<640x64xf32, #tpu.memory_space<hbm>>
      %dma_start3A_136 = arith.constant 0 : i32
      %dma_start3A_137 = tpu.memref_slice %arg15[%mul3A_129, %dma_start3A_136] : memref<10240x64xf32, #tpu.memory_space<vmem_shared>> -> memref<640x64xf32, #tpu.memory_space<vmem_shared>>
      tpu.enqueue_dma source(%dma_start3A_137 : memref<640x64xf32, #tpu.memory_space<vmem_shared>>) target(%dma_start3A_135 : memref<640x64xf32, #tpu.memory_space<hbm>>) target_semaphore(%run_scoped3A_132 : memref<!tpu.dma_semaphore, #tpu.memory_space<semaphore_mem>>)
      %dma_wait3A_138 = arith.constant 0 : i32
      %dma_wait3A_139 = tpu.memref_slice %arg4[%arg0, %mul3A_131, %dma_wait3A_138] : memref<2x10240x64xf32, #tpu.memory_space<hbm>> -> memref<1x640x64xf32, #tpu.memory_space<hbm>>
      %dma_wait3A_140 = tpu.memref_squeeze %dma_wait3A_139 : memref<1x640x64xf32, #tpu.memory_space<hbm>> -> memref<640x64xf32, #tpu.memory_space<hbm>>
      %dma_wait3A_141 = arith.constant 0 : i32
      %dma_wait3A_142 = tpu.memref_slice %arg15[%mul3A_129, %dma_wait3A_141] : memref<10240x64xf32, #tpu.memory_space<vmem_shared>> -> memref<640x64xf32, #tpu.memory_space<vmem_shared>>
      tpu.wait_dma2 semaphore(%run_scoped3A_132 : memref<!tpu.dma_semaphore, #tpu.memory_space<semaphore_mem>>) src(%dma_wait3A_142 : memref<640x64xf32, #tpu.memory_space<vmem_shared>>) dst(%dma_wait3A_140 : memref<640x64xf32, #tpu.memory_space<hbm>>)
      tpu.yield
    }) : () -> ()
    return
  }
}

#map = affine_map<(d0, d1) -> (0, 0, 0, 0, 0)>
#map1 = affine_map<(d0, d1) -> (0, 0)>
#map2 = affine_map<(d0, d1) -> (0, 0, 0)>
module attributes {stable_mosaic.version = 14 : i64} {
  func.func @prop_kernel(%arg0: i32, %arg1: i32, %arg2: memref<2x2x16x80x125xi32, #tpu.memory_space<hbm>>, %arg3: memref<10240x40xf32, #tpu.memory_space<hbm>>, %arg4: memref<2x10240x40xf32, #tpu.memory_space<hbm>>, %arg5: memref<80x125xi32, #tpu.memory_space<vmem>>, %arg6: memref<80x125xi32, #tpu.memory_space<vmem>>, %arg7: memref<125x40xf32, #tpu.memory_space<vmem>>, %arg8: memref<125x40xf32, #tpu.memory_space<vmem>>, %arg9: memref<125x40xf32, #tpu.memory_space<vmem>>, %arg10: memref<125x40xf32, #tpu.memory_space<vmem>>, %arg11: memref<125x40xf32, #tpu.memory_space<vmem>>, %arg12: memref<125x40xf32, #tpu.memory_space<vmem>>, %arg13: memref<125x40xf32, #tpu.memory_space<vmem>>, %arg14: memref<125x40xf32, #tpu.memory_space<vmem>>, %arg15: memref<10240x40xf32, #tpu.memory_space<vmem_shared>>, %arg16: memref<!tpu.dma_semaphore, #tpu.memory_space<semaphore_mem>>, %arg17: memref<!tpu.dma_semaphore, #tpu.memory_space<semaphore_mem>>, %arg18: memref<!tpu.dma_semaphore, #tpu.memory_space<semaphore_mem>>, %arg19: memref<!tpu.dma_semaphore, #tpu.memory_space<semaphore_mem>>, %arg20: memref<!tpu.dma_semaphore, #tpu.memory_space<semaphore_mem>>, %arg21: memref<!tpu.dma_semaphore, #tpu.memory_space<semaphore_mem>>, %arg22: memref<!tpu.dma_semaphore, #tpu.memory_space<semaphore_mem>>, %arg23: memref<!tpu.dma_semaphore, #tpu.memory_space<semaphore_mem>>) attributes {dimension_semantics = [#tpu.dimension_semantics<core_parallel>, #tpu.dimension_semantics<subcore_parallel>], iteration_bounds = array<i64: 2, 16>, scalar_prefetch = 0 : i64, scratch_operands = 19 : i64, tpu.core_type = #tpu.core_type<sc_vector_subcore>, window_params = [{transform_indices = #map}, {transform_indices = #map1}, {transform_indices = #map2}]} {
    %run_scoped3A = arith.constant 0 : i32
    "tpu.region"() ({
      %run_scoped3A_132 = tpu.sem_alloc : memref<!tpu.dma_semaphore, #tpu.memory_space<semaphore_mem>>
      %dma_start3A_133 = arith.constant 0 : i32
      %dma_start3A_134 = arith.constant 0 : i32
      %dma_start3A_135 = tpu.memref_slice %arg2[%run_scoped3A, %arg0, %arg1, %dma_start3A_133, %dma_start3A_134] : memref<2x2x16x80x125xi32, #tpu.memory_space<hbm>> -> memref<1x1x1x80x125xi32, #tpu.memory_space<hbm>>
      %dma_start3A_136 = tpu.memref_squeeze %dma_start3A_135 : memref<1x1x1x80x125xi32, #tpu.memory_space<hbm>> -> memref<80x125xi32, #tpu.memory_space<hbm>>
      %dma_start3A_137 = arith.constant 0 : i32
      %dma_start3A_138 = arith.constant 0 : i32
      %dma_start3A_139 = tpu.memref_slice %arg2[%run_scoped3A, %arg0, %arg1, %dma_start3A_137, %dma_start3A_138] : memref<2x2x16x80x125xi32, #tpu.memory_space<hbm>> -> memref<1x1x1x80x125xi32, #tpu.memory_space<hbm>>
      %dma_start3A_140 = tpu.memref_squeeze %dma_start3A_139 : memref<1x1x1x80x125xi32, #tpu.memory_space<hbm>> -> memref<80x125xi32, #tpu.memory_space<hbm>>
      tpu.enqueue_dma source(%dma_start3A_140 : memref<80x125xi32, #tpu.memory_space<hbm>>) target(%arg5 : memref<80x125xi32, #tpu.memory_space<vmem>>) target_semaphore(%run_scoped3A_132 : memref<!tpu.dma_semaphore, #tpu.memory_space<semaphore_mem>>)
      %dma_wait3A_141 = arith.constant 0 : i32
      %dma_wait3A_142 = arith.constant 0 : i32
      %dma_wait3A_143 = tpu.memref_slice %arg2[%run_scoped3A, %arg0, %arg1, %dma_wait3A_141, %dma_wait3A_142] : memref<2x2x16x80x125xi32, #tpu.memory_space<hbm>> -> memref<1x1x1x80x125xi32, #tpu.memory_space<hbm>>
      %dma_wait3A_144 = tpu.memref_squeeze %dma_wait3A_143 : memref<1x1x1x80x125xi32, #tpu.memory_space<hbm>> -> memref<80x125xi32, #tpu.memory_space<hbm>>
      %dma_wait3A_145 = arith.constant 0 : i32
      %dma_wait3A_146 = arith.constant 0 : i32
      %dma_wait3A_147 = tpu.memref_slice %arg2[%run_scoped3A, %arg0, %arg1, %dma_wait3A_145, %dma_wait3A_146] : memref<2x2x16x80x125xi32, #tpu.memory_space<hbm>> -> memref<1x1x1x80x125xi32, #tpu.memory_space<hbm>>
      %dma_wait3A_148 = tpu.memref_squeeze %dma_wait3A_147 : memref<1x1x1x80x125xi32, #tpu.memory_space<hbm>> -> memref<80x125xi32, #tpu.memory_space<hbm>>
      tpu.wait_dma2 semaphore(%run_scoped3A_132 : memref<!tpu.dma_semaphore, #tpu.memory_space<semaphore_mem>>) src(%dma_wait3A_148 : memref<80x125xi32, #tpu.memory_space<hbm>>) dst(%arg5 : memref<80x125xi32, #tpu.memory_space<vmem>>)
      tpu.yield
    }) : () -> ()
    %run_scoped3A_0 = arith.constant 1 : i32
    "tpu.region"() ({
      %run_scoped3A_132 = tpu.sem_alloc : memref<!tpu.dma_semaphore, #tpu.memory_space<semaphore_mem>>
      %dma_start3A_133 = arith.constant 0 : i32
      %dma_start3A_134 = arith.constant 0 : i32
      %dma_start3A_135 = tpu.memref_slice %arg2[%run_scoped3A_0, %arg0, %arg1, %dma_start3A_133, %dma_start3A_134] : memref<2x2x16x80x125xi32, #tpu.memory_space<hbm>> -> memref<1x1x1x80x125xi32, #tpu.memory_space<hbm>>
      %dma_start3A_136 = tpu.memref_squeeze %dma_start3A_135 : memref<1x1x1x80x125xi32, #tpu.memory_space<hbm>> -> memref<80x125xi32, #tpu.memory_space<hbm>>
      %dma_start3A_137 = arith.constant 0 : i32
      %dma_start3A_138 = arith.constant 0 : i32
      %dma_start3A_139 = tpu.memref_slice %arg2[%run_scoped3A_0, %arg0, %arg1, %dma_start3A_137, %dma_start3A_138] : memref<2x2x16x80x125xi32, #tpu.memory_space<hbm>> -> memref<1x1x1x80x125xi32, #tpu.memory_space<hbm>>
      %dma_start3A_140 = tpu.memref_squeeze %dma_start3A_139 : memref<1x1x1x80x125xi32, #tpu.memory_space<hbm>> -> memref<80x125xi32, #tpu.memory_space<hbm>>
      tpu.enqueue_dma source(%dma_start3A_140 : memref<80x125xi32, #tpu.memory_space<hbm>>) target(%arg6 : memref<80x125xi32, #tpu.memory_space<vmem>>) target_semaphore(%run_scoped3A_132 : memref<!tpu.dma_semaphore, #tpu.memory_space<semaphore_mem>>)
      %dma_wait3A_141 = arith.constant 0 : i32
      %dma_wait3A_142 = arith.constant 0 : i32
      %dma_wait3A_143 = tpu.memref_slice %arg2[%run_scoped3A_0, %arg0, %arg1, %dma_wait3A_141, %dma_wait3A_142] : memref<2x2x16x80x125xi32, #tpu.memory_space<hbm>> -> memref<1x1x1x80x125xi32, #tpu.memory_space<hbm>>
      %dma_wait3A_144 = tpu.memref_squeeze %dma_wait3A_143 : memref<1x1x1x80x125xi32, #tpu.memory_space<hbm>> -> memref<80x125xi32, #tpu.memory_space<hbm>>
      %dma_wait3A_145 = arith.constant 0 : i32
      %dma_wait3A_146 = arith.constant 0 : i32
      %dma_wait3A_147 = tpu.memref_slice %arg2[%run_scoped3A_0, %arg0, %arg1, %dma_wait3A_145, %dma_wait3A_146] : memref<2x2x16x80x125xi32, #tpu.memory_space<hbm>> -> memref<1x1x1x80x125xi32, #tpu.memory_space<hbm>>
      %dma_wait3A_148 = tpu.memref_squeeze %dma_wait3A_147 : memref<1x1x1x80x125xi32, #tpu.memory_space<hbm>> -> memref<80x125xi32, #tpu.memory_space<hbm>>
      tpu.wait_dma2 semaphore(%run_scoped3A_132 : memref<!tpu.dma_semaphore, #tpu.memory_space<semaphore_mem>>) src(%dma_wait3A_148 : memref<80x125xi32, #tpu.memory_space<hbm>>) dst(%arg6 : memref<80x125xi32, #tpu.memory_space<vmem>>)
      tpu.yield
    }) : () -> ()
    %mul3A = arith.constant 640 : i32
    %mul3A_1 = arith.muli %arg1, %mul3A : i32
    %mul3A_2 = arith.constant 640 : i32
    %mul3A_3 = arith.muli %arg1, %mul3A_2 : i32
    "tpu.region"() ({
      %run_scoped3A_132 = tpu.sem_alloc : memref<!tpu.dma_semaphore, #tpu.memory_space<semaphore_mem>>
      %dma_start3A_133 = arith.constant 0 : i32
      %dma_start3A_134 = tpu.memref_slice %arg15[%mul3A_3, %dma_start3A_133] : memref<10240x40xf32, #tpu.memory_space<vmem_shared>> -> memref<640x40xf32, #tpu.memory_space<vmem_shared>>
      %dma_start3A_135 = arith.constant 0 : i32
      %dma_start3A_136 = tpu.memref_slice %arg3[%mul3A_1, %dma_start3A_135] : memref<10240x40xf32, #tpu.memory_space<hbm>> -> memref<640x40xf32, #tpu.memory_space<hbm>>
      tpu.enqueue_dma source(%dma_start3A_136 : memref<640x40xf32, #tpu.memory_space<hbm>>) target(%dma_start3A_134 : memref<640x40xf32, #tpu.memory_space<vmem_shared>>) target_semaphore(%run_scoped3A_132 : memref<!tpu.dma_semaphore, #tpu.memory_space<semaphore_mem>>)
      %dma_wait3A_137 = arith.constant 0 : i32
      %dma_wait3A_138 = tpu.memref_slice %arg15[%mul3A_3, %dma_wait3A_137] : memref<10240x40xf32, #tpu.memory_space<vmem_shared>> -> memref<640x40xf32, #tpu.memory_space<vmem_shared>>
      %dma_wait3A_139 = arith.constant 0 : i32
      %dma_wait3A_140 = tpu.memref_slice %arg3[%mul3A_1, %dma_wait3A_139] : memref<10240x40xf32, #tpu.memory_space<hbm>> -> memref<640x40xf32, #tpu.memory_space<hbm>>
      tpu.wait_dma2 semaphore(%run_scoped3A_132 : memref<!tpu.dma_semaphore, #tpu.memory_space<semaphore_mem>>) src(%dma_wait3A_140 : memref<640x40xf32, #tpu.memory_space<hbm>>) dst(%dma_wait3A_138 : memref<640x40xf32, #tpu.memory_space<vmem_shared>>)
      tpu.yield
    }) : () -> ()
    %barrier3A = arith.constant 0 : index
    tpu.barrier barrier_id(%barrier3A)
    %dma_start3A = arith.constant 0 : i32
    %dma_start3A_4 = arith.constant 0 : i32
    %dma_start3A_5 = tpu.memref_slice %arg5[%dma_start3A, %dma_start3A_4] : memref<80x125xi32, #tpu.memory_space<vmem>> -> memref<1x125xi32, #tpu.memory_space<vmem>>
    %dma_start3A_6 = tpu.memref_squeeze %dma_start3A_5 : memref<1x125xi32, #tpu.memory_space<vmem>> -> memref<125xi32, #tpu.memory_space<vmem>>
    %dma_start3A_7 = arith.constant 0 : i32
    %dma_start3A_8 = arith.constant 0 : i32
    %dma_start3A_9 = tpu.memref_slice %arg3[%dma_start3A_7, %dma_start3A_8] : memref<10240x40xf32, #tpu.memory_space<hbm>> -> memref<10240x40xf32, #tpu.memory_space<hbm>>
    tpu.enqueue_indirect_dma source(%dma_start3A_9 : memref<10240x40xf32, #tpu.memory_space<hbm>>) target(%arg7 : memref<125x40xf32, #tpu.memory_space<vmem>>) offsets(%dma_start3A_6 : memref<125xi32, #tpu.memory_space<vmem>>) semaphore(%arg16 : memref<!tpu.dma_semaphore, #tpu.memory_space<semaphore_mem>>)
    %dma_start3A_10 = arith.constant 1 : i32
    %dma_start3A_11 = arith.constant 0 : i32
    %dma_start3A_12 = tpu.memref_slice %arg5[%dma_start3A_10, %dma_start3A_11] : memref<80x125xi32, #tpu.memory_space<vmem>> -> memref<1x125xi32, #tpu.memory_space<vmem>>
    %dma_start3A_13 = tpu.memref_squeeze %dma_start3A_12 : memref<1x125xi32, #tpu.memory_space<vmem>> -> memref<125xi32, #tpu.memory_space<vmem>>
    %dma_start3A_14 = arith.constant 0 : i32
    %dma_start3A_15 = arith.constant 0 : i32
    %dma_start3A_16 = tpu.memref_slice %arg3[%dma_start3A_14, %dma_start3A_15] : memref<10240x40xf32, #tpu.memory_space<hbm>> -> memref<10240x40xf32, #tpu.memory_space<hbm>>
    tpu.enqueue_indirect_dma source(%dma_start3A_16 : memref<10240x40xf32, #tpu.memory_space<hbm>>) target(%arg8 : memref<125x40xf32, #tpu.memory_space<vmem>>) offsets(%dma_start3A_13 : memref<125xi32, #tpu.memory_space<vmem>>) semaphore(%arg17 : memref<!tpu.dma_semaphore, #tpu.memory_space<semaphore_mem>>)
    %dma_start3A_17 = arith.constant 2 : i32
    %dma_start3A_18 = arith.constant 0 : i32
    %dma_start3A_19 = tpu.memref_slice %arg5[%dma_start3A_17, %dma_start3A_18] : memref<80x125xi32, #tpu.memory_space<vmem>> -> memref<1x125xi32, #tpu.memory_space<vmem>>
    %dma_start3A_20 = tpu.memref_squeeze %dma_start3A_19 : memref<1x125xi32, #tpu.memory_space<vmem>> -> memref<125xi32, #tpu.memory_space<vmem>>
    %dma_start3A_21 = arith.constant 0 : i32
    %dma_start3A_22 = arith.constant 0 : i32
    %dma_start3A_23 = tpu.memref_slice %arg3[%dma_start3A_21, %dma_start3A_22] : memref<10240x40xf32, #tpu.memory_space<hbm>> -> memref<10240x40xf32, #tpu.memory_space<hbm>>
    tpu.enqueue_indirect_dma source(%dma_start3A_23 : memref<10240x40xf32, #tpu.memory_space<hbm>>) target(%arg9 : memref<125x40xf32, #tpu.memory_space<vmem>>) offsets(%dma_start3A_20 : memref<125xi32, #tpu.memory_space<vmem>>) semaphore(%arg18 : memref<!tpu.dma_semaphore, #tpu.memory_space<semaphore_mem>>)
    %dma_start3A_24 = arith.constant 3 : i32
    %dma_start3A_25 = arith.constant 0 : i32
    %dma_start3A_26 = tpu.memref_slice %arg5[%dma_start3A_24, %dma_start3A_25] : memref<80x125xi32, #tpu.memory_space<vmem>> -> memref<1x125xi32, #tpu.memory_space<vmem>>
    %dma_start3A_27 = tpu.memref_squeeze %dma_start3A_26 : memref<1x125xi32, #tpu.memory_space<vmem>> -> memref<125xi32, #tpu.memory_space<vmem>>
    %dma_start3A_28 = arith.constant 0 : i32
    %dma_start3A_29 = arith.constant 0 : i32
    %dma_start3A_30 = tpu.memref_slice %arg3[%dma_start3A_28, %dma_start3A_29] : memref<10240x40xf32, #tpu.memory_space<hbm>> -> memref<10240x40xf32, #tpu.memory_space<hbm>>
    tpu.enqueue_indirect_dma source(%dma_start3A_30 : memref<10240x40xf32, #tpu.memory_space<hbm>>) target(%arg10 : memref<125x40xf32, #tpu.memory_space<vmem>>) offsets(%dma_start3A_27 : memref<125xi32, #tpu.memory_space<vmem>>) semaphore(%arg19 : memref<!tpu.dma_semaphore, #tpu.memory_space<semaphore_mem>>)
    %dma_start3A_31 = arith.constant 4 : i32
    %dma_start3A_32 = arith.constant 0 : i32
    %dma_start3A_33 = tpu.memref_slice %arg5[%dma_start3A_31, %dma_start3A_32] : memref<80x125xi32, #tpu.memory_space<vmem>> -> memref<1x125xi32, #tpu.memory_space<vmem>>
    %dma_start3A_34 = tpu.memref_squeeze %dma_start3A_33 : memref<1x125xi32, #tpu.memory_space<vmem>> -> memref<125xi32, #tpu.memory_space<vmem>>
    %dma_start3A_35 = arith.constant 0 : i32
    %dma_start3A_36 = arith.constant 0 : i32
    %dma_start3A_37 = tpu.memref_slice %arg3[%dma_start3A_35, %dma_start3A_36] : memref<10240x40xf32, #tpu.memory_space<hbm>> -> memref<10240x40xf32, #tpu.memory_space<hbm>>
    tpu.enqueue_indirect_dma source(%dma_start3A_37 : memref<10240x40xf32, #tpu.memory_space<hbm>>) target(%arg11 : memref<125x40xf32, #tpu.memory_space<vmem>>) offsets(%dma_start3A_34 : memref<125xi32, #tpu.memory_space<vmem>>) semaphore(%arg20 : memref<!tpu.dma_semaphore, #tpu.memory_space<semaphore_mem>>)
    %dma_start3A_38 = arith.constant 5 : i32
    %dma_start3A_39 = arith.constant 0 : i32
    %dma_start3A_40 = tpu.memref_slice %arg5[%dma_start3A_38, %dma_start3A_39] : memref<80x125xi32, #tpu.memory_space<vmem>> -> memref<1x125xi32, #tpu.memory_space<vmem>>
    %dma_start3A_41 = tpu.memref_squeeze %dma_start3A_40 : memref<1x125xi32, #tpu.memory_space<vmem>> -> memref<125xi32, #tpu.memory_space<vmem>>
    %dma_start3A_42 = arith.constant 0 : i32
    %dma_start3A_43 = arith.constant 0 : i32
    %dma_start3A_44 = tpu.memref_slice %arg3[%dma_start3A_42, %dma_start3A_43] : memref<10240x40xf32, #tpu.memory_space<hbm>> -> memref<10240x40xf32, #tpu.memory_space<hbm>>
    tpu.enqueue_indirect_dma source(%dma_start3A_44 : memref<10240x40xf32, #tpu.memory_space<hbm>>) target(%arg12 : memref<125x40xf32, #tpu.memory_space<vmem>>) offsets(%dma_start3A_41 : memref<125xi32, #tpu.memory_space<vmem>>) semaphore(%arg21 : memref<!tpu.dma_semaphore, #tpu.memory_space<semaphore_mem>>)
    %dma_start3A_45 = arith.constant 6 : i32
    %dma_start3A_46 = arith.constant 0 : i32
    %dma_start3A_47 = tpu.memref_slice %arg5[%dma_start3A_45, %dma_start3A_46] : memref<80x125xi32, #tpu.memory_space<vmem>> -> memref<1x125xi32, #tpu.memory_space<vmem>>
    %dma_start3A_48 = tpu.memref_squeeze %dma_start3A_47 : memref<1x125xi32, #tpu.memory_space<vmem>> -> memref<125xi32, #tpu.memory_space<vmem>>
    %dma_start3A_49 = arith.constant 0 : i32
    %dma_start3A_50 = arith.constant 0 : i32
    %dma_start3A_51 = tpu.memref_slice %arg3[%dma_start3A_49, %dma_start3A_50] : memref<10240x40xf32, #tpu.memory_space<hbm>> -> memref<10240x40xf32, #tpu.memory_space<hbm>>
    tpu.enqueue_indirect_dma source(%dma_start3A_51 : memref<10240x40xf32, #tpu.memory_space<hbm>>) target(%arg13 : memref<125x40xf32, #tpu.memory_space<vmem>>) offsets(%dma_start3A_48 : memref<125xi32, #tpu.memory_space<vmem>>) semaphore(%arg22 : memref<!tpu.dma_semaphore, #tpu.memory_space<semaphore_mem>>)
    %dma_start3A_52 = arith.constant 7 : i32
    %dma_start3A_53 = arith.constant 0 : i32
    %dma_start3A_54 = tpu.memref_slice %arg5[%dma_start3A_52, %dma_start3A_53] : memref<80x125xi32, #tpu.memory_space<vmem>> -> memref<1x125xi32, #tpu.memory_space<vmem>>
    %dma_start3A_55 = tpu.memref_squeeze %dma_start3A_54 : memref<1x125xi32, #tpu.memory_space<vmem>> -> memref<125xi32, #tpu.memory_space<vmem>>
    %dma_start3A_56 = arith.constant 0 : i32
    %dma_start3A_57 = arith.constant 0 : i32
    %dma_start3A_58 = tpu.memref_slice %arg3[%dma_start3A_56, %dma_start3A_57] : memref<10240x40xf32, #tpu.memory_space<hbm>> -> memref<10240x40xf32, #tpu.memory_space<hbm>>
    tpu.enqueue_indirect_dma source(%dma_start3A_58 : memref<10240x40xf32, #tpu.memory_space<hbm>>) target(%arg14 : memref<125x40xf32, #tpu.memory_space<vmem>>) offsets(%dma_start3A_55 : memref<125xi32, #tpu.memory_space<vmem>>) semaphore(%arg23 : memref<!tpu.dma_semaphore, #tpu.memory_space<semaphore_mem>>)
    %scan3A = arith.constant 0 : i32
    %scan3A_59 = arith.constant 0 : i32
    %scan3A_60 = arith.constant 9 : i32
    %scan3A_61 = arith.addi %scan3A_59, %scan3A_60 : i32
    %scan3A_62 = arith.constant 1 : i32
    scf.for %scan3A_132 = %scan3A_59 to %scan3A_61 step %scan3A_62  : i32 {
      %mul3A_133 = arith.constant 8 : i32
      %mul3A_134 = arith.muli %mul3A_133, %scan3A_132 : i32
      %add3A = arith.constant 0 : i32
      %add3A_135 = arith.addi %mul3A_134, %add3A : i32
      %dma_wait3A_136 = arith.constant 0 : i32
      %dma_wait3A_137 = tpu.memref_slice %arg5[%add3A_135, %dma_wait3A_136] : memref<80x125xi32, #tpu.memory_space<vmem>> -> memref<1x125xi32, #tpu.memory_space<vmem>>
      %dma_wait3A_138 = tpu.memref_squeeze %dma_wait3A_137 : memref<1x125xi32, #tpu.memory_space<vmem>> -> memref<125xi32, #tpu.memory_space<vmem>>
      %dma_wait3A_139 = arith.constant 0 : i32
      %dma_wait3A_140 = arith.constant 0 : i32
      %dma_wait3A_141 = tpu.memref_slice %arg3[%dma_wait3A_139, %dma_wait3A_140] : memref<10240x40xf32, #tpu.memory_space<hbm>> -> memref<10240x40xf32, #tpu.memory_space<hbm>>
      tpu.wait_indirect_dma semaphore(%arg16 : memref<!tpu.dma_semaphore, #tpu.memory_space<semaphore_mem>>) src(%dma_wait3A_141 : memref<10240x40xf32, #tpu.memory_space<hbm>>) dst(%arg7 : memref<125x40xf32, #tpu.memory_space<vmem>>)
      %add3A_142 = arith.constant 0 : i32
      %add3A_143 = arith.addi %mul3A_134, %add3A_142 : i32
      "tpu.region"() ({
        %run_scoped3A_294 = tpu.sem_alloc : memref<!tpu.dma_semaphore, #tpu.memory_space<semaphore_mem>>
        %dma_start3A_295 = arith.constant 0 : i32
        %dma_start3A_296 = tpu.memref_slice %arg6[%add3A_143, %dma_start3A_295] : memref<80x125xi32, #tpu.memory_space<vmem>> -> memref<1x125xi32, #tpu.memory_space<vmem>>
        %dma_start3A_297 = tpu.memref_squeeze %dma_start3A_296 : memref<1x125xi32, #tpu.memory_space<vmem>> -> memref<125xi32, #tpu.memory_space<vmem>>
        %dma_start3A_298 = arith.constant 0 : i32
        %dma_start3A_299 = arith.constant 0 : i32
        %dma_start3A_300 = tpu.memref_slice %arg15[%dma_start3A_298, %dma_start3A_299] : memref<10240x40xf32, #tpu.memory_space<vmem_shared>> -> memref<10240x40xf32, #tpu.memory_space<vmem_shared>>
        tpu.enqueue_indirect_dma source(%arg7 : memref<125x40xf32, #tpu.memory_space<vmem>>) target(%dma_start3A_300 : memref<10240x40xf32, #tpu.memory_space<vmem_shared>>) offsets(%dma_start3A_297 : memref<125xi32, #tpu.memory_space<vmem>>) semaphore(%run_scoped3A_294 : memref<!tpu.dma_semaphore, #tpu.memory_space<semaphore_mem>>) {add = true}
        %dma_wait3A_301 = arith.constant 0 : i32
        %dma_wait3A_302 = tpu.memref_slice %arg6[%add3A_143, %dma_wait3A_301] : memref<80x125xi32, #tpu.memory_space<vmem>> -> memref<1x125xi32, #tpu.memory_space<vmem>>
        %dma_wait3A_303 = tpu.memref_squeeze %dma_wait3A_302 : memref<1x125xi32, #tpu.memory_space<vmem>> -> memref<125xi32, #tpu.memory_space<vmem>>
        %dma_wait3A_304 = arith.constant 0 : i32
        %dma_wait3A_305 = arith.constant 0 : i32
        %dma_wait3A_306 = tpu.memref_slice %arg15[%dma_wait3A_304, %dma_wait3A_305] : memref<10240x40xf32, #tpu.memory_space<vmem_shared>> -> memref<10240x40xf32, #tpu.memory_space<vmem_shared>>
        tpu.wait_indirect_dma semaphore(%run_scoped3A_294 : memref<!tpu.dma_semaphore, #tpu.memory_space<semaphore_mem>>) src(%arg7 : memref<125x40xf32, #tpu.memory_space<vmem>>) dst(%dma_wait3A_306 : memref<10240x40xf32, #tpu.memory_space<vmem_shared>>)
        tpu.yield
      }) : () -> ()
      %add3A_144 = arith.constant 0 : i32
      %add3A_145 = arith.addi %mul3A_134, %add3A_144 : i32
      %add3A_146 = arith.constant 8 : i32
      %add3A_147 = arith.addi %add3A_145, %add3A_146 : i32
      %dma_start3A_148 = arith.constant 0 : i32
      %dma_start3A_149 = tpu.memref_slice %arg5[%add3A_147, %dma_start3A_148] : memref<80x125xi32, #tpu.memory_space<vmem>> -> memref<1x125xi32, #tpu.memory_space<vmem>>
      %dma_start3A_150 = tpu.memref_squeeze %dma_start3A_149 : memref<1x125xi32, #tpu.memory_space<vmem>> -> memref<125xi32, #tpu.memory_space<vmem>>
      %dma_start3A_151 = arith.constant 0 : i32
      %dma_start3A_152 = arith.constant 0 : i32
      %dma_start3A_153 = tpu.memref_slice %arg3[%dma_start3A_151, %dma_start3A_152] : memref<10240x40xf32, #tpu.memory_space<hbm>> -> memref<10240x40xf32, #tpu.memory_space<hbm>>
      tpu.enqueue_indirect_dma source(%dma_start3A_153 : memref<10240x40xf32, #tpu.memory_space<hbm>>) target(%arg7 : memref<125x40xf32, #tpu.memory_space<vmem>>) offsets(%dma_start3A_150 : memref<125xi32, #tpu.memory_space<vmem>>) semaphore(%arg16 : memref<!tpu.dma_semaphore, #tpu.memory_space<semaphore_mem>>)
      %add3A_154 = arith.constant 1 : i32
      %add3A_155 = arith.addi %mul3A_134, %add3A_154 : i32
      %dma_wait3A_156 = arith.constant 0 : i32
      %dma_wait3A_157 = tpu.memref_slice %arg5[%add3A_155, %dma_wait3A_156] : memref<80x125xi32, #tpu.memory_space<vmem>> -> memref<1x125xi32, #tpu.memory_space<vmem>>
      %dma_wait3A_158 = tpu.memref_squeeze %dma_wait3A_157 : memref<1x125xi32, #tpu.memory_space<vmem>> -> memref<125xi32, #tpu.memory_space<vmem>>
      %dma_wait3A_159 = arith.constant 0 : i32
      %dma_wait3A_160 = arith.constant 0 : i32
      %dma_wait3A_161 = tpu.memref_slice %arg3[%dma_wait3A_159, %dma_wait3A_160] : memref<10240x40xf32, #tpu.memory_space<hbm>> -> memref<10240x40xf32, #tpu.memory_space<hbm>>
      tpu.wait_indirect_dma semaphore(%arg17 : memref<!tpu.dma_semaphore, #tpu.memory_space<semaphore_mem>>) src(%dma_wait3A_161 : memref<10240x40xf32, #tpu.memory_space<hbm>>) dst(%arg8 : memref<125x40xf32, #tpu.memory_space<vmem>>)
      %add3A_162 = arith.constant 1 : i32
      %add3A_163 = arith.addi %mul3A_134, %add3A_162 : i32
      "tpu.region"() ({
        %run_scoped3A_294 = tpu.sem_alloc : memref<!tpu.dma_semaphore, #tpu.memory_space<semaphore_mem>>
        %dma_start3A_295 = arith.constant 0 : i32
        %dma_start3A_296 = tpu.memref_slice %arg6[%add3A_163, %dma_start3A_295] : memref<80x125xi32, #tpu.memory_space<vmem>> -> memref<1x125xi32, #tpu.memory_space<vmem>>
        %dma_start3A_297 = tpu.memref_squeeze %dma_start3A_296 : memref<1x125xi32, #tpu.memory_space<vmem>> -> memref<125xi32, #tpu.memory_space<vmem>>
        %dma_start3A_298 = arith.constant 0 : i32
        %dma_start3A_299 = arith.constant 0 : i32
        %dma_start3A_300 = tpu.memref_slice %arg15[%dma_start3A_298, %dma_start3A_299] : memref<10240x40xf32, #tpu.memory_space<vmem_shared>> -> memref<10240x40xf32, #tpu.memory_space<vmem_shared>>
        tpu.enqueue_indirect_dma source(%arg8 : memref<125x40xf32, #tpu.memory_space<vmem>>) target(%dma_start3A_300 : memref<10240x40xf32, #tpu.memory_space<vmem_shared>>) offsets(%dma_start3A_297 : memref<125xi32, #tpu.memory_space<vmem>>) semaphore(%run_scoped3A_294 : memref<!tpu.dma_semaphore, #tpu.memory_space<semaphore_mem>>) {add = true}
        %dma_wait3A_301 = arith.constant 0 : i32
        %dma_wait3A_302 = tpu.memref_slice %arg6[%add3A_163, %dma_wait3A_301] : memref<80x125xi32, #tpu.memory_space<vmem>> -> memref<1x125xi32, #tpu.memory_space<vmem>>
        %dma_wait3A_303 = tpu.memref_squeeze %dma_wait3A_302 : memref<1x125xi32, #tpu.memory_space<vmem>> -> memref<125xi32, #tpu.memory_space<vmem>>
        %dma_wait3A_304 = arith.constant 0 : i32
        %dma_wait3A_305 = arith.constant 0 : i32
        %dma_wait3A_306 = tpu.memref_slice %arg15[%dma_wait3A_304, %dma_wait3A_305] : memref<10240x40xf32, #tpu.memory_space<vmem_shared>> -> memref<10240x40xf32, #tpu.memory_space<vmem_shared>>
        tpu.wait_indirect_dma semaphore(%run_scoped3A_294 : memref<!tpu.dma_semaphore, #tpu.memory_space<semaphore_mem>>) src(%arg8 : memref<125x40xf32, #tpu.memory_space<vmem>>) dst(%dma_wait3A_306 : memref<10240x40xf32, #tpu.memory_space<vmem_shared>>)
        tpu.yield
      }) : () -> ()
      %add3A_164 = arith.constant 1 : i32
      %add3A_165 = arith.addi %mul3A_134, %add3A_164 : i32
      %add3A_166 = arith.constant 8 : i32
      %add3A_167 = arith.addi %add3A_165, %add3A_166 : i32
      %dma_start3A_168 = arith.constant 0 : i32
      %dma_start3A_169 = tpu.memref_slice %arg5[%add3A_167, %dma_start3A_168] : memref<80x125xi32, #tpu.memory_space<vmem>> -> memref<1x125xi32, #tpu.memory_space<vmem>>
      %dma_start3A_170 = tpu.memref_squeeze %dma_start3A_169 : memref<1x125xi32, #tpu.memory_space<vmem>> -> memref<125xi32, #tpu.memory_space<vmem>>
      %dma_start3A_171 = arith.constant 0 : i32
      %dma_start3A_172 = arith.constant 0 : i32
      %dma_start3A_173 = tpu.memref_slice %arg3[%dma_start3A_171, %dma_start3A_172] : memref<10240x40xf32, #tpu.memory_space<hbm>> -> memref<10240x40xf32, #tpu.memory_space<hbm>>
      tpu.enqueue_indirect_dma source(%dma_start3A_173 : memref<10240x40xf32, #tpu.memory_space<hbm>>) target(%arg8 : memref<125x40xf32, #tpu.memory_space<vmem>>) offsets(%dma_start3A_170 : memref<125xi32, #tpu.memory_space<vmem>>) semaphore(%arg17 : memref<!tpu.dma_semaphore, #tpu.memory_space<semaphore_mem>>)
      %add3A_174 = arith.constant 2 : i32
      %add3A_175 = arith.addi %mul3A_134, %add3A_174 : i32
      %dma_wait3A_176 = arith.constant 0 : i32
      %dma_wait3A_177 = tpu.memref_slice %arg5[%add3A_175, %dma_wait3A_176] : memref<80x125xi32, #tpu.memory_space<vmem>> -> memref<1x125xi32, #tpu.memory_space<vmem>>
      %dma_wait3A_178 = tpu.memref_squeeze %dma_wait3A_177 : memref<1x125xi32, #tpu.memory_space<vmem>> -> memref<125xi32, #tpu.memory_space<vmem>>
      %dma_wait3A_179 = arith.constant 0 : i32
      %dma_wait3A_180 = arith.constant 0 : i32
      %dma_wait3A_181 = tpu.memref_slice %arg3[%dma_wait3A_179, %dma_wait3A_180] : memref<10240x40xf32, #tpu.memory_space<hbm>> -> memref<10240x40xf32, #tpu.memory_space<hbm>>
      tpu.wait_indirect_dma semaphore(%arg18 : memref<!tpu.dma_semaphore, #tpu.memory_space<semaphore_mem>>) src(%dma_wait3A_181 : memref<10240x40xf32, #tpu.memory_space<hbm>>) dst(%arg9 : memref<125x40xf32, #tpu.memory_space<vmem>>)
      %add3A_182 = arith.constant 2 : i32
      %add3A_183 = arith.addi %mul3A_134, %add3A_182 : i32
      "tpu.region"() ({
        %run_scoped3A_294 = tpu.sem_alloc : memref<!tpu.dma_semaphore, #tpu.memory_space<semaphore_mem>>
        %dma_start3A_295 = arith.constant 0 : i32
        %dma_start3A_296 = tpu.memref_slice %arg6[%add3A_183, %dma_start3A_295] : memref<80x125xi32, #tpu.memory_space<vmem>> -> memref<1x125xi32, #tpu.memory_space<vmem>>
        %dma_start3A_297 = tpu.memref_squeeze %dma_start3A_296 : memref<1x125xi32, #tpu.memory_space<vmem>> -> memref<125xi32, #tpu.memory_space<vmem>>
        %dma_start3A_298 = arith.constant 0 : i32
        %dma_start3A_299 = arith.constant 0 : i32
        %dma_start3A_300 = tpu.memref_slice %arg15[%dma_start3A_298, %dma_start3A_299] : memref<10240x40xf32, #tpu.memory_space<vmem_shared>> -> memref<10240x40xf32, #tpu.memory_space<vmem_shared>>
        tpu.enqueue_indirect_dma source(%arg9 : memref<125x40xf32, #tpu.memory_space<vmem>>) target(%dma_start3A_300 : memref<10240x40xf32, #tpu.memory_space<vmem_shared>>) offsets(%dma_start3A_297 : memref<125xi32, #tpu.memory_space<vmem>>) semaphore(%run_scoped3A_294 : memref<!tpu.dma_semaphore, #tpu.memory_space<semaphore_mem>>) {add = true}
        %dma_wait3A_301 = arith.constant 0 : i32
        %dma_wait3A_302 = tpu.memref_slice %arg6[%add3A_183, %dma_wait3A_301] : memref<80x125xi32, #tpu.memory_space<vmem>> -> memref<1x125xi32, #tpu.memory_space<vmem>>
        %dma_wait3A_303 = tpu.memref_squeeze %dma_wait3A_302 : memref<1x125xi32, #tpu.memory_space<vmem>> -> memref<125xi32, #tpu.memory_space<vmem>>
        %dma_wait3A_304 = arith.constant 0 : i32
        %dma_wait3A_305 = arith.constant 0 : i32
        %dma_wait3A_306 = tpu.memref_slice %arg15[%dma_wait3A_304, %dma_wait3A_305] : memref<10240x40xf32, #tpu.memory_space<vmem_shared>> -> memref<10240x40xf32, #tpu.memory_space<vmem_shared>>
        tpu.wait_indirect_dma semaphore(%run_scoped3A_294 : memref<!tpu.dma_semaphore, #tpu.memory_space<semaphore_mem>>) src(%arg9 : memref<125x40xf32, #tpu.memory_space<vmem>>) dst(%dma_wait3A_306 : memref<10240x40xf32, #tpu.memory_space<vmem_shared>>)
        tpu.yield
      }) : () -> ()
      %add3A_184 = arith.constant 2 : i32
      %add3A_185 = arith.addi %mul3A_134, %add3A_184 : i32
      %add3A_186 = arith.constant 8 : i32
      %add3A_187 = arith.addi %add3A_185, %add3A_186 : i32
      %dma_start3A_188 = arith.constant 0 : i32
      %dma_start3A_189 = tpu.memref_slice %arg5[%add3A_187, %dma_start3A_188] : memref<80x125xi32, #tpu.memory_space<vmem>> -> memref<1x125xi32, #tpu.memory_space<vmem>>
      %dma_start3A_190 = tpu.memref_squeeze %dma_start3A_189 : memref<1x125xi32, #tpu.memory_space<vmem>> -> memref<125xi32, #tpu.memory_space<vmem>>
      %dma_start3A_191 = arith.constant 0 : i32
      %dma_start3A_192 = arith.constant 0 : i32
      %dma_start3A_193 = tpu.memref_slice %arg3[%dma_start3A_191, %dma_start3A_192] : memref<10240x40xf32, #tpu.memory_space<hbm>> -> memref<10240x40xf32, #tpu.memory_space<hbm>>
      tpu.enqueue_indirect_dma source(%dma_start3A_193 : memref<10240x40xf32, #tpu.memory_space<hbm>>) target(%arg9 : memref<125x40xf32, #tpu.memory_space<vmem>>) offsets(%dma_start3A_190 : memref<125xi32, #tpu.memory_space<vmem>>) semaphore(%arg18 : memref<!tpu.dma_semaphore, #tpu.memory_space<semaphore_mem>>)
      %add3A_194 = arith.constant 3 : i32
      %add3A_195 = arith.addi %mul3A_134, %add3A_194 : i32
      %dma_wait3A_196 = arith.constant 0 : i32
      %dma_wait3A_197 = tpu.memref_slice %arg5[%add3A_195, %dma_wait3A_196] : memref<80x125xi32, #tpu.memory_space<vmem>> -> memref<1x125xi32, #tpu.memory_space<vmem>>
      %dma_wait3A_198 = tpu.memref_squeeze %dma_wait3A_197 : memref<1x125xi32, #tpu.memory_space<vmem>> -> memref<125xi32, #tpu.memory_space<vmem>>
      %dma_wait3A_199 = arith.constant 0 : i32
      %dma_wait3A_200 = arith.constant 0 : i32
      %dma_wait3A_201 = tpu.memref_slice %arg3[%dma_wait3A_199, %dma_wait3A_200] : memref<10240x40xf32, #tpu.memory_space<hbm>> -> memref<10240x40xf32, #tpu.memory_space<hbm>>
      tpu.wait_indirect_dma semaphore(%arg19 : memref<!tpu.dma_semaphore, #tpu.memory_space<semaphore_mem>>) src(%dma_wait3A_201 : memref<10240x40xf32, #tpu.memory_space<hbm>>) dst(%arg10 : memref<125x40xf32, #tpu.memory_space<vmem>>)
      %add3A_202 = arith.constant 3 : i32
      %add3A_203 = arith.addi %mul3A_134, %add3A_202 : i32
      "tpu.region"() ({
        %run_scoped3A_294 = tpu.sem_alloc : memref<!tpu.dma_semaphore, #tpu.memory_space<semaphore_mem>>
        %dma_start3A_295 = arith.constant 0 : i32
        %dma_start3A_296 = tpu.memref_slice %arg6[%add3A_203, %dma_start3A_295] : memref<80x125xi32, #tpu.memory_space<vmem>> -> memref<1x125xi32, #tpu.memory_space<vmem>>
        %dma_start3A_297 = tpu.memref_squeeze %dma_start3A_296 : memref<1x125xi32, #tpu.memory_space<vmem>> -> memref<125xi32, #tpu.memory_space<vmem>>
        %dma_start3A_298 = arith.constant 0 : i32
        %dma_start3A_299 = arith.constant 0 : i32
        %dma_start3A_300 = tpu.memref_slice %arg15[%dma_start3A_298, %dma_start3A_299] : memref<10240x40xf32, #tpu.memory_space<vmem_shared>> -> memref<10240x40xf32, #tpu.memory_space<vmem_shared>>
        tpu.enqueue_indirect_dma source(%arg10 : memref<125x40xf32, #tpu.memory_space<vmem>>) target(%dma_start3A_300 : memref<10240x40xf32, #tpu.memory_space<vmem_shared>>) offsets(%dma_start3A_297 : memref<125xi32, #tpu.memory_space<vmem>>) semaphore(%run_scoped3A_294 : memref<!tpu.dma_semaphore, #tpu.memory_space<semaphore_mem>>) {add = true}
        %dma_wait3A_301 = arith.constant 0 : i32
        %dma_wait3A_302 = tpu.memref_slice %arg6[%add3A_203, %dma_wait3A_301] : memref<80x125xi32, #tpu.memory_space<vmem>> -> memref<1x125xi32, #tpu.memory_space<vmem>>
        %dma_wait3A_303 = tpu.memref_squeeze %dma_wait3A_302 : memref<1x125xi32, #tpu.memory_space<vmem>> -> memref<125xi32, #tpu.memory_space<vmem>>
        %dma_wait3A_304 = arith.constant 0 : i32
        %dma_wait3A_305 = arith.constant 0 : i32
        %dma_wait3A_306 = tpu.memref_slice %arg15[%dma_wait3A_304, %dma_wait3A_305] : memref<10240x40xf32, #tpu.memory_space<vmem_shared>> -> memref<10240x40xf32, #tpu.memory_space<vmem_shared>>
        tpu.wait_indirect_dma semaphore(%run_scoped3A_294 : memref<!tpu.dma_semaphore, #tpu.memory_space<semaphore_mem>>) src(%arg10 : memref<125x40xf32, #tpu.memory_space<vmem>>) dst(%dma_wait3A_306 : memref<10240x40xf32, #tpu.memory_space<vmem_shared>>)
        tpu.yield
      }) : () -> ()
      %add3A_204 = arith.constant 3 : i32
      %add3A_205 = arith.addi %mul3A_134, %add3A_204 : i32
      %add3A_206 = arith.constant 8 : i32
      %add3A_207 = arith.addi %add3A_205, %add3A_206 : i32
      %dma_start3A_208 = arith.constant 0 : i32
      %dma_start3A_209 = tpu.memref_slice %arg5[%add3A_207, %dma_start3A_208] : memref<80x125xi32, #tpu.memory_space<vmem>> -> memref<1x125xi32, #tpu.memory_space<vmem>>
      %dma_start3A_210 = tpu.memref_squeeze %dma_start3A_209 : memref<1x125xi32, #tpu.memory_space<vmem>> -> memref<125xi32, #tpu.memory_space<vmem>>
      %dma_start3A_211 = arith.constant 0 : i32
      %dma_start3A_212 = arith.constant 0 : i32
      %dma_start3A_213 = tpu.memref_slice %arg3[%dma_start3A_211, %dma_start3A_212] : memref<10240x40xf32, #tpu.memory_space<hbm>> -> memref<10240x40xf32, #tpu.memory_space<hbm>>
      tpu.enqueue_indirect_dma source(%dma_start3A_213 : memref<10240x40xf32, #tpu.memory_space<hbm>>) target(%arg10 : memref<125x40xf32, #tpu.memory_space<vmem>>) offsets(%dma_start3A_210 : memref<125xi32, #tpu.memory_space<vmem>>) semaphore(%arg19 : memref<!tpu.dma_semaphore, #tpu.memory_space<semaphore_mem>>)
      %add3A_214 = arith.constant 4 : i32
      %add3A_215 = arith.addi %mul3A_134, %add3A_214 : i32
      %dma_wait3A_216 = arith.constant 0 : i32
      %dma_wait3A_217 = tpu.memref_slice %arg5[%add3A_215, %dma_wait3A_216] : memref<80x125xi32, #tpu.memory_space<vmem>> -> memref<1x125xi32, #tpu.memory_space<vmem>>
      %dma_wait3A_218 = tpu.memref_squeeze %dma_wait3A_217 : memref<1x125xi32, #tpu.memory_space<vmem>> -> memref<125xi32, #tpu.memory_space<vmem>>
      %dma_wait3A_219 = arith.constant 0 : i32
      %dma_wait3A_220 = arith.constant 0 : i32
      %dma_wait3A_221 = tpu.memref_slice %arg3[%dma_wait3A_219, %dma_wait3A_220] : memref<10240x40xf32, #tpu.memory_space<hbm>> -> memref<10240x40xf32, #tpu.memory_space<hbm>>
      tpu.wait_indirect_dma semaphore(%arg20 : memref<!tpu.dma_semaphore, #tpu.memory_space<semaphore_mem>>) src(%dma_wait3A_221 : memref<10240x40xf32, #tpu.memory_space<hbm>>) dst(%arg11 : memref<125x40xf32, #tpu.memory_space<vmem>>)
      %add3A_222 = arith.constant 4 : i32
      %add3A_223 = arith.addi %mul3A_134, %add3A_222 : i32
      "tpu.region"() ({
        %run_scoped3A_294 = tpu.sem_alloc : memref<!tpu.dma_semaphore, #tpu.memory_space<semaphore_mem>>
        %dma_start3A_295 = arith.constant 0 : i32
        %dma_start3A_296 = tpu.memref_slice %arg6[%add3A_223, %dma_start3A_295] : memref<80x125xi32, #tpu.memory_space<vmem>> -> memref<1x125xi32, #tpu.memory_space<vmem>>
        %dma_start3A_297 = tpu.memref_squeeze %dma_start3A_296 : memref<1x125xi32, #tpu.memory_space<vmem>> -> memref<125xi32, #tpu.memory_space<vmem>>
        %dma_start3A_298 = arith.constant 0 : i32
        %dma_start3A_299 = arith.constant 0 : i32
        %dma_start3A_300 = tpu.memref_slice %arg15[%dma_start3A_298, %dma_start3A_299] : memref<10240x40xf32, #tpu.memory_space<vmem_shared>> -> memref<10240x40xf32, #tpu.memory_space<vmem_shared>>
        tpu.enqueue_indirect_dma source(%arg11 : memref<125x40xf32, #tpu.memory_space<vmem>>) target(%dma_start3A_300 : memref<10240x40xf32, #tpu.memory_space<vmem_shared>>) offsets(%dma_start3A_297 : memref<125xi32, #tpu.memory_space<vmem>>) semaphore(%run_scoped3A_294 : memref<!tpu.dma_semaphore, #tpu.memory_space<semaphore_mem>>) {add = true}
        %dma_wait3A_301 = arith.constant 0 : i32
        %dma_wait3A_302 = tpu.memref_slice %arg6[%add3A_223, %dma_wait3A_301] : memref<80x125xi32, #tpu.memory_space<vmem>> -> memref<1x125xi32, #tpu.memory_space<vmem>>
        %dma_wait3A_303 = tpu.memref_squeeze %dma_wait3A_302 : memref<1x125xi32, #tpu.memory_space<vmem>> -> memref<125xi32, #tpu.memory_space<vmem>>
        %dma_wait3A_304 = arith.constant 0 : i32
        %dma_wait3A_305 = arith.constant 0 : i32
        %dma_wait3A_306 = tpu.memref_slice %arg15[%dma_wait3A_304, %dma_wait3A_305] : memref<10240x40xf32, #tpu.memory_space<vmem_shared>> -> memref<10240x40xf32, #tpu.memory_space<vmem_shared>>
        tpu.wait_indirect_dma semaphore(%run_scoped3A_294 : memref<!tpu.dma_semaphore, #tpu.memory_space<semaphore_mem>>) src(%arg11 : memref<125x40xf32, #tpu.memory_space<vmem>>) dst(%dma_wait3A_306 : memref<10240x40xf32, #tpu.memory_space<vmem_shared>>)
        tpu.yield
      }) : () -> ()
      %add3A_224 = arith.constant 4 : i32
      %add3A_225 = arith.addi %mul3A_134, %add3A_224 : i32
      %add3A_226 = arith.constant 8 : i32
      %add3A_227 = arith.addi %add3A_225, %add3A_226 : i32
      %dma_start3A_228 = arith.constant 0 : i32
      %dma_start3A_229 = tpu.memref_slice %arg5[%add3A_227, %dma_start3A_228] : memref<80x125xi32, #tpu.memory_space<vmem>> -> memref<1x125xi32, #tpu.memory_space<vmem>>
      %dma_start3A_230 = tpu.memref_squeeze %dma_start3A_229 : memref<1x125xi32, #tpu.memory_space<vmem>> -> memref<125xi32, #tpu.memory_space<vmem>>
      %dma_start3A_231 = arith.constant 0 : i32
      %dma_start3A_232 = arith.constant 0 : i32
      %dma_start3A_233 = tpu.memref_slice %arg3[%dma_start3A_231, %dma_start3A_232] : memref<10240x40xf32, #tpu.memory_space<hbm>> -> memref<10240x40xf32, #tpu.memory_space<hbm>>
      tpu.enqueue_indirect_dma source(%dma_start3A_233 : memref<10240x40xf32, #tpu.memory_space<hbm>>) target(%arg11 : memref<125x40xf32, #tpu.memory_space<vmem>>) offsets(%dma_start3A_230 : memref<125xi32, #tpu.memory_space<vmem>>) semaphore(%arg20 : memref<!tpu.dma_semaphore, #tpu.memory_space<semaphore_mem>>)
      %add3A_234 = arith.constant 5 : i32
      %add3A_235 = arith.addi %mul3A_134, %add3A_234 : i32
      %dma_wait3A_236 = arith.constant 0 : i32
      %dma_wait3A_237 = tpu.memref_slice %arg5[%add3A_235, %dma_wait3A_236] : memref<80x125xi32, #tpu.memory_space<vmem>> -> memref<1x125xi32, #tpu.memory_space<vmem>>
      %dma_wait3A_238 = tpu.memref_squeeze %dma_wait3A_237 : memref<1x125xi32, #tpu.memory_space<vmem>> -> memref<125xi32, #tpu.memory_space<vmem>>
      %dma_wait3A_239 = arith.constant 0 : i32
      %dma_wait3A_240 = arith.constant 0 : i32
      %dma_wait3A_241 = tpu.memref_slice %arg3[%dma_wait3A_239, %dma_wait3A_240] : memref<10240x40xf32, #tpu.memory_space<hbm>> -> memref<10240x40xf32, #tpu.memory_space<hbm>>
      tpu.wait_indirect_dma semaphore(%arg21 : memref<!tpu.dma_semaphore, #tpu.memory_space<semaphore_mem>>) src(%dma_wait3A_241 : memref<10240x40xf32, #tpu.memory_space<hbm>>) dst(%arg12 : memref<125x40xf32, #tpu.memory_space<vmem>>)
      %add3A_242 = arith.constant 5 : i32
      %add3A_243 = arith.addi %mul3A_134, %add3A_242 : i32
      "tpu.region"() ({
        %run_scoped3A_294 = tpu.sem_alloc : memref<!tpu.dma_semaphore, #tpu.memory_space<semaphore_mem>>
        %dma_start3A_295 = arith.constant 0 : i32
        %dma_start3A_296 = tpu.memref_slice %arg6[%add3A_243, %dma_start3A_295] : memref<80x125xi32, #tpu.memory_space<vmem>> -> memref<1x125xi32, #tpu.memory_space<vmem>>
        %dma_start3A_297 = tpu.memref_squeeze %dma_start3A_296 : memref<1x125xi32, #tpu.memory_space<vmem>> -> memref<125xi32, #tpu.memory_space<vmem>>
        %dma_start3A_298 = arith.constant 0 : i32
        %dma_start3A_299 = arith.constant 0 : i32
        %dma_start3A_300 = tpu.memref_slice %arg15[%dma_start3A_298, %dma_start3A_299] : memref<10240x40xf32, #tpu.memory_space<vmem_shared>> -> memref<10240x40xf32, #tpu.memory_space<vmem_shared>>
        tpu.enqueue_indirect_dma source(%arg12 : memref<125x40xf32, #tpu.memory_space<vmem>>) target(%dma_start3A_300 : memref<10240x40xf32, #tpu.memory_space<vmem_shared>>) offsets(%dma_start3A_297 : memref<125xi32, #tpu.memory_space<vmem>>) semaphore(%run_scoped3A_294 : memref<!tpu.dma_semaphore, #tpu.memory_space<semaphore_mem>>) {add = true}
        %dma_wait3A_301 = arith.constant 0 : i32
        %dma_wait3A_302 = tpu.memref_slice %arg6[%add3A_243, %dma_wait3A_301] : memref<80x125xi32, #tpu.memory_space<vmem>> -> memref<1x125xi32, #tpu.memory_space<vmem>>
        %dma_wait3A_303 = tpu.memref_squeeze %dma_wait3A_302 : memref<1x125xi32, #tpu.memory_space<vmem>> -> memref<125xi32, #tpu.memory_space<vmem>>
        %dma_wait3A_304 = arith.constant 0 : i32
        %dma_wait3A_305 = arith.constant 0 : i32
        %dma_wait3A_306 = tpu.memref_slice %arg15[%dma_wait3A_304, %dma_wait3A_305] : memref<10240x40xf32, #tpu.memory_space<vmem_shared>> -> memref<10240x40xf32, #tpu.memory_space<vmem_shared>>
        tpu.wait_indirect_dma semaphore(%run_scoped3A_294 : memref<!tpu.dma_semaphore, #tpu.memory_space<semaphore_mem>>) src(%arg12 : memref<125x40xf32, #tpu.memory_space<vmem>>) dst(%dma_wait3A_306 : memref<10240x40xf32, #tpu.memory_space<vmem_shared>>)
        tpu.yield
      }) : () -> ()
      %add3A_244 = arith.constant 5 : i32
      %add3A_245 = arith.addi %mul3A_134, %add3A_244 : i32
      %add3A_246 = arith.constant 8 : i32
      %add3A_247 = arith.addi %add3A_245, %add3A_246 : i32
      %dma_start3A_248 = arith.constant 0 : i32
      %dma_start3A_249 = tpu.memref_slice %arg5[%add3A_247, %dma_start3A_248] : memref<80x125xi32, #tpu.memory_space<vmem>> -> memref<1x125xi32, #tpu.memory_space<vmem>>
      %dma_start3A_250 = tpu.memref_squeeze %dma_start3A_249 : memref<1x125xi32, #tpu.memory_space<vmem>> -> memref<125xi32, #tpu.memory_space<vmem>>
      %dma_start3A_251 = arith.constant 0 : i32
      %dma_start3A_252 = arith.constant 0 : i32
      %dma_start3A_253 = tpu.memref_slice %arg3[%dma_start3A_251, %dma_start3A_252] : memref<10240x40xf32, #tpu.memory_space<hbm>> -> memref<10240x40xf32, #tpu.memory_space<hbm>>
      tpu.enqueue_indirect_dma source(%dma_start3A_253 : memref<10240x40xf32, #tpu.memory_space<hbm>>) target(%arg12 : memref<125x40xf32, #tpu.memory_space<vmem>>) offsets(%dma_start3A_250 : memref<125xi32, #tpu.memory_space<vmem>>) semaphore(%arg21 : memref<!tpu.dma_semaphore, #tpu.memory_space<semaphore_mem>>)
      %add3A_254 = arith.constant 6 : i32
      %add3A_255 = arith.addi %mul3A_134, %add3A_254 : i32
      %dma_wait3A_256 = arith.constant 0 : i32
      %dma_wait3A_257 = tpu.memref_slice %arg5[%add3A_255, %dma_wait3A_256] : memref<80x125xi32, #tpu.memory_space<vmem>> -> memref<1x125xi32, #tpu.memory_space<vmem>>
      %dma_wait3A_258 = tpu.memref_squeeze %dma_wait3A_257 : memref<1x125xi32, #tpu.memory_space<vmem>> -> memref<125xi32, #tpu.memory_space<vmem>>
      %dma_wait3A_259 = arith.constant 0 : i32
      %dma_wait3A_260 = arith.constant 0 : i32
      %dma_wait3A_261 = tpu.memref_slice %arg3[%dma_wait3A_259, %dma_wait3A_260] : memref<10240x40xf32, #tpu.memory_space<hbm>> -> memref<10240x40xf32, #tpu.memory_space<hbm>>
      tpu.wait_indirect_dma semaphore(%arg22 : memref<!tpu.dma_semaphore, #tpu.memory_space<semaphore_mem>>) src(%dma_wait3A_261 : memref<10240x40xf32, #tpu.memory_space<hbm>>) dst(%arg13 : memref<125x40xf32, #tpu.memory_space<vmem>>)
      %add3A_262 = arith.constant 6 : i32
      %add3A_263 = arith.addi %mul3A_134, %add3A_262 : i32
      "tpu.region"() ({
        %run_scoped3A_294 = tpu.sem_alloc : memref<!tpu.dma_semaphore, #tpu.memory_space<semaphore_mem>>
        %dma_start3A_295 = arith.constant 0 : i32
        %dma_start3A_296 = tpu.memref_slice %arg6[%add3A_263, %dma_start3A_295] : memref<80x125xi32, #tpu.memory_space<vmem>> -> memref<1x125xi32, #tpu.memory_space<vmem>>
        %dma_start3A_297 = tpu.memref_squeeze %dma_start3A_296 : memref<1x125xi32, #tpu.memory_space<vmem>> -> memref<125xi32, #tpu.memory_space<vmem>>
        %dma_start3A_298 = arith.constant 0 : i32
        %dma_start3A_299 = arith.constant 0 : i32
        %dma_start3A_300 = tpu.memref_slice %arg15[%dma_start3A_298, %dma_start3A_299] : memref<10240x40xf32, #tpu.memory_space<vmem_shared>> -> memref<10240x40xf32, #tpu.memory_space<vmem_shared>>
        tpu.enqueue_indirect_dma source(%arg13 : memref<125x40xf32, #tpu.memory_space<vmem>>) target(%dma_start3A_300 : memref<10240x40xf32, #tpu.memory_space<vmem_shared>>) offsets(%dma_start3A_297 : memref<125xi32, #tpu.memory_space<vmem>>) semaphore(%run_scoped3A_294 : memref<!tpu.dma_semaphore, #tpu.memory_space<semaphore_mem>>) {add = true}
        %dma_wait3A_301 = arith.constant 0 : i32
        %dma_wait3A_302 = tpu.memref_slice %arg6[%add3A_263, %dma_wait3A_301] : memref<80x125xi32, #tpu.memory_space<vmem>> -> memref<1x125xi32, #tpu.memory_space<vmem>>
        %dma_wait3A_303 = tpu.memref_squeeze %dma_wait3A_302 : memref<1x125xi32, #tpu.memory_space<vmem>> -> memref<125xi32, #tpu.memory_space<vmem>>
        %dma_wait3A_304 = arith.constant 0 : i32
        %dma_wait3A_305 = arith.constant 0 : i32
        %dma_wait3A_306 = tpu.memref_slice %arg15[%dma_wait3A_304, %dma_wait3A_305] : memref<10240x40xf32, #tpu.memory_space<vmem_shared>> -> memref<10240x40xf32, #tpu.memory_space<vmem_shared>>
        tpu.wait_indirect_dma semaphore(%run_scoped3A_294 : memref<!tpu.dma_semaphore, #tpu.memory_space<semaphore_mem>>) src(%arg13 : memref<125x40xf32, #tpu.memory_space<vmem>>) dst(%dma_wait3A_306 : memref<10240x40xf32, #tpu.memory_space<vmem_shared>>)
        tpu.yield
      }) : () -> ()
      %add3A_264 = arith.constant 6 : i32
      %add3A_265 = arith.addi %mul3A_134, %add3A_264 : i32
      %add3A_266 = arith.constant 8 : i32
      %add3A_267 = arith.addi %add3A_265, %add3A_266 : i32
      %dma_start3A_268 = arith.constant 0 : i32
      %dma_start3A_269 = tpu.memref_slice %arg5[%add3A_267, %dma_start3A_268] : memref<80x125xi32, #tpu.memory_space<vmem>> -> memref<1x125xi32, #tpu.memory_space<vmem>>
      %dma_start3A_270 = tpu.memref_squeeze %dma_start3A_269 : memref<1x125xi32, #tpu.memory_space<vmem>> -> memref<125xi32, #tpu.memory_space<vmem>>
      %dma_start3A_271 = arith.constant 0 : i32
      %dma_start3A_272 = arith.constant 0 : i32
      %dma_start3A_273 = tpu.memref_slice %arg3[%dma_start3A_271, %dma_start3A_272] : memref<10240x40xf32, #tpu.memory_space<hbm>> -> memref<10240x40xf32, #tpu.memory_space<hbm>>
      tpu.enqueue_indirect_dma source(%dma_start3A_273 : memref<10240x40xf32, #tpu.memory_space<hbm>>) target(%arg13 : memref<125x40xf32, #tpu.memory_space<vmem>>) offsets(%dma_start3A_270 : memref<125xi32, #tpu.memory_space<vmem>>) semaphore(%arg22 : memref<!tpu.dma_semaphore, #tpu.memory_space<semaphore_mem>>)
      %add3A_274 = arith.constant 7 : i32
      %add3A_275 = arith.addi %mul3A_134, %add3A_274 : i32
      %dma_wait3A_276 = arith.constant 0 : i32
      %dma_wait3A_277 = tpu.memref_slice %arg5[%add3A_275, %dma_wait3A_276] : memref<80x125xi32, #tpu.memory_space<vmem>> -> memref<1x125xi32, #tpu.memory_space<vmem>>
      %dma_wait3A_278 = tpu.memref_squeeze %dma_wait3A_277 : memref<1x125xi32, #tpu.memory_space<vmem>> -> memref<125xi32, #tpu.memory_space<vmem>>
      %dma_wait3A_279 = arith.constant 0 : i32
      %dma_wait3A_280 = arith.constant 0 : i32
      %dma_wait3A_281 = tpu.memref_slice %arg3[%dma_wait3A_279, %dma_wait3A_280] : memref<10240x40xf32, #tpu.memory_space<hbm>> -> memref<10240x40xf32, #tpu.memory_space<hbm>>
      tpu.wait_indirect_dma semaphore(%arg23 : memref<!tpu.dma_semaphore, #tpu.memory_space<semaphore_mem>>) src(%dma_wait3A_281 : memref<10240x40xf32, #tpu.memory_space<hbm>>) dst(%arg14 : memref<125x40xf32, #tpu.memory_space<vmem>>)
      %add3A_282 = arith.constant 7 : i32
      %add3A_283 = arith.addi %mul3A_134, %add3A_282 : i32
      "tpu.region"() ({
        %run_scoped3A_294 = tpu.sem_alloc : memref<!tpu.dma_semaphore, #tpu.memory_space<semaphore_mem>>
        %dma_start3A_295 = arith.constant 0 : i32
        %dma_start3A_296 = tpu.memref_slice %arg6[%add3A_283, %dma_start3A_295] : memref<80x125xi32, #tpu.memory_space<vmem>> -> memref<1x125xi32, #tpu.memory_space<vmem>>
        %dma_start3A_297 = tpu.memref_squeeze %dma_start3A_296 : memref<1x125xi32, #tpu.memory_space<vmem>> -> memref<125xi32, #tpu.memory_space<vmem>>
        %dma_start3A_298 = arith.constant 0 : i32
        %dma_start3A_299 = arith.constant 0 : i32
        %dma_start3A_300 = tpu.memref_slice %arg15[%dma_start3A_298, %dma_start3A_299] : memref<10240x40xf32, #tpu.memory_space<vmem_shared>> -> memref<10240x40xf32, #tpu.memory_space<vmem_shared>>
        tpu.enqueue_indirect_dma source(%arg14 : memref<125x40xf32, #tpu.memory_space<vmem>>) target(%dma_start3A_300 : memref<10240x40xf32, #tpu.memory_space<vmem_shared>>) offsets(%dma_start3A_297 : memref<125xi32, #tpu.memory_space<vmem>>) semaphore(%run_scoped3A_294 : memref<!tpu.dma_semaphore, #tpu.memory_space<semaphore_mem>>) {add = true}
        %dma_wait3A_301 = arith.constant 0 : i32
        %dma_wait3A_302 = tpu.memref_slice %arg6[%add3A_283, %dma_wait3A_301] : memref<80x125xi32, #tpu.memory_space<vmem>> -> memref<1x125xi32, #tpu.memory_space<vmem>>
        %dma_wait3A_303 = tpu.memref_squeeze %dma_wait3A_302 : memref<1x125xi32, #tpu.memory_space<vmem>> -> memref<125xi32, #tpu.memory_space<vmem>>
        %dma_wait3A_304 = arith.constant 0 : i32
        %dma_wait3A_305 = arith.constant 0 : i32
        %dma_wait3A_306 = tpu.memref_slice %arg15[%dma_wait3A_304, %dma_wait3A_305] : memref<10240x40xf32, #tpu.memory_space<vmem_shared>> -> memref<10240x40xf32, #tpu.memory_space<vmem_shared>>
        tpu.wait_indirect_dma semaphore(%run_scoped3A_294 : memref<!tpu.dma_semaphore, #tpu.memory_space<semaphore_mem>>) src(%arg14 : memref<125x40xf32, #tpu.memory_space<vmem>>) dst(%dma_wait3A_306 : memref<10240x40xf32, #tpu.memory_space<vmem_shared>>)
        tpu.yield
      }) : () -> ()
      %add3A_284 = arith.constant 7 : i32
      %add3A_285 = arith.addi %mul3A_134, %add3A_284 : i32
      %add3A_286 = arith.constant 8 : i32
      %add3A_287 = arith.addi %add3A_285, %add3A_286 : i32
      %dma_start3A_288 = arith.constant 0 : i32
      %dma_start3A_289 = tpu.memref_slice %arg5[%add3A_287, %dma_start3A_288] : memref<80x125xi32, #tpu.memory_space<vmem>> -> memref<1x125xi32, #tpu.memory_space<vmem>>
      %dma_start3A_290 = tpu.memref_squeeze %dma_start3A_289 : memref<1x125xi32, #tpu.memory_space<vmem>> -> memref<125xi32, #tpu.memory_space<vmem>>
      %dma_start3A_291 = arith.constant 0 : i32
      %dma_start3A_292 = arith.constant 0 : i32
      %dma_start3A_293 = tpu.memref_slice %arg3[%dma_start3A_291, %dma_start3A_292] : memref<10240x40xf32, #tpu.memory_space<hbm>> -> memref<10240x40xf32, #tpu.memory_space<hbm>>
      tpu.enqueue_indirect_dma source(%dma_start3A_293 : memref<10240x40xf32, #tpu.memory_space<hbm>>) target(%arg14 : memref<125x40xf32, #tpu.memory_space<vmem>>) offsets(%dma_start3A_290 : memref<125xi32, #tpu.memory_space<vmem>>) semaphore(%arg23 : memref<!tpu.dma_semaphore, #tpu.memory_space<semaphore_mem>>)
    }
    %scan3A_63 = arith.constant 9 : i32
    %dma_wait3A = arith.constant 72 : i32
    %dma_wait3A_64 = arith.constant 0 : i32
    %dma_wait3A_65 = tpu.memref_slice %arg5[%dma_wait3A, %dma_wait3A_64] : memref<80x125xi32, #tpu.memory_space<vmem>> -> memref<1x125xi32, #tpu.memory_space<vmem>>
    %dma_wait3A_66 = tpu.memref_squeeze %dma_wait3A_65 : memref<1x125xi32, #tpu.memory_space<vmem>> -> memref<125xi32, #tpu.memory_space<vmem>>
    %dma_wait3A_67 = arith.constant 0 : i32
    %dma_wait3A_68 = arith.constant 0 : i32
    %dma_wait3A_69 = tpu.memref_slice %arg3[%dma_wait3A_67, %dma_wait3A_68] : memref<10240x40xf32, #tpu.memory_space<hbm>> -> memref<10240x40xf32, #tpu.memory_space<hbm>>
    tpu.wait_indirect_dma semaphore(%arg16 : memref<!tpu.dma_semaphore, #tpu.memory_space<semaphore_mem>>) src(%dma_wait3A_69 : memref<10240x40xf32, #tpu.memory_space<hbm>>) dst(%arg7 : memref<125x40xf32, #tpu.memory_space<vmem>>)
    %run_scoped3A_70 = arith.constant 72 : i32
    "tpu.region"() ({
      %run_scoped3A_132 = tpu.sem_alloc : memref<!tpu.dma_semaphore, #tpu.memory_space<semaphore_mem>>
      %dma_start3A_133 = arith.constant 0 : i32
      %dma_start3A_134 = tpu.memref_slice %arg6[%run_scoped3A_70, %dma_start3A_133] : memref<80x125xi32, #tpu.memory_space<vmem>> -> memref<1x125xi32, #tpu.memory_space<vmem>>
      %dma_start3A_135 = tpu.memref_squeeze %dma_start3A_134 : memref<1x125xi32, #tpu.memory_space<vmem>> -> memref<125xi32, #tpu.memory_space<vmem>>
      %dma_start3A_136 = arith.constant 0 : i32
      %dma_start3A_137 = arith.constant 0 : i32
      %dma_start3A_138 = tpu.memref_slice %arg15[%dma_start3A_136, %dma_start3A_137] : memref<10240x40xf32, #tpu.memory_space<vmem_shared>> -> memref<10240x40xf32, #tpu.memory_space<vmem_shared>>
      tpu.enqueue_indirect_dma source(%arg7 : memref<125x40xf32, #tpu.memory_space<vmem>>) target(%dma_start3A_138 : memref<10240x40xf32, #tpu.memory_space<vmem_shared>>) offsets(%dma_start3A_135 : memref<125xi32, #tpu.memory_space<vmem>>) semaphore(%run_scoped3A_132 : memref<!tpu.dma_semaphore, #tpu.memory_space<semaphore_mem>>) {add = true}
      %dma_wait3A_139 = arith.constant 0 : i32
      %dma_wait3A_140 = tpu.memref_slice %arg6[%run_scoped3A_70, %dma_wait3A_139] : memref<80x125xi32, #tpu.memory_space<vmem>> -> memref<1x125xi32, #tpu.memory_space<vmem>>
      %dma_wait3A_141 = tpu.memref_squeeze %dma_wait3A_140 : memref<1x125xi32, #tpu.memory_space<vmem>> -> memref<125xi32, #tpu.memory_space<vmem>>
      %dma_wait3A_142 = arith.constant 0 : i32
      %dma_wait3A_143 = arith.constant 0 : i32
      %dma_wait3A_144 = tpu.memref_slice %arg15[%dma_wait3A_142, %dma_wait3A_143] : memref<10240x40xf32, #tpu.memory_space<vmem_shared>> -> memref<10240x40xf32, #tpu.memory_space<vmem_shared>>
      tpu.wait_indirect_dma semaphore(%run_scoped3A_132 : memref<!tpu.dma_semaphore, #tpu.memory_space<semaphore_mem>>) src(%arg7 : memref<125x40xf32, #tpu.memory_space<vmem>>) dst(%dma_wait3A_144 : memref<10240x40xf32, #tpu.memory_space<vmem_shared>>)
      tpu.yield
    }) : () -> ()
    %dma_wait3A_71 = arith.constant 73 : i32
    %dma_wait3A_72 = arith.constant 0 : i32
    %dma_wait3A_73 = tpu.memref_slice %arg5[%dma_wait3A_71, %dma_wait3A_72] : memref<80x125xi32, #tpu.memory_space<vmem>> -> memref<1x125xi32, #tpu.memory_space<vmem>>
    %dma_wait3A_74 = tpu.memref_squeeze %dma_wait3A_73 : memref<1x125xi32, #tpu.memory_space<vmem>> -> memref<125xi32, #tpu.memory_space<vmem>>
    %dma_wait3A_75 = arith.constant 0 : i32
    %dma_wait3A_76 = arith.constant 0 : i32
    %dma_wait3A_77 = tpu.memref_slice %arg3[%dma_wait3A_75, %dma_wait3A_76] : memref<10240x40xf32, #tpu.memory_space<hbm>> -> memref<10240x40xf32, #tpu.memory_space<hbm>>
    tpu.wait_indirect_dma semaphore(%arg17 : memref<!tpu.dma_semaphore, #tpu.memory_space<semaphore_mem>>) src(%dma_wait3A_77 : memref<10240x40xf32, #tpu.memory_space<hbm>>) dst(%arg8 : memref<125x40xf32, #tpu.memory_space<vmem>>)
    %run_scoped3A_78 = arith.constant 73 : i32
    "tpu.region"() ({
      %run_scoped3A_132 = tpu.sem_alloc : memref<!tpu.dma_semaphore, #tpu.memory_space<semaphore_mem>>
      %dma_start3A_133 = arith.constant 0 : i32
      %dma_start3A_134 = tpu.memref_slice %arg6[%run_scoped3A_78, %dma_start3A_133] : memref<80x125xi32, #tpu.memory_space<vmem>> -> memref<1x125xi32, #tpu.memory_space<vmem>>
      %dma_start3A_135 = tpu.memref_squeeze %dma_start3A_134 : memref<1x125xi32, #tpu.memory_space<vmem>> -> memref<125xi32, #tpu.memory_space<vmem>>
      %dma_start3A_136 = arith.constant 0 : i32
      %dma_start3A_137 = arith.constant 0 : i32
      %dma_start3A_138 = tpu.memref_slice %arg15[%dma_start3A_136, %dma_start3A_137] : memref<10240x40xf32, #tpu.memory_space<vmem_shared>> -> memref<10240x40xf32, #tpu.memory_space<vmem_shared>>
      tpu.enqueue_indirect_dma source(%arg8 : memref<125x40xf32, #tpu.memory_space<vmem>>) target(%dma_start3A_138 : memref<10240x40xf32, #tpu.memory_space<vmem_shared>>) offsets(%dma_start3A_135 : memref<125xi32, #tpu.memory_space<vmem>>) semaphore(%run_scoped3A_132 : memref<!tpu.dma_semaphore, #tpu.memory_space<semaphore_mem>>) {add = true}
      %dma_wait3A_139 = arith.constant 0 : i32
      %dma_wait3A_140 = tpu.memref_slice %arg6[%run_scoped3A_78, %dma_wait3A_139] : memref<80x125xi32, #tpu.memory_space<vmem>> -> memref<1x125xi32, #tpu.memory_space<vmem>>
      %dma_wait3A_141 = tpu.memref_squeeze %dma_wait3A_140 : memref<1x125xi32, #tpu.memory_space<vmem>> -> memref<125xi32, #tpu.memory_space<vmem>>
      %dma_wait3A_142 = arith.constant 0 : i32
      %dma_wait3A_143 = arith.constant 0 : i32
      %dma_wait3A_144 = tpu.memref_slice %arg15[%dma_wait3A_142, %dma_wait3A_143] : memref<10240x40xf32, #tpu.memory_space<vmem_shared>> -> memref<10240x40xf32, #tpu.memory_space<vmem_shared>>
      tpu.wait_indirect_dma semaphore(%run_scoped3A_132 : memref<!tpu.dma_semaphore, #tpu.memory_space<semaphore_mem>>) src(%arg8 : memref<125x40xf32, #tpu.memory_space<vmem>>) dst(%dma_wait3A_144 : memref<10240x40xf32, #tpu.memory_space<vmem_shared>>)
      tpu.yield
    }) : () -> ()
    %dma_wait3A_79 = arith.constant 74 : i32
    %dma_wait3A_80 = arith.constant 0 : i32
    %dma_wait3A_81 = tpu.memref_slice %arg5[%dma_wait3A_79, %dma_wait3A_80] : memref<80x125xi32, #tpu.memory_space<vmem>> -> memref<1x125xi32, #tpu.memory_space<vmem>>
    %dma_wait3A_82 = tpu.memref_squeeze %dma_wait3A_81 : memref<1x125xi32, #tpu.memory_space<vmem>> -> memref<125xi32, #tpu.memory_space<vmem>>
    %dma_wait3A_83 = arith.constant 0 : i32
    %dma_wait3A_84 = arith.constant 0 : i32
    %dma_wait3A_85 = tpu.memref_slice %arg3[%dma_wait3A_83, %dma_wait3A_84] : memref<10240x40xf32, #tpu.memory_space<hbm>> -> memref<10240x40xf32, #tpu.memory_space<hbm>>
    tpu.wait_indirect_dma semaphore(%arg18 : memref<!tpu.dma_semaphore, #tpu.memory_space<semaphore_mem>>) src(%dma_wait3A_85 : memref<10240x40xf32, #tpu.memory_space<hbm>>) dst(%arg9 : memref<125x40xf32, #tpu.memory_space<vmem>>)
    %run_scoped3A_86 = arith.constant 74 : i32
    "tpu.region"() ({
      %run_scoped3A_132 = tpu.sem_alloc : memref<!tpu.dma_semaphore, #tpu.memory_space<semaphore_mem>>
      %dma_start3A_133 = arith.constant 0 : i32
      %dma_start3A_134 = tpu.memref_slice %arg6[%run_scoped3A_86, %dma_start3A_133] : memref<80x125xi32, #tpu.memory_space<vmem>> -> memref<1x125xi32, #tpu.memory_space<vmem>>
      %dma_start3A_135 = tpu.memref_squeeze %dma_start3A_134 : memref<1x125xi32, #tpu.memory_space<vmem>> -> memref<125xi32, #tpu.memory_space<vmem>>
      %dma_start3A_136 = arith.constant 0 : i32
      %dma_start3A_137 = arith.constant 0 : i32
      %dma_start3A_138 = tpu.memref_slice %arg15[%dma_start3A_136, %dma_start3A_137] : memref<10240x40xf32, #tpu.memory_space<vmem_shared>> -> memref<10240x40xf32, #tpu.memory_space<vmem_shared>>
      tpu.enqueue_indirect_dma source(%arg9 : memref<125x40xf32, #tpu.memory_space<vmem>>) target(%dma_start3A_138 : memref<10240x40xf32, #tpu.memory_space<vmem_shared>>) offsets(%dma_start3A_135 : memref<125xi32, #tpu.memory_space<vmem>>) semaphore(%run_scoped3A_132 : memref<!tpu.dma_semaphore, #tpu.memory_space<semaphore_mem>>) {add = true}
      %dma_wait3A_139 = arith.constant 0 : i32
      %dma_wait3A_140 = tpu.memref_slice %arg6[%run_scoped3A_86, %dma_wait3A_139] : memref<80x125xi32, #tpu.memory_space<vmem>> -> memref<1x125xi32, #tpu.memory_space<vmem>>
      %dma_wait3A_141 = tpu.memref_squeeze %dma_wait3A_140 : memref<1x125xi32, #tpu.memory_space<vmem>> -> memref<125xi32, #tpu.memory_space<vmem>>
      %dma_wait3A_142 = arith.constant 0 : i32
      %dma_wait3A_143 = arith.constant 0 : i32
      %dma_wait3A_144 = tpu.memref_slice %arg15[%dma_wait3A_142, %dma_wait3A_143] : memref<10240x40xf32, #tpu.memory_space<vmem_shared>> -> memref<10240x40xf32, #tpu.memory_space<vmem_shared>>
      tpu.wait_indirect_dma semaphore(%run_scoped3A_132 : memref<!tpu.dma_semaphore, #tpu.memory_space<semaphore_mem>>) src(%arg9 : memref<125x40xf32, #tpu.memory_space<vmem>>) dst(%dma_wait3A_144 : memref<10240x40xf32, #tpu.memory_space<vmem_shared>>)
      tpu.yield
    }) : () -> ()
    %dma_wait3A_87 = arith.constant 75 : i32
    %dma_wait3A_88 = arith.constant 0 : i32
    %dma_wait3A_89 = tpu.memref_slice %arg5[%dma_wait3A_87, %dma_wait3A_88] : memref<80x125xi32, #tpu.memory_space<vmem>> -> memref<1x125xi32, #tpu.memory_space<vmem>>
    %dma_wait3A_90 = tpu.memref_squeeze %dma_wait3A_89 : memref<1x125xi32, #tpu.memory_space<vmem>> -> memref<125xi32, #tpu.memory_space<vmem>>
    %dma_wait3A_91 = arith.constant 0 : i32
    %dma_wait3A_92 = arith.constant 0 : i32
    %dma_wait3A_93 = tpu.memref_slice %arg3[%dma_wait3A_91, %dma_wait3A_92] : memref<10240x40xf32, #tpu.memory_space<hbm>> -> memref<10240x40xf32, #tpu.memory_space<hbm>>
    tpu.wait_indirect_dma semaphore(%arg19 : memref<!tpu.dma_semaphore, #tpu.memory_space<semaphore_mem>>) src(%dma_wait3A_93 : memref<10240x40xf32, #tpu.memory_space<hbm>>) dst(%arg10 : memref<125x40xf32, #tpu.memory_space<vmem>>)
    %run_scoped3A_94 = arith.constant 75 : i32
    "tpu.region"() ({
      %run_scoped3A_132 = tpu.sem_alloc : memref<!tpu.dma_semaphore, #tpu.memory_space<semaphore_mem>>
      %dma_start3A_133 = arith.constant 0 : i32
      %dma_start3A_134 = tpu.memref_slice %arg6[%run_scoped3A_94, %dma_start3A_133] : memref<80x125xi32, #tpu.memory_space<vmem>> -> memref<1x125xi32, #tpu.memory_space<vmem>>
      %dma_start3A_135 = tpu.memref_squeeze %dma_start3A_134 : memref<1x125xi32, #tpu.memory_space<vmem>> -> memref<125xi32, #tpu.memory_space<vmem>>
      %dma_start3A_136 = arith.constant 0 : i32
      %dma_start3A_137 = arith.constant 0 : i32
      %dma_start3A_138 = tpu.memref_slice %arg15[%dma_start3A_136, %dma_start3A_137] : memref<10240x40xf32, #tpu.memory_space<vmem_shared>> -> memref<10240x40xf32, #tpu.memory_space<vmem_shared>>
      tpu.enqueue_indirect_dma source(%arg10 : memref<125x40xf32, #tpu.memory_space<vmem>>) target(%dma_start3A_138 : memref<10240x40xf32, #tpu.memory_space<vmem_shared>>) offsets(%dma_start3A_135 : memref<125xi32, #tpu.memory_space<vmem>>) semaphore(%run_scoped3A_132 : memref<!tpu.dma_semaphore, #tpu.memory_space<semaphore_mem>>) {add = true}
      %dma_wait3A_139 = arith.constant 0 : i32
      %dma_wait3A_140 = tpu.memref_slice %arg6[%run_scoped3A_94, %dma_wait3A_139] : memref<80x125xi32, #tpu.memory_space<vmem>> -> memref<1x125xi32, #tpu.memory_space<vmem>>
      %dma_wait3A_141 = tpu.memref_squeeze %dma_wait3A_140 : memref<1x125xi32, #tpu.memory_space<vmem>> -> memref<125xi32, #tpu.memory_space<vmem>>
      %dma_wait3A_142 = arith.constant 0 : i32
      %dma_wait3A_143 = arith.constant 0 : i32
      %dma_wait3A_144 = tpu.memref_slice %arg15[%dma_wait3A_142, %dma_wait3A_143] : memref<10240x40xf32, #tpu.memory_space<vmem_shared>> -> memref<10240x40xf32, #tpu.memory_space<vmem_shared>>
      tpu.wait_indirect_dma semaphore(%run_scoped3A_132 : memref<!tpu.dma_semaphore, #tpu.memory_space<semaphore_mem>>) src(%arg10 : memref<125x40xf32, #tpu.memory_space<vmem>>) dst(%dma_wait3A_144 : memref<10240x40xf32, #tpu.memory_space<vmem_shared>>)
      tpu.yield
    }) : () -> ()
    %dma_wait3A_95 = arith.constant 76 : i32
    %dma_wait3A_96 = arith.constant 0 : i32
    %dma_wait3A_97 = tpu.memref_slice %arg5[%dma_wait3A_95, %dma_wait3A_96] : memref<80x125xi32, #tpu.memory_space<vmem>> -> memref<1x125xi32, #tpu.memory_space<vmem>>
    %dma_wait3A_98 = tpu.memref_squeeze %dma_wait3A_97 : memref<1x125xi32, #tpu.memory_space<vmem>> -> memref<125xi32, #tpu.memory_space<vmem>>
    %dma_wait3A_99 = arith.constant 0 : i32
    %dma_wait3A_100 = arith.constant 0 : i32
    %dma_wait3A_101 = tpu.memref_slice %arg3[%dma_wait3A_99, %dma_wait3A_100] : memref<10240x40xf32, #tpu.memory_space<hbm>> -> memref<10240x40xf32, #tpu.memory_space<hbm>>
    tpu.wait_indirect_dma semaphore(%arg20 : memref<!tpu.dma_semaphore, #tpu.memory_space<semaphore_mem>>) src(%dma_wait3A_101 : memref<10240x40xf32, #tpu.memory_space<hbm>>) dst(%arg11 : memref<125x40xf32, #tpu.memory_space<vmem>>)
    %run_scoped3A_102 = arith.constant 76 : i32
    "tpu.region"() ({
      %run_scoped3A_132 = tpu.sem_alloc : memref<!tpu.dma_semaphore, #tpu.memory_space<semaphore_mem>>
      %dma_start3A_133 = arith.constant 0 : i32
      %dma_start3A_134 = tpu.memref_slice %arg6[%run_scoped3A_102, %dma_start3A_133] : memref<80x125xi32, #tpu.memory_space<vmem>> -> memref<1x125xi32, #tpu.memory_space<vmem>>
      %dma_start3A_135 = tpu.memref_squeeze %dma_start3A_134 : memref<1x125xi32, #tpu.memory_space<vmem>> -> memref<125xi32, #tpu.memory_space<vmem>>
      %dma_start3A_136 = arith.constant 0 : i32
      %dma_start3A_137 = arith.constant 0 : i32
      %dma_start3A_138 = tpu.memref_slice %arg15[%dma_start3A_136, %dma_start3A_137] : memref<10240x40xf32, #tpu.memory_space<vmem_shared>> -> memref<10240x40xf32, #tpu.memory_space<vmem_shared>>
      tpu.enqueue_indirect_dma source(%arg11 : memref<125x40xf32, #tpu.memory_space<vmem>>) target(%dma_start3A_138 : memref<10240x40xf32, #tpu.memory_space<vmem_shared>>) offsets(%dma_start3A_135 : memref<125xi32, #tpu.memory_space<vmem>>) semaphore(%run_scoped3A_132 : memref<!tpu.dma_semaphore, #tpu.memory_space<semaphore_mem>>) {add = true}
      %dma_wait3A_139 = arith.constant 0 : i32
      %dma_wait3A_140 = tpu.memref_slice %arg6[%run_scoped3A_102, %dma_wait3A_139] : memref<80x125xi32, #tpu.memory_space<vmem>> -> memref<1x125xi32, #tpu.memory_space<vmem>>
      %dma_wait3A_141 = tpu.memref_squeeze %dma_wait3A_140 : memref<1x125xi32, #tpu.memory_space<vmem>> -> memref<125xi32, #tpu.memory_space<vmem>>
      %dma_wait3A_142 = arith.constant 0 : i32
      %dma_wait3A_143 = arith.constant 0 : i32
      %dma_wait3A_144 = tpu.memref_slice %arg15[%dma_wait3A_142, %dma_wait3A_143] : memref<10240x40xf32, #tpu.memory_space<vmem_shared>> -> memref<10240x40xf32, #tpu.memory_space<vmem_shared>>
      tpu.wait_indirect_dma semaphore(%run_scoped3A_132 : memref<!tpu.dma_semaphore, #tpu.memory_space<semaphore_mem>>) src(%arg11 : memref<125x40xf32, #tpu.memory_space<vmem>>) dst(%dma_wait3A_144 : memref<10240x40xf32, #tpu.memory_space<vmem_shared>>)
      tpu.yield
    }) : () -> ()
    %dma_wait3A_103 = arith.constant 77 : i32
    %dma_wait3A_104 = arith.constant 0 : i32
    %dma_wait3A_105 = tpu.memref_slice %arg5[%dma_wait3A_103, %dma_wait3A_104] : memref<80x125xi32, #tpu.memory_space<vmem>> -> memref<1x125xi32, #tpu.memory_space<vmem>>
    %dma_wait3A_106 = tpu.memref_squeeze %dma_wait3A_105 : memref<1x125xi32, #tpu.memory_space<vmem>> -> memref<125xi32, #tpu.memory_space<vmem>>
    %dma_wait3A_107 = arith.constant 0 : i32
    %dma_wait3A_108 = arith.constant 0 : i32
    %dma_wait3A_109 = tpu.memref_slice %arg3[%dma_wait3A_107, %dma_wait3A_108] : memref<10240x40xf32, #tpu.memory_space<hbm>> -> memref<10240x40xf32, #tpu.memory_space<hbm>>
    tpu.wait_indirect_dma semaphore(%arg21 : memref<!tpu.dma_semaphore, #tpu.memory_space<semaphore_mem>>) src(%dma_wait3A_109 : memref<10240x40xf32, #tpu.memory_space<hbm>>) dst(%arg12 : memref<125x40xf32, #tpu.memory_space<vmem>>)
    %run_scoped3A_110 = arith.constant 77 : i32
    "tpu.region"() ({
      %run_scoped3A_132 = tpu.sem_alloc : memref<!tpu.dma_semaphore, #tpu.memory_space<semaphore_mem>>
      %dma_start3A_133 = arith.constant 0 : i32
      %dma_start3A_134 = tpu.memref_slice %arg6[%run_scoped3A_110, %dma_start3A_133] : memref<80x125xi32, #tpu.memory_space<vmem>> -> memref<1x125xi32, #tpu.memory_space<vmem>>
      %dma_start3A_135 = tpu.memref_squeeze %dma_start3A_134 : memref<1x125xi32, #tpu.memory_space<vmem>> -> memref<125xi32, #tpu.memory_space<vmem>>
      %dma_start3A_136 = arith.constant 0 : i32
      %dma_start3A_137 = arith.constant 0 : i32
      %dma_start3A_138 = tpu.memref_slice %arg15[%dma_start3A_136, %dma_start3A_137] : memref<10240x40xf32, #tpu.memory_space<vmem_shared>> -> memref<10240x40xf32, #tpu.memory_space<vmem_shared>>
      tpu.enqueue_indirect_dma source(%arg12 : memref<125x40xf32, #tpu.memory_space<vmem>>) target(%dma_start3A_138 : memref<10240x40xf32, #tpu.memory_space<vmem_shared>>) offsets(%dma_start3A_135 : memref<125xi32, #tpu.memory_space<vmem>>) semaphore(%run_scoped3A_132 : memref<!tpu.dma_semaphore, #tpu.memory_space<semaphore_mem>>) {add = true}
      %dma_wait3A_139 = arith.constant 0 : i32
      %dma_wait3A_140 = tpu.memref_slice %arg6[%run_scoped3A_110, %dma_wait3A_139] : memref<80x125xi32, #tpu.memory_space<vmem>> -> memref<1x125xi32, #tpu.memory_space<vmem>>
      %dma_wait3A_141 = tpu.memref_squeeze %dma_wait3A_140 : memref<1x125xi32, #tpu.memory_space<vmem>> -> memref<125xi32, #tpu.memory_space<vmem>>
      %dma_wait3A_142 = arith.constant 0 : i32
      %dma_wait3A_143 = arith.constant 0 : i32
      %dma_wait3A_144 = tpu.memref_slice %arg15[%dma_wait3A_142, %dma_wait3A_143] : memref<10240x40xf32, #tpu.memory_space<vmem_shared>> -> memref<10240x40xf32, #tpu.memory_space<vmem_shared>>
      tpu.wait_indirect_dma semaphore(%run_scoped3A_132 : memref<!tpu.dma_semaphore, #tpu.memory_space<semaphore_mem>>) src(%arg12 : memref<125x40xf32, #tpu.memory_space<vmem>>) dst(%dma_wait3A_144 : memref<10240x40xf32, #tpu.memory_space<vmem_shared>>)
      tpu.yield
    }) : () -> ()
    %dma_wait3A_111 = arith.constant 78 : i32
    %dma_wait3A_112 = arith.constant 0 : i32
    %dma_wait3A_113 = tpu.memref_slice %arg5[%dma_wait3A_111, %dma_wait3A_112] : memref<80x125xi32, #tpu.memory_space<vmem>> -> memref<1x125xi32, #tpu.memory_space<vmem>>
    %dma_wait3A_114 = tpu.memref_squeeze %dma_wait3A_113 : memref<1x125xi32, #tpu.memory_space<vmem>> -> memref<125xi32, #tpu.memory_space<vmem>>
    %dma_wait3A_115 = arith.constant 0 : i32
    %dma_wait3A_116 = arith.constant 0 : i32
    %dma_wait3A_117 = tpu.memref_slice %arg3[%dma_wait3A_115, %dma_wait3A_116] : memref<10240x40xf32, #tpu.memory_space<hbm>> -> memref<10240x40xf32, #tpu.memory_space<hbm>>
    tpu.wait_indirect_dma semaphore(%arg22 : memref<!tpu.dma_semaphore, #tpu.memory_space<semaphore_mem>>) src(%dma_wait3A_117 : memref<10240x40xf32, #tpu.memory_space<hbm>>) dst(%arg13 : memref<125x40xf32, #tpu.memory_space<vmem>>)
    %run_scoped3A_118 = arith.constant 78 : i32
    "tpu.region"() ({
      %run_scoped3A_132 = tpu.sem_alloc : memref<!tpu.dma_semaphore, #tpu.memory_space<semaphore_mem>>
      %dma_start3A_133 = arith.constant 0 : i32
      %dma_start3A_134 = tpu.memref_slice %arg6[%run_scoped3A_118, %dma_start3A_133] : memref<80x125xi32, #tpu.memory_space<vmem>> -> memref<1x125xi32, #tpu.memory_space<vmem>>
      %dma_start3A_135 = tpu.memref_squeeze %dma_start3A_134 : memref<1x125xi32, #tpu.memory_space<vmem>> -> memref<125xi32, #tpu.memory_space<vmem>>
      %dma_start3A_136 = arith.constant 0 : i32
      %dma_start3A_137 = arith.constant 0 : i32
      %dma_start3A_138 = tpu.memref_slice %arg15[%dma_start3A_136, %dma_start3A_137] : memref<10240x40xf32, #tpu.memory_space<vmem_shared>> -> memref<10240x40xf32, #tpu.memory_space<vmem_shared>>
      tpu.enqueue_indirect_dma source(%arg13 : memref<125x40xf32, #tpu.memory_space<vmem>>) target(%dma_start3A_138 : memref<10240x40xf32, #tpu.memory_space<vmem_shared>>) offsets(%dma_start3A_135 : memref<125xi32, #tpu.memory_space<vmem>>) semaphore(%run_scoped3A_132 : memref<!tpu.dma_semaphore, #tpu.memory_space<semaphore_mem>>) {add = true}
      %dma_wait3A_139 = arith.constant 0 : i32
      %dma_wait3A_140 = tpu.memref_slice %arg6[%run_scoped3A_118, %dma_wait3A_139] : memref<80x125xi32, #tpu.memory_space<vmem>> -> memref<1x125xi32, #tpu.memory_space<vmem>>
      %dma_wait3A_141 = tpu.memref_squeeze %dma_wait3A_140 : memref<1x125xi32, #tpu.memory_space<vmem>> -> memref<125xi32, #tpu.memory_space<vmem>>
      %dma_wait3A_142 = arith.constant 0 : i32
      %dma_wait3A_143 = arith.constant 0 : i32
      %dma_wait3A_144 = tpu.memref_slice %arg15[%dma_wait3A_142, %dma_wait3A_143] : memref<10240x40xf32, #tpu.memory_space<vmem_shared>> -> memref<10240x40xf32, #tpu.memory_space<vmem_shared>>
      tpu.wait_indirect_dma semaphore(%run_scoped3A_132 : memref<!tpu.dma_semaphore, #tpu.memory_space<semaphore_mem>>) src(%arg13 : memref<125x40xf32, #tpu.memory_space<vmem>>) dst(%dma_wait3A_144 : memref<10240x40xf32, #tpu.memory_space<vmem_shared>>)
      tpu.yield
    }) : () -> ()
    %dma_wait3A_119 = arith.constant 79 : i32
    %dma_wait3A_120 = arith.constant 0 : i32
    %dma_wait3A_121 = tpu.memref_slice %arg5[%dma_wait3A_119, %dma_wait3A_120] : memref<80x125xi32, #tpu.memory_space<vmem>> -> memref<1x125xi32, #tpu.memory_space<vmem>>
    %dma_wait3A_122 = tpu.memref_squeeze %dma_wait3A_121 : memref<1x125xi32, #tpu.memory_space<vmem>> -> memref<125xi32, #tpu.memory_space<vmem>>
    %dma_wait3A_123 = arith.constant 0 : i32
    %dma_wait3A_124 = arith.constant 0 : i32
    %dma_wait3A_125 = tpu.memref_slice %arg3[%dma_wait3A_123, %dma_wait3A_124] : memref<10240x40xf32, #tpu.memory_space<hbm>> -> memref<10240x40xf32, #tpu.memory_space<hbm>>
    tpu.wait_indirect_dma semaphore(%arg23 : memref<!tpu.dma_semaphore, #tpu.memory_space<semaphore_mem>>) src(%dma_wait3A_125 : memref<10240x40xf32, #tpu.memory_space<hbm>>) dst(%arg14 : memref<125x40xf32, #tpu.memory_space<vmem>>)
    %run_scoped3A_126 = arith.constant 79 : i32
    "tpu.region"() ({
      %run_scoped3A_132 = tpu.sem_alloc : memref<!tpu.dma_semaphore, #tpu.memory_space<semaphore_mem>>
      %dma_start3A_133 = arith.constant 0 : i32
      %dma_start3A_134 = tpu.memref_slice %arg6[%run_scoped3A_126, %dma_start3A_133] : memref<80x125xi32, #tpu.memory_space<vmem>> -> memref<1x125xi32, #tpu.memory_space<vmem>>
      %dma_start3A_135 = tpu.memref_squeeze %dma_start3A_134 : memref<1x125xi32, #tpu.memory_space<vmem>> -> memref<125xi32, #tpu.memory_space<vmem>>
      %dma_start3A_136 = arith.constant 0 : i32
      %dma_start3A_137 = arith.constant 0 : i32
      %dma_start3A_138 = tpu.memref_slice %arg15[%dma_start3A_136, %dma_start3A_137] : memref<10240x40xf32, #tpu.memory_space<vmem_shared>> -> memref<10240x40xf32, #tpu.memory_space<vmem_shared>>
      tpu.enqueue_indirect_dma source(%arg14 : memref<125x40xf32, #tpu.memory_space<vmem>>) target(%dma_start3A_138 : memref<10240x40xf32, #tpu.memory_space<vmem_shared>>) offsets(%dma_start3A_135 : memref<125xi32, #tpu.memory_space<vmem>>) semaphore(%run_scoped3A_132 : memref<!tpu.dma_semaphore, #tpu.memory_space<semaphore_mem>>) {add = true}
      %dma_wait3A_139 = arith.constant 0 : i32
      %dma_wait3A_140 = tpu.memref_slice %arg6[%run_scoped3A_126, %dma_wait3A_139] : memref<80x125xi32, #tpu.memory_space<vmem>> -> memref<1x125xi32, #tpu.memory_space<vmem>>
      %dma_wait3A_141 = tpu.memref_squeeze %dma_wait3A_140 : memref<1x125xi32, #tpu.memory_space<vmem>> -> memref<125xi32, #tpu.memory_space<vmem>>
      %dma_wait3A_142 = arith.constant 0 : i32
      %dma_wait3A_143 = arith.constant 0 : i32
      %dma_wait3A_144 = tpu.memref_slice %arg15[%dma_wait3A_142, %dma_wait3A_143] : memref<10240x40xf32, #tpu.memory_space<vmem_shared>> -> memref<10240x40xf32, #tpu.memory_space<vmem_shared>>
      tpu.wait_indirect_dma semaphore(%run_scoped3A_132 : memref<!tpu.dma_semaphore, #tpu.memory_space<semaphore_mem>>) src(%arg14 : memref<125x40xf32, #tpu.memory_space<vmem>>) dst(%dma_wait3A_144 : memref<10240x40xf32, #tpu.memory_space<vmem_shared>>)
      tpu.yield
    }) : () -> ()
    %barrier3A_127 = arith.constant 0 : index
    tpu.barrier barrier_id(%barrier3A_127)
    %mul3A_128 = arith.constant 640 : i32
    %mul3A_129 = arith.muli %arg1, %mul3A_128 : i32
    %mul3A_130 = arith.constant 640 : i32
    %mul3A_131 = arith.muli %arg1, %mul3A_130 : i32
    "tpu.region"() ({
      %run_scoped3A_132 = tpu.sem_alloc : memref<!tpu.dma_semaphore, #tpu.memory_space<semaphore_mem>>
      %dma_start3A_133 = arith.constant 0 : i32
      %dma_start3A_134 = tpu.memref_slice %arg4[%arg0, %mul3A_131, %dma_start3A_133] : memref<2x10240x40xf32, #tpu.memory_space<hbm>> -> memref<1x640x40xf32, #tpu.memory_space<hbm>>
      %dma_start3A_135 = tpu.memref_squeeze %dma_start3A_134 : memref<1x640x40xf32, #tpu.memory_space<hbm>> -> memref<640x40xf32, #tpu.memory_space<hbm>>
      %dma_start3A_136 = arith.constant 0 : i32
      %dma_start3A_137 = tpu.memref_slice %arg15[%mul3A_129, %dma_start3A_136] : memref<10240x40xf32, #tpu.memory_space<vmem_shared>> -> memref<640x40xf32, #tpu.memory_space<vmem_shared>>
      tpu.enqueue_dma source(%dma_start3A_137 : memref<640x40xf32, #tpu.memory_space<vmem_shared>>) target(%dma_start3A_135 : memref<640x40xf32, #tpu.memory_space<hbm>>) target_semaphore(%run_scoped3A_132 : memref<!tpu.dma_semaphore, #tpu.memory_space<semaphore_mem>>)
      %dma_wait3A_138 = arith.constant 0 : i32
      %dma_wait3A_139 = tpu.memref_slice %arg4[%arg0, %mul3A_131, %dma_wait3A_138] : memref<2x10240x40xf32, #tpu.memory_space<hbm>> -> memref<1x640x40xf32, #tpu.memory_space<hbm>>
      %dma_wait3A_140 = tpu.memref_squeeze %dma_wait3A_139 : memref<1x640x40xf32, #tpu.memory_space<hbm>> -> memref<640x40xf32, #tpu.memory_space<hbm>>
      %dma_wait3A_141 = arith.constant 0 : i32
      %dma_wait3A_142 = tpu.memref_slice %arg15[%mul3A_129, %dma_wait3A_141] : memref<10240x40xf32, #tpu.memory_space<vmem_shared>> -> memref<640x40xf32, #tpu.memory_space<vmem_shared>>
      tpu.wait_dma2 semaphore(%run_scoped3A_132 : memref<!tpu.dma_semaphore, #tpu.memory_space<semaphore_mem>>) src(%dma_wait3A_142 : memref<640x40xf32, #tpu.memory_space<vmem_shared>>) dst(%dma_wait3A_140 : memref<640x40xf32, #tpu.memory_space<hbm>>)
      tpu.yield
    }) : () -> ()
    return
  }
}

#map = affine_map<(d0, d1) -> (0, 0, 0, 0, 0)>
#map1 = affine_map<(d0, d1) -> (0, 0, 0)>
module attributes {stable_mosaic.version = 14 : i64} {
  func.func @_hist(%arg0: i32, %arg1: i32, %arg2: memref<2x2x16x80x125xi32, #tpu.memory_space<hbm>>, %arg3: memref<2x10240x16xf32, #tpu.memory_space<hbm>>, %arg4: memref<80x125xi32, #tpu.memory_space<vmem>>, %arg5: memref<128x16xf32, #tpu.memory_space<vmem>>, %arg6: memref<10240x16xf32, #tpu.memory_space<vmem_shared>>) attributes {dimension_semantics = [#tpu.dimension_semantics<core_parallel>, #tpu.dimension_semantics<subcore_parallel>], iteration_bounds = array<i64: 2, 16>, scalar_prefetch = 0 : i64, scratch_operands = 3 : i64, tpu.core_type = #tpu.core_type<sc_vector_subcore>, window_params = [{transform_indices = #map}, {transform_indices = #map1}]} {
    %run_scoped3A = arith.constant 1 : i32
    "tpu.region"() ({
      %run_scoped3A_34 = tpu.sem_alloc : memref<!tpu.dma_semaphore, #tpu.memory_space<semaphore_mem>>
      %dma_start3A = arith.constant 0 : i32
      %dma_start3A_35 = arith.constant 0 : i32
      %dma_start3A_36 = tpu.memref_slice %arg2[%run_scoped3A, %arg0, %arg1, %dma_start3A, %dma_start3A_35] : memref<2x2x16x80x125xi32, #tpu.memory_space<hbm>> -> memref<1x1x1x80x125xi32, #tpu.memory_space<hbm>>
      %dma_start3A_37 = tpu.memref_squeeze %dma_start3A_36 : memref<1x1x1x80x125xi32, #tpu.memory_space<hbm>> -> memref<80x125xi32, #tpu.memory_space<hbm>>
      %dma_start3A_38 = arith.constant 0 : i32
      %dma_start3A_39 = arith.constant 0 : i32
      %dma_start3A_40 = tpu.memref_slice %arg2[%run_scoped3A, %arg0, %arg1, %dma_start3A_38, %dma_start3A_39] : memref<2x2x16x80x125xi32, #tpu.memory_space<hbm>> -> memref<1x1x1x80x125xi32, #tpu.memory_space<hbm>>
      %dma_start3A_41 = tpu.memref_squeeze %dma_start3A_40 : memref<1x1x1x80x125xi32, #tpu.memory_space<hbm>> -> memref<80x125xi32, #tpu.memory_space<hbm>>
      tpu.enqueue_dma source(%dma_start3A_41 : memref<80x125xi32, #tpu.memory_space<hbm>>) target(%arg4 : memref<80x125xi32, #tpu.memory_space<vmem>>) target_semaphore(%run_scoped3A_34 : memref<!tpu.dma_semaphore, #tpu.memory_space<semaphore_mem>>)
      %dma_wait3A = arith.constant 0 : i32
      %dma_wait3A_42 = arith.constant 0 : i32
      %dma_wait3A_43 = tpu.memref_slice %arg2[%run_scoped3A, %arg0, %arg1, %dma_wait3A, %dma_wait3A_42] : memref<2x2x16x80x125xi32, #tpu.memory_space<hbm>> -> memref<1x1x1x80x125xi32, #tpu.memory_space<hbm>>
      %dma_wait3A_44 = tpu.memref_squeeze %dma_wait3A_43 : memref<1x1x1x80x125xi32, #tpu.memory_space<hbm>> -> memref<80x125xi32, #tpu.memory_space<hbm>>
      %dma_wait3A_45 = arith.constant 0 : i32
      %dma_wait3A_46 = arith.constant 0 : i32
      %dma_wait3A_47 = tpu.memref_slice %arg2[%run_scoped3A, %arg0, %arg1, %dma_wait3A_45, %dma_wait3A_46] : memref<2x2x16x80x125xi32, #tpu.memory_space<hbm>> -> memref<1x1x1x80x125xi32, #tpu.memory_space<hbm>>
      %dma_wait3A_48 = tpu.memref_squeeze %dma_wait3A_47 : memref<1x1x1x80x125xi32, #tpu.memory_space<hbm>> -> memref<80x125xi32, #tpu.memory_space<hbm>>
      tpu.wait_dma2 semaphore(%run_scoped3A_34 : memref<!tpu.dma_semaphore, #tpu.memory_space<semaphore_mem>>) src(%dma_wait3A_48 : memref<80x125xi32, #tpu.memory_space<hbm>>) dst(%arg4 : memref<80x125xi32, #tpu.memory_space<vmem>>)
      tpu.yield
    }) : () -> ()
    %scan3A = arith.constant 0 : i32
    %scan3A_0 = arith.constant 0 : i32
    %scan3A_1 = arith.constant 128 : i32
    %scan3A_2 = arith.addi %scan3A_0, %scan3A_1 : i32
    %scan3A_3 = arith.constant 1 : i32
    scf.for %scan3A_34 = %scan3A_0 to %scan3A_2 step %scan3A_3  : i32 {
      %broadcast_in_dim3A = arith.constant 1.000000e+00 : f32
      %broadcast_in_dim3A_35 = vector.broadcast %broadcast_in_dim3A : f32 to vector<16xf32>
      %swap3A = arith.index_cast %scan3A_34 : i32 to index
      %swap3A_36 = arith.constant 0 : index
      %swap3A_37 = tpu.vector_load %arg5[%swap3A, %swap3A_36] {strides = array<i32>} : memref<128x16xf32, #tpu.memory_space<vmem>>, vector<1x16xf32>,
      %swap3A_38 = vector.shape_cast %swap3A_37 : vector<1x16xf32> to vector<16xf32>
      %swap3A_39 = vector.shape_cast %broadcast_in_dim3A_35 : vector<16xf32> to vector<1x16xf32>
      tpu.vector_store %arg5[%swap3A, %swap3A_36], %swap3A_39 {strides = array<i32>} : memref<128x16xf32, #tpu.memory_space<vmem>>, vector<1x16xf32>,
    }
    %scan3A_4 = arith.constant 128 : i32
    %mul3A = arith.constant 640 : i32
    %mul3A_5 = arith.muli %arg1, %mul3A : i32
    %add3A = arith.constant 0 : i32
    %add3A_6 = arith.addi %mul3A_5, %add3A : i32
    "tpu.region"() ({
      %run_scoped3A_34 = tpu.sem_alloc : memref<!tpu.dma_semaphore, #tpu.memory_space<semaphore_mem>>
      %dma_start3A = arith.constant 0 : i32
      %dma_start3A_35 = tpu.memref_slice %arg6[%add3A_6, %dma_start3A] : memref<10240x16xf32, #tpu.memory_space<vmem_shared>> -> memref<128x16xf32, #tpu.memory_space<vmem_shared>>
      %dma_start3A_36 = arith.constant 0 : i32
      %dma_start3A_37 = tpu.memref_slice %arg6[%add3A_6, %dma_start3A_36] : memref<10240x16xf32, #tpu.memory_space<vmem_shared>> -> memref<128x16xf32, #tpu.memory_space<vmem_shared>>
      tpu.enqueue_dma source(%arg5 : memref<128x16xf32, #tpu.memory_space<vmem>>) target(%dma_start3A_37 : memref<128x16xf32, #tpu.memory_space<vmem_shared>>) target_semaphore(%run_scoped3A_34 : memref<!tpu.dma_semaphore, #tpu.memory_space<semaphore_mem>>)
      %dma_wait3A = arith.constant 0 : i32
      %dma_wait3A_38 = tpu.memref_slice %arg6[%add3A_6, %dma_wait3A] : memref<10240x16xf32, #tpu.memory_space<vmem_shared>> -> memref<128x16xf32, #tpu.memory_space<vmem_shared>>
      %dma_wait3A_39 = arith.constant 0 : i32
      %dma_wait3A_40 = tpu.memref_slice %arg6[%add3A_6, %dma_wait3A_39] : memref<10240x16xf32, #tpu.memory_space<vmem_shared>> -> memref<128x16xf32, #tpu.memory_space<vmem_shared>>
      tpu.wait_dma2 semaphore(%run_scoped3A_34 : memref<!tpu.dma_semaphore, #tpu.memory_space<semaphore_mem>>) src(%arg5 : memref<128x16xf32, #tpu.memory_space<vmem>>) dst(%dma_wait3A_40 : memref<128x16xf32, #tpu.memory_space<vmem_shared>>)
      tpu.yield
    }) : () -> ()
    %mul3A_7 = arith.constant 640 : i32
    %mul3A_8 = arith.muli %arg1, %mul3A_7 : i32
    %add3A_9 = arith.constant 128 : i32
    %add3A_10 = arith.addi %mul3A_8, %add3A_9 : i32
    "tpu.region"() ({
      %run_scoped3A_34 = tpu.sem_alloc : memref<!tpu.dma_semaphore, #tpu.memory_space<semaphore_mem>>
      %dma_start3A = arith.constant 0 : i32
      %dma_start3A_35 = tpu.memref_slice %arg6[%add3A_10, %dma_start3A] : memref<10240x16xf32, #tpu.memory_space<vmem_shared>> -> memref<128x16xf32, #tpu.memory_space<vmem_shared>>
      %dma_start3A_36 = arith.constant 0 : i32
      %dma_start3A_37 = tpu.memref_slice %arg6[%add3A_10, %dma_start3A_36] : memref<10240x16xf32, #tpu.memory_space<vmem_shared>> -> memref<128x16xf32, #tpu.memory_space<vmem_shared>>
      tpu.enqueue_dma source(%arg5 : memref<128x16xf32, #tpu.memory_space<vmem>>) target(%dma_start3A_37 : memref<128x16xf32, #tpu.memory_space<vmem_shared>>) target_semaphore(%run_scoped3A_34 : memref<!tpu.dma_semaphore, #tpu.memory_space<semaphore_mem>>)
      %dma_wait3A = arith.constant 0 : i32
      %dma_wait3A_38 = tpu.memref_slice %arg6[%add3A_10, %dma_wait3A] : memref<10240x16xf32, #tpu.memory_space<vmem_shared>> -> memref<128x16xf32, #tpu.memory_space<vmem_shared>>
      %dma_wait3A_39 = arith.constant 0 : i32
      %dma_wait3A_40 = tpu.memref_slice %arg6[%add3A_10, %dma_wait3A_39] : memref<10240x16xf32, #tpu.memory_space<vmem_shared>> -> memref<128x16xf32, #tpu.memory_space<vmem_shared>>
      tpu.wait_dma2 semaphore(%run_scoped3A_34 : memref<!tpu.dma_semaphore, #tpu.memory_space<semaphore_mem>>) src(%arg5 : memref<128x16xf32, #tpu.memory_space<vmem>>) dst(%dma_wait3A_40 : memref<128x16xf32, #tpu.memory_space<vmem_shared>>)
      tpu.yield
    }) : () -> ()
    %mul3A_11 = arith.constant 640 : i32
    %mul3A_12 = arith.muli %arg1, %mul3A_11 : i32
    %add3A_13 = arith.constant 256 : i32
    %add3A_14 = arith.addi %mul3A_12, %add3A_13 : i32
    "tpu.region"() ({
      %run_scoped3A_34 = tpu.sem_alloc : memref<!tpu.dma_semaphore, #tpu.memory_space<semaphore_mem>>
      %dma_start3A = arith.constant 0 : i32
      %dma_start3A_35 = tpu.memref_slice %arg6[%add3A_14, %dma_start3A] : memref<10240x16xf32, #tpu.memory_space<vmem_shared>> -> memref<128x16xf32, #tpu.memory_space<vmem_shared>>
      %dma_start3A_36 = arith.constant 0 : i32
      %dma_start3A_37 = tpu.memref_slice %arg6[%add3A_14, %dma_start3A_36] : memref<10240x16xf32, #tpu.memory_space<vmem_shared>> -> memref<128x16xf32, #tpu.memory_space<vmem_shared>>
      tpu.enqueue_dma source(%arg5 : memref<128x16xf32, #tpu.memory_space<vmem>>) target(%dma_start3A_37 : memref<128x16xf32, #tpu.memory_space<vmem_shared>>) target_semaphore(%run_scoped3A_34 : memref<!tpu.dma_semaphore, #tpu.memory_space<semaphore_mem>>)
      %dma_wait3A = arith.constant 0 : i32
      %dma_wait3A_38 = tpu.memref_slice %arg6[%add3A_14, %dma_wait3A] : memref<10240x16xf32, #tpu.memory_space<vmem_shared>> -> memref<128x16xf32, #tpu.memory_space<vmem_shared>>
      %dma_wait3A_39 = arith.constant 0 : i32
      %dma_wait3A_40 = tpu.memref_slice %arg6[%add3A_14, %dma_wait3A_39] : memref<10240x16xf32, #tpu.memory_space<vmem_shared>> -> memref<128x16xf32, #tpu.memory_space<vmem_shared>>
      tpu.wait_dma2 semaphore(%run_scoped3A_34 : memref<!tpu.dma_semaphore, #tpu.memory_space<semaphore_mem>>) src(%arg5 : memref<128x16xf32, #tpu.memory_space<vmem>>) dst(%dma_wait3A_40 : memref<128x16xf32, #tpu.memory_space<vmem_shared>>)
      tpu.yield
    }) : () -> ()
    %mul3A_15 = arith.constant 640 : i32
    %mul3A_16 = arith.muli %arg1, %mul3A_15 : i32
    %add3A_17 = arith.constant 384 : i32
    %add3A_18 = arith.addi %mul3A_16, %add3A_17 : i32
    "tpu.region"() ({
      %run_scoped3A_34 = tpu.sem_alloc : memref<!tpu.dma_semaphore, #tpu.memory_space<semaphore_mem>>
      %dma_start3A = arith.constant 0 : i32
      %dma_start3A_35 = tpu.memref_slice %arg6[%add3A_18, %dma_start3A] : memref<10240x16xf32, #tpu.memory_space<vmem_shared>> -> memref<128x16xf32, #tpu.memory_space<vmem_shared>>
      %dma_start3A_36 = arith.constant 0 : i32
      %dma_start3A_37 = tpu.memref_slice %arg6[%add3A_18, %dma_start3A_36] : memref<10240x16xf32, #tpu.memory_space<vmem_shared>> -> memref<128x16xf32, #tpu.memory_space<vmem_shared>>
      tpu.enqueue_dma source(%arg5 : memref<128x16xf32, #tpu.memory_space<vmem>>) target(%dma_start3A_37 : memref<128x16xf32, #tpu.memory_space<vmem_shared>>) target_semaphore(%run_scoped3A_34 : memref<!tpu.dma_semaphore, #tpu.memory_space<semaphore_mem>>)
      %dma_wait3A = arith.constant 0 : i32
      %dma_wait3A_38 = tpu.memref_slice %arg6[%add3A_18, %dma_wait3A] : memref<10240x16xf32, #tpu.memory_space<vmem_shared>> -> memref<128x16xf32, #tpu.memory_space<vmem_shared>>
      %dma_wait3A_39 = arith.constant 0 : i32
      %dma_wait3A_40 = tpu.memref_slice %arg6[%add3A_18, %dma_wait3A_39] : memref<10240x16xf32, #tpu.memory_space<vmem_shared>> -> memref<128x16xf32, #tpu.memory_space<vmem_shared>>
      tpu.wait_dma2 semaphore(%run_scoped3A_34 : memref<!tpu.dma_semaphore, #tpu.memory_space<semaphore_mem>>) src(%arg5 : memref<128x16xf32, #tpu.memory_space<vmem>>) dst(%dma_wait3A_40 : memref<128x16xf32, #tpu.memory_space<vmem_shared>>)
      tpu.yield
    }) : () -> ()
    %mul3A_19 = arith.constant 640 : i32
    %mul3A_20 = arith.muli %arg1, %mul3A_19 : i32
    %add3A_21 = arith.constant 512 : i32
    %add3A_22 = arith.addi %mul3A_20, %add3A_21 : i32
    "tpu.region"() ({
      %run_scoped3A_34 = tpu.sem_alloc : memref<!tpu.dma_semaphore, #tpu.memory_space<semaphore_mem>>
      %dma_start3A = arith.constant 0 : i32
      %dma_start3A_35 = tpu.memref_slice %arg6[%add3A_22, %dma_start3A] : memref<10240x16xf32, #tpu.memory_space<vmem_shared>> -> memref<128x16xf32, #tpu.memory_space<vmem_shared>>
      %dma_start3A_36 = arith.constant 0 : i32
      %dma_start3A_37 = tpu.memref_slice %arg6[%add3A_22, %dma_start3A_36] : memref<10240x16xf32, #tpu.memory_space<vmem_shared>> -> memref<128x16xf32, #tpu.memory_space<vmem_shared>>
      tpu.enqueue_dma source(%arg5 : memref<128x16xf32, #tpu.memory_space<vmem>>) target(%dma_start3A_37 : memref<128x16xf32, #tpu.memory_space<vmem_shared>>) target_semaphore(%run_scoped3A_34 : memref<!tpu.dma_semaphore, #tpu.memory_space<semaphore_mem>>)
      %dma_wait3A = arith.constant 0 : i32
      %dma_wait3A_38 = tpu.memref_slice %arg6[%add3A_22, %dma_wait3A] : memref<10240x16xf32, #tpu.memory_space<vmem_shared>> -> memref<128x16xf32, #tpu.memory_space<vmem_shared>>
      %dma_wait3A_39 = arith.constant 0 : i32
      %dma_wait3A_40 = tpu.memref_slice %arg6[%add3A_22, %dma_wait3A_39] : memref<10240x16xf32, #tpu.memory_space<vmem_shared>> -> memref<128x16xf32, #tpu.memory_space<vmem_shared>>
      tpu.wait_dma2 semaphore(%run_scoped3A_34 : memref<!tpu.dma_semaphore, #tpu.memory_space<semaphore_mem>>) src(%arg5 : memref<128x16xf32, #tpu.memory_space<vmem>>) dst(%dma_wait3A_40 : memref<128x16xf32, #tpu.memory_space<vmem_shared>>)
      tpu.yield
    }) : () -> ()
    %barrier3A = arith.constant 0 : index
    tpu.barrier barrier_id(%barrier3A)
    %scan3A_23 = arith.constant 0 : i32
    %scan3A_24 = arith.constant 0 : i32
    %scan3A_25 = arith.constant 80 : i32
    %scan3A_26 = arith.addi %scan3A_24, %scan3A_25 : i32
    %scan3A_27 = arith.constant 1 : i32
    scf.for %scan3A_34 = %scan3A_24 to %scan3A_26 step %scan3A_27  : i32 {
      "tpu.region"() ({
        %run_scoped3A_35 = tpu.sem_alloc : memref<!tpu.dma_semaphore, #tpu.memory_space<semaphore_mem>>
        %dma_start3A = arith.constant 0 : i32
        %dma_start3A_36 = arith.constant 0 : i32
        %dma_start3A_37 = tpu.memref_slice %arg5[%dma_start3A, %dma_start3A_36] : memref<128x16xf32, #tpu.memory_space<vmem>> -> memref<125x16xf32, #tpu.memory_space<vmem>>
        %dma_start3A_38 = arith.constant 0 : i32
        %dma_start3A_39 = tpu.memref_slice %arg4[%scan3A_34, %dma_start3A_38] : memref<80x125xi32, #tpu.memory_space<vmem>> -> memref<1x125xi32, #tpu.memory_space<vmem>>
        %dma_start3A_40 = tpu.memref_squeeze %dma_start3A_39 : memref<1x125xi32, #tpu.memory_space<vmem>> -> memref<125xi32, #tpu.memory_space<vmem>>
        %dma_start3A_41 = arith.constant 0 : i32
        %dma_start3A_42 = arith.constant 0 : i32
        %dma_start3A_43 = tpu.memref_slice %arg6[%dma_start3A_41, %dma_start3A_42] : memref<10240x16xf32, #tpu.memory_space<vmem_shared>> -> memref<10240x16xf32, #tpu.memory_space<vmem_shared>>
        tpu.enqueue_indirect_dma source(%dma_start3A_37 : memref<125x16xf32, #tpu.memory_space<vmem>>) target(%dma_start3A_43 : memref<10240x16xf32, #tpu.memory_space<vmem_shared>>) offsets(%dma_start3A_40 : memref<125xi32, #tpu.memory_space<vmem>>) semaphore(%run_scoped3A_35 : memref<!tpu.dma_semaphore, #tpu.memory_space<semaphore_mem>>) {add = true}
        %dma_wait3A = arith.constant 0 : i32
        %dma_wait3A_44 = arith.constant 0 : i32
        %dma_wait3A_45 = tpu.memref_slice %arg5[%dma_wait3A, %dma_wait3A_44] : memref<128x16xf32, #tpu.memory_space<vmem>> -> memref<125x16xf32, #tpu.memory_space<vmem>>
        %dma_wait3A_46 = arith.constant 0 : i32
        %dma_wait3A_47 = tpu.memref_slice %arg4[%scan3A_34, %dma_wait3A_46] : memref<80x125xi32, #tpu.memory_space<vmem>> -> memref<1x125xi32, #tpu.memory_space<vmem>>
        %dma_wait3A_48 = tpu.memref_squeeze %dma_wait3A_47 : memref<1x125xi32, #tpu.memory_space<vmem>> -> memref<125xi32, #tpu.memory_space<vmem>>
        %dma_wait3A_49 = arith.constant 0 : i32
        %dma_wait3A_50 = arith.constant 0 : i32
        %dma_wait3A_51 = tpu.memref_slice %arg6[%dma_wait3A_49, %dma_wait3A_50] : memref<10240x16xf32, #tpu.memory_space<vmem_shared>> -> memref<10240x16xf32, #tpu.memory_space<vmem_shared>>
        tpu.wait_indirect_dma semaphore(%run_scoped3A_35 : memref<!tpu.dma_semaphore, #tpu.memory_space<semaphore_mem>>) src(%dma_wait3A_45 : memref<125x16xf32, #tpu.memory_space<vmem>>) dst(%dma_wait3A_51 : memref<10240x16xf32, #tpu.memory_space<vmem_shared>>)
        tpu.yield
      }) : () -> ()
    }
    %scan3A_28 = arith.constant 80 : i32
    %barrier3A_29 = arith.constant 0 : index
    tpu.barrier barrier_id(%barrier3A_29)
    %mul3A_30 = arith.constant 640 : i32
    %mul3A_31 = arith.muli %arg1, %mul3A_30 : i32
    %mul3A_32 = arith.constant 640 : i32
    %mul3A_33 = arith.muli %arg1, %mul3A_32 : i32
    "tpu.region"() ({
      %run_scoped3A_34 = tpu.sem_alloc : memref<!tpu.dma_semaphore, #tpu.memory_space<semaphore_mem>>
      %dma_start3A = arith.constant 0 : i32
      %dma_start3A_35 = tpu.memref_slice %arg3[%arg0, %mul3A_33, %dma_start3A] : memref<2x10240x16xf32, #tpu.memory_space<hbm>> -> memref<1x640x16xf32, #tpu.memory_space<hbm>>
      %dma_start3A_36 = tpu.memref_squeeze %dma_start3A_35 : memref<1x640x16xf32, #tpu.memory_space<hbm>> -> memref<640x16xf32, #tpu.memory_space<hbm>>
      %dma_start3A_37 = arith.constant 0 : i32
      %dma_start3A_38 = tpu.memref_slice %arg6[%mul3A_31, %dma_start3A_37] : memref<10240x16xf32, #tpu.memory_space<vmem_shared>> -> memref<640x16xf32, #tpu.memory_space<vmem_shared>>
      tpu.enqueue_dma source(%dma_start3A_38 : memref<640x16xf32, #tpu.memory_space<vmem_shared>>) target(%dma_start3A_36 : memref<640x16xf32, #tpu.memory_space<hbm>>) target_semaphore(%run_scoped3A_34 : memref<!tpu.dma_semaphore, #tpu.memory_space<semaphore_mem>>)
      %dma_wait3A = arith.constant 0 : i32
      %dma_wait3A_39 = tpu.memref_slice %arg3[%arg0, %mul3A_33, %dma_wait3A] : memref<2x10240x16xf32, #tpu.memory_space<hbm>> -> memref<1x640x16xf32, #tpu.memory_space<hbm>>
      %dma_wait3A_40 = tpu.memref_squeeze %dma_wait3A_39 : memref<1x640x16xf32, #tpu.memory_space<hbm>> -> memref<640x16xf32, #tpu.memory_space<hbm>>
      %dma_wait3A_41 = arith.constant 0 : i32
      %dma_wait3A_42 = tpu.memref_slice %arg6[%mul3A_31, %dma_wait3A_41] : memref<10240x16xf32, #tpu.memory_space<vmem_shared>> -> memref<640x16xf32, #tpu.memory_space<vmem_shared>>
      tpu.wait_dma2 semaphore(%run_scoped3A_34 : memref<!tpu.dma_semaphore, #tpu.memory_space<semaphore_mem>>) src(%dma_wait3A_42 : memref<640x16xf32, #tpu.memory_space<vmem_shared>>) dst(%dma_wait3A_40 : memref<640x16xf32, #tpu.memory_space<hbm>>)
      tpu.yield
    }) : () -> ()
    return
  }
}

module attributes {stable_mosaic.version = 14 : i64} {
  func.func @_kan1_body(%arg0: i32, %arg1: memref<2000x128xf32, #tpu.memory_space<vmem>>, %arg2: memref<64x128xf32, #tpu.memory_space<vmem>>, %arg3: memref<7x64x128xf32, #tpu.memory_space<vmem>>, %arg4: memref<64x128xf32, #tpu.memory_space<vmem>>, %arg5: memref<40x128xf32, #tpu.memory_space<vmem>>, %arg6: memref<7x40x128xf32, #tpu.memory_space<vmem>>, %arg7: memref<40x128xf32, #tpu.memory_space<vmem>>, %arg8: memref<2000x64xf32, #tpu.memory_space<vmem>>, %arg9: memref<2000x40xf32, #tpu.memory_space<vmem>>) attributes {dimension_semantics = [#tpu.dimension_semantics<arbitrary>], iteration_bounds = array<i64: 5>, scalar_prefetch = 0 : i64, scratch_operands = 0 : i64, tpu.core_type = #tpu.core_type<tc>, window_params = [{transform_indices = @transform_0, window_bounds = array<i64: 2000, 128>}, {pipeline_mode = #tpu.pipeline_mode<synchronous>, transform_indices = @transform_1, window_bounds = array<i64: 64, 128>}, {pipeline_mode = #tpu.pipeline_mode<synchronous>, transform_indices = @transform_2, window_bounds = array<i64: 7, 64, 128>}, {pipeline_mode = #tpu.pipeline_mode<synchronous>, transform_indices = @transform_3, window_bounds = array<i64: 64, 128>}, {pipeline_mode = #tpu.pipeline_mode<synchronous>, transform_indices = @transform_4, window_bounds = array<i64: 40, 128>}, {pipeline_mode = #tpu.pipeline_mode<synchronous>, transform_indices = @transform_5, window_bounds = array<i64: 7, 40, 128>}, {pipeline_mode = #tpu.pipeline_mode<synchronous>, transform_indices = @transform_6, window_bounds = array<i64: 40, 128>}, {transform_indices = @transform_7, window_bounds = array<i64: 2000, 64>}, {transform_indices = @transform_8, window_bounds = array<i64: 2000, 40>}]} {
    %get3A = arith.constant 0 : index
    %get3A_0 = arith.constant 0 : index
    %get3A_1 = vector.load %arg1[%get3A, %get3A_0] : memref<2000x128xf32, #tpu.memory_space<vmem>>, vector<2000x128xf32>
    %mul3A = arith.constant 2.000000e+00 : f32
    %mul3A_2 = vector.broadcast %mul3A : f32 to vector<2000x128xf32>
    %mul3A_3 = arith.mulf %mul3A_2, %get3A_1 : vector<2000x128xf32>
    %add3A = arith.constant 5.000000e+00 : f32
    %add3A_4 = vector.broadcast %add3A : f32 to vector<2000x128xf32>
    %add3A_5 = arith.addf %mul3A_3, %add3A_4 : vector<2000x128xf32>
    %floor3A = math.floor %add3A_5 : vector<2000x128xf32>
    %sub3A = arith.subf %add3A_5, %floor3A : vector<2000x128xf32>
    %mul3A_6 = arith.mulf %sub3A, %sub3A : vector<2000x128xf32>
    %mul3A_7 = arith.mulf %mul3A_6, %sub3A : vector<2000x128xf32>
    %mul3A_8 = arith.constant 0.166666672 : f32
    %mul3A_9 = vector.broadcast %mul3A_8 : f32 to vector<2000x128xf32>
    %mul3A_10 = arith.mulf %mul3A_7, %mul3A_9 : vector<2000x128xf32>
    %mul3A_11 = arith.constant -3.000000e+00 : f32
    %mul3A_12 = vector.broadcast %mul3A_11 : f32 to vector<2000x128xf32>
    %mul3A_13 = arith.mulf %mul3A_12, %mul3A_7 : vector<2000x128xf32>
    %mul3A_14 = arith.constant 3.000000e+00 : f32
    %mul3A_15 = vector.broadcast %mul3A_14 : f32 to vector<2000x128xf32>
    %mul3A_16 = arith.mulf %mul3A_15, %mul3A_6 : vector<2000x128xf32>
    %add3A_17 = arith.addf %mul3A_13, %mul3A_16 : vector<2000x128xf32>
    %mul3A_18 = arith.constant 3.000000e+00 : f32
    %mul3A_19 = vector.broadcast %mul3A_18 : f32 to vector<2000x128xf32>
    %mul3A_20 = arith.mulf %mul3A_19, %sub3A : vector<2000x128xf32>
    %add3A_21 = arith.addf %add3A_17, %mul3A_20 : vector<2000x128xf32>
    %add3A_22 = arith.constant 1.000000e+00 : f32
    %add3A_23 = vector.broadcast %add3A_22 : f32 to vector<2000x128xf32>
    %add3A_24 = arith.addf %add3A_21, %add3A_23 : vector<2000x128xf32>
    %mul3A_25 = arith.constant 0.166666672 : f32
    %mul3A_26 = vector.broadcast %mul3A_25 : f32 to vector<2000x128xf32>
    %mul3A_27 = arith.mulf %add3A_24, %mul3A_26 : vector<2000x128xf32>
    %mul3A_28 = arith.constant 3.000000e+00 : f32
    %mul3A_29 = vector.broadcast %mul3A_28 : f32 to vector<2000x128xf32>
    %mul3A_30 = arith.mulf %mul3A_29, %mul3A_7 : vector<2000x128xf32>
    %mul3A_31 = arith.constant 6.000000e+00 : f32
    %mul3A_32 = vector.broadcast %mul3A_31 : f32 to vector<2000x128xf32>
    %mul3A_33 = arith.mulf %mul3A_32, %mul3A_6 : vector<2000x128xf32>
    %sub3A_34 = arith.subf %mul3A_30, %mul3A_33 : vector<2000x128xf32>
    %add3A_35 = arith.constant 4.000000e+00 : f32
    %add3A_36 = vector.broadcast %add3A_35 : f32 to vector<2000x128xf32>
    %add3A_37 = arith.addf %sub3A_34, %add3A_36 : vector<2000x128xf32>
    %mul3A_38 = arith.constant 0.166666672 : f32
    %mul3A_39 = vector.broadcast %mul3A_38 : f32 to vector<2000x128xf32>
    %mul3A_40 = arith.mulf %add3A_37, %mul3A_39 : vector<2000x128xf32>
    %sub3A_41 = arith.constant 1.000000e+00 : f32
    %sub3A_42 = vector.broadcast %sub3A_41 : f32 to vector<2000x128xf32>
    %sub3A_43 = arith.subf %sub3A_42, %sub3A : vector<2000x128xf32>
    %mul3A_44 = arith.mulf %sub3A_43, %sub3A_43 : vector<2000x128xf32>
    %mul3A_45 = arith.mulf %mul3A_44, %sub3A_43 : vector<2000x128xf32>
    %mul3A_46 = arith.constant 0.166666672 : f32
    %mul3A_47 = vector.broadcast %mul3A_46 : f32 to vector<2000x128xf32>
    %mul3A_48 = arith.mulf %mul3A_45, %mul3A_47 : vector<2000x128xf32>
    %logistic3A = arith.negf %get3A_1 : vector<2000x128xf32>
    %logistic3A_49 = math.exp %logistic3A : vector<2000x128xf32>
    %logistic3A_50 = arith.constant 1.000000e+00 : f32
    %logistic3A_51 = vector.broadcast %logistic3A_50 : f32 to vector<2000x128xf32>
    %logistic3A_52 = arith.addf %logistic3A_51, %logistic3A_49 : vector<2000x128xf32>
    %logistic3A_53 = arith.divf %logistic3A_51, %logistic3A_52 : vector<2000x128xf32>
    %mul3A_54 = arith.mulf %get3A_1, %logistic3A_53 : vector<2000x128xf32>
    %eq3A = arith.constant 0.000000e+00 : f32
    %eq3A_55 = vector.broadcast %eq3A : f32 to vector<2000x128xf32>
    %eq3A_56 = arith.cmpf oeq, %floor3A, %eq3A_55 : vector<2000x128xf32>
    %jit3A = arith.constant 0.000000e+00 : f32
    %broadcast_in_dim3A = vector.broadcast %jit3A : f32 to vector<2000x128xf32>
    %select_n3A = arith.select %eq3A_56, %mul3A_10, %broadcast_in_dim3A : vector<2000x128xi1>, vector<2000x128xf32>
    %add3A_57 = arith.constant 0.000000e+00 : f32
    %add3A_58 = arith.constant 1.000000e+00 : f32
    %add3A_59 = arith.addf %add3A_57, %add3A_58 : f32
    %eq3A_60 = vector.broadcast %add3A_59 : f32 to vector<2000x128xf32>
    %eq3A_61 = arith.cmpf oeq, %floor3A, %eq3A_60 : vector<2000x128xf32>
    %jit3A_62 = arith.constant 0.000000e+00 : f32
    %broadcast_in_dim3A_63 = vector.broadcast %jit3A_62 : f32 to vector<2000x128xf32>
    %select_n3A_64 = arith.select %eq3A_61, %mul3A_27, %broadcast_in_dim3A_63 : vector<2000x128xi1>, vector<2000x128xf32>
    %add3A_65 = arith.addf %select_n3A, %select_n3A_64 : vector<2000x128xf32>
    %add3A_66 = arith.constant 0.000000e+00 : f32
    %add3A_67 = arith.constant 2.000000e+00 : f32
    %add3A_68 = arith.addf %add3A_66, %add3A_67 : f32
    %eq3A_69 = vector.broadcast %add3A_68 : f32 to vector<2000x128xf32>
    %eq3A_70 = arith.cmpf oeq, %floor3A, %eq3A_69 : vector<2000x128xf32>
    %jit3A_71 = arith.constant 0.000000e+00 : f32
    %broadcast_in_dim3A_72 = vector.broadcast %jit3A_71 : f32 to vector<2000x128xf32>
    %select_n3A_73 = arith.select %eq3A_70, %mul3A_40, %broadcast_in_dim3A_72 : vector<2000x128xi1>, vector<2000x128xf32>
    %add3A_74 = arith.addf %add3A_65, %select_n3A_73 : vector<2000x128xf32>
    %add3A_75 = arith.constant 0.000000e+00 : f32
    %add3A_76 = arith.constant 3.000000e+00 : f32
    %add3A_77 = arith.addf %add3A_75, %add3A_76 : f32
    %eq3A_78 = vector.broadcast %add3A_77 : f32 to vector<2000x128xf32>
    %eq3A_79 = arith.cmpf oeq, %floor3A, %eq3A_78 : vector<2000x128xf32>
    %jit3A_80 = arith.constant 0.000000e+00 : f32
    %broadcast_in_dim3A_81 = vector.broadcast %jit3A_80 : f32 to vector<2000x128xf32>
    %select_n3A_82 = arith.select %eq3A_79, %mul3A_48, %broadcast_in_dim3A_81 : vector<2000x128xi1>, vector<2000x128xf32>
    %add3A_83 = arith.addf %add3A_74, %select_n3A_82 : vector<2000x128xf32>
    %eq3A_84 = arith.constant 1.000000e+00 : f32
    %eq3A_85 = vector.broadcast %eq3A_84 : f32 to vector<2000x128xf32>
    %eq3A_86 = arith.cmpf oeq, %floor3A, %eq3A_85 : vector<2000x128xf32>
    %jit3A_87 = arith.constant 0.000000e+00 : f32
    %broadcast_in_dim3A_88 = vector.broadcast %jit3A_87 : f32 to vector<2000x128xf32>
    %select_n3A_89 = arith.select %eq3A_86, %mul3A_10, %broadcast_in_dim3A_88 : vector<2000x128xi1>, vector<2000x128xf32>
    %add3A_90 = arith.constant 1.000000e+00 : f32
    %add3A_91 = arith.constant 1.000000e+00 : f32
    %add3A_92 = arith.addf %add3A_90, %add3A_91 : f32
    %eq3A_93 = vector.broadcast %add3A_92 : f32 to vector<2000x128xf32>
    %eq3A_94 = arith.cmpf oeq, %floor3A, %eq3A_93 : vector<2000x128xf32>
    %jit3A_95 = arith.constant 0.000000e+00 : f32
    %broadcast_in_dim3A_96 = vector.broadcast %jit3A_95 : f32 to vector<2000x128xf32>
    %select_n3A_97 = arith.select %eq3A_94, %mul3A_27, %broadcast_in_dim3A_96 : vector<2000x128xi1>, vector<2000x128xf32>
    %add3A_98 = arith.addf %select_n3A_89, %select_n3A_97 : vector<2000x128xf32>
    %add3A_99 = arith.constant 1.000000e+00 : f32
    %add3A_100 = arith.constant 2.000000e+00 : f32
    %add3A_101 = arith.addf %add3A_99, %add3A_100 : f32
    %eq3A_102 = vector.broadcast %add3A_101 : f32 to vector<2000x128xf32>
    %eq3A_103 = arith.cmpf oeq, %floor3A, %eq3A_102 : vector<2000x128xf32>
    %jit3A_104 = arith.constant 0.000000e+00 : f32
    %broadcast_in_dim3A_105 = vector.broadcast %jit3A_104 : f32 to vector<2000x128xf32>
    %select_n3A_106 = arith.select %eq3A_103, %mul3A_40, %broadcast_in_dim3A_105 : vector<2000x128xi1>, vector<2000x128xf32>
    %add3A_107 = arith.addf %add3A_98, %select_n3A_106 : vector<2000x128xf32>
    %add3A_108 = arith.constant 1.000000e+00 : f32
    %add3A_109 = arith.constant 3.000000e+00 : f32
    %add3A_110 = arith.addf %add3A_108, %add3A_109 : f32
    %eq3A_111 = vector.broadcast %add3A_110 : f32 to vector<2000x128xf32>
    %eq3A_112 = arith.cmpf oeq, %floor3A, %eq3A_111 : vector<2000x128xf32>
    %jit3A_113 = arith.constant 0.000000e+00 : f32
    %broadcast_in_dim3A_114 = vector.broadcast %jit3A_113 : f32 to vector<2000x128xf32>
    %select_n3A_115 = arith.select %eq3A_112, %mul3A_48, %broadcast_in_dim3A_114 : vector<2000x128xi1>, vector<2000x128xf32>
    %add3A_116 = arith.addf %add3A_107, %select_n3A_115 : vector<2000x128xf32>
    %eq3A_117 = arith.constant 2.000000e+00 : f32
    %eq3A_118 = vector.broadcast %eq3A_117 : f32 to vector<2000x128xf32>
    %eq3A_119 = arith.cmpf oeq, %floor3A, %eq3A_118 : vector<2000x128xf32>
    %jit3A_120 = arith.constant 0.000000e+00 : f32
    %broadcast_in_dim3A_121 = vector.broadcast %jit3A_120 : f32 to vector<2000x128xf32>
    %select_n3A_122 = arith.select %eq3A_119, %mul3A_10, %broadcast_in_dim3A_121 : vector<2000x128xi1>, vector<2000x128xf32>
    %add3A_123 = arith.constant 2.000000e+00 : f32
    %add3A_124 = arith.constant 1.000000e+00 : f32
    %add3A_125 = arith.addf %add3A_123, %add3A_124 : f32
    %eq3A_126 = vector.broadcast %add3A_125 : f32 to vector<2000x128xf32>
    %eq3A_127 = arith.cmpf oeq, %floor3A, %eq3A_126 : vector<2000x128xf32>
    %jit3A_128 = arith.constant 0.000000e+00 : f32
    %broadcast_in_dim3A_129 = vector.broadcast %jit3A_128 : f32 to vector<2000x128xf32>
    %select_n3A_130 = arith.select %eq3A_127, %mul3A_27, %broadcast_in_dim3A_129 : vector<2000x128xi1>, vector<2000x128xf32>
    %add3A_131 = arith.addf %select_n3A_122, %select_n3A_130 : vector<2000x128xf32>
    %add3A_132 = arith.constant 2.000000e+00 : f32
    %add3A_133 = arith.constant 2.000000e+00 : f32
    %add3A_134 = arith.addf %add3A_132, %add3A_133 : f32
    %eq3A_135 = vector.broadcast %add3A_134 : f32 to vector<2000x128xf32>
    %eq3A_136 = arith.cmpf oeq, %floor3A, %eq3A_135 : vector<2000x128xf32>
    %jit3A_137 = arith.constant 0.000000e+00 : f32
    %broadcast_in_dim3A_138 = vector.broadcast %jit3A_137 : f32 to vector<2000x128xf32>
    %select_n3A_139 = arith.select %eq3A_136, %mul3A_40, %broadcast_in_dim3A_138 : vector<2000x128xi1>, vector<2000x128xf32>
    %add3A_140 = arith.addf %add3A_131, %select_n3A_139 : vector<2000x128xf32>
    %add3A_141 = arith.constant 2.000000e+00 : f32
    %add3A_142 = arith.constant 3.000000e+00 : f32
    %add3A_143 = arith.addf %add3A_141, %add3A_142 : f32
    %eq3A_144 = vector.broadcast %add3A_143 : f32 to vector<2000x128xf32>
    %eq3A_145 = arith.cmpf oeq, %floor3A, %eq3A_144 : vector<2000x128xf32>
    %jit3A_146 = arith.constant 0.000000e+00 : f32
    %broadcast_in_dim3A_147 = vector.broadcast %jit3A_146 : f32 to vector<2000x128xf32>
    %select_n3A_148 = arith.select %eq3A_145, %mul3A_48, %broadcast_in_dim3A_147 : vector<2000x128xi1>, vector<2000x128xf32>
    %add3A_149 = arith.addf %add3A_140, %select_n3A_148 : vector<2000x128xf32>
    %eq3A_150 = arith.constant 3.000000e+00 : f32
    %eq3A_151 = vector.broadcast %eq3A_150 : f32 to vector<2000x128xf32>
    %eq3A_152 = arith.cmpf oeq, %floor3A, %eq3A_151 : vector<2000x128xf32>
    %jit3A_153 = arith.constant 0.000000e+00 : f32
    %broadcast_in_dim3A_154 = vector.broadcast %jit3A_153 : f32 to vector<2000x128xf32>
    %select_n3A_155 = arith.select %eq3A_152, %mul3A_10, %broadcast_in_dim3A_154 : vector<2000x128xi1>, vector<2000x128xf32>
    %add3A_156 = arith.constant 3.000000e+00 : f32
    %add3A_157 = arith.constant 1.000000e+00 : f32
    %add3A_158 = arith.addf %add3A_156, %add3A_157 : f32
    %eq3A_159 = vector.broadcast %add3A_158 : f32 to vector<2000x128xf32>
    %eq3A_160 = arith.cmpf oeq, %floor3A, %eq3A_159 : vector<2000x128xf32>
    %jit3A_161 = arith.constant 0.000000e+00 : f32
    %broadcast_in_dim3A_162 = vector.broadcast %jit3A_161 : f32 to vector<2000x128xf32>
    %select_n3A_163 = arith.select %eq3A_160, %mul3A_27, %broadcast_in_dim3A_162 : vector<2000x128xi1>, vector<2000x128xf32>
    %add3A_164 = arith.addf %select_n3A_155, %select_n3A_163 : vector<2000x128xf32>
    %add3A_165 = arith.constant 3.000000e+00 : f32
    %add3A_166 = arith.constant 2.000000e+00 : f32
    %add3A_167 = arith.addf %add3A_165, %add3A_166 : f32
    %eq3A_168 = vector.broadcast %add3A_167 : f32 to vector<2000x128xf32>
    %eq3A_169 = arith.cmpf oeq, %floor3A, %eq3A_168 : vector<2000x128xf32>
    %jit3A_170 = arith.constant 0.000000e+00 : f32
    %broadcast_in_dim3A_171 = vector.broadcast %jit3A_170 : f32 to vector<2000x128xf32>
    %select_n3A_172 = arith.select %eq3A_169, %mul3A_40, %broadcast_in_dim3A_171 : vector<2000x128xi1>, vector<2000x128xf32>
    %add3A_173 = arith.addf %add3A_164, %select_n3A_172 : vector<2000x128xf32>
    %add3A_174 = arith.constant 3.000000e+00 : f32
    %add3A_175 = arith.constant 3.000000e+00 : f32
    %add3A_176 = arith.addf %add3A_174, %add3A_175 : f32
    %eq3A_177 = vector.broadcast %add3A_176 : f32 to vector<2000x128xf32>
    %eq3A_178 = arith.cmpf oeq, %floor3A, %eq3A_177 : vector<2000x128xf32>
    %jit3A_179 = arith.constant 0.000000e+00 : f32
    %broadcast_in_dim3A_180 = vector.broadcast %jit3A_179 : f32 to vector<2000x128xf32>
    %select_n3A_181 = arith.select %eq3A_178, %mul3A_48, %broadcast_in_dim3A_180 : vector<2000x128xi1>, vector<2000x128xf32>
    %add3A_182 = arith.addf %add3A_173, %select_n3A_181 : vector<2000x128xf32>
    %eq3A_183 = arith.constant 4.000000e+00 : f32
    %eq3A_184 = vector.broadcast %eq3A_183 : f32 to vector<2000x128xf32>
    %eq3A_185 = arith.cmpf oeq, %floor3A, %eq3A_184 : vector<2000x128xf32>
    %jit3A_186 = arith.constant 0.000000e+00 : f32
    %broadcast_in_dim3A_187 = vector.broadcast %jit3A_186 : f32 to vector<2000x128xf32>
    %select_n3A_188 = arith.select %eq3A_185, %mul3A_10, %broadcast_in_dim3A_187 : vector<2000x128xi1>, vector<2000x128xf32>
    %add3A_189 = arith.constant 4.000000e+00 : f32
    %add3A_190 = arith.constant 1.000000e+00 : f32
    %add3A_191 = arith.addf %add3A_189, %add3A_190 : f32
    %eq3A_192 = vector.broadcast %add3A_191 : f32 to vector<2000x128xf32>
    %eq3A_193 = arith.cmpf oeq, %floor3A, %eq3A_192 : vector<2000x128xf32>
    %jit3A_194 = arith.constant 0.000000e+00 : f32
    %broadcast_in_dim3A_195 = vector.broadcast %jit3A_194 : f32 to vector<2000x128xf32>
    %select_n3A_196 = arith.select %eq3A_193, %mul3A_27, %broadcast_in_dim3A_195 : vector<2000x128xi1>, vector<2000x128xf32>
    %add3A_197 = arith.addf %select_n3A_188, %select_n3A_196 : vector<2000x128xf32>
    %add3A_198 = arith.constant 4.000000e+00 : f32
    %add3A_199 = arith.constant 2.000000e+00 : f32
    %add3A_200 = arith.addf %add3A_198, %add3A_199 : f32
    %eq3A_201 = vector.broadcast %add3A_200 : f32 to vector<2000x128xf32>
    %eq3A_202 = arith.cmpf oeq, %floor3A, %eq3A_201 : vector<2000x128xf32>
    %jit3A_203 = arith.constant 0.000000e+00 : f32
    %broadcast_in_dim3A_204 = vector.broadcast %jit3A_203 : f32 to vector<2000x128xf32>
    %select_n3A_205 = arith.select %eq3A_202, %mul3A_40, %broadcast_in_dim3A_204 : vector<2000x128xi1>, vector<2000x128xf32>
    %add3A_206 = arith.addf %add3A_197, %select_n3A_205 : vector<2000x128xf32>
    %add3A_207 = arith.constant 4.000000e+00 : f32
    %add3A_208 = arith.constant 3.000000e+00 : f32
    %add3A_209 = arith.addf %add3A_207, %add3A_208 : f32
    %eq3A_210 = vector.broadcast %add3A_209 : f32 to vector<2000x128xf32>
    %eq3A_211 = arith.cmpf oeq, %floor3A, %eq3A_210 : vector<2000x128xf32>
    %jit3A_212 = arith.constant 0.000000e+00 : f32
    %broadcast_in_dim3A_213 = vector.broadcast %jit3A_212 : f32 to vector<2000x128xf32>
    %select_n3A_214 = arith.select %eq3A_211, %mul3A_48, %broadcast_in_dim3A_213 : vector<2000x128xi1>, vector<2000x128xf32>
    %add3A_215 = arith.addf %add3A_206, %select_n3A_214 : vector<2000x128xf32>
    %eq3A_216 = arith.constant 5.000000e+00 : f32
    %eq3A_217 = vector.broadcast %eq3A_216 : f32 to vector<2000x128xf32>
    %eq3A_218 = arith.cmpf oeq, %floor3A, %eq3A_217 : vector<2000x128xf32>
    %jit3A_219 = arith.constant 0.000000e+00 : f32
    %broadcast_in_dim3A_220 = vector.broadcast %jit3A_219 : f32 to vector<2000x128xf32>
    %select_n3A_221 = arith.select %eq3A_218, %mul3A_10, %broadcast_in_dim3A_220 : vector<2000x128xi1>, vector<2000x128xf32>
    %add3A_222 = arith.constant 5.000000e+00 : f32
    %add3A_223 = arith.constant 1.000000e+00 : f32
    %add3A_224 = arith.addf %add3A_222, %add3A_223 : f32
    %eq3A_225 = vector.broadcast %add3A_224 : f32 to vector<2000x128xf32>
    %eq3A_226 = arith.cmpf oeq, %floor3A, %eq3A_225 : vector<2000x128xf32>
    %jit3A_227 = arith.constant 0.000000e+00 : f32
    %broadcast_in_dim3A_228 = vector.broadcast %jit3A_227 : f32 to vector<2000x128xf32>
    %select_n3A_229 = arith.select %eq3A_226, %mul3A_27, %broadcast_in_dim3A_228 : vector<2000x128xi1>, vector<2000x128xf32>
    %add3A_230 = arith.addf %select_n3A_221, %select_n3A_229 : vector<2000x128xf32>
    %add3A_231 = arith.constant 5.000000e+00 : f32
    %add3A_232 = arith.constant 2.000000e+00 : f32
    %add3A_233 = arith.addf %add3A_231, %add3A_232 : f32
    %eq3A_234 = vector.broadcast %add3A_233 : f32 to vector<2000x128xf32>
    %eq3A_235 = arith.cmpf oeq, %floor3A, %eq3A_234 : vector<2000x128xf32>
    %jit3A_236 = arith.constant 0.000000e+00 : f32
    %broadcast_in_dim3A_237 = vector.broadcast %jit3A_236 : f32 to vector<2000x128xf32>
    %select_n3A_238 = arith.select %eq3A_235, %mul3A_40, %broadcast_in_dim3A_237 : vector<2000x128xi1>, vector<2000x128xf32>
    %add3A_239 = arith.addf %add3A_230, %select_n3A_238 : vector<2000x128xf32>
    %add3A_240 = arith.constant 5.000000e+00 : f32
    %add3A_241 = arith.constant 3.000000e+00 : f32
    %add3A_242 = arith.addf %add3A_240, %add3A_241 : f32
    %eq3A_243 = vector.broadcast %add3A_242 : f32 to vector<2000x128xf32>
    %eq3A_244 = arith.cmpf oeq, %floor3A, %eq3A_243 : vector<2000x128xf32>
    %jit3A_245 = arith.constant 0.000000e+00 : f32
    %broadcast_in_dim3A_246 = vector.broadcast %jit3A_245 : f32 to vector<2000x128xf32>
    %select_n3A_247 = arith.select %eq3A_244, %mul3A_48, %broadcast_in_dim3A_246 : vector<2000x128xi1>, vector<2000x128xf32>
    %add3A_248 = arith.addf %add3A_239, %select_n3A_247 : vector<2000x128xf32>
    %eq3A_249 = arith.constant 6.000000e+00 : f32
    %eq3A_250 = vector.broadcast %eq3A_249 : f32 to vector<2000x128xf32>
    %eq3A_251 = arith.cmpf oeq, %floor3A, %eq3A_250 : vector<2000x128xf32>
    %jit3A_252 = arith.constant 0.000000e+00 : f32
    %broadcast_in_dim3A_253 = vector.broadcast %jit3A_252 : f32 to vector<2000x128xf32>
    %select_n3A_254 = arith.select %eq3A_251, %mul3A_10, %broadcast_in_dim3A_253 : vector<2000x128xi1>, vector<2000x128xf32>
    %add3A_255 = arith.constant 6.000000e+00 : f32
    %add3A_256 = arith.constant 1.000000e+00 : f32
    %add3A_257 = arith.addf %add3A_255, %add3A_256 : f32
    %eq3A_258 = vector.broadcast %add3A_257 : f32 to vector<2000x128xf32>
    %eq3A_259 = arith.cmpf oeq, %floor3A, %eq3A_258 : vector<2000x128xf32>
    %jit3A_260 = arith.constant 0.000000e+00 : f32
    %broadcast_in_dim3A_261 = vector.broadcast %jit3A_260 : f32 to vector<2000x128xf32>
    %select_n3A_262 = arith.select %eq3A_259, %mul3A_27, %broadcast_in_dim3A_261 : vector<2000x128xi1>, vector<2000x128xf32>
    %add3A_263 = arith.addf %select_n3A_254, %select_n3A_262 : vector<2000x128xf32>
    %add3A_264 = arith.constant 6.000000e+00 : f32
    %add3A_265 = arith.constant 2.000000e+00 : f32
    %add3A_266 = arith.addf %add3A_264, %add3A_265 : f32
    %eq3A_267 = vector.broadcast %add3A_266 : f32 to vector<2000x128xf32>
    %eq3A_268 = arith.cmpf oeq, %floor3A, %eq3A_267 : vector<2000x128xf32>
    %jit3A_269 = arith.constant 0.000000e+00 : f32
    %broadcast_in_dim3A_270 = vector.broadcast %jit3A_269 : f32 to vector<2000x128xf32>
    %select_n3A_271 = arith.select %eq3A_268, %mul3A_40, %broadcast_in_dim3A_270 : vector<2000x128xi1>, vector<2000x128xf32>
    %add3A_272 = arith.addf %add3A_263, %select_n3A_271 : vector<2000x128xf32>
    %add3A_273 = arith.constant 6.000000e+00 : f32
    %add3A_274 = arith.constant 3.000000e+00 : f32
    %add3A_275 = arith.addf %add3A_273, %add3A_274 : f32
    %eq3A_276 = vector.broadcast %add3A_275 : f32 to vector<2000x128xf32>
    %eq3A_277 = arith.cmpf oeq, %floor3A, %eq3A_276 : vector<2000x128xf32>
    %jit3A_278 = arith.constant 0.000000e+00 : f32
    %broadcast_in_dim3A_279 = vector.broadcast %jit3A_278 : f32 to vector<2000x128xf32>
    %select_n3A_280 = arith.select %eq3A_277, %mul3A_48, %broadcast_in_dim3A_279 : vector<2000x128xi1>, vector<2000x128xf32>
    %add3A_281 = arith.addf %add3A_272, %select_n3A_280 : vector<2000x128xf32>
    %concatenate3A = tpu.concatenate %mul3A_54, %add3A_83, %add3A_116, %add3A_149, %add3A_182, %add3A_215, %add3A_248, %add3A_281 in 1 : vector<2000x128xf32>, vector<2000x128xf32>, vector<2000x128xf32>, vector<2000x128xf32>, vector<2000x128xf32>, vector<2000x128xf32>, vector<2000x128xf32>, vector<2000x128xf32> -> vector<2000x1024xf32>
    %get3A_282 = arith.constant 0 : index
    %get3A_283 = arith.constant 0 : index
    %get3A_284 = vector.load %arg2[%get3A_282, %get3A_283] : memref<64x128xf32, #tpu.memory_space<vmem>>, vector<64x128xf32>
    %get3A_285 = arith.constant 0 : index
    %get3A_286 = arith.constant 0 : index
    %get3A_287 = vector.load %arg4[%get3A_285, %get3A_286] : memref<64x128xf32, #tpu.memory_space<vmem>>, vector<64x128xf32>
    %get3A_288 = arith.constant 0 : index
    %get3A_289 = arith.constant 0 : index
    %get3A_290 = arith.constant 0 : index
    %get3A_291 = vector.load %arg3[%get3A_288, %get3A_289, %get3A_290] : memref<7x64x128xf32, #tpu.memory_space<vmem>>, vector<1x64x128xf32>
    %get3A_292 = vector.shape_cast %get3A_291 : vector<1x64x128xf32> to vector<64x128xf32>
    %mul3A_293 = arith.mulf %get3A_292, %get3A_287 : vector<64x128xf32>
    %get3A_294 = arith.constant 1 : index
    %get3A_295 = arith.constant 0 : index
    %get3A_296 = arith.constant 0 : index
    %get3A_297 = vector.load %arg3[%get3A_294, %get3A_295, %get3A_296] : memref<7x64x128xf32, #tpu.memory_space<vmem>>, vector<1x64x128xf32>
    %get3A_298 = vector.shape_cast %get3A_297 : vector<1x64x128xf32> to vector<64x128xf32>
    %mul3A_299 = arith.mulf %get3A_298, %get3A_287 : vector<64x128xf32>
    %get3A_300 = arith.constant 2 : index
    %get3A_301 = arith.constant 0 : index
    %get3A_302 = arith.constant 0 : index
    %get3A_303 = vector.load %arg3[%get3A_300, %get3A_301, %get3A_302] : memref<7x64x128xf32, #tpu.memory_space<vmem>>, vector<1x64x128xf32>
    %get3A_304 = vector.shape_cast %get3A_303 : vector<1x64x128xf32> to vector<64x128xf32>
    %mul3A_305 = arith.mulf %get3A_304, %get3A_287 : vector<64x128xf32>
    %get3A_306 = arith.constant 3 : index
    %get3A_307 = arith.constant 0 : index
    %get3A_308 = arith.constant 0 : index
    %get3A_309 = vector.load %arg3[%get3A_306, %get3A_307, %get3A_308] : memref<7x64x128xf32, #tpu.memory_space<vmem>>, vector<1x64x128xf32>
    %get3A_310 = vector.shape_cast %get3A_309 : vector<1x64x128xf32> to vector<64x128xf32>
    %mul3A_311 = arith.mulf %get3A_310, %get3A_287 : vector<64x128xf32>
    %get3A_312 = arith.constant 4 : index
    %get3A_313 = arith.constant 0 : index
    %get3A_314 = arith.constant 0 : index
    %get3A_315 = vector.load %arg3[%get3A_312, %get3A_313, %get3A_314] : memref<7x64x128xf32, #tpu.memory_space<vmem>>, vector<1x64x128xf32>
    %get3A_316 = vector.shape_cast %get3A_315 : vector<1x64x128xf32> to vector<64x128xf32>
    %mul3A_317 = arith.mulf %get3A_316, %get3A_287 : vector<64x128xf32>
    %get3A_318 = arith.constant 5 : index
    %get3A_319 = arith.constant 0 : index
    %get3A_320 = arith.constant 0 : index
    %get3A_321 = vector.load %arg3[%get3A_318, %get3A_319, %get3A_320] : memref<7x64x128xf32, #tpu.memory_space<vmem>>, vector<1x64x128xf32>
    %get3A_322 = vector.shape_cast %get3A_321 : vector<1x64x128xf32> to vector<64x128xf32>
    %mul3A_323 = arith.mulf %get3A_322, %get3A_287 : vector<64x128xf32>
    %get3A_324 = arith.constant 6 : index
    %get3A_325 = arith.constant 0 : index
    %get3A_326 = arith.constant 0 : index
    %get3A_327 = vector.load %arg3[%get3A_324, %get3A_325, %get3A_326] : memref<7x64x128xf32, #tpu.memory_space<vmem>>, vector<1x64x128xf32>
    %get3A_328 = vector.shape_cast %get3A_327 : vector<1x64x128xf32> to vector<64x128xf32>
    %mul3A_329 = arith.mulf %get3A_328, %get3A_287 : vector<64x128xf32>
    %concatenate3A_330 = tpu.concatenate %get3A_284, %mul3A_293, %mul3A_299, %mul3A_305, %mul3A_311, %mul3A_317, %mul3A_323, %mul3A_329 in 1 : vector<64x128xf32>, vector<64x128xf32>, vector<64x128xf32>, vector<64x128xf32>, vector<64x128xf32>, vector<64x128xf32>, vector<64x128xf32>, vector<64x128xf32> -> vector<64x1024xf32>
    %get3A_331 = arith.constant 0 : index
    %get3A_332 = arith.constant 0 : index
    %get3A_333 = vector.load %arg5[%get3A_331, %get3A_332] : memref<40x128xf32, #tpu.memory_space<vmem>>, vector<40x128xf32>
    %get3A_334 = arith.constant 0 : index
    %get3A_335 = arith.constant 0 : index
    %get3A_336 = vector.load %arg7[%get3A_334, %get3A_335] : memref<40x128xf32, #tpu.memory_space<vmem>>, vector<40x128xf32>
    %get3A_337 = arith.constant 0 : index
    %get3A_338 = arith.constant 0 : index
    %get3A_339 = arith.constant 0 : index
    %get3A_340 = vector.load %arg6[%get3A_337, %get3A_338, %get3A_339] : memref<7x40x128xf32, #tpu.memory_space<vmem>>, vector<1x40x128xf32>
    %get3A_341 = vector.shape_cast %get3A_340 : vector<1x40x128xf32> to vector<40x128xf32>
    %mul3A_342 = arith.mulf %get3A_341, %get3A_336 : vector<40x128xf32>
    %get3A_343 = arith.constant 1 : index
    %get3A_344 = arith.constant 0 : index
    %get3A_345 = arith.constant 0 : index
    %get3A_346 = vector.load %arg6[%get3A_343, %get3A_344, %get3A_345] : memref<7x40x128xf32, #tpu.memory_space<vmem>>, vector<1x40x128xf32>
    %get3A_347 = vector.shape_cast %get3A_346 : vector<1x40x128xf32> to vector<40x128xf32>
    %mul3A_348 = arith.mulf %get3A_347, %get3A_336 : vector<40x128xf32>
    %get3A_349 = arith.constant 2 : index
    %get3A_350 = arith.constant 0 : index
    %get3A_351 = arith.constant 0 : index
    %get3A_352 = vector.load %arg6[%get3A_349, %get3A_350, %get3A_351] : memref<7x40x128xf32, #tpu.memory_space<vmem>>, vector<1x40x128xf32>
    %get3A_353 = vector.shape_cast %get3A_352 : vector<1x40x128xf32> to vector<40x128xf32>
    %mul3A_354 = arith.mulf %get3A_353, %get3A_336 : vector<40x128xf32>
    %get3A_355 = arith.constant 3 : index
    %get3A_356 = arith.constant 0 : index
    %get3A_357 = arith.constant 0 : index
    %get3A_358 = vector.load %arg6[%get3A_355, %get3A_356, %get3A_357] : memref<7x40x128xf32, #tpu.memory_space<vmem>>, vector<1x40x128xf32>
    %get3A_359 = vector.shape_cast %get3A_358 : vector<1x40x128xf32> to vector<40x128xf32>
    %mul3A_360 = arith.mulf %get3A_359, %get3A_336 : vector<40x128xf32>
    %get3A_361 = arith.constant 4 : index
    %get3A_362 = arith.constant 0 : index
    %get3A_363 = arith.constant 0 : index
    %get3A_364 = vector.load %arg6[%get3A_361, %get3A_362, %get3A_363] : memref<7x40x128xf32, #tpu.memory_space<vmem>>, vector<1x40x128xf32>
    %get3A_365 = vector.shape_cast %get3A_364 : vector<1x40x128xf32> to vector<40x128xf32>
    %mul3A_366 = arith.mulf %get3A_365, %get3A_336 : vector<40x128xf32>
    %get3A_367 = arith.constant 5 : index
    %get3A_368 = arith.constant 0 : index
    %get3A_369 = arith.constant 0 : index
    %get3A_370 = vector.load %arg6[%get3A_367, %get3A_368, %get3A_369] : memref<7x40x128xf32, #tpu.memory_space<vmem>>, vector<1x40x128xf32>
    %get3A_371 = vector.shape_cast %get3A_370 : vector<1x40x128xf32> to vector<40x128xf32>
    %mul3A_372 = arith.mulf %get3A_371, %get3A_336 : vector<40x128xf32>
    %get3A_373 = arith.constant 6 : index
    %get3A_374 = arith.constant 0 : index
    %get3A_375 = arith.constant 0 : index
    %get3A_376 = vector.load %arg6[%get3A_373, %get3A_374, %get3A_375] : memref<7x40x128xf32, #tpu.memory_space<vmem>>, vector<1x40x128xf32>
    %get3A_377 = vector.shape_cast %get3A_376 : vector<1x40x128xf32> to vector<40x128xf32>
    %mul3A_378 = arith.mulf %get3A_377, %get3A_336 : vector<40x128xf32>
    %concatenate3A_379 = tpu.concatenate %get3A_333, %mul3A_342, %mul3A_348, %mul3A_354, %mul3A_360, %mul3A_366, %mul3A_372, %mul3A_378 in 1 : vector<40x128xf32>, vector<40x128xf32>, vector<40x128xf32>, vector<40x128xf32>, vector<40x128xf32>, vector<40x128xf32>, vector<40x128xf32>, vector<40x128xf32> -> vector<40x1024xf32>
    %concatenate3A_380 = tpu.concatenate %concatenate3A_330, %concatenate3A_379 in 0 : vector<64x1024xf32>, vector<40x1024xf32> -> vector<104x1024xf32>
    %dot_general3A = arith.constant dense<0.000000e+00> : vector<2000x104xf32>
    %dot_general3A_381 = tpu.matmul %concatenate3A, %concatenate3A_380, %dot_general3A {dimension_numbers = #tpu.dot_dimension_numbers<[1], [1], [0], [0], [0, 0, 1, 0], [], []>, transpose_lhs_hint = false} : vector<2000x1024xf32>, vector<104x1024xf32>, vector<2000x104xf32> -> vector<2000x104xf32>
    %slice3A = vector.extract_strided_slice %dot_general3A_381 {offsets = [0, 0], sizes = [2000, 64], strides = [1, 1]} : vector<2000x104xf32> to vector<2000x64xf32>
    %swap3A = arith.constant 0 : index
    %swap3A_382 = arith.constant 0 : index
    %swap3A_383 = vector.load %arg8[%swap3A, %swap3A_382] : memref<2000x64xf32, #tpu.memory_space<vmem>>, vector<2000x64xf32>
    tpu.vector_store %arg8[%swap3A, %swap3A_382], %slice3A {strides = array<i32>} : memref<2000x64xf32, #tpu.memory_space<vmem>>, vector<2000x64xf32>,
    %slice3A_384 = vector.extract_strided_slice %dot_general3A_381 {offsets = [0, 64], sizes = [2000, 40], strides = [1, 1]} : vector<2000x104xf32> to vector<2000x40xf32>
    %swap3A_385 = arith.constant 0 : index
    %swap3A_386 = arith.constant 0 : index
    %swap3A_387 = vector.load %arg9[%swap3A_385, %swap3A_386] : memref<2000x40xf32, #tpu.memory_space<vmem>>, vector<2000x40xf32>
    tpu.vector_store %arg9[%swap3A_385, %swap3A_386], %slice3A_384 {strides = array<i32>} : memref<2000x40xf32, #tpu.memory_space<vmem>>, vector<2000x40xf32>,
    return
  }
  func.func @transform_0(%arg0: i32) -> (i32, i32) {
    %c0_i32 = arith.constant 0 : i32
    %c0_i32_0 = arith.constant 0 : i32
    return %arg0, %c0_i32 : i32, i32
  }
  func.func @transform_1(%arg0: i32) -> (i32, i32) {
    %c0_i32 = arith.constant 0 : i32
    %c0_i32_0 = arith.constant 0 : i32
    %c0_i32_1 = arith.constant 0 : i32
    return %c0_i32, %c0_i32_0 : i32, i32
  }
  func.func @transform_2(%arg0: i32) -> (i32, i32, i32) {
    %c0_i32 = arith.constant 0 : i32
    %c0_i32_0 = arith.constant 0 : i32
    %c0_i32_1 = arith.constant 0 : i32
    %c0_i32_2 = arith.constant 0 : i32
    return %c0_i32, %c0_i32_0, %c0_i32_1 : i32, i32, i32
  }
  func.func @transform_3(%arg0: i32) -> (i32, i32) {
    %c0_i32 = arith.constant 0 : i32
    %c0_i32_0 = arith.constant 0 : i32
    %c0_i32_1 = arith.constant 0 : i32
    return %c0_i32, %c0_i32_0 : i32, i32
  }
  func.func @transform_4(%arg0: i32) -> (i32, i32) {
    %c0_i32 = arith.constant 0 : i32
    %c0_i32_0 = arith.constant 0 : i32
    %c0_i32_1 = arith.constant 0 : i32
    return %c0_i32, %c0_i32_0 : i32, i32
  }
  func.func @transform_5(%arg0: i32) -> (i32, i32, i32) {
    %c0_i32 = arith.constant 0 : i32
    %c0_i32_0 = arith.constant 0 : i32
    %c0_i32_1 = arith.constant 0 : i32
    %c0_i32_2 = arith.constant 0 : i32
    return %c0_i32, %c0_i32_0, %c0_i32_1 : i32, i32, i32
  }
  func.func @transform_6(%arg0: i32) -> (i32, i32) {
    %c0_i32 = arith.constant 0 : i32
    %c0_i32_0 = arith.constant 0 : i32
    %c0_i32_1 = arith.constant 0 : i32
    return %c0_i32, %c0_i32_0 : i32, i32
  }
  func.func @transform_7(%arg0: i32) -> (i32, i32) {
    %c0_i32 = arith.constant 0 : i32
    %c0_i32_0 = arith.constant 0 : i32
    return %arg0, %c0_i32 : i32, i32
  }
  func.func @transform_8(%arg0: i32) -> (i32, i32) {
    %c0_i32 = arith.constant 0 : i32
    %c0_i32_0 = arith.constant 0 : i32
    return %arg0, %c0_i32 : i32, i32
  }
}

module attributes {stable_mosaic.version = 14 : i64} {
  func.func @_scale_body(%arg0: i32, %arg1: memref<2000x64xf32, #tpu.memory_space<vmem>>, %arg2: memref<2x2000x16xf32, #tpu.memory_space<vmem>>, %arg3: memref<2000x64xf32, #tpu.memory_space<vmem>>, %arg4: memref<2000x64xf32, #tpu.memory_space<vmem>>) attributes {dimension_semantics = [#tpu.dimension_semantics<arbitrary>], iteration_bounds = array<i64: 5>, scalar_prefetch = 0 : i64, scratch_operands = 0 : i64, tpu.core_type = #tpu.core_type<tc>, window_params = [{transform_indices = @transform_0, window_bounds = array<i64: 2000, 64>}, {transform_indices = @transform_1, window_bounds = array<i64: 2, 2000, 16>}, {transform_indices = @transform_2, window_bounds = array<i64: 2000, 64>}, {transform_indices = @transform_3, window_bounds = array<i64: 2000, 64>}]} {
    %get3A = arith.constant 0 : index
    %get3A_0 = arith.constant 0 : index
    %get3A_1 = arith.constant 0 : index
    %get3A_2 = vector.load %arg2[%get3A, %get3A_0, %get3A_1] : memref<2x2000x16xf32, #tpu.memory_space<vmem>>, vector<2x2000x16xf32>
    %slice3A = vector.extract_strided_slice %get3A_2 {offsets = [0, 0, 0], sizes = [1, 2000, 1], strides = [1, 1, 1]} : vector<2x2000x16xf32> to vector<1x2000x1xf32>
    %squeeze3A = vector.shape_cast %slice3A : vector<1x2000x1xf32> to vector<2000x1xf32>
    %slice3A_3 = vector.extract_strided_slice %get3A_2 {offsets = [1, 0, 0], sizes = [1, 2000, 1], strides = [1, 1, 1]} : vector<2x2000x16xf32> to vector<1x2000x1xf32>
    %squeeze3A_4 = vector.shape_cast %slice3A_3 : vector<1x2000x1xf32> to vector<2000x1xf32>
    %add3A = arith.addf %squeeze3A, %squeeze3A_4 : vector<2000x1xf32>
    %sub3A = arith.constant 1.000000e+00 : f32
    %sub3A_5 = vector.broadcast %sub3A : f32 to vector<2000x1xf32>
    %sub3A_6 = arith.subf %add3A, %sub3A_5 : vector<2000x1xf32>
    %rsqrt3A = math.rsqrt %sub3A_6 : vector<2000x1xf32>
    %get3A_7 = arith.constant 0 : index
    %get3A_8 = arith.constant 0 : index
    %get3A_9 = vector.load %arg1[%get3A_7, %get3A_8] : memref<2000x64xf32, #tpu.memory_space<vmem>>, vector<2000x64xf32>
    %mul3A = vector.broadcast %rsqrt3A : vector<2000x1xf32> to vector<2000x64xf32>
    %mul3A_10 = arith.mulf %get3A_9, %mul3A : vector<2000x64xf32>
    %swap3A = arith.constant 0 : index
    %swap3A_11 = arith.constant 0 : index
    %swap3A_12 = vector.load %arg3[%swap3A, %swap3A_11] : memref<2000x64xf32, #tpu.memory_space<vmem>>, vector<2000x64xf32>
    tpu.vector_store %arg3[%swap3A, %swap3A_11], %mul3A_10 {strides = array<i32>} : memref<2000x64xf32, #tpu.memory_space<vmem>>, vector<2000x64xf32>,
    %broadcast_in_dim3A = vector.shape_cast %rsqrt3A : vector<2000x1xf32> to vector<2000x1xf32>
    %broadcast_in_dim3A_13 = vector.broadcast %broadcast_in_dim3A : vector<2000x1xf32> to vector<2000x64xf32>
    %swap3A_14 = arith.constant 0 : index
    %swap3A_15 = arith.constant 0 : index
    %swap3A_16 = vector.load %arg4[%swap3A_14, %swap3A_15] : memref<2000x64xf32, #tpu.memory_space<vmem>>, vector<2000x64xf32>
    tpu.vector_store %arg4[%swap3A_14, %swap3A_15], %broadcast_in_dim3A_13 {strides = array<i32>} : memref<2000x64xf32, #tpu.memory_space<vmem>>, vector<2000x64xf32>,
    return
  }
  func.func @transform_0(%arg0: i32) -> (i32, i32) {
    %c0_i32 = arith.constant 0 : i32
    %c0_i32_0 = arith.constant 0 : i32
    return %arg0, %c0_i32 : i32, i32
  }
  func.func @transform_1(%arg0: i32) -> (i32, i32, i32) {
    %c0_i32 = arith.constant 0 : i32
    %c0_i32_0 = arith.constant 0 : i32
    %c0_i32_1 = arith.constant 0 : i32
    return %c0_i32, %arg0, %c0_i32_0 : i32, i32, i32
  }
  func.func @transform_2(%arg0: i32) -> (i32, i32) {
    %c0_i32 = arith.constant 0 : i32
    %c0_i32_0 = arith.constant 0 : i32
    return %arg0, %c0_i32 : i32, i32
  }
  func.func @transform_3(%arg0: i32) -> (i32, i32) {
    %c0_i32 = arith.constant 0 : i32
    %c0_i32_0 = arith.constant 0 : i32
    return %arg0, %c0_i32 : i32, i32
  }
}

module attributes {stable_mosaic.version = 14 : i64} {
  func.func @_c1_body(%arg0: i32, %arg1: memref<2x2000x64xf32, #tpu.memory_space<vmem>>, %arg2: memref<2000x64xf32, #tpu.memory_space<vmem>>, %arg3: memref<2000x64xf32, #tpu.memory_space<vmem>>, %arg4: memref<1x64xf32, #tpu.memory_space<vmem>>, %arg5: memref<2x64xf32, #tpu.memory_space<vmem>>) attributes {dimension_semantics = [#tpu.dimension_semantics<arbitrary>], iteration_bounds = array<i64: 5>, scalar_prefetch = 0 : i64, scratch_operands = 0 : i64, tpu.core_type = #tpu.core_type<tc>, window_params = [{transform_indices = @transform_0, window_bounds = array<i64: 2, 2000, 64>}, {transform_indices = @transform_1, window_bounds = array<i64: 2000, 64>}, {transform_indices = @transform_2, window_bounds = array<i64: 2000, 64>}, {pipeline_mode = #tpu.pipeline_mode<synchronous>, transform_indices = @transform_3, window_bounds = array<i64: 1, 64>}, {pipeline_mode = #tpu.pipeline_mode<synchronous>, transform_indices = @transform_4, window_bounds = array<i64: 2, 64>}]} {
    %get3A = arith.constant 0 : index
    %get3A_0 = arith.constant 0 : index
    %get3A_1 = arith.constant 0 : index
    %get3A_2 = vector.load %arg1[%get3A, %get3A_0, %get3A_1] : memref<2x2000x64xf32, #tpu.memory_space<vmem>>, vector<2x2000x64xf32>
    %get3A_3 = arith.constant 0 : index
    %get3A_4 = arith.constant 0 : index
    %get3A_5 = vector.load %arg3[%get3A_3, %get3A_4] : memref<2000x64xf32, #tpu.memory_space<vmem>>, vector<2000x64xf32>
    %slice3A = vector.extract_strided_slice %get3A_2 {offsets = [0, 0, 0], sizes = [1, 2000, 64], strides = [1, 1, 1]} : vector<2x2000x64xf32> to vector<1x2000x64xf32>
    %squeeze3A = vector.shape_cast %slice3A : vector<1x2000x64xf32> to vector<2000x64xf32>
    %slice3A_6 = vector.extract_strided_slice %get3A_2 {offsets = [1, 0, 0], sizes = [1, 2000, 64], strides = [1, 1, 1]} : vector<2x2000x64xf32> to vector<1x2000x64xf32>
    %squeeze3A_7 = vector.shape_cast %slice3A_6 : vector<1x2000x64xf32> to vector<2000x64xf32>
    %add3A = arith.addf %squeeze3A, %squeeze3A_7 : vector<2000x64xf32>
    %get3A_8 = arith.constant 0 : index
    %get3A_9 = arith.constant 0 : index
    %get3A_10 = vector.load %arg2[%get3A_8, %get3A_9] : memref<2000x64xf32, #tpu.memory_space<vmem>>, vector<2000x64xf32>
    %sub3A = arith.subf %add3A, %get3A_10 : vector<2000x64xf32>
    %mul3A = arith.mulf %get3A_5, %sub3A : vector<2000x64xf32>
    %get3A_11 = arith.constant 0 : index
    %get3A_12 = arith.constant 0 : index
    %get3A_13 = vector.load %arg4[%get3A_11, %get3A_12] : memref<1x64xf32, #tpu.memory_space<vmem>>, vector<1x64xf32>
    %add3A_14 = vector.broadcast %get3A_13 : vector<1x64xf32> to vector<2000x64xf32>
    %add3A_15 = arith.addf %mul3A, %add3A_14 : vector<2000x64xf32>
    %eq3A = arith.constant 0 : i32
    %eq3A_16 = arith.cmpi eq, %arg0, %eq3A : i32
    %convert_element_type3A = arith.extui %eq3A_16 : i1 to i32
    %cond3A = arith.constant 0 : i32
    %cond3A_17 = arith.cmpi ne, %convert_element_type3A, %cond3A : i32
    scf.if %cond3A_17 {
      %broadcast_in_dim3A_29 = arith.constant 0.000000e+00 : f32
      %broadcast_in_dim3A_30 = vector.broadcast %broadcast_in_dim3A_29 : f32 to vector<2x64xf32>
      %swap3A_31 = arith.constant 0 : index
      %swap3A_32 = arith.constant 0 : index
      %swap3A_33 = vector.load %arg5[%swap3A_31, %swap3A_32] : memref<2x64xf32, #tpu.memory_space<vmem>>, vector<2x64xf32>
      tpu.vector_store %arg5[%swap3A_31, %swap3A_32], %broadcast_in_dim3A_30 {strides = array<i32>} : memref<2x64xf32, #tpu.memory_space<vmem>>, vector<2x64xf32>,
    } else {
    }
    %get3A_18 = arith.constant 0 : index
    %get3A_19 = arith.constant 0 : index
    %get3A_20 = vector.load %arg5[%get3A_18, %get3A_19] : memref<2x64xf32, #tpu.memory_space<vmem>>, vector<2x64xf32>
    %reduce_sum3A = arith.constant dense<0.000000e+00> : vector<64xf32>
    %reduce_sum3A_21 = vector.multi_reduction <add>, %add3A_15, %reduce_sum3A [0] : vector<2000x64xf32> to vector<64xf32>
    %broadcast_in_dim3A = vector.shape_cast %reduce_sum3A_21 : vector<64xf32> to vector<1x64xf32>
    %mul3A_22 = arith.mulf %add3A_15, %add3A_15 : vector<2000x64xf32>
    %reduce_sum3A_23 = arith.constant dense<0.000000e+00> : vector<64xf32>
    %reduce_sum3A_24 = vector.multi_reduction <add>, %mul3A_22, %reduce_sum3A_23 [0] : vector<2000x64xf32> to vector<64xf32>
    %broadcast_in_dim3A_25 = vector.shape_cast %reduce_sum3A_24 : vector<64xf32> to vector<1x64xf32>
    %concatenate3A = tpu.concatenate %broadcast_in_dim3A, %broadcast_in_dim3A_25 in 0 : vector<1x64xf32>, vector<1x64xf32> -> vector<2x64xf32>
    %add3A_26 = arith.addf %get3A_20, %concatenate3A : vector<2x64xf32>
    %swap3A = arith.constant 0 : index
    %swap3A_27 = arith.constant 0 : index
    %swap3A_28 = vector.load %arg5[%swap3A, %swap3A_27] : memref<2x64xf32, #tpu.memory_space<vmem>>, vector<2x64xf32>
    tpu.vector_store %arg5[%swap3A, %swap3A_27], %add3A_26 {strides = array<i32>} : memref<2x64xf32, #tpu.memory_space<vmem>>, vector<2x64xf32>,
    return
  }
  func.func @transform_0(%arg0: i32) -> (i32, i32, i32) {
    %c0_i32 = arith.constant 0 : i32
    %c0_i32_0 = arith.constant 0 : i32
    %c0_i32_1 = arith.constant 0 : i32
    return %c0_i32, %arg0, %c0_i32_0 : i32, i32, i32
  }
  func.func @transform_1(%arg0: i32) -> (i32, i32) {
    %c0_i32 = arith.constant 0 : i32
    %c0_i32_0 = arith.constant 0 : i32
    return %arg0, %c0_i32 : i32, i32
  }
  func.func @transform_2(%arg0: i32) -> (i32, i32) {
    %c0_i32 = arith.constant 0 : i32
    %c0_i32_0 = arith.constant 0 : i32
    return %arg0, %c0_i32 : i32, i32
  }
  func.func @transform_3(%arg0: i32) -> (i32, i32) {
    %c0_i32 = arith.constant 0 : i32
    %c0_i32_0 = arith.constant 0 : i32
    %c0_i32_1 = arith.constant 0 : i32
    return %c0_i32, %c0_i32_0 : i32, i32
  }
  func.func @transform_4(%arg0: i32) -> (i32, i32) {
    %c0_i32 = arith.constant 0 : i32
    %c0_i32_0 = arith.constant 0 : i32
    %c0_i32_1 = arith.constant 0 : i32
    return %c0_i32, %c0_i32_0 : i32, i32
  }
}

module attributes {stable_mosaic.version = 14 : i64} {
  func.func @_c2_body(%arg0: i32, %arg1: memref<2x2000x64xf32, #tpu.memory_space<vmem>>, %arg2: memref<2000x64xf32, #tpu.memory_space<vmem>>, %arg3: memref<2000x64xf32, #tpu.memory_space<vmem>>, %arg4: memref<1x64xf32, #tpu.memory_space<vmem>>, %arg5: memref<2x64xf32, #tpu.memory_space<vmem>>, %arg6: memref<1x64xf32, #tpu.memory_space<vmem>>, %arg7: memref<1x64xf32, #tpu.memory_space<vmem>>, %arg8: memref<2000x40xf32, #tpu.memory_space<vmem>>, %arg9: memref<40x64xf32, #tpu.memory_space<vmem>>, %arg10: memref<7x40x64xf32, #tpu.memory_space<vmem>>, %arg11: memref<40x64xf32, #tpu.memory_space<vmem>>, %arg12: memref<2000x40xf32, #tpu.memory_space<vmem>>, %arg13: memref<2000x40xf32, #tpu.memory_space<vmem>>) attributes {dimension_semantics = [#tpu.dimension_semantics<arbitrary>], iteration_bounds = array<i64: 5>, scalar_prefetch = 0 : i64, scratch_operands = 0 : i64, tpu.core_type = #tpu.core_type<tc>, window_params = [{transform_indices = @transform_0, window_bounds = array<i64: 2, 2000, 64>}, {transform_indices = @transform_1, window_bounds = array<i64: 2000, 64>}, {transform_indices = @transform_2, window_bounds = array<i64: 2000, 64>}, {pipeline_mode = #tpu.pipeline_mode<synchronous>, transform_indices = @transform_3, window_bounds = array<i64: 1, 64>}, {pipeline_mode = #tpu.pipeline_mode<synchronous>, transform_indices = @transform_4, window_bounds = array<i64: 2, 64>}, {pipeline_mode = #tpu.pipeline_mode<synchronous>, transform_indices = @transform_5, window_bounds = array<i64: 1, 64>}, {pipeline_mode = #tpu.pipeline_mode<synchronous>, transform_indices = @transform_6, window_bounds = array<i64: 1, 64>}, {transform_indices = @transform_7, window_bounds = array<i64: 2000, 40>}, {pipeline_mode = #tpu.pipeline_mode<synchronous>, transform_indices = @transform_8, window_bounds = array<i64: 40, 64>}, {pipeline_mode = #tpu.pipeline_mode<synchronous>, transform_indices = @transform_9, window_bounds = array<i64: 7, 40, 64>}, {pipeline_mode = #tpu.pipeline_mode<synchronous>, transform_indices = @transform_10, window_bounds = array<i64: 40, 64>}, {transform_indices = @transform_11, window_bounds = array<i64: 2000, 40>}, {transform_indices = @transform_12, window_bounds = array<i64: 2000, 40>}]} {
    %get3A = arith.constant 0 : index
    %get3A_0 = arith.constant 0 : index
    %get3A_1 = arith.constant 0 : index
    %get3A_2 = vector.load %arg1[%get3A, %get3A_0, %get3A_1] : memref<2x2000x64xf32, #tpu.memory_space<vmem>>, vector<2x2000x64xf32>
    %get3A_3 = arith.constant 0 : index
    %get3A_4 = arith.constant 0 : index
    %get3A_5 = vector.load %arg3[%get3A_3, %get3A_4] : memref<2000x64xf32, #tpu.memory_space<vmem>>, vector<2000x64xf32>
    %slice3A = vector.extract_strided_slice %get3A_2 {offsets = [0, 0, 0], sizes = [1, 2000, 64], strides = [1, 1, 1]} : vector<2x2000x64xf32> to vector<1x2000x64xf32>
    %squeeze3A = vector.shape_cast %slice3A : vector<1x2000x64xf32> to vector<2000x64xf32>
    %slice3A_6 = vector.extract_strided_slice %get3A_2 {offsets = [1, 0, 0], sizes = [1, 2000, 64], strides = [1, 1, 1]} : vector<2x2000x64xf32> to vector<1x2000x64xf32>
    %squeeze3A_7 = vector.shape_cast %slice3A_6 : vector<1x2000x64xf32> to vector<2000x64xf32>
    %add3A = arith.addf %squeeze3A, %squeeze3A_7 : vector<2000x64xf32>
    %get3A_8 = arith.constant 0 : index
    %get3A_9 = arith.constant 0 : index
    %get3A_10 = vector.load %arg2[%get3A_8, %get3A_9] : memref<2000x64xf32, #tpu.memory_space<vmem>>, vector<2000x64xf32>
    %sub3A = arith.subf %add3A, %get3A_10 : vector<2000x64xf32>
    %mul3A = arith.mulf %get3A_5, %sub3A : vector<2000x64xf32>
    %get3A_11 = arith.constant 0 : index
    %get3A_12 = arith.constant 0 : index
    %get3A_13 = vector.load %arg4[%get3A_11, %get3A_12] : memref<1x64xf32, #tpu.memory_space<vmem>>, vector<1x64xf32>
    %add3A_14 = vector.broadcast %get3A_13 : vector<1x64xf32> to vector<2000x64xf32>
    %add3A_15 = arith.addf %mul3A, %add3A_14 : vector<2000x64xf32>
    %get3A_16 = arith.constant 0 : index
    %get3A_17 = arith.constant 0 : index
    %get3A_18 = vector.load %arg5[%get3A_16, %get3A_17] : memref<2x64xf32, #tpu.memory_space<vmem>>, vector<2x64xf32>
    %slice3A_19 = vector.extract_strided_slice %get3A_18 {offsets = [0, 0], sizes = [1, 64], strides = [1, 1]} : vector<2x64xf32> to vector<1x64xf32>
    %mul3A_20 = arith.constant 9.99999974E-5 : f32
    %mul3A_21 = vector.broadcast %mul3A_20 : f32 to vector<1x64xf32>
    %mul3A_22 = arith.mulf %slice3A_19, %mul3A_21 : vector<1x64xf32>
    %slice3A_23 = vector.extract_strided_slice %get3A_18 {offsets = [1, 0], sizes = [1, 64], strides = [1, 1]} : vector<2x64xf32> to vector<1x64xf32>
    %mul3A_24 = arith.constant 9.99999974E-5 : f32
    %mul3A_25 = vector.broadcast %mul3A_24 : f32 to vector<1x64xf32>
    %mul3A_26 = arith.mulf %slice3A_23, %mul3A_25 : vector<1x64xf32>
    %mul3A_27 = arith.mulf %mul3A_22, %mul3A_22 : vector<1x64xf32>
    %sub3A_28 = arith.subf %mul3A_26, %mul3A_27 : vector<1x64xf32>
    %sub3A_29 = vector.broadcast %mul3A_22 : vector<1x64xf32> to vector<2000x64xf32>
    %sub3A_30 = arith.subf %add3A_15, %sub3A_29 : vector<2000x64xf32>
    %add3A_31 = arith.constant 9.99999974E-6 : f32
    %add3A_32 = vector.broadcast %add3A_31 : f32 to vector<1x64xf32>
    %add3A_33 = arith.addf %sub3A_28, %add3A_32 : vector<1x64xf32>
    %rsqrt3A = math.rsqrt %add3A_33 : vector<1x64xf32>
    %mul3A_34 = vector.broadcast %rsqrt3A : vector<1x64xf32> to vector<2000x64xf32>
    %mul3A_35 = arith.mulf %sub3A_30, %mul3A_34 : vector<2000x64xf32>
    %get3A_36 = arith.constant 0 : index
    %get3A_37 = arith.constant 0 : index
    %get3A_38 = vector.load %arg6[%get3A_36, %get3A_37] : memref<1x64xf32, #tpu.memory_space<vmem>>, vector<1x64xf32>
    %mul3A_39 = vector.broadcast %get3A_38 : vector<1x64xf32> to vector<2000x64xf32>
    %mul3A_40 = arith.mulf %mul3A_35, %mul3A_39 : vector<2000x64xf32>
    %get3A_41 = arith.constant 0 : index
    %get3A_42 = arith.constant 0 : index
    %get3A_43 = vector.load %arg7[%get3A_41, %get3A_42] : memref<1x64xf32, #tpu.memory_space<vmem>>, vector<1x64xf32>
    %add3A_44 = vector.broadcast %get3A_43 : vector<1x64xf32> to vector<2000x64xf32>
    %add3A_45 = arith.addf %mul3A_40, %add3A_44 : vector<2000x64xf32>
    %get3A_46 = arith.constant 0 : index
    %get3A_47 = arith.constant 0 : index
    %get3A_48 = vector.load %arg8[%get3A_46, %get3A_47] : memref<2000x40xf32, #tpu.memory_space<vmem>>, vector<2000x40xf32>
    %mul3A_49 = arith.constant 2.000000e+00 : f32
    %mul3A_50 = vector.broadcast %mul3A_49 : f32 to vector<2000x64xf32>
    %mul3A_51 = arith.mulf %mul3A_50, %add3A_45 : vector<2000x64xf32>
    %add3A_52 = arith.constant 5.000000e+00 : f32
    %add3A_53 = vector.broadcast %add3A_52 : f32 to vector<2000x64xf32>
    %add3A_54 = arith.addf %mul3A_51, %add3A_53 : vector<2000x64xf32>
    %floor3A = math.floor %add3A_54 : vector<2000x64xf32>
    %sub3A_55 = arith.subf %add3A_54, %floor3A : vector<2000x64xf32>
    %mul3A_56 = arith.mulf %sub3A_55, %sub3A_55 : vector<2000x64xf32>
    %mul3A_57 = arith.mulf %mul3A_56, %sub3A_55 : vector<2000x64xf32>
    %mul3A_58 = arith.constant 0.166666672 : f32
    %mul3A_59 = vector.broadcast %mul3A_58 : f32 to vector<2000x64xf32>
    %mul3A_60 = arith.mulf %mul3A_57, %mul3A_59 : vector<2000x64xf32>
    %mul3A_61 = arith.constant -3.000000e+00 : f32
    %mul3A_62 = vector.broadcast %mul3A_61 : f32 to vector<2000x64xf32>
    %mul3A_63 = arith.mulf %mul3A_62, %mul3A_57 : vector<2000x64xf32>
    %mul3A_64 = arith.constant 3.000000e+00 : f32
    %mul3A_65 = vector.broadcast %mul3A_64 : f32 to vector<2000x64xf32>
    %mul3A_66 = arith.mulf %mul3A_65, %mul3A_56 : vector<2000x64xf32>
    %add3A_67 = arith.addf %mul3A_63, %mul3A_66 : vector<2000x64xf32>
    %mul3A_68 = arith.constant 3.000000e+00 : f32
    %mul3A_69 = vector.broadcast %mul3A_68 : f32 to vector<2000x64xf32>
    %mul3A_70 = arith.mulf %mul3A_69, %sub3A_55 : vector<2000x64xf32>
    %add3A_71 = arith.addf %add3A_67, %mul3A_70 : vector<2000x64xf32>
    %add3A_72 = arith.constant 1.000000e+00 : f32
    %add3A_73 = vector.broadcast %add3A_72 : f32 to vector<2000x64xf32>
    %add3A_74 = arith.addf %add3A_71, %add3A_73 : vector<2000x64xf32>
    %mul3A_75 = arith.constant 0.166666672 : f32
    %mul3A_76 = vector.broadcast %mul3A_75 : f32 to vector<2000x64xf32>
    %mul3A_77 = arith.mulf %add3A_74, %mul3A_76 : vector<2000x64xf32>
    %mul3A_78 = arith.constant 3.000000e+00 : f32
    %mul3A_79 = vector.broadcast %mul3A_78 : f32 to vector<2000x64xf32>
    %mul3A_80 = arith.mulf %mul3A_79, %mul3A_57 : vector<2000x64xf32>
    %mul3A_81 = arith.constant 6.000000e+00 : f32
    %mul3A_82 = vector.broadcast %mul3A_81 : f32 to vector<2000x64xf32>
    %mul3A_83 = arith.mulf %mul3A_82, %mul3A_56 : vector<2000x64xf32>
    %sub3A_84 = arith.subf %mul3A_80, %mul3A_83 : vector<2000x64xf32>
    %add3A_85 = arith.constant 4.000000e+00 : f32
    %add3A_86 = vector.broadcast %add3A_85 : f32 to vector<2000x64xf32>
    %add3A_87 = arith.addf %sub3A_84, %add3A_86 : vector<2000x64xf32>
    %mul3A_88 = arith.constant 0.166666672 : f32
    %mul3A_89 = vector.broadcast %mul3A_88 : f32 to vector<2000x64xf32>
    %mul3A_90 = arith.mulf %add3A_87, %mul3A_89 : vector<2000x64xf32>
    %sub3A_91 = arith.constant 1.000000e+00 : f32
    %sub3A_92 = vector.broadcast %sub3A_91 : f32 to vector<2000x64xf32>
    %sub3A_93 = arith.subf %sub3A_92, %sub3A_55 : vector<2000x64xf32>
    %mul3A_94 = arith.mulf %sub3A_93, %sub3A_93 : vector<2000x64xf32>
    %mul3A_95 = arith.mulf %mul3A_94, %sub3A_93 : vector<2000x64xf32>
    %mul3A_96 = arith.constant 0.166666672 : f32
    %mul3A_97 = vector.broadcast %mul3A_96 : f32 to vector<2000x64xf32>
    %mul3A_98 = arith.mulf %mul3A_95, %mul3A_97 : vector<2000x64xf32>
    %logistic3A = arith.negf %add3A_45 : vector<2000x64xf32>
    %logistic3A_99 = math.exp %logistic3A : vector<2000x64xf32>
    %logistic3A_100 = arith.constant 1.000000e+00 : f32
    %logistic3A_101 = vector.broadcast %logistic3A_100 : f32 to vector<2000x64xf32>
    %logistic3A_102 = arith.addf %logistic3A_101, %logistic3A_99 : vector<2000x64xf32>
    %logistic3A_103 = arith.divf %logistic3A_101, %logistic3A_102 : vector<2000x64xf32>
    %mul3A_104 = arith.mulf %add3A_45, %logistic3A_103 : vector<2000x64xf32>
    %eq3A = arith.constant 0.000000e+00 : f32
    %eq3A_105 = vector.broadcast %eq3A : f32 to vector<2000x64xf32>
    %eq3A_106 = arith.cmpf oeq, %floor3A, %eq3A_105 : vector<2000x64xf32>
    %jit3A = arith.constant 0.000000e+00 : f32
    %broadcast_in_dim3A = vector.broadcast %jit3A : f32 to vector<2000x64xf32>
    %select_n3A = arith.select %eq3A_106, %mul3A_60, %broadcast_in_dim3A : vector<2000x64xi1>, vector<2000x64xf32>
    %add3A_107 = arith.constant 0.000000e+00 : f32
    %add3A_108 = arith.constant 1.000000e+00 : f32
    %add3A_109 = arith.addf %add3A_107, %add3A_108 : f32
    %eq3A_110 = vector.broadcast %add3A_109 : f32 to vector<2000x64xf32>
    %eq3A_111 = arith.cmpf oeq, %floor3A, %eq3A_110 : vector<2000x64xf32>
    %jit3A_112 = arith.constant 0.000000e+00 : f32
    %broadcast_in_dim3A_113 = vector.broadcast %jit3A_112 : f32 to vector<2000x64xf32>
    %select_n3A_114 = arith.select %eq3A_111, %mul3A_77, %broadcast_in_dim3A_113 : vector<2000x64xi1>, vector<2000x64xf32>
    %add3A_115 = arith.addf %select_n3A, %select_n3A_114 : vector<2000x64xf32>
    %add3A_116 = arith.constant 0.000000e+00 : f32
    %add3A_117 = arith.constant 2.000000e+00 : f32
    %add3A_118 = arith.addf %add3A_116, %add3A_117 : f32
    %eq3A_119 = vector.broadcast %add3A_118 : f32 to vector<2000x64xf32>
    %eq3A_120 = arith.cmpf oeq, %floor3A, %eq3A_119 : vector<2000x64xf32>
    %jit3A_121 = arith.constant 0.000000e+00 : f32
    %broadcast_in_dim3A_122 = vector.broadcast %jit3A_121 : f32 to vector<2000x64xf32>
    %select_n3A_123 = arith.select %eq3A_120, %mul3A_90, %broadcast_in_dim3A_122 : vector<2000x64xi1>, vector<2000x64xf32>
    %add3A_124 = arith.addf %add3A_115, %select_n3A_123 : vector<2000x64xf32>
    %add3A_125 = arith.constant 0.000000e+00 : f32
    %add3A_126 = arith.constant 3.000000e+00 : f32
    %add3A_127 = arith.addf %add3A_125, %add3A_126 : f32
    %eq3A_128 = vector.broadcast %add3A_127 : f32 to vector<2000x64xf32>
    %eq3A_129 = arith.cmpf oeq, %floor3A, %eq3A_128 : vector<2000x64xf32>
    %jit3A_130 = arith.constant 0.000000e+00 : f32
    %broadcast_in_dim3A_131 = vector.broadcast %jit3A_130 : f32 to vector<2000x64xf32>
    %select_n3A_132 = arith.select %eq3A_129, %mul3A_98, %broadcast_in_dim3A_131 : vector<2000x64xi1>, vector<2000x64xf32>
    %add3A_133 = arith.addf %add3A_124, %select_n3A_132 : vector<2000x64xf32>
    %eq3A_134 = arith.constant 1.000000e+00 : f32
    %eq3A_135 = vector.broadcast %eq3A_134 : f32 to vector<2000x64xf32>
    %eq3A_136 = arith.cmpf oeq, %floor3A, %eq3A_135 : vector<2000x64xf32>
    %jit3A_137 = arith.constant 0.000000e+00 : f32
    %broadcast_in_dim3A_138 = vector.broadcast %jit3A_137 : f32 to vector<2000x64xf32>
    %select_n3A_139 = arith.select %eq3A_136, %mul3A_60, %broadcast_in_dim3A_138 : vector<2000x64xi1>, vector<2000x64xf32>
    %add3A_140 = arith.constant 1.000000e+00 : f32
    %add3A_141 = arith.constant 1.000000e+00 : f32
    %add3A_142 = arith.addf %add3A_140, %add3A_141 : f32
    %eq3A_143 = vector.broadcast %add3A_142 : f32 to vector<2000x64xf32>
    %eq3A_144 = arith.cmpf oeq, %floor3A, %eq3A_143 : vector<2000x64xf32>
    %jit3A_145 = arith.constant 0.000000e+00 : f32
    %broadcast_in_dim3A_146 = vector.broadcast %jit3A_145 : f32 to vector<2000x64xf32>
    %select_n3A_147 = arith.select %eq3A_144, %mul3A_77, %broadcast_in_dim3A_146 : vector<2000x64xi1>, vector<2000x64xf32>
    %add3A_148 = arith.addf %select_n3A_139, %select_n3A_147 : vector<2000x64xf32>
    %add3A_149 = arith.constant 1.000000e+00 : f32
    %add3A_150 = arith.constant 2.000000e+00 : f32
    %add3A_151 = arith.addf %add3A_149, %add3A_150 : f32
    %eq3A_152 = vector.broadcast %add3A_151 : f32 to vector<2000x64xf32>
    %eq3A_153 = arith.cmpf oeq, %floor3A, %eq3A_152 : vector<2000x64xf32>
    %jit3A_154 = arith.constant 0.000000e+00 : f32
    %broadcast_in_dim3A_155 = vector.broadcast %jit3A_154 : f32 to vector<2000x64xf32>
    %select_n3A_156 = arith.select %eq3A_153, %mul3A_90, %broadcast_in_dim3A_155 : vector<2000x64xi1>, vector<2000x64xf32>
    %add3A_157 = arith.addf %add3A_148, %select_n3A_156 : vector<2000x64xf32>
    %add3A_158 = arith.constant 1.000000e+00 : f32
    %add3A_159 = arith.constant 3.000000e+00 : f32
    %add3A_160 = arith.addf %add3A_158, %add3A_159 : f32
    %eq3A_161 = vector.broadcast %add3A_160 : f32 to vector<2000x64xf32>
    %eq3A_162 = arith.cmpf oeq, %floor3A, %eq3A_161 : vector<2000x64xf32>
    %jit3A_163 = arith.constant 0.000000e+00 : f32
    %broadcast_in_dim3A_164 = vector.broadcast %jit3A_163 : f32 to vector<2000x64xf32>
    %select_n3A_165 = arith.select %eq3A_162, %mul3A_98, %broadcast_in_dim3A_164 : vector<2000x64xi1>, vector<2000x64xf32>
    %add3A_166 = arith.addf %add3A_157, %select_n3A_165 : vector<2000x64xf32>
    %eq3A_167 = arith.constant 2.000000e+00 : f32
    %eq3A_168 = vector.broadcast %eq3A_167 : f32 to vector<2000x64xf32>
    %eq3A_169 = arith.cmpf oeq, %floor3A, %eq3A_168 : vector<2000x64xf32>
    %jit3A_170 = arith.constant 0.000000e+00 : f32
    %broadcast_in_dim3A_171 = vector.broadcast %jit3A_170 : f32 to vector<2000x64xf32>
    %select_n3A_172 = arith.select %eq3A_169, %mul3A_60, %broadcast_in_dim3A_171 : vector<2000x64xi1>, vector<2000x64xf32>
    %add3A_173 = arith.constant 2.000000e+00 : f32
    %add3A_174 = arith.constant 1.000000e+00 : f32
    %add3A_175 = arith.addf %add3A_173, %add3A_174 : f32
    %eq3A_176 = vector.broadcast %add3A_175 : f32 to vector<2000x64xf32>
    %eq3A_177 = arith.cmpf oeq, %floor3A, %eq3A_176 : vector<2000x64xf32>
    %jit3A_178 = arith.constant 0.000000e+00 : f32
    %broadcast_in_dim3A_179 = vector.broadcast %jit3A_178 : f32 to vector<2000x64xf32>
    %select_n3A_180 = arith.select %eq3A_177, %mul3A_77, %broadcast_in_dim3A_179 : vector<2000x64xi1>, vector<2000x64xf32>
    %add3A_181 = arith.addf %select_n3A_172, %select_n3A_180 : vector<2000x64xf32>
    %add3A_182 = arith.constant 2.000000e+00 : f32
    %add3A_183 = arith.constant 2.000000e+00 : f32
    %add3A_184 = arith.addf %add3A_182, %add3A_183 : f32
    %eq3A_185 = vector.broadcast %add3A_184 : f32 to vector<2000x64xf32>
    %eq3A_186 = arith.cmpf oeq, %floor3A, %eq3A_185 : vector<2000x64xf32>
    %jit3A_187 = arith.constant 0.000000e+00 : f32
    %broadcast_in_dim3A_188 = vector.broadcast %jit3A_187 : f32 to vector<2000x64xf32>
    %select_n3A_189 = arith.select %eq3A_186, %mul3A_90, %broadcast_in_dim3A_188 : vector<2000x64xi1>, vector<2000x64xf32>
    %add3A_190 = arith.addf %add3A_181, %select_n3A_189 : vector<2000x64xf32>
    %add3A_191 = arith.constant 2.000000e+00 : f32
    %add3A_192 = arith.constant 3.000000e+00 : f32
    %add3A_193 = arith.addf %add3A_191, %add3A_192 : f32
    %eq3A_194 = vector.broadcast %add3A_193 : f32 to vector<2000x64xf32>
    %eq3A_195 = arith.cmpf oeq, %floor3A, %eq3A_194 : vector<2000x64xf32>
    %jit3A_196 = arith.constant 0.000000e+00 : f32
    %broadcast_in_dim3A_197 = vector.broadcast %jit3A_196 : f32 to vector<2000x64xf32>
    %select_n3A_198 = arith.select %eq3A_195, %mul3A_98, %broadcast_in_dim3A_197 : vector<2000x64xi1>, vector<2000x64xf32>
    %add3A_199 = arith.addf %add3A_190, %select_n3A_198 : vector<2000x64xf32>
    %eq3A_200 = arith.constant 3.000000e+00 : f32
    %eq3A_201 = vector.broadcast %eq3A_200 : f32 to vector<2000x64xf32>
    %eq3A_202 = arith.cmpf oeq, %floor3A, %eq3A_201 : vector<2000x64xf32>
    %jit3A_203 = arith.constant 0.000000e+00 : f32
    %broadcast_in_dim3A_204 = vector.broadcast %jit3A_203 : f32 to vector<2000x64xf32>
    %select_n3A_205 = arith.select %eq3A_202, %mul3A_60, %broadcast_in_dim3A_204 : vector<2000x64xi1>, vector<2000x64xf32>
    %add3A_206 = arith.constant 3.000000e+00 : f32
    %add3A_207 = arith.constant 1.000000e+00 : f32
    %add3A_208 = arith.addf %add3A_206, %add3A_207 : f32
    %eq3A_209 = vector.broadcast %add3A_208 : f32 to vector<2000x64xf32>
    %eq3A_210 = arith.cmpf oeq, %floor3A, %eq3A_209 : vector<2000x64xf32>
    %jit3A_211 = arith.constant 0.000000e+00 : f32
    %broadcast_in_dim3A_212 = vector.broadcast %jit3A_211 : f32 to vector<2000x64xf32>
    %select_n3A_213 = arith.select %eq3A_210, %mul3A_77, %broadcast_in_dim3A_212 : vector<2000x64xi1>, vector<2000x64xf32>
    %add3A_214 = arith.addf %select_n3A_205, %select_n3A_213 : vector<2000x64xf32>
    %add3A_215 = arith.constant 3.000000e+00 : f32
    %add3A_216 = arith.constant 2.000000e+00 : f32
    %add3A_217 = arith.addf %add3A_215, %add3A_216 : f32
    %eq3A_218 = vector.broadcast %add3A_217 : f32 to vector<2000x64xf32>
    %eq3A_219 = arith.cmpf oeq, %floor3A, %eq3A_218 : vector<2000x64xf32>
    %jit3A_220 = arith.constant 0.000000e+00 : f32
    %broadcast_in_dim3A_221 = vector.broadcast %jit3A_220 : f32 to vector<2000x64xf32>
    %select_n3A_222 = arith.select %eq3A_219, %mul3A_90, %broadcast_in_dim3A_221 : vector<2000x64xi1>, vector<2000x64xf32>
    %add3A_223 = arith.addf %add3A_214, %select_n3A_222 : vector<2000x64xf32>
    %add3A_224 = arith.constant 3.000000e+00 : f32
    %add3A_225 = arith.constant 3.000000e+00 : f32
    %add3A_226 = arith.addf %add3A_224, %add3A_225 : f32
    %eq3A_227 = vector.broadcast %add3A_226 : f32 to vector<2000x64xf32>
    %eq3A_228 = arith.cmpf oeq, %floor3A, %eq3A_227 : vector<2000x64xf32>
    %jit3A_229 = arith.constant 0.000000e+00 : f32
    %broadcast_in_dim3A_230 = vector.broadcast %jit3A_229 : f32 to vector<2000x64xf32>
    %select_n3A_231 = arith.select %eq3A_228, %mul3A_98, %broadcast_in_dim3A_230 : vector<2000x64xi1>, vector<2000x64xf32>
    %add3A_232 = arith.addf %add3A_223, %select_n3A_231 : vector<2000x64xf32>
    %eq3A_233 = arith.constant 4.000000e+00 : f32
    %eq3A_234 = vector.broadcast %eq3A_233 : f32 to vector<2000x64xf32>
    %eq3A_235 = arith.cmpf oeq, %floor3A, %eq3A_234 : vector<2000x64xf32>
    %jit3A_236 = arith.constant 0.000000e+00 : f32
    %broadcast_in_dim3A_237 = vector.broadcast %jit3A_236 : f32 to vector<2000x64xf32>
    %select_n3A_238 = arith.select %eq3A_235, %mul3A_60, %broadcast_in_dim3A_237 : vector<2000x64xi1>, vector<2000x64xf32>
    %add3A_239 = arith.constant 4.000000e+00 : f32
    %add3A_240 = arith.constant 1.000000e+00 : f32
    %add3A_241 = arith.addf %add3A_239, %add3A_240 : f32
    %eq3A_242 = vector.broadcast %add3A_241 : f32 to vector<2000x64xf32>
    %eq3A_243 = arith.cmpf oeq, %floor3A, %eq3A_242 : vector<2000x64xf32>
    %jit3A_244 = arith.constant 0.000000e+00 : f32
    %broadcast_in_dim3A_245 = vector.broadcast %jit3A_244 : f32 to vector<2000x64xf32>
    %select_n3A_246 = arith.select %eq3A_243, %mul3A_77, %broadcast_in_dim3A_245 : vector<2000x64xi1>, vector<2000x64xf32>
    %add3A_247 = arith.addf %select_n3A_238, %select_n3A_246 : vector<2000x64xf32>
    %add3A_248 = arith.constant 4.000000e+00 : f32
    %add3A_249 = arith.constant 2.000000e+00 : f32
    %add3A_250 = arith.addf %add3A_248, %add3A_249 : f32
    %eq3A_251 = vector.broadcast %add3A_250 : f32 to vector<2000x64xf32>
    %eq3A_252 = arith.cmpf oeq, %floor3A, %eq3A_251 : vector<2000x64xf32>
    %jit3A_253 = arith.constant 0.000000e+00 : f32
    %broadcast_in_dim3A_254 = vector.broadcast %jit3A_253 : f32 to vector<2000x64xf32>
    %select_n3A_255 = arith.select %eq3A_252, %mul3A_90, %broadcast_in_dim3A_254 : vector<2000x64xi1>, vector<2000x64xf32>
    %add3A_256 = arith.addf %add3A_247, %select_n3A_255 : vector<2000x64xf32>
    %add3A_257 = arith.constant 4.000000e+00 : f32
    %add3A_258 = arith.constant 3.000000e+00 : f32
    %add3A_259 = arith.addf %add3A_257, %add3A_258 : f32
    %eq3A_260 = vector.broadcast %add3A_259 : f32 to vector<2000x64xf32>
    %eq3A_261 = arith.cmpf oeq, %floor3A, %eq3A_260 : vector<2000x64xf32>
    %jit3A_262 = arith.constant 0.000000e+00 : f32
    %broadcast_in_dim3A_263 = vector.broadcast %jit3A_262 : f32 to vector<2000x64xf32>
    %select_n3A_264 = arith.select %eq3A_261, %mul3A_98, %broadcast_in_dim3A_263 : vector<2000x64xi1>, vector<2000x64xf32>
    %add3A_265 = arith.addf %add3A_256, %select_n3A_264 : vector<2000x64xf32>
    %eq3A_266 = arith.constant 5.000000e+00 : f32
    %eq3A_267 = vector.broadcast %eq3A_266 : f32 to vector<2000x64xf32>
    %eq3A_268 = arith.cmpf oeq, %floor3A, %eq3A_267 : vector<2000x64xf32>
    %jit3A_269 = arith.constant 0.000000e+00 : f32
    %broadcast_in_dim3A_270 = vector.broadcast %jit3A_269 : f32 to vector<2000x64xf32>
    %select_n3A_271 = arith.select %eq3A_268, %mul3A_60, %broadcast_in_dim3A_270 : vector<2000x64xi1>, vector<2000x64xf32>
    %add3A_272 = arith.constant 5.000000e+00 : f32
    %add3A_273 = arith.constant 1.000000e+00 : f32
    %add3A_274 = arith.addf %add3A_272, %add3A_273 : f32
    %eq3A_275 = vector.broadcast %add3A_274 : f32 to vector<2000x64xf32>
    %eq3A_276 = arith.cmpf oeq, %floor3A, %eq3A_275 : vector<2000x64xf32>
    %jit3A_277 = arith.constant 0.000000e+00 : f32
    %broadcast_in_dim3A_278 = vector.broadcast %jit3A_277 : f32 to vector<2000x64xf32>
    %select_n3A_279 = arith.select %eq3A_276, %mul3A_77, %broadcast_in_dim3A_278 : vector<2000x64xi1>, vector<2000x64xf32>
    %add3A_280 = arith.addf %select_n3A_271, %select_n3A_279 : vector<2000x64xf32>
    %add3A_281 = arith.constant 5.000000e+00 : f32
    %add3A_282 = arith.constant 2.000000e+00 : f32
    %add3A_283 = arith.addf %add3A_281, %add3A_282 : f32
    %eq3A_284 = vector.broadcast %add3A_283 : f32 to vector<2000x64xf32>
    %eq3A_285 = arith.cmpf oeq, %floor3A, %eq3A_284 : vector<2000x64xf32>
    %jit3A_286 = arith.constant 0.000000e+00 : f32
    %broadcast_in_dim3A_287 = vector.broadcast %jit3A_286 : f32 to vector<2000x64xf32>
    %select_n3A_288 = arith.select %eq3A_285, %mul3A_90, %broadcast_in_dim3A_287 : vector<2000x64xi1>, vector<2000x64xf32>
    %add3A_289 = arith.addf %add3A_280, %select_n3A_288 : vector<2000x64xf32>
    %add3A_290 = arith.constant 5.000000e+00 : f32
    %add3A_291 = arith.constant 3.000000e+00 : f32
    %add3A_292 = arith.addf %add3A_290, %add3A_291 : f32
    %eq3A_293 = vector.broadcast %add3A_292 : f32 to vector<2000x64xf32>
    %eq3A_294 = arith.cmpf oeq, %floor3A, %eq3A_293 : vector<2000x64xf32>
    %jit3A_295 = arith.constant 0.000000e+00 : f32
    %broadcast_in_dim3A_296 = vector.broadcast %jit3A_295 : f32 to vector<2000x64xf32>
    %select_n3A_297 = arith.select %eq3A_294, %mul3A_98, %broadcast_in_dim3A_296 : vector<2000x64xi1>, vector<2000x64xf32>
    %add3A_298 = arith.addf %add3A_289, %select_n3A_297 : vector<2000x64xf32>
    %eq3A_299 = arith.constant 6.000000e+00 : f32
    %eq3A_300 = vector.broadcast %eq3A_299 : f32 to vector<2000x64xf32>
    %eq3A_301 = arith.cmpf oeq, %floor3A, %eq3A_300 : vector<2000x64xf32>
    %jit3A_302 = arith.constant 0.000000e+00 : f32
    %broadcast_in_dim3A_303 = vector.broadcast %jit3A_302 : f32 to vector<2000x64xf32>
    %select_n3A_304 = arith.select %eq3A_301, %mul3A_60, %broadcast_in_dim3A_303 : vector<2000x64xi1>, vector<2000x64xf32>
    %add3A_305 = arith.constant 6.000000e+00 : f32
    %add3A_306 = arith.constant 1.000000e+00 : f32
    %add3A_307 = arith.addf %add3A_305, %add3A_306 : f32
    %eq3A_308 = vector.broadcast %add3A_307 : f32 to vector<2000x64xf32>
    %eq3A_309 = arith.cmpf oeq, %floor3A, %eq3A_308 : vector<2000x64xf32>
    %jit3A_310 = arith.constant 0.000000e+00 : f32
    %broadcast_in_dim3A_311 = vector.broadcast %jit3A_310 : f32 to vector<2000x64xf32>
    %select_n3A_312 = arith.select %eq3A_309, %mul3A_77, %broadcast_in_dim3A_311 : vector<2000x64xi1>, vector<2000x64xf32>
    %add3A_313 = arith.addf %select_n3A_304, %select_n3A_312 : vector<2000x64xf32>
    %add3A_314 = arith.constant 6.000000e+00 : f32
    %add3A_315 = arith.constant 2.000000e+00 : f32
    %add3A_316 = arith.addf %add3A_314, %add3A_315 : f32
    %eq3A_317 = vector.broadcast %add3A_316 : f32 to vector<2000x64xf32>
    %eq3A_318 = arith.cmpf oeq, %floor3A, %eq3A_317 : vector<2000x64xf32>
    %jit3A_319 = arith.constant 0.000000e+00 : f32
    %broadcast_in_dim3A_320 = vector.broadcast %jit3A_319 : f32 to vector<2000x64xf32>
    %select_n3A_321 = arith.select %eq3A_318, %mul3A_90, %broadcast_in_dim3A_320 : vector<2000x64xi1>, vector<2000x64xf32>
    %add3A_322 = arith.addf %add3A_313, %select_n3A_321 : vector<2000x64xf32>
    %add3A_323 = arith.constant 6.000000e+00 : f32
    %add3A_324 = arith.constant 3.000000e+00 : f32
    %add3A_325 = arith.addf %add3A_323, %add3A_324 : f32
    %eq3A_326 = vector.broadcast %add3A_325 : f32 to vector<2000x64xf32>
    %eq3A_327 = arith.cmpf oeq, %floor3A, %eq3A_326 : vector<2000x64xf32>
    %jit3A_328 = arith.constant 0.000000e+00 : f32
    %broadcast_in_dim3A_329 = vector.broadcast %jit3A_328 : f32 to vector<2000x64xf32>
    %select_n3A_330 = arith.select %eq3A_327, %mul3A_98, %broadcast_in_dim3A_329 : vector<2000x64xi1>, vector<2000x64xf32>
    %add3A_331 = arith.addf %add3A_322, %select_n3A_330 : vector<2000x64xf32>
    %concatenate3A = tpu.concatenate %mul3A_104, %add3A_133, %add3A_166, %add3A_199, %add3A_232, %add3A_265, %add3A_298, %add3A_331 in 1 : vector<2000x64xf32>, vector<2000x64xf32>, vector<2000x64xf32>, vector<2000x64xf32>, vector<2000x64xf32>, vector<2000x64xf32>, vector<2000x64xf32>, vector<2000x64xf32> -> vector<2000x512xf32>
    %get3A_332 = arith.constant 0 : index
    %get3A_333 = arith.constant 0 : index
    %get3A_334 = vector.load %arg9[%get3A_332, %get3A_333] : memref<40x64xf32, #tpu.memory_space<vmem>>, vector<40x64xf32>
    %get3A_335 = arith.constant 0 : index
    %get3A_336 = arith.constant 0 : index
    %get3A_337 = vector.load %arg11[%get3A_335, %get3A_336] : memref<40x64xf32, #tpu.memory_space<vmem>>, vector<40x64xf32>
    %get3A_338 = arith.constant 0 : index
    %get3A_339 = arith.constant 0 : index
    %get3A_340 = arith.constant 0 : index
    %get3A_341 = vector.load %arg10[%get3A_338, %get3A_339, %get3A_340] : memref<7x40x64xf32, #tpu.memory_space<vmem>>, vector<1x40x64xf32>
    %get3A_342 = vector.shape_cast %get3A_341 : vector<1x40x64xf32> to vector<40x64xf32>
    %mul3A_343 = arith.mulf %get3A_342, %get3A_337 : vector<40x64xf32>
    %get3A_344 = arith.constant 1 : index
    %get3A_345 = arith.constant 0 : index
    %get3A_346 = arith.constant 0 : index
    %get3A_347 = vector.load %arg10[%get3A_344, %get3A_345, %get3A_346] : memref<7x40x64xf32, #tpu.memory_space<vmem>>, vector<1x40x64xf32>
    %get3A_348 = vector.shape_cast %get3A_347 : vector<1x40x64xf32> to vector<40x64xf32>
    %mul3A_349 = arith.mulf %get3A_348, %get3A_337 : vector<40x64xf32>
    %get3A_350 = arith.constant 2 : index
    %get3A_351 = arith.constant 0 : index
    %get3A_352 = arith.constant 0 : index
    %get3A_353 = vector.load %arg10[%get3A_350, %get3A_351, %get3A_352] : memref<7x40x64xf32, #tpu.memory_space<vmem>>, vector<1x40x64xf32>
    %get3A_354 = vector.shape_cast %get3A_353 : vector<1x40x64xf32> to vector<40x64xf32>
    %mul3A_355 = arith.mulf %get3A_354, %get3A_337 : vector<40x64xf32>
    %get3A_356 = arith.constant 3 : index
    %get3A_357 = arith.constant 0 : index
    %get3A_358 = arith.constant 0 : index
    %get3A_359 = vector.load %arg10[%get3A_356, %get3A_357, %get3A_358] : memref<7x40x64xf32, #tpu.memory_space<vmem>>, vector<1x40x64xf32>
    %get3A_360 = vector.shape_cast %get3A_359 : vector<1x40x64xf32> to vector<40x64xf32>
    %mul3A_361 = arith.mulf %get3A_360, %get3A_337 : vector<40x64xf32>
    %get3A_362 = arith.constant 4 : index
    %get3A_363 = arith.constant 0 : index
    %get3A_364 = arith.constant 0 : index
    %get3A_365 = vector.load %arg10[%get3A_362, %get3A_363, %get3A_364] : memref<7x40x64xf32, #tpu.memory_space<vmem>>, vector<1x40x64xf32>
    %get3A_366 = vector.shape_cast %get3A_365 : vector<1x40x64xf32> to vector<40x64xf32>
    %mul3A_367 = arith.mulf %get3A_366, %get3A_337 : vector<40x64xf32>
    %get3A_368 = arith.constant 5 : index
    %get3A_369 = arith.constant 0 : index
    %get3A_370 = arith.constant 0 : index
    %get3A_371 = vector.load %arg10[%get3A_368, %get3A_369, %get3A_370] : memref<7x40x64xf32, #tpu.memory_space<vmem>>, vector<1x40x64xf32>
    %get3A_372 = vector.shape_cast %get3A_371 : vector<1x40x64xf32> to vector<40x64xf32>
    %mul3A_373 = arith.mulf %get3A_372, %get3A_337 : vector<40x64xf32>
    %get3A_374 = arith.constant 6 : index
    %get3A_375 = arith.constant 0 : index
    %get3A_376 = arith.constant 0 : index
    %get3A_377 = vector.load %arg10[%get3A_374, %get3A_375, %get3A_376] : memref<7x40x64xf32, #tpu.memory_space<vmem>>, vector<1x40x64xf32>
    %get3A_378 = vector.shape_cast %get3A_377 : vector<1x40x64xf32> to vector<40x64xf32>
    %mul3A_379 = arith.mulf %get3A_378, %get3A_337 : vector<40x64xf32>
    %concatenate3A_380 = tpu.concatenate %get3A_334, %mul3A_343, %mul3A_349, %mul3A_355, %mul3A_361, %mul3A_367, %mul3A_373, %mul3A_379 in 1 : vector<40x64xf32>, vector<40x64xf32>, vector<40x64xf32>, vector<40x64xf32>, vector<40x64xf32>, vector<40x64xf32>, vector<40x64xf32>, vector<40x64xf32> -> vector<40x512xf32>
    %dot_general3A = arith.constant dense<0.000000e+00> : vector<2000x40xf32>
    %dot_general3A_381 = tpu.matmul %concatenate3A, %concatenate3A_380, %dot_general3A {dimension_numbers = #tpu.dot_dimension_numbers<[1], [1], [0], [0], [0, 0, 1, 0], [], []>, transpose_lhs_hint = false} : vector<2000x512xf32>, vector<40x512xf32>, vector<2000x40xf32> -> vector<2000x40xf32>
    %add3A_382 = arith.addf %get3A_48, %dot_general3A_381 : vector<2000x40xf32>
    %swap3A = arith.constant 0 : index
    %swap3A_383 = arith.constant 0 : index
    %swap3A_384 = vector.load %arg12[%swap3A, %swap3A_383] : memref<2000x40xf32, #tpu.memory_space<vmem>>, vector<2000x40xf32>
    tpu.vector_store %arg12[%swap3A, %swap3A_383], %add3A_382 {strides = array<i32>} : memref<2000x40xf32, #tpu.memory_space<vmem>>, vector<2000x40xf32>,
    %slice3A_385 = vector.extract_strided_slice %get3A_5 {offsets = [0, 0], sizes = [2000, 40], strides = [1, 1]} : vector<2000x64xf32> to vector<2000x40xf32>
    %mul3A_386 = arith.mulf %add3A_382, %slice3A_385 : vector<2000x40xf32>
    %swap3A_387 = arith.constant 0 : index
    %swap3A_388 = arith.constant 0 : index
    %swap3A_389 = vector.load %arg13[%swap3A_387, %swap3A_388] : memref<2000x40xf32, #tpu.memory_space<vmem>>, vector<2000x40xf32>
    tpu.vector_store %arg13[%swap3A_387, %swap3A_388], %mul3A_386 {strides = array<i32>} : memref<2000x40xf32, #tpu.memory_space<vmem>>, vector<2000x40xf32>,
    return
  }
  func.func @transform_0(%arg0: i32) -> (i32, i32, i32) {
    %c0_i32 = arith.constant 0 : i32
    %c0_i32_0 = arith.constant 0 : i32
    %c0_i32_1 = arith.constant 0 : i32
    return %c0_i32, %arg0, %c0_i32_0 : i32, i32, i32
  }
  func.func @transform_1(%arg0: i32) -> (i32, i32) {
    %c0_i32 = arith.constant 0 : i32
    %c0_i32_0 = arith.constant 0 : i32
    return %arg0, %c0_i32 : i32, i32
  }
  func.func @transform_2(%arg0: i32) -> (i32, i32) {
    %c0_i32 = arith.constant 0 : i32
    %c0_i32_0 = arith.constant 0 : i32
    return %arg0, %c0_i32 : i32, i32
  }
  func.func @transform_3(%arg0: i32) -> (i32, i32) {
    %c0_i32 = arith.constant 0 : i32
    %c0_i32_0 = arith.constant 0 : i32
    %c0_i32_1 = arith.constant 0 : i32
    return %c0_i32, %c0_i32_0 : i32, i32
  }
  func.func @transform_4(%arg0: i32) -> (i32, i32) {
    %c0_i32 = arith.constant 0 : i32
    %c0_i32_0 = arith.constant 0 : i32
    %c0_i32_1 = arith.constant 0 : i32
    return %c0_i32, %c0_i32_0 : i32, i32
  }
  func.func @transform_5(%arg0: i32) -> (i32, i32) {
    %c0_i32 = arith.constant 0 : i32
    %c0_i32_0 = arith.constant 0 : i32
    %c0_i32_1 = arith.constant 0 : i32
    return %c0_i32, %c0_i32_0 : i32, i32
  }
  func.func @transform_6(%arg0: i32) -> (i32, i32) {
    %c0_i32 = arith.constant 0 : i32
    %c0_i32_0 = arith.constant 0 : i32
    %c0_i32_1 = arith.constant 0 : i32
    return %c0_i32, %c0_i32_0 : i32, i32
  }
  func.func @transform_7(%arg0: i32) -> (i32, i32) {
    %c0_i32 = arith.constant 0 : i32
    %c0_i32_0 = arith.constant 0 : i32
    return %arg0, %c0_i32 : i32, i32
  }
  func.func @transform_8(%arg0: i32) -> (i32, i32) {
    %c0_i32 = arith.constant 0 : i32
    %c0_i32_0 = arith.constant 0 : i32
    %c0_i32_1 = arith.constant 0 : i32
    return %c0_i32, %c0_i32_0 : i32, i32
  }
  func.func @transform_9(%arg0: i32) -> (i32, i32, i32) {
    %c0_i32 = arith.constant 0 : i32
    %c0_i32_0 = arith.constant 0 : i32
    %c0_i32_1 = arith.constant 0 : i32
    %c0_i32_2 = arith.constant 0 : i32
    return %c0_i32, %c0_i32_0, %c0_i32_1 : i32, i32, i32
  }
  func.func @transform_10(%arg0: i32) -> (i32, i32) {
    %c0_i32 = arith.constant 0 : i32
    %c0_i32_0 = arith.constant 0 : i32
    %c0_i32_1 = arith.constant 0 : i32
    return %c0_i32, %c0_i32_0 : i32, i32
  }
  func.func @transform_11(%arg0: i32) -> (i32, i32) {
    %c0_i32 = arith.constant 0 : i32
    %c0_i32_0 = arith.constant 0 : i32
    return %arg0, %c0_i32 : i32, i32
  }
  func.func @transform_12(%arg0: i32) -> (i32, i32) {
    %c0_i32 = arith.constant 0 : i32
    %c0_i32_0 = arith.constant 0 : i32
    return %arg0, %c0_i32 : i32, i32
  }
}

module attributes {stable_mosaic.version = 14 : i64} {
  func.func @_c3_body(%arg0: i32, %arg1: memref<2x2000x40xf32, #tpu.memory_space<vmem>>, %arg2: memref<2000x40xf32, #tpu.memory_space<vmem>>, %arg3: memref<2000x64xf32, #tpu.memory_space<vmem>>, %arg4: memref<1x40xf32, #tpu.memory_space<vmem>>, %arg5: memref<2000x40xf32, #tpu.memory_space<vmem>>) attributes {dimension_semantics = [#tpu.dimension_semantics<arbitrary>], iteration_bounds = array<i64: 5>, scalar_prefetch = 0 : i64, scratch_operands = 0 : i64, tpu.core_type = #tpu.core_type<tc>, window_params = [{transform_indices = @transform_0, window_bounds = array<i64: 2, 2000, 40>}, {transform_indices = @transform_1, window_bounds = array<i64: 2000, 40>}, {transform_indices = @transform_2, window_bounds = array<i64: 2000, 64>}, {pipeline_mode = #tpu.pipeline_mode<synchronous>, transform_indices = @transform_3, window_bounds = array<i64: 1, 40>}, {transform_indices = @transform_4, window_bounds = array<i64: 2000, 40>}]} {
    %get3A = arith.constant 0 : index
    %get3A_0 = arith.constant 0 : index
    %get3A_1 = arith.constant 0 : index
    %get3A_2 = vector.load %arg1[%get3A, %get3A_0, %get3A_1] : memref<2x2000x40xf32, #tpu.memory_space<vmem>>, vector<2x2000x40xf32>
    %get3A_3 = arith.constant 0 : index
    %get3A_4 = arith.constant 0 : index
    %get3A_5 = vector.load %arg3[%get3A_3, %get3A_4] : memref<2000x64xf32, #tpu.memory_space<vmem>>, vector<2000x64xf32>
    %slice3A = vector.extract_strided_slice %get3A_5 {offsets = [0, 0], sizes = [2000, 40], strides = [1, 1]} : vector<2000x64xf32> to vector<2000x40xf32>
    %slice3A_6 = vector.extract_strided_slice %get3A_2 {offsets = [0, 0, 0], sizes = [1, 2000, 40], strides = [1, 1, 1]} : vector<2x2000x40xf32> to vector<1x2000x40xf32>
    %squeeze3A = vector.shape_cast %slice3A_6 : vector<1x2000x40xf32> to vector<2000x40xf32>
    %slice3A_7 = vector.extract_strided_slice %get3A_2 {offsets = [1, 0, 0], sizes = [1, 2000, 40], strides = [1, 1, 1]} : vector<2x2000x40xf32> to vector<1x2000x40xf32>
    %squeeze3A_8 = vector.shape_cast %slice3A_7 : vector<1x2000x40xf32> to vector<2000x40xf32>
    %add3A = arith.addf %squeeze3A, %squeeze3A_8 : vector<2000x40xf32>
    %get3A_9 = arith.constant 0 : index
    %get3A_10 = arith.constant 0 : index
    %get3A_11 = vector.load %arg2[%get3A_9, %get3A_10] : memref<2000x40xf32, #tpu.memory_space<vmem>>, vector<2000x40xf32>
    %sub3A = arith.subf %add3A, %get3A_11 : vector<2000x40xf32>
    %mul3A = arith.mulf %slice3A, %sub3A : vector<2000x40xf32>
    %get3A_12 = arith.constant 0 : index
    %get3A_13 = arith.constant 0 : index
    %get3A_14 = vector.load %arg4[%get3A_12, %get3A_13] : memref<1x40xf32, #tpu.memory_space<vmem>>, vector<1x40xf32>
    %add3A_15 = vector.broadcast %get3A_14 : vector<1x40xf32> to vector<2000x40xf32>
    %add3A_16 = arith.addf %mul3A, %add3A_15 : vector<2000x40xf32>
    %swap3A = arith.constant 0 : index
    %swap3A_17 = arith.constant 0 : index
    %swap3A_18 = vector.load %arg5[%swap3A, %swap3A_17] : memref<2000x40xf32, #tpu.memory_space<vmem>>, vector<2000x40xf32>
    tpu.vector_store %arg5[%swap3A, %swap3A_17], %add3A_16 {strides = array<i32>} : memref<2000x40xf32, #tpu.memory_space<vmem>>, vector<2000x40xf32>,
    return
  }
  func.func @transform_0(%arg0: i32) -> (i32, i32, i32) {
    %c0_i32 = arith.constant 0 : i32
    %c0_i32_0 = arith.constant 0 : i32
    %c0_i32_1 = arith.constant 0 : i32
    return %c0_i32, %arg0, %c0_i32_0 : i32, i32, i32
  }
  func.func @transform_1(%arg0: i32) -> (i32, i32) {
    %c0_i32 = arith.constant 0 : i32
    %c0_i32_0 = arith.constant 0 : i32
    return %arg0, %c0_i32 : i32, i32
  }
  func.func @transform_2(%arg0: i32) -> (i32, i32) {
    %c0_i32 = arith.constant 0 : i32
    %c0_i32_0 = arith.constant 0 : i32
    return %arg0, %c0_i32 : i32, i32
  }
  func.func @transform_3(%arg0: i32) -> (i32, i32) {
    %c0_i32 = arith.constant 0 : i32
    %c0_i32_0 = arith.constant 0 : i32
    %c0_i32_1 = arith.constant 0 : i32
    return %c0_i32, %c0_i32_0 : i32, i32
  }
  func.func @transform_4(%arg0: i32) -> (i32, i32) {
    %c0_i32 = arith.constant 0 : i32
    %c0_i32_0 = arith.constant 0 : i32
    return %arg0, %c0_i32 : i32, i32
  }
}

</mosaic_0001>

<sc_bundles>
// kernel: kernel.10.cloned.1.call-start
scs
__scs_entry_jumppad:
0x0: {  	(pc) =	sbr.rel $0x88, $3  }
0x1: {  	(tag) =	ssettag $0x0;
	lr =	simm.s32 $0x1  }
0x2: {  	[smem:$0x3F95] =	sst lr;
	_ =	strace $0xD0000000  }
0x3: {  	_ = 	snop  }
0x4: {  	_ = 	snop  }
0x5: {  	_ = 	snop  }
0x6: {  	_ = 	snop  }
0x7: {  	_ = 	snop  }
__scs_overlays_trampoline_lowered:
0x8: {  	[smem:$0x3FA4] =	sst s0  }
0x9: {  	[smem:$0x3FA5] =	sst s1  }
0xa: {  	[smem:$0x3FA6] =	sst s2  }
0xb: {  	[smem:$0x3FA7] =	sst s3  }
0xc: {  	[smem:$0x3FA8] =	sst s4  }
0xd: {  	[smem:$0x3FA9] =	sst s5  }
0xe: {  	[smem:$0x3FAA] =	sst s6  }
0xf: {  	[smem:$0x3FAB] =	sst s7  }
0x10: {  	[smem:$0x3FAC] =	sst s8  }
0x11: {  	[smem:$0x3FAD] =	sst s9;
	s0 =	simm.s32 @!p0 $0x0  }
0x12: {  	s1 =	sld [smem:$0x3F93];
	s0 =	simm.s32 @p0 $0x1  }
0x13: {  	[smem:$0x3FAE] =	sst s0;
	s0 =	simm.s32 @!p1 $0x0  }
0x14: {  	s2 =	sld [smem:$0x3F92];
	s0 =	simm.s32 @p1 $0x1  }
0x15: {  	[smem:$0x3FAF] =	sst s0;
	s0 =	simm.s32 @!p2 $0x0  }
0x16: {  	s3 =	sld [smem:$0x3FDB];
	s0 =	simm.s32 @p2 $0x1  }
0x17: {  	s4 =	simm.s32 $0x1BF5;
	[smem:$0x3FB1] =	sst s0  }
0x18: {  	s0 =	sld [smem:$0x3F94];
	_ =	swait.ge [sflag:s4], $0x0  }
0x19: {  	s7 =	sld [smem:$0x3F95]  }
0x1a: {  	s8 =	sadd.s32 $0xFFFFE003, lr  }
0x1b: {  	s9 =	sadd.s32 $0xFFFFFEF7, lr;
	s5 =	simm.s32 $0xFFFFFFFF;
	p2 =	slt.u32 s8, $0xFFFFF086  }
0x1c: {  	p1 =	slt.u32 s9, $0xF7A;
	s5 =	simm.s32 @!p2 $0x0  }
0x1d: {  	s5 =	simm.s32 @p1 $0x1;
	p0 =	seq.s32 s7, s2  }
0x1e: {  	s7 =	smul.u32 @!p0 $0xF7A, s2;
	p2 =	seq.s32 @!p0 s5, $0x0  }
0x1f: {  	s9 =	smul.u32 $0xF7A, s1;
	s8 =	simm.s32 @!p0 $0x1BF5;
	p2 =	por !p2, p0  }
0x20: {  	[sflag:s8] =	ssyncset.s32 @!p0 $0xFFFFF086;
	s6 =	sadd.s32 @!p0 s3, s7;
	s7 =	simm.s32 @!p0 $0x108  }
0x21: {  	s3 =	sadd.s32 s3, s9;
	s6 =	sadd.s32 @!p0 $0x88, s6;
	s7 =	simm.s32 @p2 $0x1082  }
0x22: {  	[simem:s7], [sflag:s8] =	dma.local @!p0 [hbm:s6], $0xF7A  }
0x23: {  	s9 =	sor.u32 $0xD0000000, s2;
	s6 =	simm.s32 $0x108;
	_ =	swait.ge @!p0 [sflag:s8], $0x0  }
0x24: {  	s3 =	sadd.s32 $0x88, s3;
	s6 =	simm.s32 @!p1 $0x1082;
	[sflag:s4] =	ssyncset.s32 $0xFFFFF086  }
0x25: {  	[simem:s6], [sflag:s4] =	dma.local [hbm:s3], $0xF7A  }
0x26: {  	[smem:$0x3F95] =	sst s1;
	(tag) =	ssettag s2;
	_ =	strace s9  }
0x27: {  	s1 =	sld [smem:$0x3FA5]  }
0x28: {  	s2 =	sld [smem:$0x3FA6]  }
0x29: {  	s4 =	sld [smem:$0x3FA8]  }
0x2a: {  	p0 =	seq.s32 s5, $0x0;
	s5 =	sld [smem:$0x3FA9]  }
0x2b: {  	s6 =	sld [smem:$0x3FAA]  }
0x2c: {  	s7 =	sld [smem:$0x3FAB]  }
0x2d: {  	s3 =	simm.s32 $0x108;
	s8 =	sld [smem:$0x3FAC]  }
0x2e: {  	s3 =	simm.s32 @!p0 $0x1082;
	s9 =	sld [smem:$0x3FAD]  }
0x2f: {  	lr =	sadd.s32 s0, s3;
	s0 =	sld [smem:$0x3FA4]  }
0x30: {  	s3 =	sld [smem:$0x3FA7]  }
0x31: {  	[smem:$0x3FB0] =	sst s10  }
0x32: {  	s10 =	sld [smem:$0x3FAE];
	_ =	sdelay $0x3  }
0x33: {  	p0 =	seq.s32 s10, $0x1;
	s10 =	sld [smem:$0x3FB0];
	_ =	sdelay $0x3  }
0x34: {  	[smem:$0x3FB0] =	sst s10  }
0x35: {  	s10 =	sld [smem:$0x3FAF];
	_ =	sdelay $0x3  }
0x36: {  	p1 =	seq.s32 s10, $0x1;
	s10 =	sld [smem:$0x3FB0];
	_ =	sdelay $0x3  }
0x37: {  	[smem:$0x3FB0] =	sst s10  }
0x38: {  	s10 =	sld [smem:$0x3FB1]  }
0x39: {  	_ = 	snop;
	(pc) =	sbr.ind lr, $3  }
0x3a: {  	_ = 	snop  }
0x3b: {  	_ = 	snop  }
0x3c: {  	p2 =	seq.s32 s10, $0x1;
	s10 =	sld [smem:$0x3FB0]  }
0x3d: {  	_ =	shalt  }
0x3e: {  	_ =	shalt  }
0x3f: {  	_ =	shalt  }
0x40: {  	_ =	shalt  }
0x41: {  	_ =	shalt  }
0x42: {  	_ =	shalt  }
0x43: {  	_ =	shalt  }
0x44: {  	_ =	shalt  }
0x45: {  	_ =	shalt  }
0x46: {  	_ =	shalt  }
0x47: {  	_ =	shalt  }
0x48: {  	_ =	shalt  }
0x49: {  	_ =	shalt  }
0x4a: {  	_ =	shalt  }
0x4b: {  	_ =	shalt  }
0x4c: {  	_ =	shalt  }
0x4d: {  	_ =	shalt  }
0x4e: {  	_ =	shalt  }
0x4f: {  	_ =	shalt  }
0x50: {  	_ =	shalt  }
0x51: {  	_ =	shalt  }
0x52: {  	_ =	shalt  }
0x53: {  	_ =	shalt  }
0x54: {  	_ =	shalt  }
0x55: {  	_ =	shalt  }
0x56: {  	_ =	shalt  }
0x57: {  	_ =	shalt  }
0x58: {  	_ =	shalt  }
0x59: {  	_ =	shalt  }
0x5a: {  	_ =	shalt  }
0x5b: {  	_ =	shalt  }
0x5c: {  	_ =	shalt  }
0x5d: {  	_ =	shalt  }
0x5e: {  	_ =	shalt  }
0x5f: {  	_ =	shalt  }
0x60: {  	_ =	shalt  }
0x61: {  	_ =	shalt  }
0x62: {  	_ =	shalt  }
0x63: {  	_ =	shalt  }
0x64: {  	_ =	shalt  }
0x65: {  	_ =	shalt  }
0x66: {  	_ =	shalt  }
0x67: {  	_ =	shalt  }
0x68: {  	_ =	shalt  }
0x69: {  	_ =	shalt  }
0x6a: {  	_ =	shalt  }
0x6b: {  	_ =	shalt  }
0x6c: {  	_ =	shalt  }
0x6d: {  	_ =	shalt  }
0x6e: {  	_ =	shalt  }
0x6f: {  	_ =	shalt  }
0x70: {  	_ =	shalt  }
0x71: {  	_ =	shalt  }
0x72: {  	_ =	shalt  }
0x73: {  	_ =	shalt  }
0x74: {  	_ =	shalt  }
0x75: {  	_ =	shalt  }
0x76: {  	_ =	shalt  }
0x77: {  	_ =	shalt  }
0x78: {  	_ =	shalt  }
0x79: {  	_ =	shalt  }
0x7a: {  	_ =	shalt  }
0x7b: {  	_ =	shalt  }
0x7c: {  	_ =	shalt  }
0x7d: {  	_ =	shalt  }
0x7e: {  	_ =	shalt  }
0x7f: {  	_ =	shalt  }
0x80: {  	_ =	shalt  }
0x81: {  	_ =	shalt  }
0x82: {  	_ =	shalt  }
0x83: {  	_ =	shalt  }
0x84: {  	_ =	shalt  }
0x85: {  	_ =	shalt  }
0x86: {  	_ =	shalt  }
0x87: {  	_ =	shalt  }
.Lfunc_end0:
.L_simem_size_0:
called_computation_lowered:
.L_overlay_start_0:
0x88: {  	s2 =	sld [smem:$0x3FD9]  }
0x89: {  	s3 =	sld [smem:$0x3FFE];
	_ =	sdelay $0x1  }
0x8a: {  	s1 =	srdreg.scid  }
0x8b: {  	s0 =	sand.u32 $0x1, s1  }
0x8c: {  	s17 =	sshll.u32 s0, $0xA;
	s2 =	sadd.s32 s3, s2  }
0x8d: {  	s2 =	sadd.s32 s2, s17  }
0x8e: {  	[smem:$0x3FBC] =	sst s2  }
0x8f: {  	_ = 	snop  }
0x90: {  	s2 =	sld [smem:$0x3FD0];
	(tm) =	ssettm $0x1  }
0x91: {  	s18 =	sld [smem:$0x3FFB];
	_ =	sdelay $0x3  }
0x92: {  	_ =	strace s18  }
0x93: {  	s3 =	sld [smem:$0x3FFC];
	_ =	sdelay $0x3  }
0x94: {  	_ =	strace s3  }
0x95: {  	s3 =	sld [smem:$0x3FFD];
	_ =	sdelay $0x3  }
0x96: {  	_ =	strace s3  }
0x97: {  	_ =	strace $0x8FFFFFFF  }
0x98: {  	s19 =	sld [smem:$0x3FDB];
	_ =	sdelay $0x1  }
0x99: {  	s4 =	simm.s32 $_scs_section_size  }
0x9a: {  	s5 =	simm.s32 $_size__tile_overlayer_lowered;
	s6 =	simm.s32 $_tile_overlayer_lowered  }
0x9b: {  	s22 =	simm.s32 $0x1BFF;
	s21 =	sshll.u32 s6, $0x1;
	s3 =	sadd.s32 s4, s19  }
0x9c: {  	s7 =	simm.s32 $0x0;
	s20 =	sshll.u32 s5, $0x1;
	s5 =	sadd.s32 s21, s3  }
0x9d: {  	[timem:s7], [sflag:s22] =	dma.local [hbm:s5], s20  }
0x9e: {  	_ =	swait.ge [sflag:s22], s20  }
0x9f: {  	s4 =	ssub.s32 $0x0, s20;
	[sflag:s22] =	ssyncset.done $0x0  }
0xa0: {  	[sflag:s22] =	ssyncadd.s32 s4;
	_ =	sdelay $0x1  }
0xa1: {  	s23 =	simm.s32 $0x1B8B  }
0xa2: {  	_ =	swait.ge [sflag:s23], $0x1  }
0xa3: {  	[sflag:s23] =	ssyncset.done $0x0  }
0xa4: {  	s25 =	simm.s32 $0x1B8E;
	s24 =	sld [smem:$0x3FFE];
	[sflag:s23] =	ssyncadd.s32 $0xFFFFFFFF  }
0xa5: {  	s26 =	simm.s32 $execute0_lowered;
	[smem:$0x3FD2] =	sst s25  }
0xa6: {  	s5 =	sshll.u32 s26, $0x1;
	_ =	strace $0x80000046;
	[dreg:$0x1] =	wrdreg $0xFFFFFFFF  }
0xa7: {  	s28 =	simm.s32 $_size_execute0_lowered;
	s3 =	sadd.s32 s3, s5;
	[dreg:$0x0] =	wrdreg $0x0  }
0xa8: {  	s5 =	sshll.u32 s28, $0x1;
	[dreg:$0x2] =	wrdreg s3  }
0xa9: {  	[dreg:$0x3] =	wrdreg s5  }
0xaa: {  	[dreg:$0x4] =	wrdreg $0xC0  }
0xab: {  	_ =	task [dreg:s7], $0x5FFFF  }
0xac: {  	[dreg:$0x1] =	wrdreg $0xFFFFFFFF  }
0xad: {  	[dreg:$0x0] =	wrdreg $0x60  }
0xae: {  	[dreg:$0x2] =	wrdreg s24  }
0xaf: {  	[dreg:$0x3] =	wrdreg s2  }
0xb0: {  	[dreg:$0x4] =	wrdreg $0x30000  }
0xb1: {  	[dreg:$0x5] =	wrdreg $0x9  }
0xb2: {  	_ =	task.clear_ibuf [dreg:s7], $0x6FFFF;
	_ =	strace $0x90000046  }
0xb3: {  	s29 =	simm.s32 $0x9;
	_ =	strace $0x80000048  }
0xb4: {  	_ =	swait.ge [sflag:s29], $0x1  }
0xb5: {  	[sflag:s29] =	ssyncadd.s32 $0xFFFFFFFF  }
0xb6: {  	_ =	strace $0x90000048  }
0xb7: {  	_ =	sfence  }
0xb8: {  	s30 =	sld [smem:$0x0];
	_ =	sdelay $0x2  }
0xb9: {  	s31 =	sshll.u32 s1, $0xD;
	s1 =	sshrl.u32 s1, $0x2  }
0xba: {  	s3 =	sand.u32 $0x4000, s31;
	s1 =	sadd.s32 s1, s30  }
0xbb: {  	s0 =	sor.u32 s3, s0;
	s1 =	sshll.u32 s1, $0x11  }
0xbc: {  	s0 =	sor.u32 s1, s0  }
0xbd: {  	s0 =	sadd.s32 $0x8F2B, s0  }
0xbe: {  	[sflag:s0] =	ssyncadd.remote.s32 $0x1  }
0xbf: {  	_ =	sfence.sel $0xFFFF  }
0xc0: {  	[dreg:$0x0] =	wrdreg $0xFFFFFFFF;
	(pc) =	sbr.abs _section_cstart, $3  }
0xc1: {  	[dreg:$0x1] =	wrdreg $0xFFFFFFFF  }
0xc2: {  	_ =	task.clear_ibuf [dreg:s7], $0x2FFFF;
	_ =	strace $0x9FFFFFFF  }
0xc3: {  	(tm) =	ssettm $0x7FFFFFFF  }
tec
execute0_lowered:
.L_overlay_start_1:
0x0: {  	(tag) =	ssettag $0x1  }
0x1: {  	s4 =	rddreg [dreg:$0x0]  }
0x2: {  	s10 =	rddreg [dreg:$0x1];
	s0 =	srdreg.scid  }
0x3: {  	s2 =	rddreg [dreg:$0x2];
	s1 =	stileid.u32;
	s3 =	simm.s32 $0x0  }
0x4: {  	s13 =	simm.s32 $0x2800;
	s14 =	simm.s32 $0x7D;
	s17 =	simm.s32 $0x0  }
0x5: {  	s5 =	sand.u32 $0x1, s0;
	s0 =	rddreg [dreg:$0x3];
	s7 =	smul.u32 $0x2800, s1  }
0x6: {  	[smem:$0x7FF] =	sst s3;
	s8 =	smul.u32 $0xA000, s1;
	s15 =	sshll.u32 s1, $0x6  }
0x7: {  	s6 =	smul.u32 $0x28000, s5;
	_ =	strace $0x80000047;
	s5 =	ssub.s32 $0x2, s5  }
0x8: {  	s15 =	sor.u32 $0x1C01, s15;
	s9 =	sshrl.u32 s5, $0x1;
	s30 =	sshrl.u32 s8, $0x2  }
0x9: {  	s6 =	sadd.s32 s7, s6;
	s12 =	ssub.s32 s5, s9;
	s31 =	sadd.s32 s30, s2  }
0xa: {  	s5 =	sadd.s32 s7, s2;
	s11 =	sshrl.u32 s6, $0x3;
	s6 =	sadd.s32 $0x800, s31  }
0xb: {  	s7 =	sadd.s32 $0x1000, s31;
	s8 =	sadd.s32 $0x1800, s31;
	s9 =	sadd.s32 $0x2000, s31  }
0xc: {  	s16 =	sshrl.u32 s5, $0x3;
	s4 =	sadd.s32 s4, s11;
	s10 =	sadd.s32 s10, s11  }
0xd: {  	v0 =	vimm.f32 $1.000000000e+00;
	s11 =	smax.u32 s12, $0x1;
	s12 =	simm.s32 $0x1;
	s4 =	sadd.s32 $0xE800, s4  }
.LBB2_1:
0xe: {  	[tilespmem:s3], [sflag:$0x1] =	stream.linear.gather [hbm4b:s4+s3], $0x2800, $0x38;
	[tilespmem:$0x5800] =	vst v63  }
0xf: {  	_ =	swait.ge [sflag:s12], $0x2800  }
0x10: {  	[sflag:s12] =	ssyncset.done $0x0  }
0x11: {  	s18 =	simm.s32 $0x40;
	s19 =	simm.s32 $0x0;
	[sflag:s12] =	ssyncadd.s32 $0xFFFFD800  }
.LBB2_2:
0x12: {  	p0 =	sne.s32 s18, $0x1FC0;
	[tilespmem:s19+$0x2800] =	vst v0;
	s19 =	smov.u32 s18;
	s18 =	sadd.s32 $0x40, s18  }
.Ltmp0:
0x13: {  	(pc) =	sbr.rel @p0 .LBB2_2-.Ltmp0, $2  }
0x14: {  	_ =	sdelay $0x2  }
0x15: {  	s19 =	sshra.s32 s19, $0x2  }
0x16: {  	[tilespmem:s19+$0x2800] =	vst v0  }
0x17: {  	[spmem:s5] =	stream.linear.scatter [tilespmem:s13], [sflag:$0x1], $0x800, $0x38;
	[tilespmem:$0x5800] =	vst v63  }
0x18: {  	_ =	swait.ge [sflag:s12], $0x800  }
0x19: {  	[sflag:s12] =	ssyncset.done $0x0  }
0x1a: {  	[sflag:s12] =	ssyncadd.s32 $0xFFFFF800  }
0x1b: {  	[spmem:s6] =	stream.linear.scatter [tilespmem:s13], [sflag:$0x1], $0x800, $0x38;
	[tilespmem:$0x5800] =	vst v63  }
0x1c: {  	_ =	swait.ge [sflag:s12], $0x800  }
0x1d: {  	[sflag:s12] =	ssyncset.done $0x0  }
0x1e: {  	[sflag:s12] =	ssyncadd.s32 $0xFFFFF800  }
0x1f: {  	[spmem:s7] =	stream.linear.scatter [tilespmem:s13], [sflag:$0x1], $0x800, $0x38;
	[tilespmem:$0x5800] =	vst v63  }
0x20: {  	_ =	swait.ge [sflag:s12], $0x800  }
0x21: {  	[sflag:s12] =	ssyncset.done $0x0  }
0x22: {  	[sflag:s12] =	ssyncadd.s32 $0xFFFFF800  }
0x23: {  	[spmem:s8] =	stream.linear.scatter [tilespmem:s13], [sflag:$0x1], $0x800, $0x38;
	[tilespmem:$0x5800] =	vst v63  }
0x24: {  	_ =	swait.ge [sflag:s12], $0x800  }
0x25: {  	[sflag:s12] =	ssyncset.done $0x0  }
0x26: {  	[sflag:s12] =	ssyncadd.s32 $0xFFFFF800  }
0x27: {  	[spmem:s9] =	stream.linear.scatter [tilespmem:s13], [sflag:$0x1], $0x800, $0x38;
	[tilespmem:$0x5800] =	vst v63  }
0x28: {  	_ =	swait.ge [sflag:s12], $0x800  }
0x29: {  	[sflag:s12] =	ssyncset.done $0x0  }
0x2a: {  	[sflag:s12] =	ssyncadd.s32 $0xFFFFF800  }
0x2b: {  	s18 =	simm.s32 $0x0;
	[bflag:$0x0] =	sbarrier.arrive $0xFFFF  }
0x2c: {  	[spmem:s2] =	stream.indirect.scatter.add.f32 [tilespmem:s13], [sflag:$0x1], $0x10, s18, s14, $0xb8;
	[tilespmem:$0x5800] =	vst v63  }
0x2d: {  	_ =	swait.ge [sflag:s12], $0x7D0  }
0x2e: {  	s18 =	simm.s32 $0x200;
	[sflag:s12] =	ssyncset.done $0x0  }
.LBB2_4:
0x2f: {  	s19 =	sshra.s32 s18, $0x2;
	[sflag:s12] =	ssyncadd.s32 $0xFFFFF830;
	p0 =	sne.s32 s18, $0x9E00  }
0x30: {  	[spmem:s2] =	stream.indirect.scatter.add.f32 [tilespmem:s13], [sflag:$0x1], $0x10, s19, s14, $0xb8;
	[tilespmem:$0x5800] =	vst v63  }
.Ltmp1:
0x31: {  	_ = 	snop;
	(pc) =	sbr.rel @p0 .LBB2_4-.Ltmp1, $4  }
0x32: {  	_ = 	snop  }
0x33: {  	s18 =	sadd.s32 $0x200, s18  }
0x34: {  	_ =	swait.ge [sflag:s12], $0x7D0  }
0x35: {  	[sflag:s12] =	ssyncset.done $0x0  }
0x36: {  	s17 =	sadd.s32 $0x1, s17  }
0x37: {  	[sflag:s12] =	ssyncadd.s32 $0xFFFFF830;
	p0 =	sne.s32 s17, s11  }
.Ltmp2:
0x38: {  	[bflag:$0x0] =	sbarrier.arrive $0xFFFF;
	(pc) =	sbr.rel @p0 .LBB2_1-.Ltmp2, $4  }
0x39: {  	[hbm:s10], [sflag:s15] =	dma.local [spmem:s16], $0x500  }
0x3a: {  	_ =	swait.ge [sflag:s12], $0x500  }
0x3b: {  	[sflag:s12] =	ssyncset.done $0x0  }
0x3c: {  	[sflag:s12] =	ssyncadd.s32 $0xFFFFFB00  }
0x3d: {  	_ =	sfence.sel $0x180000  }
0x3e: {  	[bflag:$0x0] =	sbarrier.arrive $0xFFFF  }
0x3f: {  	p0 =	sne.s32 s1, $0x0;
	_ =	strace $0x90000047  }
0x40: {  	s0 =	sadd.s32 @!p0 $0x100000, s0;
	[bflag:$0x2] =	sbarrier.arrive $0xFFFF  }
0x41: {  	[sflag:s0] =	ssyncadd.tile.s32 @!p0 $0x1;
	_ =	shalt  }
.Lfunc_end2:
_tile_overlayer_lowered:
.L_overlay_start_2:
0x42: {  	(tag) =	ssettag $0x2  }
0x43: {  	s0 =	rddreg [dreg:$0x0];
	s2 =	stileid.u32  }
0x44: {  	s1 =	rddreg [dreg:$0x1];
	p0 =	sne.s32 s2, $0x0  }
0x45: {  	s3 =	rddreg [dreg:$0x2];
	[bflag:$0x3] =	sbarrier.arrive $0xFFFF;
	s2 =	simm.s32 @!p0 $0x1C01  }
0x46: {  	[timem:s3], [sflag:s2] =	dma.local @!p0 [hbm:s0], s1  }
0x47: {  	s0 =	simm.s32 @!p0 $0x1  }
0x48: {  	_ =	swait.ge @!p0 [sflag:s0], s1  }
0x49: {  	s1 =	ssub.s32 @!p0 $0x0, s1;
	[sflag:s0] =	ssyncset.done @!p0 $0x0  }
0x4a: {  	[sflag:s0] =	ssyncadd.s32 @!p0 s1  }
0x4b: {  	[bflag:$0x3] =	sbarrier.arrive $0xFFFF  }
0x4c: {  	_ =	shalt  }

// kernel: kernel.13.cloned.1.call-start
scs
__scs_entry_jumppad:
0x0: {  	(pc) =	sbr.rel $0x88, $3  }
0x1: {  	(tag) =	ssettag $0x0;
	lr =	simm.s32 $0x1  }
0x2: {  	[smem:$0x3F95] =	sst lr;
	_ =	strace $0xD0000000  }
0x3: {  	_ = 	snop  }
0x4: {  	_ = 	snop  }
0x5: {  	_ = 	snop  }
0x6: {  	_ = 	snop  }
0x7: {  	_ = 	snop  }
__scs_overlays_trampoline_lowered:
0x8: {  	[smem:$0x3FA4] =	sst s0  }
0x9: {  	[smem:$0x3FA5] =	sst s1  }
0xa: {  	[smem:$0x3FA6] =	sst s2  }
0xb: {  	[smem:$0x3FA7] =	sst s3  }
0xc: {  	[smem:$0x3FA8] =	sst s4  }
0xd: {  	[smem:$0x3FA9] =	sst s5  }
0xe: {  	[smem:$0x3FAA] =	sst s6  }
0xf: {  	[smem:$0x3FAB] =	sst s7  }
0x10: {  	[smem:$0x3FAC] =	sst s8  }
0x11: {  	[smem:$0x3FAD] =	sst s9;
	s0 =	simm.s32 @!p0 $0x0  }
0x12: {  	s1 =	sld [smem:$0x3F93];
	s0 =	simm.s32 @p0 $0x1  }
0x13: {  	[smem:$0x3FAE] =	sst s0;
	s0 =	simm.s32 @!p1 $0x0  }
0x14: {  	s2 =	sld [smem:$0x3F92];
	s0 =	simm.s32 @p1 $0x1  }
0x15: {  	[smem:$0x3FAF] =	sst s0;
	s0 =	simm.s32 @!p2 $0x0  }
0x16: {  	s3 =	sld [smem:$0x3FDB];
	s0 =	simm.s32 @p2 $0x1  }
0x17: {  	s4 =	simm.s32 $0x1BF5;
	[smem:$0x3FB1] =	sst s0  }
0x18: {  	s0 =	sld [smem:$0x3F94];
	_ =	swait.ge [sflag:s4], $0x0  }
0x19: {  	s7 =	sld [smem:$0x3F95]  }
0x1a: {  	s8 =	sadd.s32 $0xFFFFE003, lr  }
0x1b: {  	s9 =	sadd.s32 $0xFFFFFEF7, lr;
	s5 =	simm.s32 $0xFFFFFFFF;
	p2 =	slt.u32 s8, $0xFFFFF086  }
0x1c: {  	p1 =	slt.u32 s9, $0xF7A;
	s5 =	simm.s32 @!p2 $0x0  }
0x1d: {  	s5 =	simm.s32 @p1 $0x1;
	p0 =	seq.s32 s7, s2  }
0x1e: {  	s7 =	smul.u32 @!p0 $0xF7A, s2;
	p2 =	seq.s32 @!p0 s5, $0x0  }
0x1f: {  	s9 =	smul.u32 $0xF7A, s1;
	s8 =	simm.s32 @!p0 $0x1BF5;
	p2 =	por !p2, p0  }
0x20: {  	[sflag:s8] =	ssyncset.s32 @!p0 $0xFFFFF086;
	s6 =	sadd.s32 @!p0 s3, s7;
	s7 =	simm.s32 @!p0 $0x108  }
0x21: {  	s3 =	sadd.s32 s3, s9;
	s6 =	sadd.s32 @!p0 $0x88, s6;
	s7 =	simm.s32 @p2 $0x1082  }
0x22: {  	[simem:s7], [sflag:s8] =	dma.local @!p0 [hbm:s6], $0xF7A  }
0x23: {  	s9 =	sor.u32 $0xD0000000, s2;
	s6 =	simm.s32 $0x108;
	_ =	swait.ge @!p0 [sflag:s8], $0x0  }
0x24: {  	s3 =	sadd.s32 $0x88, s3;
	s6 =	simm.s32 @!p1 $0x1082;
	[sflag:s4] =	ssyncset.s32 $0xFFFFF086  }
0x25: {  	[simem:s6], [sflag:s4] =	dma.local [hbm:s3], $0xF7A  }
0x26: {  	[smem:$0x3F95] =	sst s1;
	(tag) =	ssettag s2;
	_ =	strace s9  }
0x27: {  	s1 =	sld [smem:$0x3FA5]  }
0x28: {  	s2 =	sld [smem:$0x3FA6]  }
0x29: {  	s4 =	sld [smem:$0x3FA8]  }
0x2a: {  	p0 =	seq.s32 s5, $0x0;
	s5 =	sld [smem:$0x3FA9]  }
0x2b: {  	s6 =	sld [smem:$0x3FAA]  }
0x2c: {  	s7 =	sld [smem:$0x3FAB]  }
0x2d: {  	s3 =	simm.s32 $0x108;
	s8 =	sld [smem:$0x3FAC]  }
0x2e: {  	s3 =	simm.s32 @!p0 $0x1082;
	s9 =	sld [smem:$0x3FAD]  }
0x2f: {  	lr =	sadd.s32 s0, s3;
	s0 =	sld [smem:$0x3FA4]  }
0x30: {  	s3 =	sld [smem:$0x3FA7]  }
0x31: {  	[smem:$0x3FB0] =	sst s10  }
0x32: {  	s10 =	sld [smem:$0x3FAE];
	_ =	sdelay $0x3  }
0x33: {  	p0 =	seq.s32 s10, $0x1;
	s10 =	sld [smem:$0x3FB0];
	_ =	sdelay $0x3  }
0x34: {  	[smem:$0x3FB0] =	sst s10  }
0x35: {  	s10 =	sld [smem:$0x3FAF];
	_ =	sdelay $0x3  }
0x36: {  	p1 =	seq.s32 s10, $0x1;
	s10 =	sld [smem:$0x3FB0];
	_ =	sdelay $0x3  }
0x37: {  	[smem:$0x3FB0] =	sst s10  }
0x38: {  	s10 =	sld [smem:$0x3FB1]  }
0x39: {  	_ = 	snop;
	(pc) =	sbr.ind lr, $3  }
0x3a: {  	_ = 	snop  }
0x3b: {  	_ = 	snop  }
0x3c: {  	p2 =	seq.s32 s10, $0x1;
	s10 =	sld [smem:$0x3FB0]  }
0x3d: {  	_ =	shalt  }
0x3e: {  	_ =	shalt  }
0x3f: {  	_ =	shalt  }
0x40: {  	_ =	shalt  }
0x41: {  	_ =	shalt  }
0x42: {  	_ =	shalt  }
0x43: {  	_ =	shalt  }
0x44: {  	_ =	shalt  }
0x45: {  	_ =	shalt  }
0x46: {  	_ =	shalt  }
0x47: {  	_ =	shalt  }
0x48: {  	_ =	shalt  }
0x49: {  	_ =	shalt  }
0x4a: {  	_ =	shalt  }
0x4b: {  	_ =	shalt  }
0x4c: {  	_ =	shalt  }
0x4d: {  	_ =	shalt  }
0x4e: {  	_ =	shalt  }
0x4f: {  	_ =	shalt  }
0x50: {  	_ =	shalt  }
0x51: {  	_ =	shalt  }
0x52: {  	_ =	shalt  }
0x53: {  	_ =	shalt  }
0x54: {  	_ =	shalt  }
0x55: {  	_ =	shalt  }
0x56: {  	_ =	shalt  }
0x57: {  	_ =	shalt  }
0x58: {  	_ =	shalt  }
0x59: {  	_ =	shalt  }
0x5a: {  	_ =	shalt  }
0x5b: {  	_ =	shalt  }
0x5c: {  	_ =	shalt  }
0x5d: {  	_ =	shalt  }
0x5e: {  	_ =	shalt  }
0x5f: {  	_ =	shalt  }
0x60: {  	_ =	shalt  }
0x61: {  	_ =	shalt  }
0x62: {  	_ =	shalt  }
0x63: {  	_ =	shalt  }
0x64: {  	_ =	shalt  }
0x65: {  	_ =	shalt  }
0x66: {  	_ =	shalt  }
0x67: {  	_ =	shalt  }
0x68: {  	_ =	shalt  }
0x69: {  	_ =	shalt  }
0x6a: {  	_ =	shalt  }
0x6b: {  	_ =	shalt  }
0x6c: {  	_ =	shalt  }
0x6d: {  	_ =	shalt  }
0x6e: {  	_ =	shalt  }
0x6f: {  	_ =	shalt  }
0x70: {  	_ =	shalt  }
0x71: {  	_ =	shalt  }
0x72: {  	_ =	shalt  }
0x73: {  	_ =	shalt  }
0x74: {  	_ =	shalt  }
0x75: {  	_ =	shalt  }
0x76: {  	_ =	shalt  }
0x77: {  	_ =	shalt  }
0x78: {  	_ =	shalt  }
0x79: {  	_ =	shalt  }
0x7a: {  	_ =	shalt  }
0x7b: {  	_ =	shalt  }
0x7c: {  	_ =	shalt  }
0x7d: {  	_ =	shalt  }
0x7e: {  	_ =	shalt  }
0x7f: {  	_ =	shalt  }
0x80: {  	_ =	shalt  }
0x81: {  	_ =	shalt  }
0x82: {  	_ =	shalt  }
0x83: {  	_ =	shalt  }
0x84: {  	_ =	shalt  }
0x85: {  	_ =	shalt  }
0x86: {  	_ =	shalt  }
0x87: {  	_ =	shalt  }
.Lfunc_end0:
.L_simem_size_0:
called_computation.1_lowered:
.L_overlay_start_0:
0x88: {  	s2 =	sld [smem:$0x3FD9]  }
0x89: {  	s3 =	sld [smem:$0x3FFE];
	_ =	sdelay $0x1  }
0x8a: {  	s1 =	srdreg.scid  }
0x8b: {  	s0 =	sand.u32 $0x1, s1  }
0x8c: {  	s16 =	sshll.u32 s0, $0xA;
	s2 =	sadd.s32 s3, s2  }
0x8d: {  	s2 =	sadd.s32 s2, s16  }
0x8e: {  	[smem:$0x3FBC] =	sst s2  }
0x8f: {  	_ = 	snop  }
0x90: {  	(tm) =	ssettm $0x1  }
0x91: {  	s17 =	sld [smem:$0x3FFB];
	_ =	sdelay $0x3  }
0x92: {  	_ =	strace s17  }
0x93: {  	s2 =	sld [smem:$0x3FFC];
	_ =	sdelay $0x3  }
0x94: {  	_ =	strace s2  }
0x95: {  	s2 =	sld [smem:$0x3FFD];
	_ =	sdelay $0x3  }
0x96: {  	_ =	strace s2  }
0x97: {  	_ =	strace $0x8FFFFFFF  }
0x98: {  	s18 =	sld [smem:$0x3FDB];
	_ =	sdelay $0x1  }
0x99: {  	s19 =	simm.s32 $_scs_section_size  }
0x9a: {  	s4 =	simm.s32 $_size__tile_overlayer_lowered;
	s5 =	simm.s32 $_tile_overlayer_lowered  }
0x9b: {  	s22 =	simm.s32 $0x1BFF;
	s21 =	sshll.u32 s5, $0x1;
	s2 =	sadd.s32 s19, s18  }
0x9c: {  	s6 =	simm.s32 $0x0;
	s20 =	sshll.u32 s4, $0x1;
	s4 =	sadd.s32 s21, s2  }
0x9d: {  	[timem:s6], [sflag:s22] =	dma.local [hbm:s4], s20  }
0x9e: {  	_ =	swait.ge [sflag:s22], s20  }
0x9f: {  	s3 =	ssub.s32 $0x0, s20;
	[sflag:s22] =	ssyncset.done $0x0  }
0xa0: {  	[sflag:s22] =	ssyncadd.s32 s3;
	_ =	sdelay $0x1  }
0xa1: {  	s23 =	simm.s32 $0x1B8B  }
0xa2: {  	_ =	swait.ge [sflag:s23], $0x1  }
0xa3: {  	[sflag:s23] =	ssyncset.done $0x0  }
0xa4: {  	s25 =	simm.s32 $0x1B8E;
	s24 =	sld [smem:$0x3FFE];
	[sflag:s23] =	ssyncadd.s32 $0xFFFFFFFF  }
0xa5: {  	s26 =	simm.s32 $execute0_lowered;
	[smem:$0x3FD2] =	sst s25  }
0xa6: {  	s4 =	sshll.u32 s26, $0x1;
	_ =	strace $0x80000049;
	[dreg:$0x1] =	wrdreg $0xFFFFFFFF  }
0xa7: {  	s28 =	simm.s32 $_size_execute0_lowered;
	s2 =	sadd.s32 s2, s4;
	[dreg:$0x0] =	wrdreg $0x0  }
0xa8: {  	s4 =	sshll.u32 s28, $0x1;
	[dreg:$0x2] =	wrdreg s2  }
0xa9: {  	[dreg:$0x3] =	wrdreg s4  }
0xaa: {  	[dreg:$0x4] =	wrdreg $0xC0  }
0xab: {  	_ =	task [dreg:s6], $0x5FFFF  }
0xac: {  	[dreg:$0x1] =	wrdreg $0xFFFFFFFF  }
0xad: {  	[dreg:$0x0] =	wrdreg $0x60  }
0xae: {  	[dreg:$0x2] =	wrdreg s24  }
0xaf: {  	[dreg:$0x3] =	wrdreg $0x14A000  }
0xb0: {  	[dreg:$0x4] =	wrdreg $0x9  }
0xb1: {  	_ =	task.clear_ibuf [dreg:s6], $0x5FFFF;
	_ =	strace $0x90000049  }
0xb2: {  	s29 =	simm.s32 $0x9;
	_ =	strace $0x8000004B  }
0xb3: {  	_ =	swait.ge [sflag:s29], $0x1  }
0xb4: {  	[sflag:s29] =	ssyncadd.s32 $0xFFFFFFFF  }
0xb5: {  	_ =	strace $0x9000004B  }
0xb6: {  	_ =	sfence  }
0xb7: {  	s30 =	sld [smem:$0x0];
	_ =	sdelay $0x2  }
0xb8: {  	s31 =	sshll.u32 s1, $0xD;
	s1 =	sshrl.u32 s1, $0x2  }
0xb9: {  	s3 =	sand.u32 $0x4000, s31;
	s1 =	sadd.s32 s1, s30  }
0xba: {  	s0 =	sor.u32 s3, s0;
	s1 =	sshll.u32 s1, $0x11  }
0xbb: {  	s0 =	sor.u32 s1, s0  }
0xbc: {  	s0 =	sadd.s32 $0x8F2B, s0  }
0xbd: {  	[sflag:s0] =	ssyncadd.remote.s32 $0x1  }
0xbe: {  	_ =	sfence.sel $0xFFFF  }
0xbf: {  	[dreg:$0x0] =	wrdreg $0xFFFFFFFF;
	(pc) =	sbr.abs _section_cstart, $3  }
0xc0: {  	[dreg:$0x1] =	wrdreg $0xFFFFFFFF  }
0xc1: {  	_ =	task.clear_ibuf [dreg:s6], $0x2FFFF;
	_ =	strace $0x9FFFFFFF  }
0xc2: {  	(tm) =	ssettm $0x7FFFFFFF  }
0xc3: {  	_ =	shalt  }
tec
execute0_lowered:
.L_overlay_start_1:
0x0: {  	(tag) =	ssettag $0x1  }
0x1: {  	s0 =	srdreg.scid;
	s1 =	rddreg [dreg:$0x0]  }
0x2: {  	s12 =	stileid.u32;
	s2 =	rddreg [dreg:$0x1]  }
0x3: {  	s3 =	simm.s32 $0x0;
	s10 =	simm.s32 $0x9;
	s14 =	simm.s32 $0x7D  }
0x4: {  	s15 =	simm.s32 $0x5000;
	s17 =	simm.s32 $0x6F40;
	s19 =	simm.s32 $0x8E80  }
0x5: {  	s21 =	simm.s32 $0xADC0;
	s28 =	simm.s32 $0x10B80;
	s30 =	simm.s32 $0x12AC0  }
0x6: {  	s31 =	simm.s32 $0x1;
	s16 =	simm.s32 $0x5;
	s5 =	smul.u32 $0x2800, s12  }
0x7: {  	s18 =	simm.s32 $0x6;
	s0 =	sand.u32 $0x1, s0;
	s7 =	smul.u32 $0xA000, s12  }
0x8: {  	s20 =	simm.s32 $0x7;
	s29 =	simm.s32 $0x0;
	s4 =	smul.u32 $0x28000, s0  }
0x9: {  	[smem:$0x7FF] =	sst s3;
	s26 =	sshll.u32 s12, $0x6;
	s6 =	smul.u32 $0xA0000, s0  }
0xa: {  	_ =	strace $0x8000004A;
	s0 =	ssub.s32 $0x2, s0;
	s12 =	sor.u32 $0x1C09, s26  }
0xb: {  	s8 =	sshrl.u32 s0, $0x1;
	s25 =	sshrl.u32 s7, $0x3;
	s11 =	sadd.s32 s7, s2  }
0xc: {  	s4 =	sadd.s32 s5, s4;
	s22 =	sadd.s32 s7, s6;
	s0 =	ssub.s32 s0, s8  }
0xd: {  	s13 =	sshrl.u32 s11, $0x3;
	s11 =	simm.s32 $0x4;
	s4 =	sshrl.u32 s4, $0x3  }
0xe: {  	s5 =	sshrl.u32 s22, $0x3;
	s9 =	smax.u32 s0, $0x1;
	s0 =	simm.s32 $0x3  }
0xf: {  	s22 =	simm.s32 $0x8;
	s23 =	sadd.s32 s4, s1;
	s4 =	sadd.s32 $0x8FA00, s1  }
0x10: {  	s1 =	sadd.s32 s5, s1;
	s24 =	sadd.s32 $0x4800, s23;
	s6 =	sadd.s32 $0xE800, s23  }
0x11: {  	s7 =	sadd.s32 s4, s25;
	s8 =	sadd.s32 $0xA3A00, s1;
	s23 =	simm.s32 $0xCD00  }
0x12: {  	s25 =	simm.s32 $0xEC40;
	s1 =	simm.s32 $0x2;
	[dreg:$0x3] =	wrdreg s24  }
.LBB2_1:
0x13: {  	s5 =	rddreg [dreg:$0x3]  }
0x14: {  	[tilespmem:s3], [sflag:$0x9] =	stream.linear.gather [hbm4b:s5+s3], $0x2800, $0x38;
	[tilespmem:$0x1EA00] =	vst v63  }
0x15: {  	_ =	swait.ge [sflag:s10], $0x2800  }
0x16: {  	[sflag:s10] =	ssyncset.done $0x0  }
0x17: {  	s24 =	simm.s32 $0x2800;
	[sflag:s10] =	ssyncadd.s32 $0xFFFFD800  }
0x18: {  	[tilespmem:s24], [sflag:$0x9] =	stream.linear.gather [hbm4b:s6+s3], $0x2800, $0x38;
	[tilespmem:$0x1EA00] =	vst v63  }
0x19: {  	_ =	swait.ge [sflag:s10], $0x2800  }
0x1a: {  	[sflag:s10] =	ssyncset.done $0x0  }
0x1b: {  	[sflag:s10] =	ssyncadd.s32 $0xFFFFD800  }
0x1c: {  	[spmem:s13], [sflag:s12] =	dma.local [hbm:s7], $0x1400  }
0x1d: {  	_ =	swait.ge [sflag:s10], $0x1400  }
0x1e: {  	[sflag:s10] =	ssyncset.done $0x0  }
0x1f: {  	[sflag:s10] =	ssyncadd.s32 $0xFFFFEC00  }
0x20: {  	[bflag:$0x0] =	sbarrier.arrive $0xFFFF  }
0x21: {  	[tilespmem:s15], [sflag:$0x1] =	stream.indirect.gather [hbm4b:s4+s14], $0x40, s3, s14, $0xb8;
	[tilespmem:$0x1EA00] =	vst v63  }
0x22: {  	s26 =	simm.s32 $0x80  }
0x23: {  	[tilespmem:s17], [sflag:$0x2] =	stream.indirect.gather [hbm4b:s4+s14], $0x40, s26, s14, $0xb8;
	[tilespmem:$0x1EA00] =	vst v63  }
0x24: {  	s24 =	simm.s32 $0x100  }
0x25: {  	[tilespmem:s19], [sflag:$0x3] =	stream.indirect.gather [hbm4b:s4+s14], $0x40, s24, s14, $0xb8;
	[tilespmem:$0x1EA00] =	vst v63  }
0x26: {  	s26 =	simm.s32 $0x180  }
0x27: {  	[tilespmem:s21], [sflag:$0x4] =	stream.indirect.gather [hbm4b:s4+s14], $0x40, s26, s14, $0xb8;
	[tilespmem:$0x1EA00] =	vst v63  }
0x28: {  	s24 =	simm.s32 $0x200  }
0x29: {  	[tilespmem:s23], [sflag:$0x5] =	stream.indirect.gather [hbm4b:s4+s14], $0x40, s24, s14, $0xb8;
	[tilespmem:$0x1EA00] =	vst v63  }
0x2a: {  	s26 =	simm.s32 $0x280  }
0x2b: {  	[tilespmem:s25], [sflag:$0x6] =	stream.indirect.gather [hbm4b:s4+s14], $0x40, s26, s14, $0xb8;
	[tilespmem:$0x1EA00] =	vst v63  }
0x2c: {  	s24 =	simm.s32 $0x300  }
0x2d: {  	[tilespmem:s28], [sflag:$0x7] =	stream.indirect.gather [hbm4b:s4+s14], $0x40, s24, s14, $0xb8;
	[tilespmem:$0x1EA00] =	vst v63  }
0x2e: {  	s26 =	simm.s32 $0x380  }
0x2f: {  	[tilespmem:s30], [sflag:$0x8] =	stream.indirect.gather [hbm4b:s4+s14], $0x40, s26, s14, $0xb8;
	[tilespmem:$0x1EA00] =	vst v63  }
0x30: {  	_ =	swait.ge [sflag:s31], $0x1F40  }
0x31: {  	[sflag:s31] =	ssyncset.done $0x0  }
0x32: {  	s24 =	simm.s32 $0x2800;
	[sflag:s31] =	ssyncadd.s32 $0xFFFFE0C0  }
0x33: {  	[spmem:s2] =	stream.indirect.scatter.add.f32 [tilespmem:s15], [sflag:$0x9], $0x40, s24, s14, $0xb8;
	[tilespmem:$0x1EA00] =	vst v63  }
0x34: {  	_ =	swait.ge [sflag:s10], $0x1F40  }
0x35: {  	[sflag:s10] =	ssyncset.done $0x0  }
0x36: {  	s5 =	simm.s32 $0x400;
	[sflag:s10] =	ssyncadd.s32 $0xFFFFE0C0  }
0x37: {  	[tilespmem:s15], [sflag:$0x1] =	stream.indirect.gather [hbm4b:s4+s14], $0x40, s5, s14, $0xb8;
	[tilespmem:$0x1EA00] =	vst v63  }
0x38: {  	_ =	swait.ge [sflag:s1], $0x1F40  }
0x39: {  	[sflag:s1] =	ssyncset.done $0x0  }
0x3a: {  	s26 =	simm.s32 $0x2880;
	[sflag:s1] =	ssyncadd.s32 $0xFFFFE0C0  }
0x3b: {  	[spmem:s2] =	stream.indirect.scatter.add.f32 [tilespmem:s17], [sflag:$0x9], $0x40, s26, s14, $0xb8;
	[tilespmem:$0x1EA00] =	vst v63  }
0x3c: {  	_ =	swait.ge [sflag:s10], $0x1F40  }
0x3d: {  	[sflag:s10] =	ssyncset.done $0x0  }
0x3e: {  	s5 =	simm.s32 $0x480;
	[sflag:s10] =	ssyncadd.s32 $0xFFFFE0C0  }
0x3f: {  	[tilespmem:s17], [sflag:$0x2] =	stream.indirect.gather [hbm4b:s4+s14], $0x40, s5, s14, $0xb8;
	[tilespmem:$0x1EA00] =	vst v63  }
0x40: {  	_ =	swait.ge [sflag:s0], $0x1F40  }
0x41: {  	[sflag:s0] =	ssyncset.done $0x0  }
0x42: {  	s26 =	simm.s32 $0x2900;
	[sflag:s0] =	ssyncadd.s32 $0xFFFFE0C0  }
0x43: {  	[spmem:s2] =	stream.indirect.scatter.add.f32 [tilespmem:s19], [sflag:$0x9], $0x40, s26, s14, $0xb8;
	[tilespmem:$0x1EA00] =	vst v63  }
0x44: {  	_ =	swait.ge [sflag:s10], $0x1F40  }
0x45: {  	[sflag:s10] =	ssyncset.done $0x0  }
0x46: {  	s5 =	simm.s32 $0x500;
	[sflag:s10] =	ssyncadd.s32 $0xFFFFE0C0  }
0x47: {  	[tilespmem:s19], [sflag:$0x3] =	stream.indirect.gather [hbm4b:s4+s14], $0x40, s5, s14, $0xb8;
	[tilespmem:$0x1EA00] =	vst v63  }
0x48: {  	_ =	swait.ge [sflag:s11], $0x1F40  }
0x49: {  	[sflag:s11] =	ssyncset.done $0x0  }
0x4a: {  	s26 =	simm.s32 $0x2980;
	[sflag:s11] =	ssyncadd.s32 $0xFFFFE0C0  }
0x4b: {  	[spmem:s2] =	stream.indirect.scatter.add.f32 [tilespmem:s21], [sflag:$0x9], $0x40, s26, s14, $0xb8;
	[tilespmem:$0x1EA00] =	vst v63  }
0x4c: {  	_ =	swait.ge [sflag:s10], $0x1F40  }
0x4d: {  	[sflag:s10] =	ssyncset.done $0x0  }
0x4e: {  	s5 =	simm.s32 $0x580;
	[sflag:s10] =	ssyncadd.s32 $0xFFFFE0C0  }
0x4f: {  	[tilespmem:s21], [sflag:$0x4] =	stream.indirect.gather [hbm4b:s4+s14], $0x40, s5, s14, $0xb8;
	[tilespmem:$0x1EA00] =	vst v63  }
0x50: {  	_ =	swait.ge [sflag:s16], $0x1F40  }
0x51: {  	[sflag:s16] =	ssyncset.done $0x0  }
0x52: {  	s26 =	simm.s32 $0x2A00;
	[sflag:s16] =	ssyncadd.s32 $0xFFFFE0C0  }
0x53: {  	[spmem:s2] =	stream.indirect.scatter.add.f32 [tilespmem:s23], [sflag:$0x9], $0x40, s26, s14, $0xb8;
	[tilespmem:$0x1EA00] =	vst v63  }
0x54: {  	_ =	swait.ge [sflag:s10], $0x1F40  }
0x55: {  	[sflag:s10] =	ssyncset.done $0x0  }
0x56: {  	s5 =	simm.s32 $0x600;
	[sflag:s10] =	ssyncadd.s32 $0xFFFFE0C0  }
0x57: {  	[tilespmem:s23], [sflag:$0x5] =	stream.indirect.gather [hbm4b:s4+s14], $0x40, s5, s14, $0xb8;
	[tilespmem:$0x1EA00] =	vst v63  }
0x58: {  	_ =	swait.ge [sflag:s18], $0x1F40  }
0x59: {  	[sflag:s18] =	ssyncset.done $0x0  }
0x5a: {  	s26 =	simm.s32 $0x2A80;
	[sflag:s18] =	ssyncadd.s32 $0xFFFFE0C0  }
0x5b: {  	[spmem:s2] =	stream.indirect.scatter.add.f32 [tilespmem:s25], [sflag:$0x9], $0x40, s26, s14, $0xb8;
	[tilespmem:$0x1EA00] =	vst v63  }
0x5c: {  	_ =	swait.ge [sflag:s10], $0x1F40  }
0x5d: {  	[sflag:s10] =	ssyncset.done $0x0  }
0x5e: {  	s5 =	simm.s32 $0x680;
	[sflag:s10] =	ssyncadd.s32 $0xFFFFE0C0  }
0x5f: {  	[tilespmem:s25], [sflag:$0x6] =	stream.indirect.gather [hbm4b:s4+s14], $0x40, s5, s14, $0xb8;
	[tilespmem:$0x1EA00] =	vst v63  }
0x60: {  	_ =	swait.ge [sflag:s20], $0x1F40  }
0x61: {  	[sflag:s20] =	ssyncset.done $0x0  }
0x62: {  	s26 =	simm.s32 $0x2B00;
	[sflag:s20] =	ssyncadd.s32 $0xFFFFE0C0  }
0x63: {  	[spmem:s2] =	stream.indirect.scatter.add.f32 [tilespmem:s28], [sflag:$0x9], $0x40, s26, s14, $0xb8;
	[tilespmem:$0x1EA00] =	vst v63  }
0x64: {  	_ =	swait.ge [sflag:s10], $0x1F40  }
0x65: {  	[sflag:s10] =	ssyncset.done $0x0  }
0x66: {  	s5 =	simm.s32 $0x700;
	[sflag:s10] =	ssyncadd.s32 $0xFFFFE0C0  }
0x67: {  	[tilespmem:s28], [sflag:$0x7] =	stream.indirect.gather [hbm4b:s4+s14], $0x40, s5, s14, $0xb8;
	[tilespmem:$0x1EA00] =	vst v63  }
0x68: {  	_ =	swait.ge [sflag:s22], $0x1F40  }
0x69: {  	[sflag:s22] =	ssyncset.done $0x0  }
0x6a: {  	s26 =	simm.s32 $0x2B80;
	[sflag:s22] =	ssyncadd.s32 $0xFFFFE0C0  }
0x6b: {  	[spmem:s2] =	stream.indirect.scatter.add.f32 [tilespmem:s30], [sflag:$0x9], $0x40, s26, s14, $0xb8;
	[tilespmem:$0x1EA00] =	vst v63  }
0x6c: {  	_ =	swait.ge [sflag:s10], $0x1F40  }
0x6d: {  	[sflag:s10] =	ssyncset.done $0x0  }
0x6e: {  	s24 =	simm.s32 $0x1000;
	s26 =	simm.s32 $0x780;
	[sflag:s10] =	ssyncadd.s32 $0xFFFFE0C0  }
.LBB2_2:
0x6f: {  	[tilespmem:s30], [sflag:$0x8] =	stream.indirect.gather [hbm4b:s4+s14], $0x40, s26, s14, $0xb8;
	[tilespmem:$0x1EA00] =	vst v63  }
0x70: {  	s26 =	smov.u32 s24  }
0x71: {  	p0 =	sne.s32 s24, $0x8000;
	s24 =	sadd.s32 $0x1000, s24;
	_ =	swait.ge [sflag:s31], $0x1F40  }
0x72: {  	s26 =	sshra.s32 s26, $0x2;
	[sflag:s31] =	ssyncset.done $0x0  }
0x73: {  	s5 =	sadd.s32 $0x2800, s26;
	[sflag:s31] =	ssyncadd.s32 $0xFFFFE0C0  }
0x74: {  	[spmem:s2] =	stream.indirect.scatter.add.f32 [tilespmem:s15], [sflag:$0x9], $0x40, s5, s14, $0xb8;
	[tilespmem:$0x1EA00] =	vst v63  }
0x75: {  	_ =	swait.ge [sflag:s10], $0x1F40  }
0x76: {  	[sflag:s10] =	ssyncset.done $0x0  }
0x77: {  	s5 =	sadd.s32 $0x400, s26;
	[sflag:s10] =	ssyncadd.s32 $0xFFFFE0C0  }
0x78: {  	[tilespmem:s15], [sflag:$0x1] =	stream.indirect.gather [hbm4b:s4+s14], $0x40, s5, s14, $0xb8;
	[tilespmem:$0x1EA00] =	vst v63  }
0x79: {  	_ =	swait.ge [sflag:s1], $0x1F40  }
0x7a: {  	[sflag:s1] =	ssyncset.done $0x0  }
0x7b: {  	s5 =	sadd.s32 $0x2880, s26;
	[sflag:s1] =	ssyncadd.s32 $0xFFFFE0C0  }
0x7c: {  	[spmem:s2] =	stream.indirect.scatter.add.f32 [tilespmem:s17], [sflag:$0x9], $0x40, s5, s14, $0xb8;
	[tilespmem:$0x1EA00] =	vst v63  }
0x7d: {  	_ =	swait.ge [sflag:s10], $0x1F40  }
0x7e: {  	[sflag:s10] =	ssyncset.done $0x0  }
0x7f: {  	s5 =	sadd.s32 $0x480, s26;
	[sflag:s10] =	ssyncadd.s32 $0xFFFFE0C0  }
0x80: {  	[tilespmem:s17], [sflag:$0x2] =	stream.indirect.gather [hbm4b:s4+s14], $0x40, s5, s14, $0xb8;
	[tilespmem:$0x1EA00] =	vst v63  }
0x81: {  	_ =	swait.ge [sflag:s0], $0x1F40  }
0x82: {  	[sflag:s0] =	ssyncset.done $0x0  }
0x83: {  	s5 =	sadd.s32 $0x2900, s26;
	[sflag:s0] =	ssyncadd.s32 $0xFFFFE0C0  }
0x84: {  	[spmem:s2] =	stream.indirect.scatter.add.f32 [tilespmem:s19], [sflag:$0x9], $0x40, s5, s14, $0xb8;
	[tilespmem:$0x1EA00] =	vst v63  }
0x85: {  	_ =	swait.ge [sflag:s10], $0x1F40  }
0x86: {  	[sflag:s10] =	ssyncset.done $0x0  }
0x87: {  	s5 =	sadd.s32 $0x500, s26;
	[sflag:s10] =	ssyncadd.s32 $0xFFFFE0C0  }
0x88: {  	[tilespmem:s19], [sflag:$0x3] =	stream.indirect.gather [hbm4b:s4+s14], $0x40, s5, s14, $0xb8;
	[tilespmem:$0x1EA00] =	vst v63  }
0x89: {  	_ =	swait.ge [sflag:s11], $0x1F40  }
0x8a: {  	[sflag:s11] =	ssyncset.done $0x0  }
0x8b: {  	s5 =	sadd.s32 $0x2980, s26;
	[sflag:s11] =	ssyncadd.s32 $0xFFFFE0C0  }
0x8c: {  	[spmem:s2] =	stream.indirect.scatter.add.f32 [tilespmem:s21], [sflag:$0x9], $0x40, s5, s14, $0xb8;
	[tilespmem:$0x1EA00] =	vst v63  }
0x8d: {  	_ =	swait.ge [sflag:s10], $0x1F40  }
0x8e: {  	[sflag:s10] =	ssyncset.done $0x0  }
0x8f: {  	s5 =	sadd.s32 $0x580, s26;
	[sflag:s10] =	ssyncadd.s32 $0xFFFFE0C0  }
0x90: {  	[tilespmem:s21], [sflag:$0x4] =	stream.indirect.gather [hbm4b:s4+s14], $0x40, s5, s14, $0xb8;
	[tilespmem:$0x1EA00] =	vst v63  }
0x91: {  	_ =	swait.ge [sflag:s16], $0x1F40  }
0x92: {  	[sflag:s16] =	ssyncset.done $0x0  }
0x93: {  	s5 =	sadd.s32 $0x2A00, s26;
	[sflag:s16] =	ssyncadd.s32 $0xFFFFE0C0  }
0x94: {  	[spmem:s2] =	stream.indirect.scatter.add.f32 [tilespmem:s23], [sflag:$0x9], $0x40, s5, s14, $0xb8;
	[tilespmem:$0x1EA00] =	vst v63  }
0x95: {  	_ =	swait.ge [sflag:s10], $0x1F40  }
0x96: {  	[sflag:s10] =	ssyncset.done $0x0  }
0x97: {  	s5 =	sadd.s32 $0x600, s26;
	[sflag:s10] =	ssyncadd.s32 $0xFFFFE0C0  }
0x98: {  	[tilespmem:s23], [sflag:$0x5] =	stream.indirect.gather [hbm4b:s4+s14], $0x40, s5, s14, $0xb8;
	[tilespmem:$0x1EA00] =	vst v63  }
0x99: {  	_ =	swait.ge [sflag:s18], $0x1F40  }
0x9a: {  	[sflag:s18] =	ssyncset.done $0x0  }
0x9b: {  	s5 =	sadd.s32 $0x2A80, s26;
	[sflag:s18] =	ssyncadd.s32 $0xFFFFE0C0  }
0x9c: {  	[spmem:s2] =	stream.indirect.scatter.add.f32 [tilespmem:s25], [sflag:$0x9], $0x40, s5, s14, $0xb8;
	[tilespmem:$0x1EA00] =	vst v63  }
0x9d: {  	_ =	swait.ge [sflag:s10], $0x1F40  }
0x9e: {  	[sflag:s10] =	ssyncset.done $0x0  }
0x9f: {  	s5 =	sadd.s32 $0x680, s26;
	[sflag:s10] =	ssyncadd.s32 $0xFFFFE0C0  }
0xa0: {  	[tilespmem:s25], [sflag:$0x6] =	stream.indirect.gather [hbm4b:s4+s14], $0x40, s5, s14, $0xb8;
	[tilespmem:$0x1EA00] =	vst v63  }
0xa1: {  	_ =	swait.ge [sflag:s20], $0x1F40  }
0xa2: {  	[sflag:s20] =	ssyncset.done $0x0  }
0xa3: {  	s5 =	sadd.s32 $0x2B00, s26;
	[sflag:s20] =	ssyncadd.s32 $0xFFFFE0C0  }
0xa4: {  	[spmem:s2] =	stream.indirect.scatter.add.f32 [tilespmem:s28], [sflag:$0x9], $0x40, s5, s14, $0xb8;
	[tilespmem:$0x1EA00] =	vst v63  }
0xa5: {  	_ =	swait.ge [sflag:s10], $0x1F40  }
0xa6: {  	[sflag:s10] =	ssyncset.done $0x0  }
0xa7: {  	s5 =	sadd.s32 $0x700, s26;
	[sflag:s10] =	ssyncadd.s32 $0xFFFFE0C0  }
0xa8: {  	[tilespmem:s28], [sflag:$0x7] =	stream.indirect.gather [hbm4b:s4+s14], $0x40, s5, s14, $0xb8;
	[tilespmem:$0x1EA00] =	vst v63  }
0xa9: {  	_ =	swait.ge [sflag:s22], $0x1F40  }
0xaa: {  	[sflag:s22] =	ssyncset.done $0x0  }
.Ltmp0:
0xab: {  	s5 =	sadd.s32 $0x2B80, s26;
	[sflag:s22] =	ssyncadd.s32 $0xFFFFE0C0;
	(pc) =	sbr.rel @p0 .LBB2_2-.Ltmp0, $4  }
0xac: {  	[spmem:s2] =	stream.indirect.scatter.add.f32 [tilespmem:s30], [sflag:$0x9], $0x40, s5, s14, $0xb8;
	[tilespmem:$0x1EA00] =	vst v63  }
0xad: {  	_ =	swait.ge [sflag:s10], $0x1F40  }
0xae: {  	[sflag:s10] =	ssyncset.done $0x0  }
0xaf: {  	s26 =	sadd.s32 $0x780, s26;
	[sflag:s10] =	ssyncadd.s32 $0xFFFFE0C0  }
0xb0: {  	[tilespmem:s30], [sflag:$0x8] =	stream.indirect.gather [hbm4b:s4+s14], $0x40, s26, s14, $0xb8;
	[tilespmem:$0x1EA00] =	vst v63  }
0xb1: {  	_ =	swait.ge [sflag:s31], $0x1F40  }
0xb2: {  	[sflag:s31] =	ssyncset.done $0x0  }
0xb3: {  	s5 =	simm.s32 $0x4C00;
	[sflag:s31] =	ssyncadd.s32 $0xFFFFE0C0  }
0xb4: {  	[spmem:s2] =	stream.indirect.scatter.add.f32 [tilespmem:s15], [sflag:$0x9], $0x40, s5, s14, $0xb8;
	[tilespmem:$0x1EA00] =	vst v63  }
0xb5: {  	_ =	swait.ge [sflag:s10], $0x1F40  }
0xb6: {  	[sflag:s10] =	ssyncset.done $0x0  }
0xb7: {  	[sflag:s10] =	ssyncadd.s32 $0xFFFFE0C0  }
0xb8: {  	_ =	swait.ge [sflag:s1], $0x1F40  }
0xb9: {  	[sflag:s1] =	ssyncset.done $0x0  }
0xba: {  	s26 =	simm.s32 $0x4C80;
	[sflag:s1] =	ssyncadd.s32 $0xFFFFE0C0  }
0xbb: {  	[spmem:s2] =	stream.indirect.scatter.add.f32 [tilespmem:s17], [sflag:$0x9], $0x40, s26, s14, $0xb8;
	[tilespmem:$0x1EA00] =	vst v63  }
0xbc: {  	_ =	swait.ge [sflag:s10], $0x1F40  }
0xbd: {  	[sflag:s10] =	ssyncset.done $0x0  }
0xbe: {  	[sflag:s10] =	ssyncadd.s32 $0xFFFFE0C0  }
0xbf: {  	_ =	swait.ge [sflag:s0], $0x1F40  }
0xc0: {  	[sflag:s0] =	ssyncset.done $0x0  }
0xc1: {  	s24 =	simm.s32 $0x4D00;
	[sflag:s0] =	ssyncadd.s32 $0xFFFFE0C0  }
0xc2: {  	[spmem:s2] =	stream.indirect.scatter.add.f32 [tilespmem:s19], [sflag:$0x9], $0x40, s24, s14, $0xb8;
	[tilespmem:$0x1EA00] =	vst v63  }
0xc3: {  	_ =	swait.ge [sflag:s10], $0x1F40  }
0xc4: {  	[sflag:s10] =	ssyncset.done $0x0  }
0xc5: {  	[sflag:s10] =	ssyncadd.s32 $0xFFFFE0C0  }
0xc6: {  	_ =	swait.ge [sflag:s11], $0x1F40  }
0xc7: {  	[sflag:s11] =	ssyncset.done $0x0  }
0xc8: {  	s26 =	simm.s32 $0x4D80;
	[sflag:s11] =	ssyncadd.s32 $0xFFFFE0C0  }
0xc9: {  	[spmem:s2] =	stream.indirect.scatter.add.f32 [tilespmem:s21], [sflag:$0x9], $0x40, s26, s14, $0xb8;
	[tilespmem:$0x1EA00] =	vst v63  }
0xca: {  	_ =	swait.ge [sflag:s10], $0x1F40  }
0xcb: {  	[sflag:s10] =	ssyncset.done $0x0  }
0xcc: {  	[sflag:s10] =	ssyncadd.s32 $0xFFFFE0C0  }
0xcd: {  	_ =	swait.ge [sflag:s16], $0x1F40  }
0xce: {  	[sflag:s16] =	ssyncset.done $0x0  }
0xcf: {  	s24 =	simm.s32 $0x4E00;
	[sflag:s16] =	ssyncadd.s32 $0xFFFFE0C0  }
0xd0: {  	[spmem:s2] =	stream.indirect.scatter.add.f32 [tilespmem:s23], [sflag:$0x9], $0x40, s24, s14, $0xb8;
	[tilespmem:$0x1EA00] =	vst v63  }
0xd1: {  	_ =	swait.ge [sflag:s10], $0x1F40  }
0xd2: {  	[sflag:s10] =	ssyncset.done $0x0  }
0xd3: {  	[sflag:s10] =	ssyncadd.s32 $0xFFFFE0C0  }
0xd4: {  	_ =	swait.ge [sflag:s18], $0x1F40  }
0xd5: {  	[sflag:s18] =	ssyncset.done $0x0  }
0xd6: {  	s26 =	simm.s32 $0x4E80;
	[sflag:s18] =	ssyncadd.s32 $0xFFFFE0C0  }
0xd7: {  	[spmem:s2] =	stream.indirect.scatter.add.f32 [tilespmem:s25], [sflag:$0x9], $0x40, s26, s14, $0xb8;
	[tilespmem:$0x1EA00] =	vst v63  }
0xd8: {  	_ =	swait.ge [sflag:s10], $0x1F40  }
0xd9: {  	[sflag:s10] =	ssyncset.done $0x0  }
0xda: {  	[sflag:s10] =	ssyncadd.s32 $0xFFFFE0C0  }
0xdb: {  	_ =	swait.ge [sflag:s20], $0x1F40  }
0xdc: {  	[sflag:s20] =	ssyncset.done $0x0  }
0xdd: {  	s24 =	simm.s32 $0x4F00;
	[sflag:s20] =	ssyncadd.s32 $0xFFFFE0C0  }
0xde: {  	[spmem:s2] =	stream.indirect.scatter.add.f32 [tilespmem:s28], [sflag:$0x9], $0x40, s24, s14, $0xb8;
	[tilespmem:$0x1EA00] =	vst v63  }
0xdf: {  	_ =	swait.ge [sflag:s10], $0x1F40  }
0xe0: {  	[sflag:s10] =	ssyncset.done $0x0  }
0xe1: {  	[sflag:s10] =	ssyncadd.s32 $0xFFFFE0C0  }
0xe2: {  	_ =	swait.ge [sflag:s22], $0x1F40  }
0xe3: {  	[sflag:s22] =	ssyncset.done $0x0  }
0xe4: {  	s26 =	simm.s32 $0x4F80;
	[sflag:s22] =	ssyncadd.s32 $0xFFFFE0C0  }
0xe5: {  	[spmem:s2] =	stream.indirect.scatter.add.f32 [tilespmem:s30], [sflag:$0x9], $0x40, s26, s14, $0xb8;
	[tilespmem:$0x1EA00] =	vst v63  }
0xe6: {  	_ =	swait.ge [sflag:s10], $0x1F40  }
0xe7: {  	s29 =	sadd.s32 $0x1, s29;
	[sflag:s10] =	ssyncset.done $0x0  }
0xe8: {  	p0 =	sne.s32 s29, s9;
	[sflag:s10] =	ssyncadd.s32 $0xFFFFE0C0  }
.Ltmp1:
0xe9: {  	[bflag:$0x0] =	sbarrier.arrive $0xFFFF;
	(pc) =	sbr.rel @p0 .LBB2_1-.Ltmp1, $4  }
0xea: {  	[hbm:s8], [sflag:s12] =	dma.local [spmem:s13], $0x1400  }
0xeb: {  	_ =	swait.ge [sflag:s10], $0x1400  }
0xec: {  	[sflag:s10] =	ssyncset.done $0x0  }
0xed: {  	[sflag:s10] =	ssyncadd.s32 $0xFFFFEC00  }
0xee: {  	_ =	sfence.sel $0x180000  }
0xef: {  	[bflag:$0x0] =	sbarrier.arrive $0xFFFF  }
0xf0: {  	_ =	strace $0x9000004A  }
0xf1: {  	s0 =	stileid.u32;
	[bflag:$0x2] =	sbarrier.arrive $0xFFFF  }
0xf2: {  	p0 =	sne.s32 s0, $0x0;
	s0 =	rddreg [dreg:$0x2]  }
0xf3: {  	s0 =	sadd.s32 @!p0 $0x100000, s0  }
0xf4: {  	[sflag:s0] =	ssyncadd.tile.s32 @!p0 $0x1;
	_ =	shalt  }
.Lfunc_end2:
_tile_overlayer_lowered:
.L_overlay_start_2:
0xf5: {  	(tag) =	ssettag $0x2  }
0xf6: {  	s0 =	rddreg [dreg:$0x0];
	s2 =	stileid.u32  }
0xf7: {  	s1 =	rddreg [dreg:$0x1];
	p0 =	sne.s32 s2, $0x0  }
0xf8: {  	s3 =	rddreg [dreg:$0x2];
	[bflag:$0x3] =	sbarrier.arrive $0xFFFF;
	s2 =	simm.s32 @!p0 $0x1C09  }
0xf9: {  	[timem:s3], [sflag:s2] =	dma.local @!p0 [hbm:s0], s1  }
0xfa: {  	s0 =	simm.s32 @!p0 $0x9  }
0xfb: {  	_ =	swait.ge @!p0 [sflag:s0], s1  }
0xfc: {  	s1 =	ssub.s32 @!p0 $0x0, s1;
	[sflag:s0] =	ssyncset.done @!p0 $0x0  }
0xfd: {  	[sflag:s0] =	ssyncadd.s32 @!p0 s1  }
0xfe: {  	[bflag:$0x3] =	sbarrier.arrive $0xFFFF  }
0xff: {  	_ =	shalt  }

// kernel: kernel.16.cloned.1.call-start
scs
__scs_entry_jumppad:
0x0: {  	(pc) =	sbr.rel $0x88, $3  }
0x1: {  	(tag) =	ssettag $0x0;
	lr =	simm.s32 $0x1  }
0x2: {  	[smem:$0x3F95] =	sst lr;
	_ =	strace $0xD0000000  }
0x3: {  	_ = 	snop  }
0x4: {  	_ = 	snop  }
0x5: {  	_ = 	snop  }
0x6: {  	_ = 	snop  }
0x7: {  	_ = 	snop  }
__scs_overlays_trampoline_lowered:
0x8: {  	[smem:$0x3FA4] =	sst s0  }
0x9: {  	[smem:$0x3FA5] =	sst s1  }
0xa: {  	[smem:$0x3FA6] =	sst s2  }
0xb: {  	[smem:$0x3FA7] =	sst s3  }
0xc: {  	[smem:$0x3FA8] =	sst s4  }
0xd: {  	[smem:$0x3FA9] =	sst s5  }
0xe: {  	[smem:$0x3FAA] =	sst s6  }
0xf: {  	[smem:$0x3FAB] =	sst s7  }
0x10: {  	[smem:$0x3FAC] =	sst s8  }
0x11: {  	[smem:$0x3FAD] =	sst s9;
	s0 =	simm.s32 @!p0 $0x0  }
0x12: {  	s1 =	sld [smem:$0x3F93];
	s0 =	simm.s32 @p0 $0x1  }
0x13: {  	[smem:$0x3FAE] =	sst s0;
	s0 =	simm.s32 @!p1 $0x0  }
0x14: {  	s2 =	sld [smem:$0x3F92];
	s0 =	simm.s32 @p1 $0x1  }
0x15: {  	[smem:$0x3FAF] =	sst s0;
	s0 =	simm.s32 @!p2 $0x0  }
0x16: {  	s3 =	sld [smem:$0x3FDB];
	s0 =	simm.s32 @p2 $0x1  }
0x17: {  	s4 =	simm.s32 $0x1BF5;
	[smem:$0x3FB1] =	sst s0  }
0x18: {  	s0 =	sld [smem:$0x3F94];
	_ =	swait.ge [sflag:s4], $0x0  }
0x19: {  	s7 =	sld [smem:$0x3F95]  }
0x1a: {  	s8 =	sadd.s32 $0xFFFFE003, lr  }
0x1b: {  	s9 =	sadd.s32 $0xFFFFFEF7, lr;
	s5 =	simm.s32 $0xFFFFFFFF;
	p2 =	slt.u32 s8, $0xFFFFF086  }
0x1c: {  	p1 =	slt.u32 s9, $0xF7A;
	s5 =	simm.s32 @!p2 $0x0  }
0x1d: {  	s5 =	simm.s32 @p1 $0x1;
	p0 =	seq.s32 s7, s2  }
0x1e: {  	s7 =	smul.u32 @!p0 $0xF7A, s2;
	p2 =	seq.s32 @!p0 s5, $0x0  }
0x1f: {  	s9 =	smul.u32 $0xF7A, s1;
	s8 =	simm.s32 @!p0 $0x1BF5;
	p2 =	por !p2, p0  }
0x20: {  	[sflag:s8] =	ssyncset.s32 @!p0 $0xFFFFF086;
	s6 =	sadd.s32 @!p0 s3, s7;
	s7 =	simm.s32 @!p0 $0x108  }
0x21: {  	s3 =	sadd.s32 s3, s9;
	s6 =	sadd.s32 @!p0 $0x88, s6;
	s7 =	simm.s32 @p2 $0x1082  }
0x22: {  	[simem:s7], [sflag:s8] =	dma.local @!p0 [hbm:s6], $0xF7A  }
0x23: {  	s9 =	sor.u32 $0xD0000000, s2;
	s6 =	simm.s32 $0x108;
	_ =	swait.ge @!p0 [sflag:s8], $0x0  }
0x24: {  	s3 =	sadd.s32 $0x88, s3;
	s6 =	simm.s32 @!p1 $0x1082;
	[sflag:s4] =	ssyncset.s32 $0xFFFFF086  }
0x25: {  	[simem:s6], [sflag:s4] =	dma.local [hbm:s3], $0xF7A  }
0x26: {  	[smem:$0x3F95] =	sst s1;
	(tag) =	ssettag s2;
	_ =	strace s9  }
0x27: {  	s1 =	sld [smem:$0x3FA5]  }
0x28: {  	s2 =	sld [smem:$0x3FA6]  }
0x29: {  	s4 =	sld [smem:$0x3FA8]  }
0x2a: {  	p0 =	seq.s32 s5, $0x0;
	s5 =	sld [smem:$0x3FA9]  }
0x2b: {  	s6 =	sld [smem:$0x3FAA]  }
0x2c: {  	s7 =	sld [smem:$0x3FAB]  }
0x2d: {  	s3 =	simm.s32 $0x108;
	s8 =	sld [smem:$0x3FAC]  }
0x2e: {  	s3 =	simm.s32 @!p0 $0x1082;
	s9 =	sld [smem:$0x3FAD]  }
0x2f: {  	lr =	sadd.s32 s0, s3;
	s0 =	sld [smem:$0x3FA4]  }
0x30: {  	s3 =	sld [smem:$0x3FA7]  }
0x31: {  	[smem:$0x3FB0] =	sst s10  }
0x32: {  	s10 =	sld [smem:$0x3FAE];
	_ =	sdelay $0x3  }
0x33: {  	p0 =	seq.s32 s10, $0x1;
	s10 =	sld [smem:$0x3FB0];
	_ =	sdelay $0x3  }
0x34: {  	[smem:$0x3FB0] =	sst s10  }
0x35: {  	s10 =	sld [smem:$0x3FAF];
	_ =	sdelay $0x3  }
0x36: {  	p1 =	seq.s32 s10, $0x1;
	s10 =	sld [smem:$0x3FB0];
	_ =	sdelay $0x3  }
0x37: {  	[smem:$0x3FB0] =	sst s10  }
0x38: {  	s10 =	sld [smem:$0x3FB1]  }
0x39: {  	_ = 	snop;
	(pc) =	sbr.ind lr, $3  }
0x3a: {  	_ = 	snop  }
0x3b: {  	_ = 	snop  }
0x3c: {  	p2 =	seq.s32 s10, $0x1;
	s10 =	sld [smem:$0x3FB0]  }
0x3d: {  	_ =	shalt  }
0x3e: {  	_ =	shalt  }
0x3f: {  	_ =	shalt  }
0x40: {  	_ =	shalt  }
0x41: {  	_ =	shalt  }
0x42: {  	_ =	shalt  }
0x43: {  	_ =	shalt  }
0x44: {  	_ =	shalt  }
0x45: {  	_ =	shalt  }
0x46: {  	_ =	shalt  }
0x47: {  	_ =	shalt  }
0x48: {  	_ =	shalt  }
0x49: {  	_ =	shalt  }
0x4a: {  	_ =	shalt  }
0x4b: {  	_ =	shalt  }
0x4c: {  	_ =	shalt  }
0x4d: {  	_ =	shalt  }
0x4e: {  	_ =	shalt  }
0x4f: {  	_ =	shalt  }
0x50: {  	_ =	shalt  }
0x51: {  	_ =	shalt  }
0x52: {  	_ =	shalt  }
0x53: {  	_ =	shalt  }
0x54: {  	_ =	shalt  }
0x55: {  	_ =	shalt  }
0x56: {  	_ =	shalt  }
0x57: {  	_ =	shalt  }
0x58: {  	_ =	shalt  }
0x59: {  	_ =	shalt  }
0x5a: {  	_ =	shalt  }
0x5b: {  	_ =	shalt  }
0x5c: {  	_ =	shalt  }
0x5d: {  	_ =	shalt  }
0x5e: {  	_ =	shalt  }
0x5f: {  	_ =	shalt  }
0x60: {  	_ =	shalt  }
0x61: {  	_ =	shalt  }
0x62: {  	_ =	shalt  }
0x63: {  	_ =	shalt  }
0x64: {  	_ =	shalt  }
0x65: {  	_ =	shalt  }
0x66: {  	_ =	shalt  }
0x67: {  	_ =	shalt  }
0x68: {  	_ =	shalt  }
0x69: {  	_ =	shalt  }
0x6a: {  	_ =	shalt  }
0x6b: {  	_ =	shalt  }
0x6c: {  	_ =	shalt  }
0x6d: {  	_ =	shalt  }
0x6e: {  	_ =	shalt  }
0x6f: {  	_ =	shalt  }
0x70: {  	_ =	shalt  }
0x71: {  	_ =	shalt  }
0x72: {  	_ =	shalt  }
0x73: {  	_ =	shalt  }
0x74: {  	_ =	shalt  }
0x75: {  	_ =	shalt  }
0x76: {  	_ =	shalt  }
0x77: {  	_ =	shalt  }
0x78: {  	_ =	shalt  }
0x79: {  	_ =	shalt  }
0x7a: {  	_ =	shalt  }
0x7b: {  	_ =	shalt  }
0x7c: {  	_ =	shalt  }
0x7d: {  	_ =	shalt  }
0x7e: {  	_ =	shalt  }
0x7f: {  	_ =	shalt  }
0x80: {  	_ =	shalt  }
0x81: {  	_ =	shalt  }
0x82: {  	_ =	shalt  }
0x83: {  	_ =	shalt  }
0x84: {  	_ =	shalt  }
0x85: {  	_ =	shalt  }
0x86: {  	_ =	shalt  }
0x87: {  	_ =	shalt  }
.Lfunc_end0:
.L_simem_size_0:
called_computation.2_lowered:
.L_overlay_start_0:
0x88: {  	s2 =	sld [smem:$0x3FD9]  }
0x89: {  	s3 =	sld [smem:$0x3FFE];
	_ =	sdelay $0x1  }
0x8a: {  	s1 =	srdreg.scid  }
0x8b: {  	s0 =	sand.u32 $0x1, s1  }
0x8c: {  	s16 =	sshll.u32 s0, $0xA;
	s2 =	sadd.s32 s3, s2  }
0x8d: {  	s2 =	sadd.s32 s2, s16  }
0x8e: {  	[smem:$0x3FBC] =	sst s2  }
0x8f: {  	_ = 	snop  }
0x90: {  	(tm) =	ssettm $0x1  }
0x91: {  	s17 =	sld [smem:$0x3FFB];
	_ =	sdelay $0x3  }
0x92: {  	_ =	strace s17  }
0x93: {  	s2 =	sld [smem:$0x3FFC];
	_ =	sdelay $0x3  }
0x94: {  	_ =	strace s2  }
0x95: {  	s2 =	sld [smem:$0x3FFD];
	_ =	sdelay $0x3  }
0x96: {  	_ =	strace s2  }
0x97: {  	_ =	strace $0x8FFFFFFF  }
0x98: {  	s18 =	sld [smem:$0x3FDB];
	_ =	sdelay $0x1  }
0x99: {  	s19 =	simm.s32 $_scs_section_size  }
0x9a: {  	s4 =	simm.s32 $_size__tile_overlayer_lowered;
	s5 =	simm.s32 $_tile_overlayer_lowered  }
0x9b: {  	s22 =	simm.s32 $0x1BFF;
	s21 =	sshll.u32 s5, $0x1;
	s2 =	sadd.s32 s19, s18  }
0x9c: {  	s6 =	simm.s32 $0x0;
	s20 =	sshll.u32 s4, $0x1;
	s4 =	sadd.s32 s21, s2  }
0x9d: {  	[timem:s6], [sflag:s22] =	dma.local [hbm:s4], s20  }
0x9e: {  	_ =	swait.ge [sflag:s22], s20  }
0x9f: {  	s3 =	ssub.s32 $0x0, s20;
	[sflag:s22] =	ssyncset.done $0x0  }
0xa0: {  	[sflag:s22] =	ssyncadd.s32 s3;
	_ =	sdelay $0x1  }
0xa1: {  	s23 =	simm.s32 $0x1B8B  }
0xa2: {  	_ =	swait.ge [sflag:s23], $0x1  }
0xa3: {  	[sflag:s23] =	ssyncset.done $0x0  }
0xa4: {  	s25 =	simm.s32 $0x1B8E;
	s24 =	sld [smem:$0x3FFE];
	[sflag:s23] =	ssyncadd.s32 $0xFFFFFFFF  }
0xa5: {  	s26 =	simm.s32 $execute0_lowered;
	[smem:$0x3FD2] =	sst s25  }
0xa6: {  	s4 =	sshll.u32 s26, $0x1;
	_ =	strace $0x8000004C;
	[dreg:$0x1] =	wrdreg $0xFFFFFFFF  }
0xa7: {  	s28 =	simm.s32 $_size_execute0_lowered;
	s2 =	sadd.s32 s2, s4;
	[dreg:$0x0] =	wrdreg $0x0  }
0xa8: {  	s4 =	sshll.u32 s28, $0x1;
	[dreg:$0x2] =	wrdreg s2  }
0xa9: {  	[dreg:$0x3] =	wrdreg s4  }
0xaa: {  	[dreg:$0x4] =	wrdreg $0xC0  }
0xab: {  	_ =	task [dreg:s6], $0x5FFFF  }
0xac: {  	[dreg:$0x1] =	wrdreg $0xFFFFFFFF  }
0xad: {  	[dreg:$0x0] =	wrdreg $0x60  }
0xae: {  	[dreg:$0x2] =	wrdreg s24  }
0xaf: {  	[dreg:$0x3] =	wrdreg $0xEC400  }
0xb0: {  	[dreg:$0x4] =	wrdreg $0x9  }
0xb1: {  	_ =	task.clear_ibuf [dreg:s6], $0x5FFFF;
	_ =	strace $0x9000004C  }
0xb2: {  	s29 =	simm.s32 $0x9;
	_ =	strace $0x8000004E  }
0xb3: {  	_ =	swait.ge [sflag:s29], $0x1  }
0xb4: {  	[sflag:s29] =	ssyncadd.s32 $0xFFFFFFFF  }
0xb5: {  	_ =	strace $0x9000004E  }
0xb6: {  	_ =	sfence  }
0xb7: {  	s30 =	sld [smem:$0x0];
	_ =	sdelay $0x2  }
0xb8: {  	s31 =	sshll.u32 s1, $0xD;
	s1 =	sshrl.u32 s1, $0x2  }
0xb9: {  	s3 =	sand.u32 $0x4000, s31;
	s1 =	sadd.s32 s1, s30  }
0xba: {  	s0 =	sor.u32 s3, s0;
	s1 =	sshll.u32 s1, $0x11  }
0xbb: {  	s0 =	sor.u32 s1, s0  }
0xbc: {  	s0 =	sadd.s32 $0x8F2B, s0  }
0xbd: {  	[sflag:s0] =	ssyncadd.remote.s32 $0x1  }
0xbe: {  	_ =	sfence.sel $0xFFFF  }
0xbf: {  	[dreg:$0x0] =	wrdreg $0xFFFFFFFF;
	(pc) =	sbr.abs _section_cstart, $3  }
0xc0: {  	[dreg:$0x1] =	wrdreg $0xFFFFFFFF  }
0xc1: {  	_ =	task.clear_ibuf [dreg:s6], $0x2FFFF;
	_ =	strace $0x9FFFFFFF  }
0xc2: {  	(tm) =	ssettm $0x7FFFFFFF  }
0xc3: {  	_ =	shalt  }
tec
execute0_lowered:
.L_overlay_start_1:
0x0: {  	(tag) =	ssettag $0x1  }
0x1: {  	s0 =	srdreg.scid;
	s1 =	rddreg [dreg:$0x0]  }
0x2: {  	s12 =	stileid.u32;
	s2 =	rddreg [dreg:$0x1]  }
0x3: {  	s3 =	simm.s32 $0x0;
	s10 =	simm.s32 $0x9;
	s14 =	simm.s32 $0x7D  }
0x4: {  	s15 =	simm.s32 $0x5000;
	s17 =	simm.s32 $0x6388;
	s19 =	simm.s32 $0x7710  }
0x5: {  	s21 =	simm.s32 $0x8A98;
	s28 =	simm.s32 $0xC530;
	s30 =	simm.s32 $0xD8B8  }
0x6: {  	s31 =	simm.s32 $0x1;
	s16 =	simm.s32 $0x5;
	s5 =	smul.u32 $0x2800, s12  }
0x7: {  	s18 =	simm.s32 $0x6;
	s0 =	sand.u32 $0x1, s0;
	s7 =	smul.u32 $0x6400, s12  }
0x8: {  	s20 =	simm.s32 $0x7;
	s29 =	simm.s32 $0x0;
	s4 =	smul.u32 $0x28000, s0  }
0x9: {  	[smem:$0x7FF] =	sst s3;
	s26 =	sshll.u32 s12, $0x6;
	s6 =	smul.u32 $0x64000, s0  }
0xa: {  	_ =	strace $0x8000004D;
	s0 =	ssub.s32 $0x2, s0;
	s12 =	sor.u32 $0x1C09, s26  }
0xb: {  	s8 =	sshrl.u32 s0, $0x1;
	s25 =	sshrl.u32 s7, $0x3;
	s11 =	sadd.s32 s7, s2  }
0xc: {  	s4 =	sadd.s32 s5, s4;
	s22 =	sadd.s32 s7, s6;
	s0 =	ssub.s32 s0, s8  }
0xd: {  	s13 =	sshrl.u32 s11, $0x3;
	s11 =	simm.s32 $0x4;
	s4 =	sshrl.u32 s4, $0x3  }
0xe: {  	s5 =	sshrl.u32 s22, $0x3;
	s9 =	smax.u32 s0, $0x1;
	s0 =	simm.s32 $0x3  }
0xf: {  	s22 =	simm.s32 $0x8;
	s23 =	sadd.s32 s4, s1;
	s4 =	sadd.s32 $0x18800, s1  }
0x10: {  	s1 =	sadd.s32 s5, s1;
	s24 =	sadd.s32 $0x4800, s23;
	s6 =	sadd.s32 $0xE800, s23  }
0x11: {  	s7 =	sadd.s32 s4, s25;
	s8 =	sadd.s32 $0x25000, s1;
	s23 =	simm.s32 $0x9E20  }
0x12: {  	s25 =	simm.s32 $0xB1A8;
	s1 =	simm.s32 $0x2;
	[dreg:$0x3] =	wrdreg s24  }
.LBB2_1:
0x13: {  	s5 =	rddreg [dreg:$0x3]  }
0x14: {  	[tilespmem:s3], [sflag:$0x9] =	stream.linear.gather [hbm4b:s5+s3], $0x2800, $0x38;
	[tilespmem:$0x15040] =	vst v63  }
0x15: {  	_ =	swait.ge [sflag:s10], $0x2800  }
0x16: {  	[sflag:s10] =	ssyncset.done $0x0  }
0x17: {  	s24 =	simm.s32 $0x2800;
	[sflag:s10] =	ssyncadd.s32 $0xFFFFD800  }
0x18: {  	[tilespmem:s24], [sflag:$0x9] =	stream.linear.gather [hbm4b:s6+s3], $0x2800, $0x38;
	[tilespmem:$0x15040] =	vst v63  }
0x19: {  	_ =	swait.ge [sflag:s10], $0x2800  }
0x1a: {  	[sflag:s10] =	ssyncset.done $0x0  }
0x1b: {  	[sflag:s10] =	ssyncadd.s32 $0xFFFFD800  }
0x1c: {  	[spmem:s13], [sflag:s12] =	dma.local [hbm:s7], $0xC80  }
0x1d: {  	_ =	swait.ge [sflag:s10], $0xC80  }
0x1e: {  	[sflag:s10] =	ssyncset.done $0x0  }
0x1f: {  	[sflag:s10] =	ssyncadd.s32 $0xFFFFF380  }
0x20: {  	[bflag:$0x0] =	sbarrier.arrive $0xFFFF  }
0x21: {  	[tilespmem:s15], [sflag:$0x1] =	stream.indirect.gather [hbm4b:s4+s14], $0x28, s3, s14, $0xb8;
	[tilespmem:$0x15040] =	vst v63  }
0x22: {  	s26 =	simm.s32 $0x80  }
0x23: {  	[tilespmem:s17], [sflag:$0x2] =	stream.indirect.gather [hbm4b:s4+s14], $0x28, s26, s14, $0xb8;
	[tilespmem:$0x15040] =	vst v63  }
0x24: {  	s24 =	simm.s32 $0x100  }
0x25: {  	[tilespmem:s19], [sflag:$0x3] =	stream.indirect.gather [hbm4b:s4+s14], $0x28, s24, s14, $0xb8;
	[tilespmem:$0x15040] =	vst v63  }
0x26: {  	s26 =	simm.s32 $0x180  }
0x27: {  	[tilespmem:s21], [sflag:$0x4] =	stream.indirect.gather [hbm4b:s4+s14], $0x28, s26, s14, $0xb8;
	[tilespmem:$0x15040] =	vst v63  }
0x28: {  	s24 =	simm.s32 $0x200  }
0x29: {  	[tilespmem:s23], [sflag:$0x5] =	stream.indirect.gather [hbm4b:s4+s14], $0x28, s24, s14, $0xb8;
	[tilespmem:$0x15040] =	vst v63  }
0x2a: {  	s26 =	simm.s32 $0x280  }
0x2b: {  	[tilespmem:s25], [sflag:$0x6] =	stream.indirect.gather [hbm4b:s4+s14], $0x28, s26, s14, $0xb8;
	[tilespmem:$0x15040] =	vst v63  }
0x2c: {  	s24 =	simm.s32 $0x300  }
0x2d: {  	[tilespmem:s28], [sflag:$0x7] =	stream.indirect.gather [hbm4b:s4+s14], $0x28, s24, s14, $0xb8;
	[tilespmem:$0x15040] =	vst v63  }
0x2e: {  	s26 =	simm.s32 $0x380  }
0x2f: {  	[tilespmem:s30], [sflag:$0x8] =	stream.indirect.gather [hbm4b:s4+s14], $0x28, s26, s14, $0xb8;
	[tilespmem:$0x15040] =	vst v63  }
0x30: {  	_ =	swait.ge [sflag:s31], $0x1388  }
0x31: {  	[sflag:s31] =	ssyncset.done $0x0  }
0x32: {  	s24 =	simm.s32 $0x2800;
	[sflag:s31] =	ssyncadd.s32 $0xFFFFEC78  }
0x33: {  	[spmem:s2] =	stream.indirect.scatter.add.f32 [tilespmem:s15], [sflag:$0x9], $0x28, s24, s14, $0xb8;
	[tilespmem:$0x15040] =	vst v63  }
0x34: {  	_ =	swait.ge [sflag:s10], $0x1388  }
0x35: {  	[sflag:s10] =	ssyncset.done $0x0  }
0x36: {  	s5 =	simm.s32 $0x400;
	[sflag:s10] =	ssyncadd.s32 $0xFFFFEC78  }
0x37: {  	[tilespmem:s15], [sflag:$0x1] =	stream.indirect.gather [hbm4b:s4+s14], $0x28, s5, s14, $0xb8;
	[tilespmem:$0x15040] =	vst v63  }
0x38: {  	_ =	swait.ge [sflag:s1], $0x1388  }
0x39: {  	[sflag:s1] =	ssyncset.done $0x0  }
0x3a: {  	s26 =	simm.s32 $0x2880;
	[sflag:s1] =	ssyncadd.s32 $0xFFFFEC78  }
0x3b: {  	[spmem:s2] =	stream.indirect.scatter.add.f32 [tilespmem:s17], [sflag:$0x9], $0x28, s26, s14, $0xb8;
	[tilespmem:$0x15040] =	vst v63  }
0x3c: {  	_ =	swait.ge [sflag:s10], $0x1388  }
0x3d: {  	[sflag:s10] =	ssyncset.done $0x0  }
0x3e: {  	s5 =	simm.s32 $0x480;
	[sflag:s10] =	ssyncadd.s32 $0xFFFFEC78  }
0x3f: {  	[tilespmem:s17], [sflag:$0x2] =	stream.indirect.gather [hbm4b:s4+s14], $0x28, s5, s14, $0xb8;
	[tilespmem:$0x15040] =	vst v63  }
0x40: {  	_ =	swait.ge [sflag:s0], $0x1388  }
0x41: {  	[sflag:s0] =	ssyncset.done $0x0  }
0x42: {  	s26 =	simm.s32 $0x2900;
	[sflag:s0] =	ssyncadd.s32 $0xFFFFEC78  }
0x43: {  	[spmem:s2] =	stream.indirect.scatter.add.f32 [tilespmem:s19], [sflag:$0x9], $0x28, s26, s14, $0xb8;
	[tilespmem:$0x15040] =	vst v63  }
0x44: {  	_ =	swait.ge [sflag:s10], $0x1388  }
0x45: {  	[sflag:s10] =	ssyncset.done $0x0  }
0x46: {  	s5 =	simm.s32 $0x500;
	[sflag:s10] =	ssyncadd.s32 $0xFFFFEC78  }
0x47: {  	[tilespmem:s19], [sflag:$0x3] =	stream.indirect.gather [hbm4b:s4+s14], $0x28, s5, s14, $0xb8;
	[tilespmem:$0x15040] =	vst v63  }
0x48: {  	_ =	swait.ge [sflag:s11], $0x1388  }
0x49: {  	[sflag:s11] =	ssyncset.done $0x0  }
0x4a: {  	s26 =	simm.s32 $0x2980;
	[sflag:s11] =	ssyncadd.s32 $0xFFFFEC78  }
0x4b: {  	[spmem:s2] =	stream.indirect.scatter.add.f32 [tilespmem:s21], [sflag:$0x9], $0x28, s26, s14, $0xb8;
	[tilespmem:$0x15040] =	vst v63  }
0x4c: {  	_ =	swait.ge [sflag:s10], $0x1388  }
0x4d: {  	[sflag:s10] =	ssyncset.done $0x0  }
0x4e: {  	s5 =	simm.s32 $0x580;
	[sflag:s10] =	ssyncadd.s32 $0xFFFFEC78  }
0x4f: {  	[tilespmem:s21], [sflag:$0x4] =	stream.indirect.gather [hbm4b:s4+s14], $0x28, s5, s14, $0xb8;
	[tilespmem:$0x15040] =	vst v63  }
0x50: {  	_ =	swait.ge [sflag:s16], $0x1388  }
0x51: {  	[sflag:s16] =	ssyncset.done $0x0  }
0x52: {  	s26 =	simm.s32 $0x2A00;
	[sflag:s16] =	ssyncadd.s32 $0xFFFFEC78  }
0x53: {  	[spmem:s2] =	stream.indirect.scatter.add.f32 [tilespmem:s23], [sflag:$0x9], $0x28, s26, s14, $0xb8;
	[tilespmem:$0x15040] =	vst v63  }
0x54: {  	_ =	swait.ge [sflag:s10], $0x1388  }
0x55: {  	[sflag:s10] =	ssyncset.done $0x0  }
0x56: {  	s5 =	simm.s32 $0x600;
	[sflag:s10] =	ssyncadd.s32 $0xFFFFEC78  }
0x57: {  	[tilespmem:s23], [sflag:$0x5] =	stream.indirect.gather [hbm4b:s4+s14], $0x28, s5, s14, $0xb8;
	[tilespmem:$0x15040] =	vst v63  }
0x58: {  	_ =	swait.ge [sflag:s18], $0x1388  }
0x59: {  	[sflag:s18] =	ssyncset.done $0x0  }
0x5a: {  	s26 =	simm.s32 $0x2A80;
	[sflag:s18] =	ssyncadd.s32 $0xFFFFEC78  }
0x5b: {  	[spmem:s2] =	stream.indirect.scatter.add.f32 [tilespmem:s25], [sflag:$0x9], $0x28, s26, s14, $0xb8;
	[tilespmem:$0x15040] =	vst v63  }
0x5c: {  	_ =	swait.ge [sflag:s10], $0x1388  }
0x5d: {  	[sflag:s10] =	ssyncset.done $0x0  }
0x5e: {  	s5 =	simm.s32 $0x680;
	[sflag:s10] =	ssyncadd.s32 $0xFFFFEC78  }
0x5f: {  	[tilespmem:s25], [sflag:$0x6] =	stream.indirect.gather [hbm4b:s4+s14], $0x28, s5, s14, $0xb8;
	[tilespmem:$0x15040] =	vst v63  }
0x60: {  	_ =	swait.ge [sflag:s20], $0x1388  }
0x61: {  	[sflag:s20] =	ssyncset.done $0x0  }
0x62: {  	s26 =	simm.s32 $0x2B00;
	[sflag:s20] =	ssyncadd.s32 $0xFFFFEC78  }
0x63: {  	[spmem:s2] =	stream.indirect.scatter.add.f32 [tilespmem:s28], [sflag:$0x9], $0x28, s26, s14, $0xb8;
	[tilespmem:$0x15040] =	vst v63  }
0x64: {  	_ =	swait.ge [sflag:s10], $0x1388  }
0x65: {  	[sflag:s10] =	ssyncset.done $0x0  }
0x66: {  	s5 =	simm.s32 $0x700;
	[sflag:s10] =	ssyncadd.s32 $0xFFFFEC78  }
0x67: {  	[tilespmem:s28], [sflag:$0x7] =	stream.indirect.gather [hbm4b:s4+s14], $0x28, s5, s14, $0xb8;
	[tilespmem:$0x15040] =	vst v63  }
0x68: {  	_ =	swait.ge [sflag:s22], $0x1388  }
0x69: {  	[sflag:s22] =	ssyncset.done $0x0  }
0x6a: {  	s26 =	simm.s32 $0x2B80;
	[sflag:s22] =	ssyncadd.s32 $0xFFFFEC78  }
0x6b: {  	[spmem:s2] =	stream.indirect.scatter.add.f32 [tilespmem:s30], [sflag:$0x9], $0x28, s26, s14, $0xb8;
	[tilespmem:$0x15040] =	vst v63  }
0x6c: {  	_ =	swait.ge [sflag:s10], $0x1388  }
0x6d: {  	[sflag:s10] =	ssyncset.done $0x0  }
0x6e: {  	s24 =	simm.s32 $0x1000;
	s26 =	simm.s32 $0x780;
	[sflag:s10] =	ssyncadd.s32 $0xFFFFEC78  }
.LBB2_2:
0x6f: {  	[tilespmem:s30], [sflag:$0x8] =	stream.indirect.gather [hbm4b:s4+s14], $0x28, s26, s14, $0xb8;
	[tilespmem:$0x15040] =	vst v63  }
0x70: {  	s26 =	smov.u32 s24  }
0x71: {  	p0 =	sne.s32 s24, $0x8000;
	s24 =	sadd.s32 $0x1000, s24;
	_ =	swait.ge [sflag:s31], $0x1388  }
0x72: {  	s26 =	sshra.s32 s26, $0x2;
	[sflag:s31] =	ssyncset.done $0x0  }
0x73: {  	s5 =	sadd.s32 $0x2800, s26;
	[sflag:s31] =	ssyncadd.s32 $0xFFFFEC78  }
0x74: {  	[spmem:s2] =	stream.indirect.scatter.add.f32 [tilespmem:s15], [sflag:$0x9], $0x28, s5, s14, $0xb8;
	[tilespmem:$0x15040] =	vst v63  }
0x75: {  	_ =	swait.ge [sflag:s10], $0x1388  }
0x76: {  	[sflag:s10] =	ssyncset.done $0x0  }
0x77: {  	s5 =	sadd.s32 $0x400, s26;
	[sflag:s10] =	ssyncadd.s32 $0xFFFFEC78  }
0x78: {  	[tilespmem:s15], [sflag:$0x1] =	stream.indirect.gather [hbm4b:s4+s14], $0x28, s5, s14, $0xb8;
	[tilespmem:$0x15040] =	vst v63  }
0x79: {  	_ =	swait.ge [sflag:s1], $0x1388  }
0x7a: {  	[sflag:s1] =	ssyncset.done $0x0  }
0x7b: {  	s5 =	sadd.s32 $0x2880, s26;
	[sflag:s1] =	ssyncadd.s32 $0xFFFFEC78  }
0x7c: {  	[spmem:s2] =	stream.indirect.scatter.add.f32 [tilespmem:s17], [sflag:$0x9], $0x28, s5, s14, $0xb8;
	[tilespmem:$0x15040] =	vst v63  }
0x7d: {  	_ =	swait.ge [sflag:s10], $0x1388  }
0x7e: {  	[sflag:s10] =	ssyncset.done $0x0  }
0x7f: {  	s5 =	sadd.s32 $0x480, s26;
	[sflag:s10] =	ssyncadd.s32 $0xFFFFEC78  }
0x80: {  	[tilespmem:s17], [sflag:$0x2] =	stream.indirect.gather [hbm4b:s4+s14], $0x28, s5, s14, $0xb8;
	[tilespmem:$0x15040] =	vst v63  }
0x81: {  	_ =	swait.ge [sflag:s0], $0x1388  }
0x82: {  	[sflag:s0] =	ssyncset.done $0x0  }
0x83: {  	s5 =	sadd.s32 $0x2900, s26;
	[sflag:s0] =	ssyncadd.s32 $0xFFFFEC78  }
0x84: {  	[spmem:s2] =	stream.indirect.scatter.add.f32 [tilespmem:s19], [sflag:$0x9], $0x28, s5, s14, $0xb8;
	[tilespmem:$0x15040] =	vst v63  }
0x85: {  	_ =	swait.ge [sflag:s10], $0x1388  }
0x86: {  	[sflag:s10] =	ssyncset.done $0x0  }
0x87: {  	s5 =	sadd.s32 $0x500, s26;
	[sflag:s10] =	ssyncadd.s32 $0xFFFFEC78  }
0x88: {  	[tilespmem:s19], [sflag:$0x3] =	stream.indirect.gather [hbm4b:s4+s14], $0x28, s5, s14, $0xb8;
	[tilespmem:$0x15040] =	vst v63  }
0x89: {  	_ =	swait.ge [sflag:s11], $0x1388  }
0x8a: {  	[sflag:s11] =	ssyncset.done $0x0  }
0x8b: {  	s5 =	sadd.s32 $0x2980, s26;
	[sflag:s11] =	ssyncadd.s32 $0xFFFFEC78  }
0x8c: {  	[spmem:s2] =	stream.indirect.scatter.add.f32 [tilespmem:s21], [sflag:$0x9], $0x28, s5, s14, $0xb8;
	[tilespmem:$0x15040] =	vst v63  }
0x8d: {  	_ =	swait.ge [sflag:s10], $0x1388  }
0x8e: {  	[sflag:s10] =	ssyncset.done $0x0  }
0x8f: {  	s5 =	sadd.s32 $0x580, s26;
	[sflag:s10] =	ssyncadd.s32 $0xFFFFEC78  }
0x90: {  	[tilespmem:s21], [sflag:$0x4] =	stream.indirect.gather [hbm4b:s4+s14], $0x28, s5, s14, $0xb8;
	[tilespmem:$0x15040] =	vst v63  }
0x91: {  	_ =	swait.ge [sflag:s16], $0x1388  }
0x92: {  	[sflag:s16] =	ssyncset.done $0x0  }
0x93: {  	s5 =	sadd.s32 $0x2A00, s26;
	[sflag:s16] =	ssyncadd.s32 $0xFFFFEC78  }
0x94: {  	[spmem:s2] =	stream.indirect.scatter.add.f32 [tilespmem:s23], [sflag:$0x9], $0x28, s5, s14, $0xb8;
	[tilespmem:$0x15040] =	vst v63  }
0x95: {  	_ =	swait.ge [sflag:s10], $0x1388  }
0x96: {  	[sflag:s10] =	ssyncset.done $0x0  }
0x97: {  	s5 =	sadd.s32 $0x600, s26;
	[sflag:s10] =	ssyncadd.s32 $0xFFFFEC78  }
0x98: {  	[tilespmem:s23], [sflag:$0x5] =	stream.indirect.gather [hbm4b:s4+s14], $0x28, s5, s14, $0xb8;
	[tilespmem:$0x15040] =	vst v63  }
0x99: {  	_ =	swait.ge [sflag:s18], $0x1388  }
0x9a: {  	[sflag:s18] =	ssyncset.done $0x0  }
0x9b: {  	s5 =	sadd.s32 $0x2A80, s26;
	[sflag:s18] =	ssyncadd.s32 $0xFFFFEC78  }
0x9c: {  	[spmem:s2] =	stream.indirect.scatter.add.f32 [tilespmem:s25], [sflag:$0x9], $0x28, s5, s14, $0xb8;
	[tilespmem:$0x15040] =	vst v63  }
0x9d: {  	_ =	swait.ge [sflag:s10], $0x1388  }
0x9e: {  	[sflag:s10] =	ssyncset.done $0x0  }
0x9f: {  	s5 =	sadd.s32 $0x680, s26;
	[sflag:s10] =	ssyncadd.s32 $0xFFFFEC78  }
0xa0: {  	[tilespmem:s25], [sflag:$0x6] =	stream.indirect.gather [hbm4b:s4+s14], $0x28, s5, s14, $0xb8;
	[tilespmem:$0x15040] =	vst v63  }
0xa1: {  	_ =	swait.ge [sflag:s20], $0x1388  }
0xa2: {  	[sflag:s20] =	ssyncset.done $0x0  }
0xa3: {  	s5 =	sadd.s32 $0x2B00, s26;
	[sflag:s20] =	ssyncadd.s32 $0xFFFFEC78  }
0xa4: {  	[spmem:s2] =	stream.indirect.scatter.add.f32 [tilespmem:s28], [sflag:$0x9], $0x28, s5, s14, $0xb8;
	[tilespmem:$0x15040] =	vst v63  }
0xa5: {  	_ =	swait.ge [sflag:s10], $0x1388  }
0xa6: {  	[sflag:s10] =	ssyncset.done $0x0  }
0xa7: {  	s5 =	sadd.s32 $0x700, s26;
	[sflag:s10] =	ssyncadd.s32 $0xFFFFEC78  }
0xa8: {  	[tilespmem:s28], [sflag:$0x7] =	stream.indirect.gather [hbm4b:s4+s14], $0x28, s5, s14, $0xb8;
	[tilespmem:$0x15040] =	vst v63  }
0xa9: {  	_ =	swait.ge [sflag:s22], $0x1388  }
0xaa: {  	[sflag:s22] =	ssyncset.done $0x0  }
.Ltmp0:
0xab: {  	s5 =	sadd.s32 $0x2B80, s26;
	[sflag:s22] =	ssyncadd.s32 $0xFFFFEC78;
	(pc) =	sbr.rel @p0 .LBB2_2-.Ltmp0, $4  }
0xac: {  	[spmem:s2] =	stream.indirect.scatter.add.f32 [tilespmem:s30], [sflag:$0x9], $0x28, s5, s14, $0xb8;
	[tilespmem:$0x15040] =	vst v63  }
0xad: {  	_ =	swait.ge [sflag:s10], $0x1388  }
0xae: {  	[sflag:s10] =	ssyncset.done $0x0  }
0xaf: {  	s26 =	sadd.s32 $0x780, s26;
	[sflag:s10] =	ssyncadd.s32 $0xFFFFEC78  }
0xb0: {  	[tilespmem:s30], [sflag:$0x8] =	stream.indirect.gather [hbm4b:s4+s14], $0x28, s26, s14, $0xb8;
	[tilespmem:$0x15040] =	vst v63  }
0xb1: {  	_ =	swait.ge [sflag:s31], $0x1388  }
0xb2: {  	[sflag:s31] =	ssyncset.done $0x0  }
0xb3: {  	s5 =	simm.s32 $0x4C00;
	[sflag:s31] =	ssyncadd.s32 $0xFFFFEC78  }
0xb4: {  	[spmem:s2] =	stream.indirect.scatter.add.f32 [tilespmem:s15], [sflag:$0x9], $0x28, s5, s14, $0xb8;
	[tilespmem:$0x15040] =	vst v63  }
0xb5: {  	_ =	swait.ge [sflag:s10], $0x1388  }
0xb6: {  	[sflag:s10] =	ssyncset.done $0x0  }
0xb7: {  	[sflag:s10] =	ssyncadd.s32 $0xFFFFEC78  }
0xb8: {  	_ =	swait.ge [sflag:s1], $0x1388  }
0xb9: {  	[sflag:s1] =	ssyncset.done $0x0  }
0xba: {  	s26 =	simm.s32 $0x4C80;
	[sflag:s1] =	ssyncadd.s32 $0xFFFFEC78  }
0xbb: {  	[spmem:s2] =	stream.indirect.scatter.add.f32 [tilespmem:s17], [sflag:$0x9], $0x28, s26, s14, $0xb8;
	[tilespmem:$0x15040] =	vst v63  }
0xbc: {  	_ =	swait.ge [sflag:s10], $0x1388  }
0xbd: {  	[sflag:s10] =	ssyncset.done $0x0  }
0xbe: {  	[sflag:s10] =	ssyncadd.s32 $0xFFFFEC78  }
0xbf: {  	_ =	swait.ge [sflag:s0], $0x1388  }
0xc0: {  	[sflag:s0] =	ssyncset.done $0x0  }
0xc1: {  	s24 =	simm.s32 $0x4D00;
	[sflag:s0] =	ssyncadd.s32 $0xFFFFEC78  }
0xc2: {  	[spmem:s2] =	stream.indirect.scatter.add.f32 [tilespmem:s19], [sflag:$0x9], $0x28, s24, s14, $0xb8;
	[tilespmem:$0x15040] =	vst v63  }
0xc3: {  	_ =	swait.ge [sflag:s10], $0x1388  }
0xc4: {  	[sflag:s10] =	ssyncset.done $0x0  }
0xc5: {  	[sflag:s10] =	ssyncadd.s32 $0xFFFFEC78  }
0xc6: {  	_ =	swait.ge [sflag:s11], $0x1388  }
0xc7: {  	[sflag:s11] =	ssyncset.done $0x0  }
0xc8: {  	s26 =	simm.s32 $0x4D80;
	[sflag:s11] =	ssyncadd.s32 $0xFFFFEC78  }
0xc9: {  	[spmem:s2] =	stream.indirect.scatter.add.f32 [tilespmem:s21], [sflag:$0x9], $0x28, s26, s14, $0xb8;
	[tilespmem:$0x15040] =	vst v63  }
0xca: {  	_ =	swait.ge [sflag:s10], $0x1388  }
0xcb: {  	[sflag:s10] =	ssyncset.done $0x0  }
0xcc: {  	[sflag:s10] =	ssyncadd.s32 $0xFFFFEC78  }
0xcd: {  	_ =	swait.ge [sflag:s16], $0x1388  }
0xce: {  	[sflag:s16] =	ssyncset.done $0x0  }
0xcf: {  	s24 =	simm.s32 $0x4E00;
	[sflag:s16] =	ssyncadd.s32 $0xFFFFEC78  }
0xd0: {  	[spmem:s2] =	stream.indirect.scatter.add.f32 [tilespmem:s23], [sflag:$0x9], $0x28, s24, s14, $0xb8;
	[tilespmem:$0x15040] =	vst v63  }
0xd1: {  	_ =	swait.ge [sflag:s10], $0x1388  }
0xd2: {  	[sflag:s10] =	ssyncset.done $0x0  }
0xd3: {  	[sflag:s10] =	ssyncadd.s32 $0xFFFFEC78  }
0xd4: {  	_ =	swait.ge [sflag:s18], $0x1388  }
0xd5: {  	[sflag:s18] =	ssyncset.done $0x0  }
0xd6: {  	s26 =	simm.s32 $0x4E80;
	[sflag:s18] =	ssyncadd.s32 $0xFFFFEC78  }
0xd7: {  	[spmem:s2] =	stream.indirect.scatter.add.f32 [tilespmem:s25], [sflag:$0x9], $0x28, s26, s14, $0xb8;
	[tilespmem:$0x15040] =	vst v63  }
0xd8: {  	_ =	swait.ge [sflag:s10], $0x1388  }
0xd9: {  	[sflag:s10] =	ssyncset.done $0x0  }
0xda: {  	[sflag:s10] =	ssyncadd.s32 $0xFFFFEC78  }
0xdb: {  	_ =	swait.ge [sflag:s20], $0x1388  }
0xdc: {  	[sflag:s20] =	ssyncset.done $0x0  }
0xdd: {  	s24 =	simm.s32 $0x4F00;
	[sflag:s20] =	ssyncadd.s32 $0xFFFFEC78  }
0xde: {  	[spmem:s2] =	stream.indirect.scatter.add.f32 [tilespmem:s28], [sflag:$0x9], $0x28, s24, s14, $0xb8;
	[tilespmem:$0x15040] =	vst v63  }
0xdf: {  	_ =	swait.ge [sflag:s10], $0x1388  }
0xe0: {  	[sflag:s10] =	ssyncset.done $0x0  }
0xe1: {  	[sflag:s10] =	ssyncadd.s32 $0xFFFFEC78  }
0xe2: {  	_ =	swait.ge [sflag:s22], $0x1388  }
0xe3: {  	[sflag:s22] =	ssyncset.done $0x0  }
0xe4: {  	s26 =	simm.s32 $0x4F80;
	[sflag:s22] =	ssyncadd.s32 $0xFFFFEC78  }
0xe5: {  	[spmem:s2] =	stream.indirect.scatter.add.f32 [tilespmem:s30], [sflag:$0x9], $0x28, s26, s14, $0xb8;
	[tilespmem:$0x15040] =	vst v63  }
0xe6: {  	_ =	swait.ge [sflag:s10], $0x1388  }
0xe7: {  	s29 =	sadd.s32 $0x1, s29;
	[sflag:s10] =	ssyncset.done $0x0  }
0xe8: {  	p0 =	sne.s32 s29, s9;
	[sflag:s10] =	ssyncadd.s32 $0xFFFFEC78  }
.Ltmp1:
0xe9: {  	[bflag:$0x0] =	sbarrier.arrive $0xFFFF;
	(pc) =	sbr.rel @p0 .LBB2_1-.Ltmp1, $4  }
0xea: {  	[hbm:s8], [sflag:s12] =	dma.local [spmem:s13], $0xC80  }
0xeb: {  	_ =	swait.ge [sflag:s10], $0xC80  }
0xec: {  	[sflag:s10] =	ssyncset.done $0x0  }
0xed: {  	[sflag:s10] =	ssyncadd.s32 $0xFFFFF380  }
0xee: {  	_ =	sfence.sel $0x180000  }
0xef: {  	[bflag:$0x0] =	sbarrier.arrive $0xFFFF  }
0xf0: {  	_ =	strace $0x9000004D  }
0xf1: {  	s0 =	stileid.u32;
	[bflag:$0x2] =	sbarrier.arrive $0xFFFF  }
0xf2: {  	p0 =	sne.s32 s0, $0x0;
	s0 =	rddreg [dreg:$0x2]  }
0xf3: {  	s0 =	sadd.s32 @!p0 $0x100000, s0  }
0xf4: {  	[sflag:s0] =	ssyncadd.tile.s32 @!p0 $0x1;
	_ =	shalt  }
.Lfunc_end2:
_tile_overlayer_lowered:
.L_overlay_start_2:
0xf5: {  	(tag) =	ssettag $0x2  }
0xf6: {  	s0 =	rddreg [dreg:$0x0];
	s2 =	stileid.u32  }
0xf7: {  	s1 =	rddreg [dreg:$0x1];
	p0 =	sne.s32 s2, $0x0  }
0xf8: {  	s3 =	rddreg [dreg:$0x2];
	[bflag:$0x3] =	sbarrier.arrive $0xFFFF;
	s2 =	simm.s32 @!p0 $0x1C09  }
0xf9: {  	[timem:s3], [sflag:s2] =	dma.local @!p0 [hbm:s0], s1  }
0xfa: {  	s0 =	simm.s32 @!p0 $0x9  }
0xfb: {  	_ =	swait.ge @!p0 [sflag:s0], s1  }
0xfc: {  	s1 =	ssub.s32 @!p0 $0x0, s1;
	[sflag:s0] =	ssyncset.done @!p0 $0x0  }
0xfd: {  	[sflag:s0] =	ssyncadd.s32 @!p0 s1  }
0xfe: {  	[bflag:$0x3] =	sbarrier.arrive $0xFFFF  }
0xff: {  	_ =	shalt  }

</sc_bundles>
